<compile_context>
chip_gen: v7x
topology: tpu7x:2x2x1
jax: 0.10.2.dev20260603
libtpu: 0.0.44.dev20260713+nightly
codegen_flags: <defaults>
</compile_context>

<pallas_src>
import functools

import jax
import jax.numpy as jnp
from jax import lax
from jax.experimental import pallas as pl
from jax.experimental.pallas import tpu as pltpu
from jax.experimental.pallas import tpu_sc as plsc

_NW = 32
_CHN = 512
_NBUF = 2
_L = 16


def _sc_gather_tiled(table, indices_t):
    h, n = indices_t.shape
    d = table.shape[1]
    ne0, nr = d // 8, 8
    nn0, nc = _CHN // 128, 128
    nb_n = n // _CHN
    chunks_per_w = nb_n * h // _NW
    assert chunks_per_w % _NBUF == 0 and (nb_n * h) % _NW == 0
    mesh = plsc.VectorSubcoreMesh(core_axis_name="c", subcore_axis_name="s")

    @functools.partial(
        pl.kernel,
        mesh=mesh,
        out_type=jax.ShapeDtypeStruct((h, ne0, n // 128, nr, nc), jnp.float32),
        compiler_params=pltpu.CompilerParams(
            use_tc_tiling_on_sc=False, needs_layout_passes=False),
        scratch_types=[
            pltpu.VMEM((_CHN,), jnp.int32),
            pltpu.VMEM((_CHN,), jnp.int32),
            pltpu.VMEM((_CHN, d), jnp.float32),
            pltpu.VMEM((_CHN, d), jnp.float32),
            pltpu.VMEM((ne0 * nn0 * nr, nc + 1), jnp.float32),
            pltpu.VMEM((ne0 * nn0 * nr, nc + 1), jnp.float32),
            pltpu.SemaphoreType.DMA,
            pltpu.SemaphoreType.DMA,
            pltpu.SemaphoreType.DMA,
            pltpu.SemaphoreType.DMA,
            pltpu.SemaphoreType.DMA,
            pltpu.SemaphoreType.DMA,
        ],
    )
    def k(table_hbm, idx_hbm, out_hbm,
          i0, i1, r0, r1, t0, t1, gi0, gi1, gg0, gg1, gs0, gs1):
        wid = lax.axis_index("s") * 2 + lax.axis_index("c")
        idx_v = (i0, i1)
        rows = (r0, r1)
        tiles = (t0, t1)
        isem = (gi0, gi1)
        gsem = (gg0, gg1)
        ssem = (gs0, gs1)

        def coords(c):
            q = wid * chunks_per_w + c
            return q // nb_n, (q % nb_n) * _CHN

        def idx_desc(c, b):
            hb, nlo = coords(c)
            src = idx_hbm.at[hb, pl.ds(nlo, _CHN)]
            return pltpu.make_async_copy(src, idx_v[b], isem[b])

        def gather_desc(c, b):
            return pltpu.make_async_copy(
                table_hbm.at[idx_v[b]], rows[b], gsem[b])

        def store_descs(c, b):
            hb, nlo = coords(c)
            n0 = nlo // 128
            return [
                pltpu.make_async_copy(
                    tiles[b].at[pl.ds((e0 * nn0 + n1) * nr, nr), pl.ds(0, nc)],
                    out_hbm.at[hb, e0, n0 + n1, :, :],
                    ssem[b])
                for e0 in range(ne0) for n1 in range(nn0)
            ]

        def store_start(c, b):
            for dsc in store_descs(c, b):
                dsc.start()

        def store_wait(c, b):
            for dsc in store_descs(c, b):
                dsc.wait()

        def transpose_rows(b):
            iota = lax.iota(jnp.int32, _L)
            lane_row = (iota // nr) * (nn0 * nr) + (iota % nr)

            @pl.loop(0, nn0 * (nc // nr))
            def tbody(j0):
                n1 = j0 // (nc // nr)
                cb = j0 % (nc // nr)
                rbase = n1 * 128 + cb * nr
                row0 = lane_row + n1 * nr
                row1 = row0 + 2 * nn0 * nr
                for k in range(nr):
                    v0 = rows[b][rbase + k, pl.ds(0, _L)]
                    v1 = rows[b][rbase + k, pl.ds(_L, _L)]
                    colv = iota * 0 + (cb * nr + k)
                    plsc.store_scatter(tiles[b], [row0, colv], v0)
                    plsc.store_scatter(tiles[b], [row1, colv], v1)

        for b in range(_NBUF):
            idx_desc(b, b).start()
        idx_desc(0, 0).wait()
        gather_desc(0, 0).start()

        @pl.loop(0, chunks_per_w, step=_NBUF)
        def body(g):
            for b in range(_NBUF):
                c = g + b
                b1 = 1 - b
                gather_desc(c, b).wait()

                @pl.when(c + 2 < chunks_per_w)
                def _():
                    idx_desc(c + 2, b).start()

                @pl.when(c + 1 < chunks_per_w)
                def _():
                    idx_desc(c + 1, b1).wait()
                    gather_desc(c + 1, b1).start()

                @pl.when(c >= 2)
                def _():
                    store_wait(c - 2, b)

                transpose_rows(b)
                store_start(c, b)

        for b in range(_NBUF):
            store_wait(chunks_per_w - _NBUF + b, b)

    return k(table, indices_t)


def kernel(indices, table):
    n, h = indices.shape
    d = table.shape[1]
    t5 = _sc_gather_tiled(table, indices.T)
    return t5.transpose(2, 4, 0, 1, 3).reshape(n, h, d)

# --- scband reference (transcript-rebuilt; emitter-appended) ---
"""Pipeline reference for scband-embedding-46540265619801 (READ-ONLY COPY).

The authoritative reference and input builder live on the scoring server;
editing this copy changes nothing except your own understanding.
"""

import jax, jax.numpy as jnp
import numpy as np

VOCAB = 1000000
EMBED_DIM = 32
BATCH = 4096
HIST = 200

def setup_inputs(seed: int = 0) -> dict:
    key = jax.random.key(seed)
    k1, k2 = jax.random.split(key)
    indices = jax.random.randint(k1, (BATCH, HIST), 0, VOCAB, dtype=jnp.int64 if jax.config.jax_enable_x64 else jnp.int32).astype(jnp.int32)
    table = jax.random.normal(k2, (VOCAB, EMBED_DIM), dtype=jnp.float32)
    # nn.Embedding(padding_idx=0): row 0 is the padding vector (initialized to zeros)
    table = table.at[0].set(0.0)
    return {"indices": indices, "table": table}

def reference(indices, table):
    # out = self.embedding(indices)
    out = jnp.take(table, indices, axis=0)
    # self.dropout in eval mode is identity
    return out

if __name__ == "__main__":
    import jax
    _d = setup_inputs()
    print(jax.jit(kernel)(*tuple(_d.values())))

</pallas_src>

<mosaic_0001>
#map = affine_map<(d0, d1) -> (0, 0)>
#map1 = affine_map<(d0, d1) -> (0, 0, 0, 0, 0)>
module attributes {stable_mosaic.version = 14 : i64} {
  func.func @k(%arg0: i32, %arg1: i32, %arg2: memref<1000000x32xf32, #tpu.memory_space<hbm>>, %arg3: memref<200x4096xi32, #tpu.memory_space<hbm>>, %arg4: memref<200x4x32x8x128xf32, #tpu.memory_space<hbm>>, %arg5: memref<512xi32, #tpu.memory_space<vmem>>, %arg6: memref<512xi32, #tpu.memory_space<vmem>>, %arg7: memref<512x32xf32, #tpu.memory_space<vmem>>, %arg8: memref<512x32xf32, #tpu.memory_space<vmem>>, %arg9: memref<128x129xf32, #tpu.memory_space<vmem>>, %arg10: memref<128x129xf32, #tpu.memory_space<vmem>>, %arg11: memref<!tpu.dma_semaphore, #tpu.memory_space<semaphore_mem>>, %arg12: memref<!tpu.dma_semaphore, #tpu.memory_space<semaphore_mem>>, %arg13: memref<!tpu.dma_semaphore, #tpu.memory_space<semaphore_mem>>, %arg14: memref<!tpu.dma_semaphore, #tpu.memory_space<semaphore_mem>>, %arg15: memref<!tpu.dma_semaphore, #tpu.memory_space<semaphore_mem>>, %arg16: memref<!tpu.dma_semaphore, #tpu.memory_space<semaphore_mem>>) attributes {dimension_semantics = [#tpu.dimension_semantics<core_parallel>, #tpu.dimension_semantics<subcore_parallel>], iteration_bounds = array<i64: 2, 16>, scalar_prefetch = 0 : i64, scratch_operands = 12 : i64, tpu.core_type = #tpu.core_type<sc_vector_subcore>, window_params = [{transform_indices = #map}, {transform_indices = #map}, {transform_indices = #map1}]} {
    %mul3A = arith.constant 2 : i32
    %mul3A_0 = arith.muli %arg1, %mul3A : i32
    %add3A = arith.addi %mul3A_0, %arg0 : i32
    %mul3A_1 = arith.constant 50 : i32
    %mul3A_2 = arith.muli %add3A, %mul3A_1 : i32
    %add3A_3 = arith.constant 0 : i32
    %add3A_4 = arith.addi %mul3A_2, %add3A_3 : i32
    %jit3A = arith.constant 8 : i32
    %div3A = arith.divsi %add3A_4, %jit3A : i32
    %sign3A = arith.constant 0 : i32
    %sign3A_5 = arith.cmpi sgt, %add3A_4, %sign3A : i32
    %sign3A_6 = arith.extui %sign3A_5 : i1 to i32
    %sign3A_7 = arith.constant 0 : i32
    %sign3A_8 = arith.cmpi slt, %add3A_4, %sign3A_7 : i32
    %sign3A_9 = arith.extui %sign3A_8 : i1 to i32
    %sign3A_10 = arith.subi %sign3A_6, %sign3A_9 : i32
    %sign3A_11 = arith.constant 0 : i32
    %sign3A_12 = arith.cmpi sgt, %jit3A, %sign3A_11 : i32
    %sign3A_13 = arith.extui %sign3A_12 : i1 to i32
    %sign3A_14 = arith.constant 0 : i32
    %sign3A_15 = arith.cmpi slt, %jit3A, %sign3A_14 : i32
    %sign3A_16 = arith.extui %sign3A_15 : i1 to i32
    %sign3A_17 = arith.subi %sign3A_13, %sign3A_16 : i32
    %ne3A = arith.cmpi ne, %sign3A_10, %sign3A_17 : i32
    %rem3A = arith.remsi %add3A_4, %jit3A : i32
    %ne3A_18 = arith.constant 0 : i32
    %ne3A_19 = arith.cmpi ne, %rem3A, %ne3A_18 : i32
    %and3A = arith.andi %ne3A, %ne3A_19 : i1
    %sub3A = arith.constant 1 : i32
    %sub3A_20 = arith.subi %div3A, %sub3A : i32
    %select_n3A = arith.select %and3A, %sub3A_20, %div3A : i32
    %jit3A_21 = arith.constant 8 : i32
    %eq3A = arith.constant 0 : i32
    %eq3A_22 = arith.cmpi eq, %jit3A_21, %eq3A : i32
    %jit3A_23 = arith.constant 1 : i32
    %select_n3A_24 = arith.select %eq3A_22, %jit3A_23, %jit3A_21 : i32
    %rem3A_25 = arith.remsi %add3A_4, %select_n3A_24 : i32
    %ne3A_26 = arith.constant 0 : i32
    %ne3A_27 = arith.cmpi ne, %rem3A_25, %ne3A_26 : i32
    %lt3A = arith.constant 0 : i32
    %lt3A_28 = arith.cmpi slt, %rem3A_25, %lt3A : i32
    %lt3A_29 = arith.constant 0 : i32
    %lt3A_30 = arith.cmpi slt, %select_n3A_24, %lt3A_29 : i32
    %ne3A_31 = arith.xori %lt3A_28, %lt3A_30 : i1
    %and3A_32 = arith.andi %ne3A_31, %ne3A_27 : i1
    %add3A_33 = arith.addi %rem3A_25, %select_n3A_24 : i32
    %select_n3A_34 = arith.select %and3A_32, %add3A_33, %rem3A_25 : i32
    %mul3A_35 = arith.constant 512 : i32
    %mul3A_36 = arith.muli %select_n3A_34, %mul3A_35 : i32
    %dma_start3A = tpu.memref_slice %arg3[%select_n3A, %mul3A_36] : memref<200x4096xi32, #tpu.memory_space<hbm>> -> memref<1x512xi32, #tpu.memory_space<hbm>>
    %dma_start3A_37 = tpu.memref_squeeze %dma_start3A : memref<1x512xi32, #tpu.memory_space<hbm>> -> memref<512xi32, #tpu.memory_space<hbm>>
    %dma_start3A_38 = tpu.memref_slice %arg3[%select_n3A, %mul3A_36] : memref<200x4096xi32, #tpu.memory_space<hbm>> -> memref<1x512xi32, #tpu.memory_space<hbm>>
    %dma_start3A_39 = tpu.memref_squeeze %dma_start3A_38 : memref<1x512xi32, #tpu.memory_space<hbm>> -> memref<512xi32, #tpu.memory_space<hbm>>
    tpu.enqueue_dma source(%dma_start3A_39 : memref<512xi32, #tpu.memory_space<hbm>>) target(%arg5 : memref<512xi32, #tpu.memory_space<vmem>>) target_semaphore(%arg11 : memref<!tpu.dma_semaphore, #tpu.memory_space<semaphore_mem>>)
    %mul3A_40 = arith.constant 50 : i32
    %mul3A_41 = arith.muli %add3A, %mul3A_40 : i32
    %add3A_42 = arith.constant 1 : i32
    %add3A_43 = arith.addi %mul3A_41, %add3A_42 : i32
    %jit3A_44 = arith.constant 8 : i32
    %div3A_45 = arith.divsi %add3A_43, %jit3A_44 : i32
    %sign3A_46 = arith.constant 0 : i32
    %sign3A_47 = arith.cmpi sgt, %add3A_43, %sign3A_46 : i32
    %sign3A_48 = arith.extui %sign3A_47 : i1 to i32
    %sign3A_49 = arith.constant 0 : i32
    %sign3A_50 = arith.cmpi slt, %add3A_43, %sign3A_49 : i32
    %sign3A_51 = arith.extui %sign3A_50 : i1 to i32
    %sign3A_52 = arith.subi %sign3A_48, %sign3A_51 : i32
    %sign3A_53 = arith.constant 0 : i32
    %sign3A_54 = arith.cmpi sgt, %jit3A_44, %sign3A_53 : i32
    %sign3A_55 = arith.extui %sign3A_54 : i1 to i32
    %sign3A_56 = arith.constant 0 : i32
    %sign3A_57 = arith.cmpi slt, %jit3A_44, %sign3A_56 : i32
    %sign3A_58 = arith.extui %sign3A_57 : i1 to i32
    %sign3A_59 = arith.subi %sign3A_55, %sign3A_58 : i32
    %ne3A_60 = arith.cmpi ne, %sign3A_52, %sign3A_59 : i32
    %rem3A_61 = arith.remsi %add3A_43, %jit3A_44 : i32
    %ne3A_62 = arith.constant 0 : i32
    %ne3A_63 = arith.cmpi ne, %rem3A_61, %ne3A_62 : i32
    %and3A_64 = arith.andi %ne3A_60, %ne3A_63 : i1
    %sub3A_65 = arith.constant 1 : i32
    %sub3A_66 = arith.subi %div3A_45, %sub3A_65 : i32
    %select_n3A_67 = arith.select %and3A_64, %sub3A_66, %div3A_45 : i32
    %jit3A_68 = arith.constant 8 : i32
    %eq3A_69 = arith.constant 0 : i32
    %eq3A_70 = arith.cmpi eq, %jit3A_68, %eq3A_69 : i32
    %jit3A_71 = arith.constant 1 : i32
    %select_n3A_72 = arith.select %eq3A_70, %jit3A_71, %jit3A_68 : i32
    %rem3A_73 = arith.remsi %add3A_43, %select_n3A_72 : i32
    %ne3A_74 = arith.constant 0 : i32
    %ne3A_75 = arith.cmpi ne, %rem3A_73, %ne3A_74 : i32
    %lt3A_76 = arith.constant 0 : i32
    %lt3A_77 = arith.cmpi slt, %rem3A_73, %lt3A_76 : i32
    %lt3A_78 = arith.constant 0 : i32
    %lt3A_79 = arith.cmpi slt, %select_n3A_72, %lt3A_78 : i32
    %ne3A_80 = arith.xori %lt3A_77, %lt3A_79 : i1
    %and3A_81 = arith.andi %ne3A_80, %ne3A_75 : i1
    %add3A_82 = arith.addi %rem3A_73, %select_n3A_72 : i32
    %select_n3A_83 = arith.select %and3A_81, %add3A_82, %rem3A_73 : i32
    %mul3A_84 = arith.constant 512 : i32
    %mul3A_85 = arith.muli %select_n3A_83, %mul3A_84 : i32
    %dma_start3A_86 = tpu.memref_slice %arg3[%select_n3A_67, %mul3A_85] : memref<200x4096xi32, #tpu.memory_space<hbm>> -> memref<1x512xi32, #tpu.memory_space<hbm>>
    %dma_start3A_87 = tpu.memref_squeeze %dma_start3A_86 : memref<1x512xi32, #tpu.memory_space<hbm>> -> memref<512xi32, #tpu.memory_space<hbm>>
    %dma_start3A_88 = tpu.memref_slice %arg3[%select_n3A_67, %mul3A_85] : memref<200x4096xi32, #tpu.memory_space<hbm>> -> memref<1x512xi32, #tpu.memory_space<hbm>>
    %dma_start3A_89 = tpu.memref_squeeze %dma_start3A_88 : memref<1x512xi32, #tpu.memory_space<hbm>> -> memref<512xi32, #tpu.memory_space<hbm>>
    tpu.enqueue_dma source(%dma_start3A_89 : memref<512xi32, #tpu.memory_space<hbm>>) target(%arg6 : memref<512xi32, #tpu.memory_space<vmem>>) target_semaphore(%arg12 : memref<!tpu.dma_semaphore, #tpu.memory_space<semaphore_mem>>)
    %mul3A_90 = arith.constant 50 : i32
    %mul3A_91 = arith.muli %add3A, %mul3A_90 : i32
    %add3A_92 = arith.constant 0 : i32
    %add3A_93 = arith.addi %mul3A_91, %add3A_92 : i32
    %jit3A_94 = arith.constant 8 : i32
    %div3A_95 = arith.divsi %add3A_93, %jit3A_94 : i32
    %sign3A_96 = arith.constant 0 : i32
    %sign3A_97 = arith.cmpi sgt, %add3A_93, %sign3A_96 : i32
    %sign3A_98 = arith.extui %sign3A_97 : i1 to i32
    %sign3A_99 = arith.constant 0 : i32
    %sign3A_100 = arith.cmpi slt, %add3A_93, %sign3A_99 : i32
    %sign3A_101 = arith.extui %sign3A_100 : i1 to i32
    %sign3A_102 = arith.subi %sign3A_98, %sign3A_101 : i32
    %sign3A_103 = arith.constant 0 : i32
    %sign3A_104 = arith.cmpi sgt, %jit3A_94, %sign3A_103 : i32
    %sign3A_105 = arith.extui %sign3A_104 : i1 to i32
    %sign3A_106 = arith.constant 0 : i32
    %sign3A_107 = arith.cmpi slt, %jit3A_94, %sign3A_106 : i32
    %sign3A_108 = arith.extui %sign3A_107 : i1 to i32
    %sign3A_109 = arith.subi %sign3A_105, %sign3A_108 : i32
    %ne3A_110 = arith.cmpi ne, %sign3A_102, %sign3A_109 : i32
    %rem3A_111 = arith.remsi %add3A_93, %jit3A_94 : i32
    %ne3A_112 = arith.constant 0 : i32
    %ne3A_113 = arith.cmpi ne, %rem3A_111, %ne3A_112 : i32
    %and3A_114 = arith.andi %ne3A_110, %ne3A_113 : i1
    %sub3A_115 = arith.constant 1 : i32
    %sub3A_116 = arith.subi %div3A_95, %sub3A_115 : i32
    %select_n3A_117 = arith.select %and3A_114, %sub3A_116, %div3A_95 : i32
    %jit3A_118 = arith.constant 8 : i32
    %eq3A_119 = arith.constant 0 : i32
    %eq3A_120 = arith.cmpi eq, %jit3A_118, %eq3A_119 : i32
    %jit3A_121 = arith.constant 1 : i32
    %select_n3A_122 = arith.select %eq3A_120, %jit3A_121, %jit3A_118 : i32
    %rem3A_123 = arith.remsi %add3A_93, %select_n3A_122 : i32
    %ne3A_124 = arith.constant 0 : i32
    %ne3A_125 = arith.cmpi ne, %rem3A_123, %ne3A_124 : i32
    %lt3A_126 = arith.constant 0 : i32
    %lt3A_127 = arith.cmpi slt, %rem3A_123, %lt3A_126 : i32
    %lt3A_128 = arith.constant 0 : i32
    %lt3A_129 = arith.cmpi slt, %select_n3A_122, %lt3A_128 : i32
    %ne3A_130 = arith.xori %lt3A_127, %lt3A_129 : i1
    %and3A_131 = arith.andi %ne3A_130, %ne3A_125 : i1
    %add3A_132 = arith.addi %rem3A_123, %select_n3A_122 : i32
    %select_n3A_133 = arith.select %and3A_131, %add3A_132, %rem3A_123 : i32
    %mul3A_134 = arith.constant 512 : i32
    %mul3A_135 = arith.muli %select_n3A_133, %mul3A_134 : i32
    %dma_wait3A = tpu.memref_slice %arg3[%select_n3A_117, %mul3A_135] : memref<200x4096xi32, #tpu.memory_space<hbm>> -> memref<1x512xi32, #tpu.memory_space<hbm>>
    %dma_wait3A_136 = tpu.memref_squeeze %dma_wait3A : memref<1x512xi32, #tpu.memory_space<hbm>> -> memref<512xi32, #tpu.memory_space<hbm>>
    %dma_wait3A_137 = tpu.memref_slice %arg3[%select_n3A_117, %mul3A_135] : memref<200x4096xi32, #tpu.memory_space<hbm>> -> memref<1x512xi32, #tpu.memory_space<hbm>>
    %dma_wait3A_138 = tpu.memref_squeeze %dma_wait3A_137 : memref<1x512xi32, #tpu.memory_space<hbm>> -> memref<512xi32, #tpu.memory_space<hbm>>
    tpu.wait_dma2 semaphore(%arg11 : memref<!tpu.dma_semaphore, #tpu.memory_space<semaphore_mem>>) src(%dma_wait3A_138 : memref<512xi32, #tpu.memory_space<hbm>>) dst(%arg5 : memref<512xi32, #tpu.memory_space<vmem>>)
    %dma_start3A_139 = arith.constant 0 : i32
    %dma_start3A_140 = arith.constant 0 : i32
    %dma_start3A_141 = tpu.memref_slice %arg2[%dma_start3A_139, %dma_start3A_140] : memref<1000000x32xf32, #tpu.memory_space<hbm>> -> memref<1000000x32xf32, #tpu.memory_space<hbm>>
    tpu.enqueue_indirect_dma source(%dma_start3A_141 : memref<1000000x32xf32, #tpu.memory_space<hbm>>) target(%arg7 : memref<512x32xf32, #tpu.memory_space<vmem>>) offsets(%arg5 : memref<512xi32, #tpu.memory_space<vmem>>) semaphore(%arg13 : memref<!tpu.dma_semaphore, #tpu.memory_space<semaphore_mem>>)
    %scan3A = arith.constant 0 : i32
    %scan3A_142 = arith.constant 25 : i32
    %scan3A_143 = arith.addi %scan3A, %scan3A_142 : i32
    %scan3A_144 = arith.constant 1 : i32
    scf.for %scan3A_830 = %scan3A to %scan3A_143 step %scan3A_144  : i32 {
      %mul3A_831 = arith.constant 2 : i32
      %mul3A_832 = arith.muli %scan3A_830, %mul3A_831 : i32
      %add3A_833 = arith.constant 0 : i32
      %add3A_834 = arith.addi %add3A_833, %mul3A_832 : i32
      %add3A_835 = arith.constant 0 : i32
      %add3A_836 = arith.addi %add3A_834, %add3A_835 : i32
      %dma_wait3A_837 = arith.constant 0 : i32
      %dma_wait3A_838 = arith.constant 0 : i32
      %dma_wait3A_839 = tpu.memref_slice %arg2[%dma_wait3A_837, %dma_wait3A_838] : memref<1000000x32xf32, #tpu.memory_space<hbm>> -> memref<1000000x32xf32, #tpu.memory_space<hbm>>
      tpu.wait_indirect_dma semaphore(%arg13 : memref<!tpu.dma_semaphore, #tpu.memory_space<semaphore_mem>>) src(%dma_wait3A_839 : memref<1000000x32xf32, #tpu.memory_space<hbm>>) dst(%arg7 : memref<512x32xf32, #tpu.memory_space<vmem>>)
      %add3A_840 = arith.constant 2 : i32
      %add3A_841 = arith.addi %add3A_836, %add3A_840 : i32
      %lt3A_842 = arith.constant 50 : i32
      %lt3A_843 = arith.cmpi slt, %add3A_841, %lt3A_842 : i32
      %convert_element_type3A = arith.extui %lt3A_843 : i1 to i32
      %cond3A = arith.constant 0 : i32
      %cond3A_844 = arith.cmpi ne, %convert_element_type3A, %cond3A : i32
      scf.if %cond3A_844 {
        %add3A_1687 = arith.constant 2 : i32
        %add3A_1688 = arith.addi %add3A_836, %add3A_1687 : i32
        %mul3A_1689 = arith.constant 50 : i32
        %mul3A_1690 = arith.muli %add3A, %mul3A_1689 : i32
        %add3A_1691 = arith.addi %mul3A_1690, %add3A_1688 : i32
        %jit3A_1692 = arith.constant 8 : i32
        %div3A_1693 = arith.divsi %add3A_1691, %jit3A_1692 : i32
        %sign3A_1694 = arith.constant 0 : i32
        %sign3A_1695 = arith.cmpi sgt, %add3A_1691, %sign3A_1694 : i32
        %sign3A_1696 = arith.extui %sign3A_1695 : i1 to i32
        %sign3A_1697 = arith.constant 0 : i32
        %sign3A_1698 = arith.cmpi slt, %add3A_1691, %sign3A_1697 : i32
        %sign3A_1699 = arith.extui %sign3A_1698 : i1 to i32
        %sign3A_1700 = arith.subi %sign3A_1696, %sign3A_1699 : i32
        %sign3A_1701 = arith.constant 0 : i32
        %sign3A_1702 = arith.cmpi sgt, %jit3A_1692, %sign3A_1701 : i32
        %sign3A_1703 = arith.extui %sign3A_1702 : i1 to i32
        %sign3A_1704 = arith.constant 0 : i32
        %sign3A_1705 = arith.cmpi slt, %jit3A_1692, %sign3A_1704 : i32
        %sign3A_1706 = arith.extui %sign3A_1705 : i1 to i32
        %sign3A_1707 = arith.subi %sign3A_1703, %sign3A_1706 : i32
        %ne3A_1708 = arith.cmpi ne, %sign3A_1700, %sign3A_1707 : i32
        %rem3A_1709 = arith.remsi %add3A_1691, %jit3A_1692 : i32
        %ne3A_1710 = arith.constant 0 : i32
        %ne3A_1711 = arith.cmpi ne, %rem3A_1709, %ne3A_1710 : i32
        %and3A_1712 = arith.andi %ne3A_1708, %ne3A_1711 : i1
        %sub3A_1713 = arith.constant 1 : i32
        %sub3A_1714 = arith.subi %div3A_1693, %sub3A_1713 : i32
        %select_n3A_1715 = arith.select %and3A_1712, %sub3A_1714, %div3A_1693 : i32
        %jit3A_1716 = arith.constant 8 : i32
        %eq3A_1717 = arith.constant 0 : i32
        %eq3A_1718 = arith.cmpi eq, %jit3A_1716, %eq3A_1717 : i32
        %jit3A_1719 = arith.constant 1 : i32
        %select_n3A_1720 = arith.select %eq3A_1718, %jit3A_1719, %jit3A_1716 : i32
        %rem3A_1721 = arith.remsi %add3A_1691, %select_n3A_1720 : i32
        %ne3A_1722 = arith.constant 0 : i32
        %ne3A_1723 = arith.cmpi ne, %rem3A_1721, %ne3A_1722 : i32
        %lt3A_1724 = arith.constant 0 : i32
        %lt3A_1725 = arith.cmpi slt, %rem3A_1721, %lt3A_1724 : i32
        %lt3A_1726 = arith.constant 0 : i32
        %lt3A_1727 = arith.cmpi slt, %select_n3A_1720, %lt3A_1726 : i32
        %ne3A_1728 = arith.xori %lt3A_1725, %lt3A_1727 : i1
        %and3A_1729 = arith.andi %ne3A_1728, %ne3A_1723 : i1
        %add3A_1730 = arith.addi %rem3A_1721, %select_n3A_1720 : i32
        %select_n3A_1731 = arith.select %and3A_1729, %add3A_1730, %rem3A_1721 : i32
        %mul3A_1732 = arith.constant 512 : i32
        %mul3A_1733 = arith.muli %select_n3A_1731, %mul3A_1732 : i32
        %dma_start3A_1734 = tpu.memref_slice %arg3[%select_n3A_1715, %mul3A_1733] : memref<200x4096xi32, #tpu.memory_space<hbm>> -> memref<1x512xi32, #tpu.memory_space<hbm>>
        %dma_start3A_1735 = tpu.memref_squeeze %dma_start3A_1734 : memref<1x512xi32, #tpu.memory_space<hbm>> -> memref<512xi32, #tpu.memory_space<hbm>>
        %dma_start3A_1736 = tpu.memref_slice %arg3[%select_n3A_1715, %mul3A_1733] : memref<200x4096xi32, #tpu.memory_space<hbm>> -> memref<1x512xi32, #tpu.memory_space<hbm>>
        %dma_start3A_1737 = tpu.memref_squeeze %dma_start3A_1736 : memref<1x512xi32, #tpu.memory_space<hbm>> -> memref<512xi32, #tpu.memory_space<hbm>>
        tpu.enqueue_dma source(%dma_start3A_1737 : memref<512xi32, #tpu.memory_space<hbm>>) target(%arg5 : memref<512xi32, #tpu.memory_space<vmem>>) target_semaphore(%arg11 : memref<!tpu.dma_semaphore, #tpu.memory_space<semaphore_mem>>)
      } else {
      }
      %add3A_845 = arith.constant 1 : i32
      %add3A_846 = arith.addi %add3A_836, %add3A_845 : i32
      %lt3A_847 = arith.constant 50 : i32
      %lt3A_848 = arith.cmpi slt, %add3A_846, %lt3A_847 : i32
      %convert_element_type3A_849 = arith.extui %lt3A_848 : i1 to i32
      %cond3A_850 = arith.constant 0 : i32
      %cond3A_851 = arith.cmpi ne, %convert_element_type3A_849, %cond3A_850 : i32
      scf.if %cond3A_851 {
        %add3A_1687 = arith.constant 1 : i32
        %add3A_1688 = arith.addi %add3A_836, %add3A_1687 : i32
        %mul3A_1689 = arith.constant 50 : i32
        %mul3A_1690 = arith.muli %add3A, %mul3A_1689 : i32
        %add3A_1691 = arith.addi %mul3A_1690, %add3A_1688 : i32
        %jit3A_1692 = arith.constant 8 : i32
        %div3A_1693 = arith.divsi %add3A_1691, %jit3A_1692 : i32
        %sign3A_1694 = arith.constant 0 : i32
        %sign3A_1695 = arith.cmpi sgt, %add3A_1691, %sign3A_1694 : i32
        %sign3A_1696 = arith.extui %sign3A_1695 : i1 to i32
        %sign3A_1697 = arith.constant 0 : i32
        %sign3A_1698 = arith.cmpi slt, %add3A_1691, %sign3A_1697 : i32
        %sign3A_1699 = arith.extui %sign3A_1698 : i1 to i32
        %sign3A_1700 = arith.subi %sign3A_1696, %sign3A_1699 : i32
        %sign3A_1701 = arith.constant 0 : i32
        %sign3A_1702 = arith.cmpi sgt, %jit3A_1692, %sign3A_1701 : i32
        %sign3A_1703 = arith.extui %sign3A_1702 : i1 to i32
        %sign3A_1704 = arith.constant 0 : i32
        %sign3A_1705 = arith.cmpi slt, %jit3A_1692, %sign3A_1704 : i32
        %sign3A_1706 = arith.extui %sign3A_1705 : i1 to i32
        %sign3A_1707 = arith.subi %sign3A_1703, %sign3A_1706 : i32
        %ne3A_1708 = arith.cmpi ne, %sign3A_1700, %sign3A_1707 : i32
        %rem3A_1709 = arith.remsi %add3A_1691, %jit3A_1692 : i32
        %ne3A_1710 = arith.constant 0 : i32
        %ne3A_1711 = arith.cmpi ne, %rem3A_1709, %ne3A_1710 : i32
        %and3A_1712 = arith.andi %ne3A_1708, %ne3A_1711 : i1
        %sub3A_1713 = arith.constant 1 : i32
        %sub3A_1714 = arith.subi %div3A_1693, %sub3A_1713 : i32
        %select_n3A_1715 = arith.select %and3A_1712, %sub3A_1714, %div3A_1693 : i32
        %jit3A_1716 = arith.constant 8 : i32
        %eq3A_1717 = arith.constant 0 : i32
        %eq3A_1718 = arith.cmpi eq, %jit3A_1716, %eq3A_1717 : i32
        %jit3A_1719 = arith.constant 1 : i32
        %select_n3A_1720 = arith.select %eq3A_1718, %jit3A_1719, %jit3A_1716 : i32
        %rem3A_1721 = arith.remsi %add3A_1691, %select_n3A_1720 : i32
        %ne3A_1722 = arith.constant 0 : i32
        %ne3A_1723 = arith.cmpi ne, %rem3A_1721, %ne3A_1722 : i32
        %lt3A_1724 = arith.constant 0 : i32
        %lt3A_1725 = arith.cmpi slt, %rem3A_1721, %lt3A_1724 : i32
        %lt3A_1726 = arith.constant 0 : i32
        %lt3A_1727 = arith.cmpi slt, %select_n3A_1720, %lt3A_1726 : i32
        %ne3A_1728 = arith.xori %lt3A_1725, %lt3A_1727 : i1
        %and3A_1729 = arith.andi %ne3A_1728, %ne3A_1723 : i1
        %add3A_1730 = arith.addi %rem3A_1721, %select_n3A_1720 : i32
        %select_n3A_1731 = arith.select %and3A_1729, %add3A_1730, %rem3A_1721 : i32
        %mul3A_1732 = arith.constant 512 : i32
        %mul3A_1733 = arith.muli %select_n3A_1731, %mul3A_1732 : i32
        %dma_wait3A_1734 = tpu.memref_slice %arg3[%select_n3A_1715, %mul3A_1733] : memref<200x4096xi32, #tpu.memory_space<hbm>> -> memref<1x512xi32, #tpu.memory_space<hbm>>
        %dma_wait3A_1735 = tpu.memref_squeeze %dma_wait3A_1734 : memref<1x512xi32, #tpu.memory_space<hbm>> -> memref<512xi32, #tpu.memory_space<hbm>>
        %dma_wait3A_1736 = tpu.memref_slice %arg3[%select_n3A_1715, %mul3A_1733] : memref<200x4096xi32, #tpu.memory_space<hbm>> -> memref<1x512xi32, #tpu.memory_space<hbm>>
        %dma_wait3A_1737 = tpu.memref_squeeze %dma_wait3A_1736 : memref<1x512xi32, #tpu.memory_space<hbm>> -> memref<512xi32, #tpu.memory_space<hbm>>
        tpu.wait_dma2 semaphore(%arg12 : memref<!tpu.dma_semaphore, #tpu.memory_space<semaphore_mem>>) src(%dma_wait3A_1737 : memref<512xi32, #tpu.memory_space<hbm>>) dst(%arg6 : memref<512xi32, #tpu.memory_space<vmem>>)
        %add3A_1738 = arith.constant 1 : i32
        %add3A_1739 = arith.addi %add3A_836, %add3A_1738 : i32
        %dma_start3A_1740 = arith.constant 0 : i32
        %dma_start3A_1741 = arith.constant 0 : i32
        %dma_start3A_1742 = tpu.memref_slice %arg2[%dma_start3A_1740, %dma_start3A_1741] : memref<1000000x32xf32, #tpu.memory_space<hbm>> -> memref<1000000x32xf32, #tpu.memory_space<hbm>>
        tpu.enqueue_indirect_dma source(%dma_start3A_1742 : memref<1000000x32xf32, #tpu.memory_space<hbm>>) target(%arg8 : memref<512x32xf32, #tpu.memory_space<vmem>>) offsets(%arg6 : memref<512xi32, #tpu.memory_space<vmem>>) semaphore(%arg14 : memref<!tpu.dma_semaphore, #tpu.memory_space<semaphore_mem>>)
      } else {
      }
      %ge3A = arith.constant 2 : i32
      %ge3A_852 = arith.cmpi sge, %add3A_836, %ge3A : i32
      %convert_element_type3A_853 = arith.extui %ge3A_852 : i1 to i32
      %cond3A_854 = arith.constant 0 : i32
      %cond3A_855 = arith.cmpi ne, %convert_element_type3A_853, %cond3A_854 : i32
      scf.if %cond3A_855 {
        %sub3A_1687 = arith.constant 2 : i32
        %sub3A_1688 = arith.subi %add3A_836, %sub3A_1687 : i32
        %mul3A_1689 = arith.constant 50 : i32
        %mul3A_1690 = arith.muli %add3A, %mul3A_1689 : i32
        %add3A_1691 = arith.addi %mul3A_1690, %sub3A_1688 : i32
        %jit3A_1692 = arith.constant 8 : i32
        %div3A_1693 = arith.divsi %add3A_1691, %jit3A_1692 : i32
        %sign3A_1694 = arith.constant 0 : i32
        %sign3A_1695 = arith.cmpi sgt, %add3A_1691, %sign3A_1694 : i32
        %sign3A_1696 = arith.extui %sign3A_1695 : i1 to i32
        %sign3A_1697 = arith.constant 0 : i32
        %sign3A_1698 = arith.cmpi slt, %add3A_1691, %sign3A_1697 : i32
        %sign3A_1699 = arith.extui %sign3A_1698 : i1 to i32
        %sign3A_1700 = arith.subi %sign3A_1696, %sign3A_1699 : i32
        %sign3A_1701 = arith.constant 0 : i32
        %sign3A_1702 = arith.cmpi sgt, %jit3A_1692, %sign3A_1701 : i32
        %sign3A_1703 = arith.extui %sign3A_1702 : i1 to i32
        %sign3A_1704 = arith.constant 0 : i32
        %sign3A_1705 = arith.cmpi slt, %jit3A_1692, %sign3A_1704 : i32
        %sign3A_1706 = arith.extui %sign3A_1705 : i1 to i32
        %sign3A_1707 = arith.subi %sign3A_1703, %sign3A_1706 : i32
        %ne3A_1708 = arith.cmpi ne, %sign3A_1700, %sign3A_1707 : i32
        %rem3A_1709 = arith.remsi %add3A_1691, %jit3A_1692 : i32
        %ne3A_1710 = arith.constant 0 : i32
        %ne3A_1711 = arith.cmpi ne, %rem3A_1709, %ne3A_1710 : i32
        %and3A_1712 = arith.andi %ne3A_1708, %ne3A_1711 : i1
        %sub3A_1713 = arith.constant 1 : i32
        %sub3A_1714 = arith.subi %div3A_1693, %sub3A_1713 : i32
        %select_n3A_1715 = arith.select %and3A_1712, %sub3A_1714, %div3A_1693 : i32
        %jit3A_1716 = arith.constant 8 : i32
        %eq3A_1717 = arith.constant 0 : i32
        %eq3A_1718 = arith.cmpi eq, %jit3A_1716, %eq3A_1717 : i32
        %jit3A_1719 = arith.constant 1 : i32
        %select_n3A_1720 = arith.select %eq3A_1718, %jit3A_1719, %jit3A_1716 : i32
        %rem3A_1721 = arith.remsi %add3A_1691, %select_n3A_1720 : i32
        %ne3A_1722 = arith.constant 0 : i32
        %ne3A_1723 = arith.cmpi ne, %rem3A_1721, %ne3A_1722 : i32
        %lt3A_1724 = arith.constant 0 : i32
        %lt3A_1725 = arith.cmpi slt, %rem3A_1721, %lt3A_1724 : i32
        %lt3A_1726 = arith.constant 0 : i32
        %lt3A_1727 = arith.cmpi slt, %select_n3A_1720, %lt3A_1726 : i32
        %ne3A_1728 = arith.xori %lt3A_1725, %lt3A_1727 : i1
        %and3A_1729 = arith.andi %ne3A_1728, %ne3A_1723 : i1
        %add3A_1730 = arith.addi %rem3A_1721, %select_n3A_1720 : i32
        %select_n3A_1731 = arith.select %and3A_1729, %add3A_1730, %rem3A_1721 : i32
        %mul3A_1732 = arith.constant 512 : i32
        %mul3A_1733 = arith.muli %select_n3A_1731, %mul3A_1732 : i32
        %jit3A_1734 = arith.constant 128 : i32
        %div3A_1735 = arith.divsi %mul3A_1733, %jit3A_1734 : i32
        %sign3A_1736 = arith.constant 0 : i32
        %sign3A_1737 = arith.cmpi sgt, %mul3A_1733, %sign3A_1736 : i32
        %sign3A_1738 = arith.extui %sign3A_1737 : i1 to i32
        %sign3A_1739 = arith.constant 0 : i32
        %sign3A_1740 = arith.cmpi slt, %mul3A_1733, %sign3A_1739 : i32
        %sign3A_1741 = arith.extui %sign3A_1740 : i1 to i32
        %sign3A_1742 = arith.subi %sign3A_1738, %sign3A_1741 : i32
        %sign3A_1743 = arith.constant 0 : i32
        %sign3A_1744 = arith.cmpi sgt, %jit3A_1734, %sign3A_1743 : i32
        %sign3A_1745 = arith.extui %sign3A_1744 : i1 to i32
        %sign3A_1746 = arith.constant 0 : i32
        %sign3A_1747 = arith.cmpi slt, %jit3A_1734, %sign3A_1746 : i32
        %sign3A_1748 = arith.extui %sign3A_1747 : i1 to i32
        %sign3A_1749 = arith.subi %sign3A_1745, %sign3A_1748 : i32
        %ne3A_1750 = arith.cmpi ne, %sign3A_1742, %sign3A_1749 : i32
        %rem3A_1751 = arith.remsi %mul3A_1733, %jit3A_1734 : i32
        %ne3A_1752 = arith.constant 0 : i32
        %ne3A_1753 = arith.cmpi ne, %rem3A_1751, %ne3A_1752 : i32
        %and3A_1754 = arith.andi %ne3A_1750, %ne3A_1753 : i1
        %sub3A_1755 = arith.constant 1 : i32
        %sub3A_1756 = arith.subi %div3A_1735, %sub3A_1755 : i32
        %select_n3A_1757 = arith.select %and3A_1754, %sub3A_1756, %div3A_1735 : i32
        %add3A_1758 = arith.constant 0 : i32
        %add3A_1759 = arith.addi %select_n3A_1757, %add3A_1758 : i32
        %add3A_1760 = arith.constant 1 : i32
        %add3A_1761 = arith.addi %select_n3A_1757, %add3A_1760 : i32
        %add3A_1762 = arith.constant 2 : i32
        %add3A_1763 = arith.addi %select_n3A_1757, %add3A_1762 : i32
        %add3A_1764 = arith.constant 3 : i32
        %add3A_1765 = arith.addi %select_n3A_1757, %add3A_1764 : i32
        %add3A_1766 = arith.constant 0 : i32
        %add3A_1767 = arith.addi %select_n3A_1757, %add3A_1766 : i32
        %add3A_1768 = arith.constant 1 : i32
        %add3A_1769 = arith.addi %select_n3A_1757, %add3A_1768 : i32
        %add3A_1770 = arith.constant 2 : i32
        %add3A_1771 = arith.addi %select_n3A_1757, %add3A_1770 : i32
        %add3A_1772 = arith.constant 3 : i32
        %add3A_1773 = arith.addi %select_n3A_1757, %add3A_1772 : i32
        %add3A_1774 = arith.constant 0 : i32
        %add3A_1775 = arith.addi %select_n3A_1757, %add3A_1774 : i32
        %add3A_1776 = arith.constant 1 : i32
        %add3A_1777 = arith.addi %select_n3A_1757, %add3A_1776 : i32
        %add3A_1778 = arith.constant 2 : i32
        %add3A_1779 = arith.addi %select_n3A_1757, %add3A_1778 : i32
        %add3A_1780 = arith.constant 3 : i32
        %add3A_1781 = arith.addi %select_n3A_1757, %add3A_1780 : i32
        %add3A_1782 = arith.constant 0 : i32
        %add3A_1783 = arith.addi %select_n3A_1757, %add3A_1782 : i32
        %add3A_1784 = arith.constant 1 : i32
        %add3A_1785 = arith.addi %select_n3A_1757, %add3A_1784 : i32
        %add3A_1786 = arith.constant 2 : i32
        %add3A_1787 = arith.addi %select_n3A_1757, %add3A_1786 : i32
        %add3A_1788 = arith.constant 3 : i32
        %add3A_1789 = arith.addi %select_n3A_1757, %add3A_1788 : i32
        %dma_wait3A_1790 = arith.constant 0 : i32
        %dma_wait3A_1791 = arith.constant 0 : i32
        %dma_wait3A_1792 = arith.constant 0 : i32
        %dma_wait3A_1793 = tpu.memref_slice %arg9[%dma_wait3A_1791, %dma_wait3A_1792] : memref<128x129xf32, #tpu.memory_space<vmem>> -> memref<8x128xf32, #tpu.memory_space<vmem>>
        %dma_wait3A_1794 = arith.constant 0 : i32
        %dma_wait3A_1795 = arith.constant 0 : i32
        %dma_wait3A_1796 = tpu.memref_slice %arg4[%select_n3A_1715, %dma_wait3A_1790, %add3A_1759, %dma_wait3A_1794, %dma_wait3A_1795] : memref<200x4x32x8x128xf32, #tpu.memory_space<hbm>> -> memref<1x1x1x8x128xf32, #tpu.memory_space<hbm>>
        %dma_wait3A_1797 = tpu.memref_squeeze %dma_wait3A_1796 : memref<1x1x1x8x128xf32, #tpu.memory_space<hbm>> -> memref<8x128xf32, #tpu.memory_space<hbm>>
        %dma_wait3A_1798 = arith.constant 0 : i32
        %dma_wait3A_1799 = arith.constant 0 : i32
        %dma_wait3A_1800 = tpu.memref_slice %arg4[%select_n3A_1715, %dma_wait3A_1790, %add3A_1759, %dma_wait3A_1798, %dma_wait3A_1799] : memref<200x4x32x8x128xf32, #tpu.memory_space<hbm>> -> memref<1x1x1x8x128xf32, #tpu.memory_space<hbm>>
        %dma_wait3A_1801 = tpu.memref_squeeze %dma_wait3A_1800 : memref<1x1x1x8x128xf32, #tpu.memory_space<hbm>> -> memref<8x128xf32, #tpu.memory_space<hbm>>
        %dma_wait3A_1802 = arith.constant 0 : i32
        %dma_wait3A_1803 = arith.constant 0 : i32
        %dma_wait3A_1804 = tpu.memref_slice %arg9[%dma_wait3A_1802, %dma_wait3A_1803] : memref<128x129xf32, #tpu.memory_space<vmem>> -> memref<8x128xf32, #tpu.memory_space<vmem>>
        tpu.wait_dma2 semaphore(%arg15 : memref<!tpu.dma_semaphore, #tpu.memory_space<semaphore_mem>>) src(%dma_wait3A_1804 : memref<8x128xf32, #tpu.memory_space<vmem>>) dst(%dma_wait3A_1801 : memref<8x128xf32, #tpu.memory_space<hbm>>)
        %dma_wait3A_1805 = arith.constant 0 : i32
        %dma_wait3A_1806 = arith.constant 8 : i32
        %dma_wait3A_1807 = arith.constant 0 : i32
        %dma_wait3A_1808 = tpu.memref_slice %arg9[%dma_wait3A_1806, %dma_wait3A_1807] : memref<128x129xf32, #tpu.memory_space<vmem>> -> memref<8x128xf32, #tpu.memory_space<vmem>>
        %dma_wait3A_1809 = arith.constant 0 : i32
        %dma_wait3A_1810 = arith.constant 0 : i32
        %dma_wait3A_1811 = tpu.memref_slice %arg4[%select_n3A_1715, %dma_wait3A_1805, %add3A_1761, %dma_wait3A_1809, %dma_wait3A_1810] : memref<200x4x32x8x128xf32, #tpu.memory_space<hbm>> -> memref<1x1x1x8x128xf32, #tpu.memory_space<hbm>>
        %dma_wait3A_1812 = tpu.memref_squeeze %dma_wait3A_1811 : memref<1x1x1x8x128xf32, #tpu.memory_space<hbm>> -> memref<8x128xf32, #tpu.memory_space<hbm>>
        %dma_wait3A_1813 = arith.constant 0 : i32
        %dma_wait3A_1814 = arith.constant 0 : i32
        %dma_wait3A_1815 = tpu.memref_slice %arg4[%select_n3A_1715, %dma_wait3A_1805, %add3A_1761, %dma_wait3A_1813, %dma_wait3A_1814] : memref<200x4x32x8x128xf32, #tpu.memory_space<hbm>> -> memref<1x1x1x8x128xf32, #tpu.memory_space<hbm>>
        %dma_wait3A_1816 = tpu.memref_squeeze %dma_wait3A_1815 : memref<1x1x1x8x128xf32, #tpu.memory_space<hbm>> -> memref<8x128xf32, #tpu.memory_space<hbm>>
        %dma_wait3A_1817 = arith.constant 8 : i32
        %dma_wait3A_1818 = arith.constant 0 : i32
        %dma_wait3A_1819 = tpu.memref_slice %arg9[%dma_wait3A_1817, %dma_wait3A_1818] : memref<128x129xf32, #tpu.memory_space<vmem>> -> memref<8x128xf32, #tpu.memory_space<vmem>>
        tpu.wait_dma2 semaphore(%arg15 : memref<!tpu.dma_semaphore, #tpu.memory_space<semaphore_mem>>) src(%dma_wait3A_1819 : memref<8x128xf32, #tpu.memory_space<vmem>>) dst(%dma_wait3A_1816 : memref<8x128xf32, #tpu.memory_space<hbm>>)
        %dma_wait3A_1820 = arith.constant 0 : i32
        %dma_wait3A_1821 = arith.constant 16 : i32
        %dma_wait3A_1822 = arith.constant 0 : i32
        %dma_wait3A_1823 = tpu.memref_slice %arg9[%dma_wait3A_1821, %dma_wait3A_1822] : memref<128x129xf32, #tpu.memory_space<vmem>> -> memref<8x128xf32, #tpu.memory_space<vmem>>
        %dma_wait3A_1824 = arith.constant 0 : i32
        %dma_wait3A_1825 = arith.constant 0 : i32
        %dma_wait3A_1826 = tpu.memref_slice %arg4[%select_n3A_1715, %dma_wait3A_1820, %add3A_1763, %dma_wait3A_1824, %dma_wait3A_1825] : memref<200x4x32x8x128xf32, #tpu.memory_space<hbm>> -> memref<1x1x1x8x128xf32, #tpu.memory_space<hbm>>
        %dma_wait3A_1827 = tpu.memref_squeeze %dma_wait3A_1826 : memref<1x1x1x8x128xf32, #tpu.memory_space<hbm>> -> memref<8x128xf32, #tpu.memory_space<hbm>>
        %dma_wait3A_1828 = arith.constant 0 : i32
        %dma_wait3A_1829 = arith.constant 0 : i32
        %dma_wait3A_1830 = tpu.memref_slice %arg4[%select_n3A_1715, %dma_wait3A_1820, %add3A_1763, %dma_wait3A_1828, %dma_wait3A_1829] : memref<200x4x32x8x128xf32, #tpu.memory_space<hbm>> -> memref<1x1x1x8x128xf32, #tpu.memory_space<hbm>>
        %dma_wait3A_1831 = tpu.memref_squeeze %dma_wait3A_1830 : memref<1x1x1x8x128xf32, #tpu.memory_space<hbm>> -> memref<8x128xf32, #tpu.memory_space<hbm>>
        %dma_wait3A_1832 = arith.constant 16 : i32
        %dma_wait3A_1833 = arith.constant 0 : i32
        %dma_wait3A_1834 = tpu.memref_slice %arg9[%dma_wait3A_1832, %dma_wait3A_1833] : memref<128x129xf32, #tpu.memory_space<vmem>> -> memref<8x128xf32, #tpu.memory_space<vmem>>
        tpu.wait_dma2 semaphore(%arg15 : memref<!tpu.dma_semaphore, #tpu.memory_space<semaphore_mem>>) src(%dma_wait3A_1834 : memref<8x128xf32, #tpu.memory_space<vmem>>) dst(%dma_wait3A_1831 : memref<8x128xf32, #tpu.memory_space<hbm>>)
        %dma_wait3A_1835 = arith.constant 0 : i32
        %dma_wait3A_1836 = arith.constant 24 : i32
        %dma_wait3A_1837 = arith.constant 0 : i32
        %dma_wait3A_1838 = tpu.memref_slice %arg9[%dma_wait3A_1836, %dma_wait3A_1837] : memref<128x129xf32, #tpu.memory_space<vmem>> -> memref<8x128xf32, #tpu.memory_space<vmem>>
        %dma_wait3A_1839 = arith.constant 0 : i32
        %dma_wait3A_1840 = arith.constant 0 : i32
        %dma_wait3A_1841 = tpu.memref_slice %arg4[%select_n3A_1715, %dma_wait3A_1835, %add3A_1765, %dma_wait3A_1839, %dma_wait3A_1840] : memref<200x4x32x8x128xf32, #tpu.memory_space<hbm>> -> memref<1x1x1x8x128xf32, #tpu.memory_space<hbm>>
        %dma_wait3A_1842 = tpu.memref_squeeze %dma_wait3A_1841 : memref<1x1x1x8x128xf32, #tpu.memory_space<hbm>> -> memref<8x128xf32, #tpu.memory_space<hbm>>
        %dma_wait3A_1843 = arith.constant 0 : i32
        %dma_wait3A_1844 = arith.constant 0 : i32
        %dma_wait3A_1845 = tpu.memref_slice %arg4[%select_n3A_1715, %dma_wait3A_1835, %add3A_1765, %dma_wait3A_1843, %dma_wait3A_1844] : memref<200x4x32x8x128xf32, #tpu.memory_space<hbm>> -> memref<1x1x1x8x128xf32, #tpu.memory_space<hbm>>
        %dma_wait3A_1846 = tpu.memref_squeeze %dma_wait3A_1845 : memref<1x1x1x8x128xf32, #tpu.memory_space<hbm>> -> memref<8x128xf32, #tpu.memory_space<hbm>>
        %dma_wait3A_1847 = arith.constant 24 : i32
        %dma_wait3A_1848 = arith.constant 0 : i32
        %dma_wait3A_1849 = tpu.memref_slice %arg9[%dma_wait3A_1847, %dma_wait3A_1848] : memref<128x129xf32, #tpu.memory_space<vmem>> -> memref<8x128xf32, #tpu.memory_space<vmem>>
        tpu.wait_dma2 semaphore(%arg15 : memref<!tpu.dma_semaphore, #tpu.memory_space<semaphore_mem>>) src(%dma_wait3A_1849 : memref<8x128xf32, #tpu.memory_space<vmem>>) dst(%dma_wait3A_1846 : memref<8x128xf32, #tpu.memory_space<hbm>>)
        %dma_wait3A_1850 = arith.constant 1 : i32
        %dma_wait3A_1851 = arith.constant 32 : i32
        %dma_wait3A_1852 = arith.constant 0 : i32
        %dma_wait3A_1853 = tpu.memref_slice %arg9[%dma_wait3A_1851, %dma_wait3A_1852] : memref<128x129xf32, #tpu.memory_space<vmem>> -> memref<8x128xf32, #tpu.memory_space<vmem>>
        %dma_wait3A_1854 = arith.constant 0 : i32
        %dma_wait3A_1855 = arith.constant 0 : i32
        %dma_wait3A_1856 = tpu.memref_slice %arg4[%select_n3A_1715, %dma_wait3A_1850, %add3A_1767, %dma_wait3A_1854, %dma_wait3A_1855] : memref<200x4x32x8x128xf32, #tpu.memory_space<hbm>> -> memref<1x1x1x8x128xf32, #tpu.memory_space<hbm>>
        %dma_wait3A_1857 = tpu.memref_squeeze %dma_wait3A_1856 : memref<1x1x1x8x128xf32, #tpu.memory_space<hbm>> -> memref<8x128xf32, #tpu.memory_space<hbm>>
        %dma_wait3A_1858 = arith.constant 0 : i32
        %dma_wait3A_1859 = arith.constant 0 : i32
        %dma_wait3A_1860 = tpu.memref_slice %arg4[%select_n3A_1715, %dma_wait3A_1850, %add3A_1767, %dma_wait3A_1858, %dma_wait3A_1859] : memref<200x4x32x8x128xf32, #tpu.memory_space<hbm>> -> memref<1x1x1x8x128xf32, #tpu.memory_space<hbm>>
        %dma_wait3A_1861 = tpu.memref_squeeze %dma_wait3A_1860 : memref<1x1x1x8x128xf32, #tpu.memory_space<hbm>> -> memref<8x128xf32, #tpu.memory_space<hbm>>
        %dma_wait3A_1862 = arith.constant 32 : i32
        %dma_wait3A_1863 = arith.constant 0 : i32
        %dma_wait3A_1864 = tpu.memref_slice %arg9[%dma_wait3A_1862, %dma_wait3A_1863] : memref<128x129xf32, #tpu.memory_space<vmem>> -> memref<8x128xf32, #tpu.memory_space<vmem>>
        tpu.wait_dma2 semaphore(%arg15 : memref<!tpu.dma_semaphore, #tpu.memory_space<semaphore_mem>>) src(%dma_wait3A_1864 : memref<8x128xf32, #tpu.memory_space<vmem>>) dst(%dma_wait3A_1861 : memref<8x128xf32, #tpu.memory_space<hbm>>)
        %dma_wait3A_1865 = arith.constant 1 : i32
        %dma_wait3A_1866 = arith.constant 40 : i32
        %dma_wait3A_1867 = arith.constant 0 : i32
        %dma_wait3A_1868 = tpu.memref_slice %arg9[%dma_wait3A_1866, %dma_wait3A_1867] : memref<128x129xf32, #tpu.memory_space<vmem>> -> memref<8x128xf32, #tpu.memory_space<vmem>>
        %dma_wait3A_1869 = arith.constant 0 : i32
        %dma_wait3A_1870 = arith.constant 0 : i32
        %dma_wait3A_1871 = tpu.memref_slice %arg4[%select_n3A_1715, %dma_wait3A_1865, %add3A_1769, %dma_wait3A_1869, %dma_wait3A_1870] : memref<200x4x32x8x128xf32, #tpu.memory_space<hbm>> -> memref<1x1x1x8x128xf32, #tpu.memory_space<hbm>>
        %dma_wait3A_1872 = tpu.memref_squeeze %dma_wait3A_1871 : memref<1x1x1x8x128xf32, #tpu.memory_space<hbm>> -> memref<8x128xf32, #tpu.memory_space<hbm>>
        %dma_wait3A_1873 = arith.constant 0 : i32
        %dma_wait3A_1874 = arith.constant 0 : i32
        %dma_wait3A_1875 = tpu.memref_slice %arg4[%select_n3A_1715, %dma_wait3A_1865, %add3A_1769, %dma_wait3A_1873, %dma_wait3A_1874] : memref<200x4x32x8x128xf32, #tpu.memory_space<hbm>> -> memref<1x1x1x8x128xf32, #tpu.memory_space<hbm>>
        %dma_wait3A_1876 = tpu.memref_squeeze %dma_wait3A_1875 : memref<1x1x1x8x128xf32, #tpu.memory_space<hbm>> -> memref<8x128xf32, #tpu.memory_space<hbm>>
        %dma_wait3A_1877 = arith.constant 40 : i32
        %dma_wait3A_1878 = arith.constant 0 : i32
        %dma_wait3A_1879 = tpu.memref_slice %arg9[%dma_wait3A_1877, %dma_wait3A_1878] : memref<128x129xf32, #tpu.memory_space<vmem>> -> memref<8x128xf32, #tpu.memory_space<vmem>>
        tpu.wait_dma2 semaphore(%arg15 : memref<!tpu.dma_semaphore, #tpu.memory_space<semaphore_mem>>) src(%dma_wait3A_1879 : memref<8x128xf32, #tpu.memory_space<vmem>>) dst(%dma_wait3A_1876 : memref<8x128xf32, #tpu.memory_space<hbm>>)
        %dma_wait3A_1880 = arith.constant 1 : i32
        %dma_wait3A_1881 = arith.constant 48 : i32
        %dma_wait3A_1882 = arith.constant 0 : i32
        %dma_wait3A_1883 = tpu.memref_slice %arg9[%dma_wait3A_1881, %dma_wait3A_1882] : memref<128x129xf32, #tpu.memory_space<vmem>> -> memref<8x128xf32, #tpu.memory_space<vmem>>
        %dma_wait3A_1884 = arith.constant 0 : i32
        %dma_wait3A_1885 = arith.constant 0 : i32
        %dma_wait3A_1886 = tpu.memref_slice %arg4[%select_n3A_1715, %dma_wait3A_1880, %add3A_1771, %dma_wait3A_1884, %dma_wait3A_1885] : memref<200x4x32x8x128xf32, #tpu.memory_space<hbm>> -> memref<1x1x1x8x128xf32, #tpu.memory_space<hbm>>
        %dma_wait3A_1887 = tpu.memref_squeeze %dma_wait3A_1886 : memref<1x1x1x8x128xf32, #tpu.memory_space<hbm>> -> memref<8x128xf32, #tpu.memory_space<hbm>>
        %dma_wait3A_1888 = arith.constant 0 : i32
        %dma_wait3A_1889 = arith.constant 0 : i32
        %dma_wait3A_1890 = tpu.memref_slice %arg4[%select_n3A_1715, %dma_wait3A_1880, %add3A_1771, %dma_wait3A_1888, %dma_wait3A_1889] : memref<200x4x32x8x128xf32, #tpu.memory_space<hbm>> -> memref<1x1x1x8x128xf32, #tpu.memory_space<hbm>>
        %dma_wait3A_1891 = tpu.memref_squeeze %dma_wait3A_1890 : memref<1x1x1x8x128xf32, #tpu.memory_space<hbm>> -> memref<8x128xf32, #tpu.memory_space<hbm>>
        %dma_wait3A_1892 = arith.constant 48 : i32
        %dma_wait3A_1893 = arith.constant 0 : i32
        %dma_wait3A_1894 = tpu.memref_slice %arg9[%dma_wait3A_1892, %dma_wait3A_1893] : memref<128x129xf32, #tpu.memory_space<vmem>> -> memref<8x128xf32, #tpu.memory_space<vmem>>
        tpu.wait_dma2 semaphore(%arg15 : memref<!tpu.dma_semaphore, #tpu.memory_space<semaphore_mem>>) src(%dma_wait3A_1894 : memref<8x128xf32, #tpu.memory_space<vmem>>) dst(%dma_wait3A_1891 : memref<8x128xf32, #tpu.memory_space<hbm>>)
        %dma_wait3A_1895 = arith.constant 1 : i32
        %dma_wait3A_1896 = arith.constant 56 : i32
        %dma_wait3A_1897 = arith.constant 0 : i32
        %dma_wait3A_1898 = tpu.memref_slice %arg9[%dma_wait3A_1896, %dma_wait3A_1897] : memref<128x129xf32, #tpu.memory_space<vmem>> -> memref<8x128xf32, #tpu.memory_space<vmem>>
        %dma_wait3A_1899 = arith.constant 0 : i32
        %dma_wait3A_1900 = arith.constant 0 : i32
        %dma_wait3A_1901 = tpu.memref_slice %arg4[%select_n3A_1715, %dma_wait3A_1895, %add3A_1773, %dma_wait3A_1899, %dma_wait3A_1900] : memref<200x4x32x8x128xf32, #tpu.memory_space<hbm>> -> memref<1x1x1x8x128xf32, #tpu.memory_space<hbm>>
        %dma_wait3A_1902 = tpu.memref_squeeze %dma_wait3A_1901 : memref<1x1x1x8x128xf32, #tpu.memory_space<hbm>> -> memref<8x128xf32, #tpu.memory_space<hbm>>
        %dma_wait3A_1903 = arith.constant 0 : i32
        %dma_wait3A_1904 = arith.constant 0 : i32
        %dma_wait3A_1905 = tpu.memref_slice %arg4[%select_n3A_1715, %dma_wait3A_1895, %add3A_1773, %dma_wait3A_1903, %dma_wait3A_1904] : memref<200x4x32x8x128xf32, #tpu.memory_space<hbm>> -> memref<1x1x1x8x128xf32, #tpu.memory_space<hbm>>
        %dma_wait3A_1906 = tpu.memref_squeeze %dma_wait3A_1905 : memref<1x1x1x8x128xf32, #tpu.memory_space<hbm>> -> memref<8x128xf32, #tpu.memory_space<hbm>>
        %dma_wait3A_1907 = arith.constant 56 : i32
        %dma_wait3A_1908 = arith.constant 0 : i32
        %dma_wait3A_1909 = tpu.memref_slice %arg9[%dma_wait3A_1907, %dma_wait3A_1908] : memref<128x129xf32, #tpu.memory_space<vmem>> -> memref<8x128xf32, #tpu.memory_space<vmem>>
        tpu.wait_dma2 semaphore(%arg15 : memref<!tpu.dma_semaphore, #tpu.memory_space<semaphore_mem>>) src(%dma_wait3A_1909 : memref<8x128xf32, #tpu.memory_space<vmem>>) dst(%dma_wait3A_1906 : memref<8x128xf32, #tpu.memory_space<hbm>>)
        %dma_wait3A_1910 = arith.constant 2 : i32
        %dma_wait3A_1911 = arith.constant 64 : i32
        %dma_wait3A_1912 = arith.constant 0 : i32
        %dma_wait3A_1913 = tpu.memref_slice %arg9[%dma_wait3A_1911, %dma_wait3A_1912] : memref<128x129xf32, #tpu.memory_space<vmem>> -> memref<8x128xf32, #tpu.memory_space<vmem>>
        %dma_wait3A_1914 = arith.constant 0 : i32
        %dma_wait3A_1915 = arith.constant 0 : i32
        %dma_wait3A_1916 = tpu.memref_slice %arg4[%select_n3A_1715, %dma_wait3A_1910, %add3A_1775, %dma_wait3A_1914, %dma_wait3A_1915] : memref<200x4x32x8x128xf32, #tpu.memory_space<hbm>> -> memref<1x1x1x8x128xf32, #tpu.memory_space<hbm>>
        %dma_wait3A_1917 = tpu.memref_squeeze %dma_wait3A_1916 : memref<1x1x1x8x128xf32, #tpu.memory_space<hbm>> -> memref<8x128xf32, #tpu.memory_space<hbm>>
        %dma_wait3A_1918 = arith.constant 0 : i32
        %dma_wait3A_1919 = arith.constant 0 : i32
        %dma_wait3A_1920 = tpu.memref_slice %arg4[%select_n3A_1715, %dma_wait3A_1910, %add3A_1775, %dma_wait3A_1918, %dma_wait3A_1919] : memref<200x4x32x8x128xf32, #tpu.memory_space<hbm>> -> memref<1x1x1x8x128xf32, #tpu.memory_space<hbm>>
        %dma_wait3A_1921 = tpu.memref_squeeze %dma_wait3A_1920 : memref<1x1x1x8x128xf32, #tpu.memory_space<hbm>> -> memref<8x128xf32, #tpu.memory_space<hbm>>
        %dma_wait3A_1922 = arith.constant 64 : i32
        %dma_wait3A_1923 = arith.constant 0 : i32
        %dma_wait3A_1924 = tpu.memref_slice %arg9[%dma_wait3A_1922, %dma_wait3A_1923] : memref<128x129xf32, #tpu.memory_space<vmem>> -> memref<8x128xf32, #tpu.memory_space<vmem>>
        tpu.wait_dma2 semaphore(%arg15 : memref<!tpu.dma_semaphore, #tpu.memory_space<semaphore_mem>>) src(%dma_wait3A_1924 : memref<8x128xf32, #tpu.memory_space<vmem>>) dst(%dma_wait3A_1921 : memref<8x128xf32, #tpu.memory_space<hbm>>)
        %dma_wait3A_1925 = arith.constant 2 : i32
        %dma_wait3A_1926 = arith.constant 72 : i32
        %dma_wait3A_1927 = arith.constant 0 : i32
        %dma_wait3A_1928 = tpu.memref_slice %arg9[%dma_wait3A_1926, %dma_wait3A_1927] : memref<128x129xf32, #tpu.memory_space<vmem>> -> memref<8x128xf32, #tpu.memory_space<vmem>>
        %dma_wait3A_1929 = arith.constant 0 : i32
        %dma_wait3A_1930 = arith.constant 0 : i32
        %dma_wait3A_1931 = tpu.memref_slice %arg4[%select_n3A_1715, %dma_wait3A_1925, %add3A_1777, %dma_wait3A_1929, %dma_wait3A_1930] : memref<200x4x32x8x128xf32, #tpu.memory_space<hbm>> -> memref<1x1x1x8x128xf32, #tpu.memory_space<hbm>>
        %dma_wait3A_1932 = tpu.memref_squeeze %dma_wait3A_1931 : memref<1x1x1x8x128xf32, #tpu.memory_space<hbm>> -> memref<8x128xf32, #tpu.memory_space<hbm>>
        %dma_wait3A_1933 = arith.constant 0 : i32
        %dma_wait3A_1934 = arith.constant 0 : i32
        %dma_wait3A_1935 = tpu.memref_slice %arg4[%select_n3A_1715, %dma_wait3A_1925, %add3A_1777, %dma_wait3A_1933, %dma_wait3A_1934] : memref<200x4x32x8x128xf32, #tpu.memory_space<hbm>> -> memref<1x1x1x8x128xf32, #tpu.memory_space<hbm>>
        %dma_wait3A_1936 = tpu.memref_squeeze %dma_wait3A_1935 : memref<1x1x1x8x128xf32, #tpu.memory_space<hbm>> -> memref<8x128xf32, #tpu.memory_space<hbm>>
        %dma_wait3A_1937 = arith.constant 72 : i32
        %dma_wait3A_1938 = arith.constant 0 : i32
        %dma_wait3A_1939 = tpu.memref_slice %arg9[%dma_wait3A_1937, %dma_wait3A_1938] : memref<128x129xf32, #tpu.memory_space<vmem>> -> memref<8x128xf32, #tpu.memory_space<vmem>>
        tpu.wait_dma2 semaphore(%arg15 : memref<!tpu.dma_semaphore, #tpu.memory_space<semaphore_mem>>) src(%dma_wait3A_1939 : memref<8x128xf32, #tpu.memory_space<vmem>>) dst(%dma_wait3A_1936 : memref<8x128xf32, #tpu.memory_space<hbm>>)
        %dma_wait3A_1940 = arith.constant 2 : i32
        %dma_wait3A_1941 = arith.constant 80 : i32
        %dma_wait3A_1942 = arith.constant 0 : i32
        %dma_wait3A_1943 = tpu.memref_slice %arg9[%dma_wait3A_1941, %dma_wait3A_1942] : memref<128x129xf32, #tpu.memory_space<vmem>> -> memref<8x128xf32, #tpu.memory_space<vmem>>
        %dma_wait3A_1944 = arith.constant 0 : i32
        %dma_wait3A_1945 = arith.constant 0 : i32
        %dma_wait3A_1946 = tpu.memref_slice %arg4[%select_n3A_1715, %dma_wait3A_1940, %add3A_1779, %dma_wait3A_1944, %dma_wait3A_1945] : memref<200x4x32x8x128xf32, #tpu.memory_space<hbm>> -> memref<1x1x1x8x128xf32, #tpu.memory_space<hbm>>
        %dma_wait3A_1947 = tpu.memref_squeeze %dma_wait3A_1946 : memref<1x1x1x8x128xf32, #tpu.memory_space<hbm>> -> memref<8x128xf32, #tpu.memory_space<hbm>>
        %dma_wait3A_1948 = arith.constant 0 : i32
        %dma_wait3A_1949 = arith.constant 0 : i32
        %dma_wait3A_1950 = tpu.memref_slice %arg4[%select_n3A_1715, %dma_wait3A_1940, %add3A_1779, %dma_wait3A_1948, %dma_wait3A_1949] : memref<200x4x32x8x128xf32, #tpu.memory_space<hbm>> -> memref<1x1x1x8x128xf32, #tpu.memory_space<hbm>>
        %dma_wait3A_1951 = tpu.memref_squeeze %dma_wait3A_1950 : memref<1x1x1x8x128xf32, #tpu.memory_space<hbm>> -> memref<8x128xf32, #tpu.memory_space<hbm>>
        %dma_wait3A_1952 = arith.constant 80 : i32
        %dma_wait3A_1953 = arith.constant 0 : i32
        %dma_wait3A_1954 = tpu.memref_slice %arg9[%dma_wait3A_1952, %dma_wait3A_1953] : memref<128x129xf32, #tpu.memory_space<vmem>> -> memref<8x128xf32, #tpu.memory_space<vmem>>
        tpu.wait_dma2 semaphore(%arg15 : memref<!tpu.dma_semaphore, #tpu.memory_space<semaphore_mem>>) src(%dma_wait3A_1954 : memref<8x128xf32, #tpu.memory_space<vmem>>) dst(%dma_wait3A_1951 : memref<8x128xf32, #tpu.memory_space<hbm>>)
        %dma_wait3A_1955 = arith.constant 2 : i32
        %dma_wait3A_1956 = arith.constant 88 : i32
        %dma_wait3A_1957 = arith.constant 0 : i32
        %dma_wait3A_1958 = tpu.memref_slice %arg9[%dma_wait3A_1956, %dma_wait3A_1957] : memref<128x129xf32, #tpu.memory_space<vmem>> -> memref<8x128xf32, #tpu.memory_space<vmem>>
        %dma_wait3A_1959 = arith.constant 0 : i32
        %dma_wait3A_1960 = arith.constant 0 : i32
        %dma_wait3A_1961 = tpu.memref_slice %arg4[%select_n3A_1715, %dma_wait3A_1955, %add3A_1781, %dma_wait3A_1959, %dma_wait3A_1960] : memref<200x4x32x8x128xf32, #tpu.memory_space<hbm>> -> memref<1x1x1x8x128xf32, #tpu.memory_space<hbm>>
        %dma_wait3A_1962 = tpu.memref_squeeze %dma_wait3A_1961 : memref<1x1x1x8x128xf32, #tpu.memory_space<hbm>> -> memref<8x128xf32, #tpu.memory_space<hbm>>
        %dma_wait3A_1963 = arith.constant 0 : i32
        %dma_wait3A_1964 = arith.constant 0 : i32
        %dma_wait3A_1965 = tpu.memref_slice %arg4[%select_n3A_1715, %dma_wait3A_1955, %add3A_1781, %dma_wait3A_1963, %dma_wait3A_1964] : memref<200x4x32x8x128xf32, #tpu.memory_space<hbm>> -> memref<1x1x1x8x128xf32, #tpu.memory_space<hbm>>
        %dma_wait3A_1966 = tpu.memref_squeeze %dma_wait3A_1965 : memref<1x1x1x8x128xf32, #tpu.memory_space<hbm>> -> memref<8x128xf32, #tpu.memory_space<hbm>>
        %dma_wait3A_1967 = arith.constant 88 : i32
        %dma_wait3A_1968 = arith.constant 0 : i32
        %dma_wait3A_1969 = tpu.memref_slice %arg9[%dma_wait3A_1967, %dma_wait3A_1968] : memref<128x129xf32, #tpu.memory_space<vmem>> -> memref<8x128xf32, #tpu.memory_space<vmem>>
        tpu.wait_dma2 semaphore(%arg15 : memref<!tpu.dma_semaphore, #tpu.memory_space<semaphore_mem>>) src(%dma_wait3A_1969 : memref<8x128xf32, #tpu.memory_space<vmem>>) dst(%dma_wait3A_1966 : memref<8x128xf32, #tpu.memory_space<hbm>>)
        %dma_wait3A_1970 = arith.constant 3 : i32
        %dma_wait3A_1971 = arith.constant 96 : i32
        %dma_wait3A_1972 = arith.constant 0 : i32
        %dma_wait3A_1973 = tpu.memref_slice %arg9[%dma_wait3A_1971, %dma_wait3A_1972] : memref<128x129xf32, #tpu.memory_space<vmem>> -> memref<8x128xf32, #tpu.memory_space<vmem>>
        %dma_wait3A_1974 = arith.constant 0 : i32
        %dma_wait3A_1975 = arith.constant 0 : i32
        %dma_wait3A_1976 = tpu.memref_slice %arg4[%select_n3A_1715, %dma_wait3A_1970, %add3A_1783, %dma_wait3A_1974, %dma_wait3A_1975] : memref<200x4x32x8x128xf32, #tpu.memory_space<hbm>> -> memref<1x1x1x8x128xf32, #tpu.memory_space<hbm>>
        %dma_wait3A_1977 = tpu.memref_squeeze %dma_wait3A_1976 : memref<1x1x1x8x128xf32, #tpu.memory_space<hbm>> -> memref<8x128xf32, #tpu.memory_space<hbm>>
        %dma_wait3A_1978 = arith.constant 0 : i32
        %dma_wait3A_1979 = arith.constant 0 : i32
        %dma_wait3A_1980 = tpu.memref_slice %arg4[%select_n3A_1715, %dma_wait3A_1970, %add3A_1783, %dma_wait3A_1978, %dma_wait3A_1979] : memref<200x4x32x8x128xf32, #tpu.memory_space<hbm>> -> memref<1x1x1x8x128xf32, #tpu.memory_space<hbm>>
        %dma_wait3A_1981 = tpu.memref_squeeze %dma_wait3A_1980 : memref<1x1x1x8x128xf32, #tpu.memory_space<hbm>> -> memref<8x128xf32, #tpu.memory_space<hbm>>
        %dma_wait3A_1982 = arith.constant 96 : i32
        %dma_wait3A_1983 = arith.constant 0 : i32
        %dma_wait3A_1984 = tpu.memref_slice %arg9[%dma_wait3A_1982, %dma_wait3A_1983] : memref<128x129xf32, #tpu.memory_space<vmem>> -> memref<8x128xf32, #tpu.memory_space<vmem>>
        tpu.wait_dma2 semaphore(%arg15 : memref<!tpu.dma_semaphore, #tpu.memory_space<semaphore_mem>>) src(%dma_wait3A_1984 : memref<8x128xf32, #tpu.memory_space<vmem>>) dst(%dma_wait3A_1981 : memref<8x128xf32, #tpu.memory_space<hbm>>)
        %dma_wait3A_1985 = arith.constant 3 : i32
        %dma_wait3A_1986 = arith.constant 104 : i32
        %dma_wait3A_1987 = arith.constant 0 : i32
        %dma_wait3A_1988 = tpu.memref_slice %arg9[%dma_wait3A_1986, %dma_wait3A_1987] : memref<128x129xf32, #tpu.memory_space<vmem>> -> memref<8x128xf32, #tpu.memory_space<vmem>>
        %dma_wait3A_1989 = arith.constant 0 : i32
        %dma_wait3A_1990 = arith.constant 0 : i32
        %dma_wait3A_1991 = tpu.memref_slice %arg4[%select_n3A_1715, %dma_wait3A_1985, %add3A_1785, %dma_wait3A_1989, %dma_wait3A_1990] : memref<200x4x32x8x128xf32, #tpu.memory_space<hbm>> -> memref<1x1x1x8x128xf32, #tpu.memory_space<hbm>>
        %dma_wait3A_1992 = tpu.memref_squeeze %dma_wait3A_1991 : memref<1x1x1x8x128xf32, #tpu.memory_space<hbm>> -> memref<8x128xf32, #tpu.memory_space<hbm>>
        %dma_wait3A_1993 = arith.constant 0 : i32
        %dma_wait3A_1994 = arith.constant 0 : i32
        %dma_wait3A_1995 = tpu.memref_slice %arg4[%select_n3A_1715, %dma_wait3A_1985, %add3A_1785, %dma_wait3A_1993, %dma_wait3A_1994] : memref<200x4x32x8x128xf32, #tpu.memory_space<hbm>> -> memref<1x1x1x8x128xf32, #tpu.memory_space<hbm>>
        %dma_wait3A_1996 = tpu.memref_squeeze %dma_wait3A_1995 : memref<1x1x1x8x128xf32, #tpu.memory_space<hbm>> -> memref<8x128xf32, #tpu.memory_space<hbm>>
        %dma_wait3A_1997 = arith.constant 104 : i32
        %dma_wait3A_1998 = arith.constant 0 : i32
        %dma_wait3A_1999 = tpu.memref_slice %arg9[%dma_wait3A_1997, %dma_wait3A_1998] : memref<128x129xf32, #tpu.memory_space<vmem>> -> memref<8x128xf32, #tpu.memory_space<vmem>>
        tpu.wait_dma2 semaphore(%arg15 : memref<!tpu.dma_semaphore, #tpu.memory_space<semaphore_mem>>) src(%dma_wait3A_1999 : memref<8x128xf32, #tpu.memory_space<vmem>>) dst(%dma_wait3A_1996 : memref<8x128xf32, #tpu.memory_space<hbm>>)
        %dma_wait3A_2000 = arith.constant 3 : i32
        %dma_wait3A_2001 = arith.constant 112 : i32
        %dma_wait3A_2002 = arith.constant 0 : i32
        %dma_wait3A_2003 = tpu.memref_slice %arg9[%dma_wait3A_2001, %dma_wait3A_2002] : memref<128x129xf32, #tpu.memory_space<vmem>> -> memref<8x128xf32, #tpu.memory_space<vmem>>
        %dma_wait3A_2004 = arith.constant 0 : i32
        %dma_wait3A_2005 = arith.constant 0 : i32
        %dma_wait3A_2006 = tpu.memref_slice %arg4[%select_n3A_1715, %dma_wait3A_2000, %add3A_1787, %dma_wait3A_2004, %dma_wait3A_2005] : memref<200x4x32x8x128xf32, #tpu.memory_space<hbm>> -> memref<1x1x1x8x128xf32, #tpu.memory_space<hbm>>
        %dma_wait3A_2007 = tpu.memref_squeeze %dma_wait3A_2006 : memref<1x1x1x8x128xf32, #tpu.memory_space<hbm>> -> memref<8x128xf32, #tpu.memory_space<hbm>>
        %dma_wait3A_2008 = arith.constant 0 : i32
        %dma_wait3A_2009 = arith.constant 0 : i32
        %dma_wait3A_2010 = tpu.memref_slice %arg4[%select_n3A_1715, %dma_wait3A_2000, %add3A_1787, %dma_wait3A_2008, %dma_wait3A_2009] : memref<200x4x32x8x128xf32, #tpu.memory_space<hbm>> -> memref<1x1x1x8x128xf32, #tpu.memory_space<hbm>>
        %dma_wait3A_2011 = tpu.memref_squeeze %dma_wait3A_2010 : memref<1x1x1x8x128xf32, #tpu.memory_space<hbm>> -> memref<8x128xf32, #tpu.memory_space<hbm>>
        %dma_wait3A_2012 = arith.constant 112 : i32
        %dma_wait3A_2013 = arith.constant 0 : i32
        %dma_wait3A_2014 = tpu.memref_slice %arg9[%dma_wait3A_2012, %dma_wait3A_2013] : memref<128x129xf32, #tpu.memory_space<vmem>> -> memref<8x128xf32, #tpu.memory_space<vmem>>
        tpu.wait_dma2 semaphore(%arg15 : memref<!tpu.dma_semaphore, #tpu.memory_space<semaphore_mem>>) src(%dma_wait3A_2014 : memref<8x128xf32, #tpu.memory_space<vmem>>) dst(%dma_wait3A_2011 : memref<8x128xf32, #tpu.memory_space<hbm>>)
        %dma_wait3A_2015 = arith.constant 3 : i32
        %dma_wait3A_2016 = arith.constant 120 : i32
        %dma_wait3A_2017 = arith.constant 0 : i32
        %dma_wait3A_2018 = tpu.memref_slice %arg9[%dma_wait3A_2016, %dma_wait3A_2017] : memref<128x129xf32, #tpu.memory_space<vmem>> -> memref<8x128xf32, #tpu.memory_space<vmem>>
        %dma_wait3A_2019 = arith.constant 0 : i32
        %dma_wait3A_2020 = arith.constant 0 : i32
        %dma_wait3A_2021 = tpu.memref_slice %arg4[%select_n3A_1715, %dma_wait3A_2015, %add3A_1789, %dma_wait3A_2019, %dma_wait3A_2020] : memref<200x4x32x8x128xf32, #tpu.memory_space<hbm>> -> memref<1x1x1x8x128xf32, #tpu.memory_space<hbm>>
        %dma_wait3A_2022 = tpu.memref_squeeze %dma_wait3A_2021 : memref<1x1x1x8x128xf32, #tpu.memory_space<hbm>> -> memref<8x128xf32, #tpu.memory_space<hbm>>
        %dma_wait3A_2023 = arith.constant 0 : i32
        %dma_wait3A_2024 = arith.constant 0 : i32
        %dma_wait3A_2025 = tpu.memref_slice %arg4[%select_n3A_1715, %dma_wait3A_2015, %add3A_1789, %dma_wait3A_2023, %dma_wait3A_2024] : memref<200x4x32x8x128xf32, #tpu.memory_space<hbm>> -> memref<1x1x1x8x128xf32, #tpu.memory_space<hbm>>
        %dma_wait3A_2026 = tpu.memref_squeeze %dma_wait3A_2025 : memref<1x1x1x8x128xf32, #tpu.memory_space<hbm>> -> memref<8x128xf32, #tpu.memory_space<hbm>>
        %dma_wait3A_2027 = arith.constant 120 : i32
        %dma_wait3A_2028 = arith.constant 0 : i32
        %dma_wait3A_2029 = tpu.memref_slice %arg9[%dma_wait3A_2027, %dma_wait3A_2028] : memref<128x129xf32, #tpu.memory_space<vmem>> -> memref<8x128xf32, #tpu.memory_space<vmem>>
        tpu.wait_dma2 semaphore(%arg15 : memref<!tpu.dma_semaphore, #tpu.memory_space<semaphore_mem>>) src(%dma_wait3A_2029 : memref<8x128xf32, #tpu.memory_space<vmem>>) dst(%dma_wait3A_2026 : memref<8x128xf32, #tpu.memory_space<hbm>>)
      } else {
      }
      %iota3A = tpu.iota {dimensions = array<i32: 0>} : vector<16xi32>
      %jit3A_856 = arith.constant 8 : i32
      %div3A_857 = vector.broadcast %jit3A_856 : i32 to vector<16xi32>
      %div3A_858 = arith.divsi %iota3A, %div3A_857 : vector<16xi32>
      %sign3A_859 = arith.constant 0 : i32
      %sign3A_860 = vector.broadcast %sign3A_859 : i32 to vector<16xi32>
      %sign3A_861 = arith.cmpi sgt, %iota3A, %sign3A_860 : vector<16xi32>
      %sign3A_862 = arith.extui %sign3A_861 : vector<16xi1> to vector<16xi32>
      %sign3A_863 = arith.constant 0 : i32
      %sign3A_864 = vector.broadcast %sign3A_863 : i32 to vector<16xi32>
      %sign3A_865 = arith.cmpi slt, %iota3A, %sign3A_864 : vector<16xi32>
      %sign3A_866 = arith.extui %sign3A_865 : vector<16xi1> to vector<16xi32>
      %sign3A_867 = arith.subi %sign3A_862, %sign3A_866 : vector<16xi32>
      %sign3A_868 = arith.constant 0 : i32
      %sign3A_869 = arith.cmpi sgt, %jit3A_856, %sign3A_868 : i32
      %sign3A_870 = arith.extui %sign3A_869 : i1 to i32
      %sign3A_871 = arith.constant 0 : i32
      %sign3A_872 = arith.cmpi slt, %jit3A_856, %sign3A_871 : i32
      %sign3A_873 = arith.extui %sign3A_872 : i1 to i32
      %sign3A_874 = arith.subi %sign3A_870, %sign3A_873 : i32
      %ne3A_875 = vector.broadcast %sign3A_874 : i32 to vector<16xi32>
      %ne3A_876 = arith.cmpi ne, %sign3A_867, %ne3A_875 : vector<16xi32>
      %rem3A_877 = vector.broadcast %jit3A_856 : i32 to vector<16xi32>
      %rem3A_878 = arith.remsi %iota3A, %rem3A_877 : vector<16xi32>
      %ne3A_879 = arith.constant 0 : i32
      %ne3A_880 = vector.broadcast %ne3A_879 : i32 to vector<16xi32>
      %ne3A_881 = arith.cmpi ne, %rem3A_878, %ne3A_880 : vector<16xi32>
      %and3A_882 = arith.andi %ne3A_876, %ne3A_881 : vector<16xi1>
      %sub3A_883 = arith.constant 1 : i32
      %sub3A_884 = vector.broadcast %sub3A_883 : i32 to vector<16xi32>
      %sub3A_885 = arith.subi %div3A_858, %sub3A_884 : vector<16xi32>
      %select_n3A_886 = arith.select %and3A_882, %sub3A_885, %div3A_858 : vector<16xi1>, vector<16xi32>
      %mul3A_887 = arith.constant 32 : i32
      %mul3A_888 = vector.broadcast %mul3A_887 : i32 to vector<16xi32>
      %mul3A_889 = arith.muli %select_n3A_886, %mul3A_888 : vector<16xi32>
      %jit3A_890 = arith.constant 8 : i32
      %eq3A_891 = arith.constant 0 : i32
      %eq3A_892 = arith.cmpi eq, %jit3A_890, %eq3A_891 : i32
      %jit3A_893 = arith.constant 1 : i32
      %select_n3A_894 = arith.select %eq3A_892, %jit3A_893, %jit3A_890 : i32
      %rem3A_895 = vector.broadcast %select_n3A_894 : i32 to vector<16xi32>
      %rem3A_896 = arith.remsi %iota3A, %rem3A_895 : vector<16xi32>
      %ne3A_897 = arith.constant 0 : i32
      %ne3A_898 = vector.broadcast %ne3A_897 : i32 to vector<16xi32>
      %ne3A_899 = arith.cmpi ne, %rem3A_896, %ne3A_898 : vector<16xi32>
      %lt3A_900 = arith.constant 0 : i32
      %lt3A_901 = vector.broadcast %lt3A_900 : i32 to vector<16xi32>
      %lt3A_902 = arith.cmpi slt, %rem3A_896, %lt3A_901 : vector<16xi32>
      %lt3A_903 = arith.constant 0 : i32
      %lt3A_904 = arith.cmpi slt, %select_n3A_894, %lt3A_903 : i32
      %ne3A_905 = vector.broadcast %lt3A_904 : i1 to vector<16xi1>
      %ne3A_906 = vector.broadcast %ne3A_905 : vector<16xi1> to vector<16xi1>
      %ne3A_907 = arith.xori %lt3A_902, %ne3A_906 : vector<16xi1>
      %and3A_908 = arith.andi %ne3A_907, %ne3A_899 : vector<16xi1>
      %add3A_909 = vector.broadcast %select_n3A_894 : i32 to vector<16xi32>
      %add3A_910 = arith.addi %rem3A_896, %add3A_909 : vector<16xi32>
      %select_n3A_911 = arith.select %and3A_908, %add3A_910, %rem3A_896 : vector<16xi1>, vector<16xi32>
      %add3A_912 = arith.addi %mul3A_889, %select_n3A_911 : vector<16xi32>
      %scan3A_913 = arith.constant 0 : i32
      %scan3A_914 = arith.constant 64 : i32
      %scan3A_915 = arith.addi %scan3A_913, %scan3A_914 : i32
      %scan3A_916 = arith.constant 1 : i32
      scf.for %scan3A_1687 = %scan3A_913 to %scan3A_915 step %scan3A_916  : i32 {
        %mul3A_1688 = arith.constant 1 : i32
        %mul3A_1689 = arith.muli %scan3A_1687, %mul3A_1688 : i32
        %add3A_1690 = arith.constant 0 : i32
        %add3A_1691 = arith.addi %add3A_1690, %mul3A_1689 : i32
        %jit3A_1692 = arith.constant 16 : i32
        %div3A_1693 = arith.divsi %add3A_1691, %jit3A_1692 : i32
        %sign3A_1694 = arith.constant 0 : i32
        %sign3A_1695 = arith.cmpi sgt, %add3A_1691, %sign3A_1694 : i32
        %sign3A_1696 = arith.extui %sign3A_1695 : i1 to i32
        %sign3A_1697 = arith.constant 0 : i32
        %sign3A_1698 = arith.cmpi slt, %add3A_1691, %sign3A_1697 : i32
        %sign3A_1699 = arith.extui %sign3A_1698 : i1 to i32
        %sign3A_1700 = arith.subi %sign3A_1696, %sign3A_1699 : i32
        %sign3A_1701 = arith.constant 0 : i32
        %sign3A_1702 = arith.cmpi sgt, %jit3A_1692, %sign3A_1701 : i32
        %sign3A_1703 = arith.extui %sign3A_1702 : i1 to i32
        %sign3A_1704 = arith.constant 0 : i32
        %sign3A_1705 = arith.cmpi slt, %jit3A_1692, %sign3A_1704 : i32
        %sign3A_1706 = arith.extui %sign3A_1705 : i1 to i32
        %sign3A_1707 = arith.subi %sign3A_1703, %sign3A_1706 : i32
        %ne3A_1708 = arith.cmpi ne, %sign3A_1700, %sign3A_1707 : i32
        %rem3A_1709 = arith.remsi %add3A_1691, %jit3A_1692 : i32
        %ne3A_1710 = arith.constant 0 : i32
        %ne3A_1711 = arith.cmpi ne, %rem3A_1709, %ne3A_1710 : i32
        %and3A_1712 = arith.andi %ne3A_1708, %ne3A_1711 : i1
        %sub3A_1713 = arith.constant 1 : i32
        %sub3A_1714 = arith.subi %div3A_1693, %sub3A_1713 : i32
        %select_n3A_1715 = arith.select %and3A_1712, %sub3A_1714, %div3A_1693 : i32
        %jit3A_1716 = arith.constant 16 : i32
        %eq3A_1717 = arith.constant 0 : i32
        %eq3A_1718 = arith.cmpi eq, %jit3A_1716, %eq3A_1717 : i32
        %jit3A_1719 = arith.constant 1 : i32
        %select_n3A_1720 = arith.select %eq3A_1718, %jit3A_1719, %jit3A_1716 : i32
        %rem3A_1721 = arith.remsi %add3A_1691, %select_n3A_1720 : i32
        %ne3A_1722 = arith.constant 0 : i32
        %ne3A_1723 = arith.cmpi ne, %rem3A_1721, %ne3A_1722 : i32
        %lt3A_1724 = arith.constant 0 : i32
        %lt3A_1725 = arith.cmpi slt, %rem3A_1721, %lt3A_1724 : i32
        %lt3A_1726 = arith.constant 0 : i32
        %lt3A_1727 = arith.cmpi slt, %select_n3A_1720, %lt3A_1726 : i32
        %ne3A_1728 = arith.xori %lt3A_1725, %lt3A_1727 : i1
        %and3A_1729 = arith.andi %ne3A_1728, %ne3A_1723 : i1
        %add3A_1730 = arith.addi %rem3A_1721, %select_n3A_1720 : i32
        %select_n3A_1731 = arith.select %and3A_1729, %add3A_1730, %rem3A_1721 : i32
        %mul3A_1732 = arith.constant 128 : i32
        %mul3A_1733 = arith.muli %select_n3A_1715, %mul3A_1732 : i32
        %mul3A_1734 = arith.constant 8 : i32
        %mul3A_1735 = arith.muli %select_n3A_1731, %mul3A_1734 : i32
        %add3A_1736 = arith.addi %mul3A_1733, %mul3A_1735 : i32
        %mul3A_1737 = arith.constant 8 : i32
        %mul3A_1738 = arith.muli %select_n3A_1715, %mul3A_1737 : i32
        %add3A_1739 = vector.broadcast %mul3A_1738 : i32 to vector<16xi32>
        %add3A_1740 = arith.addi %add3A_912, %add3A_1739 : vector<16xi32>
        %add3A_1741 = arith.constant 64 : i32
        %add3A_1742 = vector.broadcast %add3A_1741 : i32 to vector<16xi32>
        %add3A_1743 = arith.addi %add3A_1740, %add3A_1742 : vector<16xi32>
        %add3A_1744 = arith.constant 0 : i32
        %add3A_1745 = arith.addi %add3A_1736, %add3A_1744 : i32
        %get3A = arith.index_cast %add3A_1745 : i32 to index
        %get3A_1746 = arith.constant 0 : index
        %get3A_1747 = tpu.vector_load %arg7[%get3A, %get3A_1746] {strides = array<i32>} : memref<512x32xf32, #tpu.memory_space<vmem>>, vector<16xf32>,
        %add3A_1748 = arith.constant 0 : i32
        %add3A_1749 = arith.addi %add3A_1736, %add3A_1748 : i32
        %get3A_1750 = arith.index_cast %add3A_1749 : i32 to index
        %get3A_1751 = arith.constant 16 : index
        %get3A_1752 = tpu.vector_load %arg7[%get3A_1750, %get3A_1751] {strides = array<i32>} : memref<512x32xf32, #tpu.memory_space<vmem>>, vector<16xf32>,
        %mul3A_1753 = arith.constant 0 : i32
        %mul3A_1754 = vector.broadcast %mul3A_1753 : i32 to vector<16xi32>
        %mul3A_1755 = arith.muli %iota3A, %mul3A_1754 : vector<16xi32>
        %mul3A_1756 = arith.constant 8 : i32
        %mul3A_1757 = arith.muli %select_n3A_1731, %mul3A_1756 : i32
        %add3A_1758 = arith.constant 0 : i32
        %add3A_1759 = arith.addi %mul3A_1757, %add3A_1758 : i32
        %add3A_1760 = vector.broadcast %add3A_1759 : i32 to vector<16xi32>
        %add3A_1761 = arith.addi %mul3A_1755, %add3A_1760 : vector<16xi32>
        tpu.vector_store_idx %arg9[%add3A_1740, %add3A_1761], %get3A_1747 : memref<128x129xf32, #tpu.memory_space<vmem>>[vector<16xi32>, vector<16xi32>], vector<16xf32>,
        tpu.vector_store_idx %arg9[%add3A_1743, %add3A_1761], %get3A_1752 : memref<128x129xf32, #tpu.memory_space<vmem>>[vector<16xi32>, vector<16xi32>], vector<16xf32>,
        %add3A_1762 = arith.constant 1 : i32
        %add3A_1763 = arith.addi %add3A_1736, %add3A_1762 : i32
        %get3A_1764 = arith.index_cast %add3A_1763 : i32 to index
        %get3A_1765 = arith.constant 0 : index
        %get3A_1766 = tpu.vector_load %arg7[%get3A_1764, %get3A_1765] {strides = array<i32>} : memref<512x32xf32, #tpu.memory_space<vmem>>, vector<16xf32>,
        %add3A_1767 = arith.constant 1 : i32
        %add3A_1768 = arith.addi %add3A_1736, %add3A_1767 : i32
        %get3A_1769 = arith.index_cast %add3A_1768 : i32 to index
        %get3A_1770 = arith.constant 16 : index
        %get3A_1771 = tpu.vector_load %arg7[%get3A_1769, %get3A_1770] {strides = array<i32>} : memref<512x32xf32, #tpu.memory_space<vmem>>, vector<16xf32>,
        %mul3A_1772 = arith.constant 0 : i32
        %mul3A_1773 = vector.broadcast %mul3A_1772 : i32 to vector<16xi32>
        %mul3A_1774 = arith.muli %iota3A, %mul3A_1773 : vector<16xi32>
        %mul3A_1775 = arith.constant 8 : i32
        %mul3A_1776 = arith.muli %select_n3A_1731, %mul3A_1775 : i32
        %add3A_1777 = arith.constant 1 : i32
        %add3A_1778 = arith.addi %mul3A_1776, %add3A_1777 : i32
        %add3A_1779 = vector.broadcast %add3A_1778 : i32 to vector<16xi32>
        %add3A_1780 = arith.addi %mul3A_1774, %add3A_1779 : vector<16xi32>
        tpu.vector_store_idx %arg9[%add3A_1740, %add3A_1780], %get3A_1766 : memref<128x129xf32, #tpu.memory_space<vmem>>[vector<16xi32>, vector<16xi32>], vector<16xf32>,
        tpu.vector_store_idx %arg9[%add3A_1743, %add3A_1780], %get3A_1771 : memref<128x129xf32, #tpu.memory_space<vmem>>[vector<16xi32>, vector<16xi32>], vector<16xf32>,
        %add3A_1781 = arith.constant 2 : i32
        %add3A_1782 = arith.addi %add3A_1736, %add3A_1781 : i32
        %get3A_1783 = arith.index_cast %add3A_1782 : i32 to index
        %get3A_1784 = arith.constant 0 : index
        %get3A_1785 = tpu.vector_load %arg7[%get3A_1783, %get3A_1784] {strides = array<i32>} : memref<512x32xf32, #tpu.memory_space<vmem>>, vector<16xf32>,
        %add3A_1786 = arith.constant 2 : i32
        %add3A_1787 = arith.addi %add3A_1736, %add3A_1786 : i32
        %get3A_1788 = arith.index_cast %add3A_1787 : i32 to index
        %get3A_1789 = arith.constant 16 : index
        %get3A_1790 = tpu.vector_load %arg7[%get3A_1788, %get3A_1789] {strides = array<i32>} : memref<512x32xf32, #tpu.memory_space<vmem>>, vector<16xf32>,
        %mul3A_1791 = arith.constant 0 : i32
        %mul3A_1792 = vector.broadcast %mul3A_1791 : i32 to vector<16xi32>
        %mul3A_1793 = arith.muli %iota3A, %mul3A_1792 : vector<16xi32>
        %mul3A_1794 = arith.constant 8 : i32
        %mul3A_1795 = arith.muli %select_n3A_1731, %mul3A_1794 : i32
        %add3A_1796 = arith.constant 2 : i32
        %add3A_1797 = arith.addi %mul3A_1795, %add3A_1796 : i32
        %add3A_1798 = vector.broadcast %add3A_1797 : i32 to vector<16xi32>
        %add3A_1799 = arith.addi %mul3A_1793, %add3A_1798 : vector<16xi32>
        tpu.vector_store_idx %arg9[%add3A_1740, %add3A_1799], %get3A_1785 : memref<128x129xf32, #tpu.memory_space<vmem>>[vector<16xi32>, vector<16xi32>], vector<16xf32>,
        tpu.vector_store_idx %arg9[%add3A_1743, %add3A_1799], %get3A_1790 : memref<128x129xf32, #tpu.memory_space<vmem>>[vector<16xi32>, vector<16xi32>], vector<16xf32>,
        %add3A_1800 = arith.constant 3 : i32
        %add3A_1801 = arith.addi %add3A_1736, %add3A_1800 : i32
        %get3A_1802 = arith.index_cast %add3A_1801 : i32 to index
        %get3A_1803 = arith.constant 0 : index
        %get3A_1804 = tpu.vector_load %arg7[%get3A_1802, %get3A_1803] {strides = array<i32>} : memref<512x32xf32, #tpu.memory_space<vmem>>, vector<16xf32>,
        %add3A_1805 = arith.constant 3 : i32
        %add3A_1806 = arith.addi %add3A_1736, %add3A_1805 : i32
        %get3A_1807 = arith.index_cast %add3A_1806 : i32 to index
        %get3A_1808 = arith.constant 16 : index
        %get3A_1809 = tpu.vector_load %arg7[%get3A_1807, %get3A_1808] {strides = array<i32>} : memref<512x32xf32, #tpu.memory_space<vmem>>, vector<16xf32>,
        %mul3A_1810 = arith.constant 0 : i32
        %mul3A_1811 = vector.broadcast %mul3A_1810 : i32 to vector<16xi32>
        %mul3A_1812 = arith.muli %iota3A, %mul3A_1811 : vector<16xi32>
        %mul3A_1813 = arith.constant 8 : i32
        %mul3A_1814 = arith.muli %select_n3A_1731, %mul3A_1813 : i32
        %add3A_1815 = arith.constant 3 : i32
        %add3A_1816 = arith.addi %mul3A_1814, %add3A_1815 : i32
        %add3A_1817 = vector.broadcast %add3A_1816 : i32 to vector<16xi32>
        %add3A_1818 = arith.addi %mul3A_1812, %add3A_1817 : vector<16xi32>
        tpu.vector_store_idx %arg9[%add3A_1740, %add3A_1818], %get3A_1804 : memref<128x129xf32, #tpu.memory_space<vmem>>[vector<16xi32>, vector<16xi32>], vector<16xf32>,
        tpu.vector_store_idx %arg9[%add3A_1743, %add3A_1818], %get3A_1809 : memref<128x129xf32, #tpu.memory_space<vmem>>[vector<16xi32>, vector<16xi32>], vector<16xf32>,
        %add3A_1819 = arith.constant 4 : i32
        %add3A_1820 = arith.addi %add3A_1736, %add3A_1819 : i32
        %get3A_1821 = arith.index_cast %add3A_1820 : i32 to index
        %get3A_1822 = arith.constant 0 : index
        %get3A_1823 = tpu.vector_load %arg7[%get3A_1821, %get3A_1822] {strides = array<i32>} : memref<512x32xf32, #tpu.memory_space<vmem>>, vector<16xf32>,
        %add3A_1824 = arith.constant 4 : i32
        %add3A_1825 = arith.addi %add3A_1736, %add3A_1824 : i32
        %get3A_1826 = arith.index_cast %add3A_1825 : i32 to index
        %get3A_1827 = arith.constant 16 : index
        %get3A_1828 = tpu.vector_load %arg7[%get3A_1826, %get3A_1827] {strides = array<i32>} : memref<512x32xf32, #tpu.memory_space<vmem>>, vector<16xf32>,
        %mul3A_1829 = arith.constant 0 : i32
        %mul3A_1830 = vector.broadcast %mul3A_1829 : i32 to vector<16xi32>
        %mul3A_1831 = arith.muli %iota3A, %mul3A_1830 : vector<16xi32>
        %mul3A_1832 = arith.constant 8 : i32
        %mul3A_1833 = arith.muli %select_n3A_1731, %mul3A_1832 : i32
        %add3A_1834 = arith.constant 4 : i32
        %add3A_1835 = arith.addi %mul3A_1833, %add3A_1834 : i32
        %add3A_1836 = vector.broadcast %add3A_1835 : i32 to vector<16xi32>
        %add3A_1837 = arith.addi %mul3A_1831, %add3A_1836 : vector<16xi32>
        tpu.vector_store_idx %arg9[%add3A_1740, %add3A_1837], %get3A_1823 : memref<128x129xf32, #tpu.memory_space<vmem>>[vector<16xi32>, vector<16xi32>], vector<16xf32>,
        tpu.vector_store_idx %arg9[%add3A_1743, %add3A_1837], %get3A_1828 : memref<128x129xf32, #tpu.memory_space<vmem>>[vector<16xi32>, vector<16xi32>], vector<16xf32>,
        %add3A_1838 = arith.constant 5 : i32
        %add3A_1839 = arith.addi %add3A_1736, %add3A_1838 : i32
        %get3A_1840 = arith.index_cast %add3A_1839 : i32 to index
        %get3A_1841 = arith.constant 0 : index
        %get3A_1842 = tpu.vector_load %arg7[%get3A_1840, %get3A_1841] {strides = array<i32>} : memref<512x32xf32, #tpu.memory_space<vmem>>, vector<16xf32>,
        %add3A_1843 = arith.constant 5 : i32
        %add3A_1844 = arith.addi %add3A_1736, %add3A_1843 : i32
        %get3A_1845 = arith.index_cast %add3A_1844 : i32 to index
        %get3A_1846 = arith.constant 16 : index
        %get3A_1847 = tpu.vector_load %arg7[%get3A_1845, %get3A_1846] {strides = array<i32>} : memref<512x32xf32, #tpu.memory_space<vmem>>, vector<16xf32>,
        %mul3A_1848 = arith.constant 0 : i32
        %mul3A_1849 = vector.broadcast %mul3A_1848 : i32 to vector<16xi32>
        %mul3A_1850 = arith.muli %iota3A, %mul3A_1849 : vector<16xi32>
        %mul3A_1851 = arith.constant 8 : i32
        %mul3A_1852 = arith.muli %select_n3A_1731, %mul3A_1851 : i32
        %add3A_1853 = arith.constant 5 : i32
        %add3A_1854 = arith.addi %mul3A_1852, %add3A_1853 : i32
        %add3A_1855 = vector.broadcast %add3A_1854 : i32 to vector<16xi32>
        %add3A_1856 = arith.addi %mul3A_1850, %add3A_1855 : vector<16xi32>
        tpu.vector_store_idx %arg9[%add3A_1740, %add3A_1856], %get3A_1842 : memref<128x129xf32, #tpu.memory_space<vmem>>[vector<16xi32>, vector<16xi32>], vector<16xf32>,
        tpu.vector_store_idx %arg9[%add3A_1743, %add3A_1856], %get3A_1847 : memref<128x129xf32, #tpu.memory_space<vmem>>[vector<16xi32>, vector<16xi32>], vector<16xf32>,
        %add3A_1857 = arith.constant 6 : i32
        %add3A_1858 = arith.addi %add3A_1736, %add3A_1857 : i32
        %get3A_1859 = arith.index_cast %add3A_1858 : i32 to index
        %get3A_1860 = arith.constant 0 : index
        %get3A_1861 = tpu.vector_load %arg7[%get3A_1859, %get3A_1860] {strides = array<i32>} : memref<512x32xf32, #tpu.memory_space<vmem>>, vector<16xf32>,
        %add3A_1862 = arith.constant 6 : i32
        %add3A_1863 = arith.addi %add3A_1736, %add3A_1862 : i32
        %get3A_1864 = arith.index_cast %add3A_1863 : i32 to index
        %get3A_1865 = arith.constant 16 : index
        %get3A_1866 = tpu.vector_load %arg7[%get3A_1864, %get3A_1865] {strides = array<i32>} : memref<512x32xf32, #tpu.memory_space<vmem>>, vector<16xf32>,
        %mul3A_1867 = arith.constant 0 : i32
        %mul3A_1868 = vector.broadcast %mul3A_1867 : i32 to vector<16xi32>
        %mul3A_1869 = arith.muli %iota3A, %mul3A_1868 : vector<16xi32>
        %mul3A_1870 = arith.constant 8 : i32
        %mul3A_1871 = arith.muli %select_n3A_1731, %mul3A_1870 : i32
        %add3A_1872 = arith.constant 6 : i32
        %add3A_1873 = arith.addi %mul3A_1871, %add3A_1872 : i32
        %add3A_1874 = vector.broadcast %add3A_1873 : i32 to vector<16xi32>
        %add3A_1875 = arith.addi %mul3A_1869, %add3A_1874 : vector<16xi32>
        tpu.vector_store_idx %arg9[%add3A_1740, %add3A_1875], %get3A_1861 : memref<128x129xf32, #tpu.memory_space<vmem>>[vector<16xi32>, vector<16xi32>], vector<16xf32>,
        tpu.vector_store_idx %arg9[%add3A_1743, %add3A_1875], %get3A_1866 : memref<128x129xf32, #tpu.memory_space<vmem>>[vector<16xi32>, vector<16xi32>], vector<16xf32>,
        %add3A_1876 = arith.constant 7 : i32
        %add3A_1877 = arith.addi %add3A_1736, %add3A_1876 : i32
        %get3A_1878 = arith.index_cast %add3A_1877 : i32 to index
        %get3A_1879 = arith.constant 0 : index
        %get3A_1880 = tpu.vector_load %arg7[%get3A_1878, %get3A_1879] {strides = array<i32>} : memref<512x32xf32, #tpu.memory_space<vmem>>, vector<16xf32>,
        %add3A_1881 = arith.constant 7 : i32
        %add3A_1882 = arith.addi %add3A_1736, %add3A_1881 : i32
        %get3A_1883 = arith.index_cast %add3A_1882 : i32 to index
        %get3A_1884 = arith.constant 16 : index
        %get3A_1885 = tpu.vector_load %arg7[%get3A_1883, %get3A_1884] {strides = array<i32>} : memref<512x32xf32, #tpu.memory_space<vmem>>, vector<16xf32>,
        %mul3A_1886 = arith.constant 0 : i32
        %mul3A_1887 = vector.broadcast %mul3A_1886 : i32 to vector<16xi32>
        %mul3A_1888 = arith.muli %iota3A, %mul3A_1887 : vector<16xi32>
        %mul3A_1889 = arith.constant 8 : i32
        %mul3A_1890 = arith.muli %select_n3A_1731, %mul3A_1889 : i32
        %add3A_1891 = arith.constant 7 : i32
        %add3A_1892 = arith.addi %mul3A_1890, %add3A_1891 : i32
        %add3A_1893 = vector.broadcast %add3A_1892 : i32 to vector<16xi32>
        %add3A_1894 = arith.addi %mul3A_1888, %add3A_1893 : vector<16xi32>
        tpu.vector_store_idx %arg9[%add3A_1740, %add3A_1894], %get3A_1880 : memref<128x129xf32, #tpu.memory_space<vmem>>[vector<16xi32>, vector<16xi32>], vector<16xf32>,
        tpu.vector_store_idx %arg9[%add3A_1743, %add3A_1894], %get3A_1885 : memref<128x129xf32, #tpu.memory_space<vmem>>[vector<16xi32>, vector<16xi32>], vector<16xf32>,
      }
      %scan3A_917 = arith.constant 64 : i32
      %mul3A_918 = arith.constant 50 : i32
      %mul3A_919 = arith.muli %add3A, %mul3A_918 : i32
      %add3A_920 = arith.addi %mul3A_919, %add3A_836 : i32
      %jit3A_921 = arith.constant 8 : i32
      %div3A_922 = arith.divsi %add3A_920, %jit3A_921 : i32
      %sign3A_923 = arith.constant 0 : i32
      %sign3A_924 = arith.cmpi sgt, %add3A_920, %sign3A_923 : i32
      %sign3A_925 = arith.extui %sign3A_924 : i1 to i32
      %sign3A_926 = arith.constant 0 : i32
      %sign3A_927 = arith.cmpi slt, %add3A_920, %sign3A_926 : i32
      %sign3A_928 = arith.extui %sign3A_927 : i1 to i32
      %sign3A_929 = arith.subi %sign3A_925, %sign3A_928 : i32
      %sign3A_930 = arith.constant 0 : i32
      %sign3A_931 = arith.cmpi sgt, %jit3A_921, %sign3A_930 : i32
      %sign3A_932 = arith.extui %sign3A_931 : i1 to i32
      %sign3A_933 = arith.constant 0 : i32
      %sign3A_934 = arith.cmpi slt, %jit3A_921, %sign3A_933 : i32
      %sign3A_935 = arith.extui %sign3A_934 : i1 to i32
      %sign3A_936 = arith.subi %sign3A_932, %sign3A_935 : i32
      %ne3A_937 = arith.cmpi ne, %sign3A_929, %sign3A_936 : i32
      %rem3A_938 = arith.remsi %add3A_920, %jit3A_921 : i32
      %ne3A_939 = arith.constant 0 : i32
      %ne3A_940 = arith.cmpi ne, %rem3A_938, %ne3A_939 : i32
      %and3A_941 = arith.andi %ne3A_937, %ne3A_940 : i1
      %sub3A_942 = arith.constant 1 : i32
      %sub3A_943 = arith.subi %div3A_922, %sub3A_942 : i32
      %select_n3A_944 = arith.select %and3A_941, %sub3A_943, %div3A_922 : i32
      %jit3A_945 = arith.constant 8 : i32
      %eq3A_946 = arith.constant 0 : i32
      %eq3A_947 = arith.cmpi eq, %jit3A_945, %eq3A_946 : i32
      %jit3A_948 = arith.constant 1 : i32
      %select_n3A_949 = arith.select %eq3A_947, %jit3A_948, %jit3A_945 : i32
      %rem3A_950 = arith.remsi %add3A_920, %select_n3A_949 : i32
      %ne3A_951 = arith.constant 0 : i32
      %ne3A_952 = arith.cmpi ne, %rem3A_950, %ne3A_951 : i32
      %lt3A_953 = arith.constant 0 : i32
      %lt3A_954 = arith.cmpi slt, %rem3A_950, %lt3A_953 : i32
      %lt3A_955 = arith.constant 0 : i32
      %lt3A_956 = arith.cmpi slt, %select_n3A_949, %lt3A_955 : i32
      %ne3A_957 = arith.xori %lt3A_954, %lt3A_956 : i1
      %and3A_958 = arith.andi %ne3A_957, %ne3A_952 : i1
      %add3A_959 = arith.addi %rem3A_950, %select_n3A_949 : i32
      %select_n3A_960 = arith.select %and3A_958, %add3A_959, %rem3A_950 : i32
      %mul3A_961 = arith.constant 512 : i32
      %mul3A_962 = arith.muli %select_n3A_960, %mul3A_961 : i32
      %jit3A_963 = arith.constant 128 : i32
      %div3A_964 = arith.divsi %mul3A_962, %jit3A_963 : i32
      %sign3A_965 = arith.constant 0 : i32
      %sign3A_966 = arith.cmpi sgt, %mul3A_962, %sign3A_965 : i32
      %sign3A_967 = arith.extui %sign3A_966 : i1 to i32
      %sign3A_968 = arith.constant 0 : i32
      %sign3A_969 = arith.cmpi slt, %mul3A_962, %sign3A_968 : i32
      %sign3A_970 = arith.extui %sign3A_969 : i1 to i32
      %sign3A_971 = arith.subi %sign3A_967, %sign3A_970 : i32
      %sign3A_972 = arith.constant 0 : i32
      %sign3A_973 = arith.cmpi sgt, %jit3A_963, %sign3A_972 : i32
      %sign3A_974 = arith.extui %sign3A_973 : i1 to i32
      %sign3A_975 = arith.constant 0 : i32
      %sign3A_976 = arith.cmpi slt, %jit3A_963, %sign3A_975 : i32
      %sign3A_977 = arith.extui %sign3A_976 : i1 to i32
      %sign3A_978 = arith.subi %sign3A_974, %sign3A_977 : i32
      %ne3A_979 = arith.cmpi ne, %sign3A_971, %sign3A_978 : i32
      %rem3A_980 = arith.remsi %mul3A_962, %jit3A_963 : i32
      %ne3A_981 = arith.constant 0 : i32
      %ne3A_982 = arith.cmpi ne, %rem3A_980, %ne3A_981 : i32
      %and3A_983 = arith.andi %ne3A_979, %ne3A_982 : i1
      %sub3A_984 = arith.constant 1 : i32
      %sub3A_985 = arith.subi %div3A_964, %sub3A_984 : i32
      %select_n3A_986 = arith.select %and3A_983, %sub3A_985, %div3A_964 : i32
      %add3A_987 = arith.constant 0 : i32
      %add3A_988 = arith.addi %select_n3A_986, %add3A_987 : i32
      %add3A_989 = arith.constant 1 : i32
      %add3A_990 = arith.addi %select_n3A_986, %add3A_989 : i32
      %add3A_991 = arith.constant 2 : i32
      %add3A_992 = arith.addi %select_n3A_986, %add3A_991 : i32
      %add3A_993 = arith.constant 3 : i32
      %add3A_994 = arith.addi %select_n3A_986, %add3A_993 : i32
      %add3A_995 = arith.constant 0 : i32
      %add3A_996 = arith.addi %select_n3A_986, %add3A_995 : i32
      %add3A_997 = arith.constant 1 : i32
      %add3A_998 = arith.addi %select_n3A_986, %add3A_997 : i32
      %add3A_999 = arith.constant 2 : i32
      %add3A_1000 = arith.addi %select_n3A_986, %add3A_999 : i32
      %add3A_1001 = arith.constant 3 : i32
      %add3A_1002 = arith.addi %select_n3A_986, %add3A_1001 : i32
      %add3A_1003 = arith.constant 0 : i32
      %add3A_1004 = arith.addi %select_n3A_986, %add3A_1003 : i32
      %add3A_1005 = arith.constant 1 : i32
      %add3A_1006 = arith.addi %select_n3A_986, %add3A_1005 : i32
      %add3A_1007 = arith.constant 2 : i32
      %add3A_1008 = arith.addi %select_n3A_986, %add3A_1007 : i32
      %add3A_1009 = arith.constant 3 : i32
      %add3A_1010 = arith.addi %select_n3A_986, %add3A_1009 : i32
      %add3A_1011 = arith.constant 0 : i32
      %add3A_1012 = arith.addi %select_n3A_986, %add3A_1011 : i32
      %add3A_1013 = arith.constant 1 : i32
      %add3A_1014 = arith.addi %select_n3A_986, %add3A_1013 : i32
      %add3A_1015 = arith.constant 2 : i32
      %add3A_1016 = arith.addi %select_n3A_986, %add3A_1015 : i32
      %add3A_1017 = arith.constant 3 : i32
      %add3A_1018 = arith.addi %select_n3A_986, %add3A_1017 : i32
      %dma_start3A_1019 = arith.constant 0 : i32
      %dma_start3A_1020 = arith.constant 0 : i32
      %dma_start3A_1021 = arith.constant 0 : i32
      %dma_start3A_1022 = tpu.memref_slice %arg9[%dma_start3A_1020, %dma_start3A_1021] : memref<128x129xf32, #tpu.memory_space<vmem>> -> memref<8x128xf32, #tpu.memory_space<vmem>>
      %dma_start3A_1023 = arith.constant 0 : i32
      %dma_start3A_1024 = arith.constant 0 : i32
      %dma_start3A_1025 = tpu.memref_slice %arg4[%select_n3A_944, %dma_start3A_1019, %add3A_988, %dma_start3A_1023, %dma_start3A_1024] : memref<200x4x32x8x128xf32, #tpu.memory_space<hbm>> -> memref<1x1x1x8x128xf32, #tpu.memory_space<hbm>>
      %dma_start3A_1026 = tpu.memref_squeeze %dma_start3A_1025 : memref<1x1x1x8x128xf32, #tpu.memory_space<hbm>> -> memref<8x128xf32, #tpu.memory_space<hbm>>
      %dma_start3A_1027 = arith.constant 0 : i32
      %dma_start3A_1028 = arith.constant 0 : i32
      %dma_start3A_1029 = tpu.memref_slice %arg4[%select_n3A_944, %dma_start3A_1019, %add3A_988, %dma_start3A_1027, %dma_start3A_1028] : memref<200x4x32x8x128xf32, #tpu.memory_space<hbm>> -> memref<1x1x1x8x128xf32, #tpu.memory_space<hbm>>
      %dma_start3A_1030 = tpu.memref_squeeze %dma_start3A_1029 : memref<1x1x1x8x128xf32, #tpu.memory_space<hbm>> -> memref<8x128xf32, #tpu.memory_space<hbm>>
      %dma_start3A_1031 = arith.constant 0 : i32
      %dma_start3A_1032 = arith.constant 0 : i32
      %dma_start3A_1033 = tpu.memref_slice %arg9[%dma_start3A_1031, %dma_start3A_1032] : memref<128x129xf32, #tpu.memory_space<vmem>> -> memref<8x128xf32, #tpu.memory_space<vmem>>
      tpu.enqueue_dma source(%dma_start3A_1033 : memref<8x128xf32, #tpu.memory_space<vmem>>) target(%dma_start3A_1030 : memref<8x128xf32, #tpu.memory_space<hbm>>) target_semaphore(%arg15 : memref<!tpu.dma_semaphore, #tpu.memory_space<semaphore_mem>>)
      %dma_start3A_1034 = arith.constant 0 : i32
      %dma_start3A_1035 = arith.constant 8 : i32
      %dma_start3A_1036 = arith.constant 0 : i32
      %dma_start3A_1037 = tpu.memref_slice %arg9[%dma_start3A_1035, %dma_start3A_1036] : memref<128x129xf32, #tpu.memory_space<vmem>> -> memref<8x128xf32, #tpu.memory_space<vmem>>
      %dma_start3A_1038 = arith.constant 0 : i32
      %dma_start3A_1039 = arith.constant 0 : i32
      %dma_start3A_1040 = tpu.memref_slice %arg4[%select_n3A_944, %dma_start3A_1034, %add3A_990, %dma_start3A_1038, %dma_start3A_1039] : memref<200x4x32x8x128xf32, #tpu.memory_space<hbm>> -> memref<1x1x1x8x128xf32, #tpu.memory_space<hbm>>
      %dma_start3A_1041 = tpu.memref_squeeze %dma_start3A_1040 : memref<1x1x1x8x128xf32, #tpu.memory_space<hbm>> -> memref<8x128xf32, #tpu.memory_space<hbm>>
      %dma_start3A_1042 = arith.constant 0 : i32
      %dma_start3A_1043 = arith.constant 0 : i32
      %dma_start3A_1044 = tpu.memref_slice %arg4[%select_n3A_944, %dma_start3A_1034, %add3A_990, %dma_start3A_1042, %dma_start3A_1043] : memref<200x4x32x8x128xf32, #tpu.memory_space<hbm>> -> memref<1x1x1x8x128xf32, #tpu.memory_space<hbm>>
      %dma_start3A_1045 = tpu.memref_squeeze %dma_start3A_1044 : memref<1x1x1x8x128xf32, #tpu.memory_space<hbm>> -> memref<8x128xf32, #tpu.memory_space<hbm>>
      %dma_start3A_1046 = arith.constant 8 : i32
      %dma_start3A_1047 = arith.constant 0 : i32
      %dma_start3A_1048 = tpu.memref_slice %arg9[%dma_start3A_1046, %dma_start3A_1047] : memref<128x129xf32, #tpu.memory_space<vmem>> -> memref<8x128xf32, #tpu.memory_space<vmem>>
      tpu.enqueue_dma source(%dma_start3A_1048 : memref<8x128xf32, #tpu.memory_space<vmem>>) target(%dma_start3A_1045 : memref<8x128xf32, #tpu.memory_space<hbm>>) target_semaphore(%arg15 : memref<!tpu.dma_semaphore, #tpu.memory_space<semaphore_mem>>)
      %dma_start3A_1049 = arith.constant 0 : i32
      %dma_start3A_1050 = arith.constant 16 : i32
      %dma_start3A_1051 = arith.constant 0 : i32
      %dma_start3A_1052 = tpu.memref_slice %arg9[%dma_start3A_1050, %dma_start3A_1051] : memref<128x129xf32, #tpu.memory_space<vmem>> -> memref<8x128xf32, #tpu.memory_space<vmem>>
      %dma_start3A_1053 = arith.constant 0 : i32
      %dma_start3A_1054 = arith.constant 0 : i32
      %dma_start3A_1055 = tpu.memref_slice %arg4[%select_n3A_944, %dma_start3A_1049, %add3A_992, %dma_start3A_1053, %dma_start3A_1054] : memref<200x4x32x8x128xf32, #tpu.memory_space<hbm>> -> memref<1x1x1x8x128xf32, #tpu.memory_space<hbm>>
      %dma_start3A_1056 = tpu.memref_squeeze %dma_start3A_1055 : memref<1x1x1x8x128xf32, #tpu.memory_space<hbm>> -> memref<8x128xf32, #tpu.memory_space<hbm>>
      %dma_start3A_1057 = arith.constant 0 : i32
      %dma_start3A_1058 = arith.constant 0 : i32
      %dma_start3A_1059 = tpu.memref_slice %arg4[%select_n3A_944, %dma_start3A_1049, %add3A_992, %dma_start3A_1057, %dma_start3A_1058] : memref<200x4x32x8x128xf32, #tpu.memory_space<hbm>> -> memref<1x1x1x8x128xf32, #tpu.memory_space<hbm>>
      %dma_start3A_1060 = tpu.memref_squeeze %dma_start3A_1059 : memref<1x1x1x8x128xf32, #tpu.memory_space<hbm>> -> memref<8x128xf32, #tpu.memory_space<hbm>>
      %dma_start3A_1061 = arith.constant 16 : i32
      %dma_start3A_1062 = arith.constant 0 : i32
      %dma_start3A_1063 = tpu.memref_slice %arg9[%dma_start3A_1061, %dma_start3A_1062] : memref<128x129xf32, #tpu.memory_space<vmem>> -> memref<8x128xf32, #tpu.memory_space<vmem>>
      tpu.enqueue_dma source(%dma_start3A_1063 : memref<8x128xf32, #tpu.memory_space<vmem>>) target(%dma_start3A_1060 : memref<8x128xf32, #tpu.memory_space<hbm>>) target_semaphore(%arg15 : memref<!tpu.dma_semaphore, #tpu.memory_space<semaphore_mem>>)
      %dma_start3A_1064 = arith.constant 0 : i32
      %dma_start3A_1065 = arith.constant 24 : i32
      %dma_start3A_1066 = arith.constant 0 : i32
      %dma_start3A_1067 = tpu.memref_slice %arg9[%dma_start3A_1065, %dma_start3A_1066] : memref<128x129xf32, #tpu.memory_space<vmem>> -> memref<8x128xf32, #tpu.memory_space<vmem>>
      %dma_start3A_1068 = arith.constant 0 : i32
      %dma_start3A_1069 = arith.constant 0 : i32
      %dma_start3A_1070 = tpu.memref_slice %arg4[%select_n3A_944, %dma_start3A_1064, %add3A_994, %dma_start3A_1068, %dma_start3A_1069] : memref<200x4x32x8x128xf32, #tpu.memory_space<hbm>> -> memref<1x1x1x8x128xf32, #tpu.memory_space<hbm>>
      %dma_start3A_1071 = tpu.memref_squeeze %dma_start3A_1070 : memref<1x1x1x8x128xf32, #tpu.memory_space<hbm>> -> memref<8x128xf32, #tpu.memory_space<hbm>>
      %dma_start3A_1072 = arith.constant 0 : i32
      %dma_start3A_1073 = arith.constant 0 : i32
      %dma_start3A_1074 = tpu.memref_slice %arg4[%select_n3A_944, %dma_start3A_1064, %add3A_994, %dma_start3A_1072, %dma_start3A_1073] : memref<200x4x32x8x128xf32, #tpu.memory_space<hbm>> -> memref<1x1x1x8x128xf32, #tpu.memory_space<hbm>>
      %dma_start3A_1075 = tpu.memref_squeeze %dma_start3A_1074 : memref<1x1x1x8x128xf32, #tpu.memory_space<hbm>> -> memref<8x128xf32, #tpu.memory_space<hbm>>
      %dma_start3A_1076 = arith.constant 24 : i32
      %dma_start3A_1077 = arith.constant 0 : i32
      %dma_start3A_1078 = tpu.memref_slice %arg9[%dma_start3A_1076, %dma_start3A_1077] : memref<128x129xf32, #tpu.memory_space<vmem>> -> memref<8x128xf32, #tpu.memory_space<vmem>>
      tpu.enqueue_dma source(%dma_start3A_1078 : memref<8x128xf32, #tpu.memory_space<vmem>>) target(%dma_start3A_1075 : memref<8x128xf32, #tpu.memory_space<hbm>>) target_semaphore(%arg15 : memref<!tpu.dma_semaphore, #tpu.memory_space<semaphore_mem>>)
      %dma_start3A_1079 = arith.constant 1 : i32
      %dma_start3A_1080 = arith.constant 32 : i32
      %dma_start3A_1081 = arith.constant 0 : i32
      %dma_start3A_1082 = tpu.memref_slice %arg9[%dma_start3A_1080, %dma_start3A_1081] : memref<128x129xf32, #tpu.memory_space<vmem>> -> memref<8x128xf32, #tpu.memory_space<vmem>>
      %dma_start3A_1083 = arith.constant 0 : i32
      %dma_start3A_1084 = arith.constant 0 : i32
      %dma_start3A_1085 = tpu.memref_slice %arg4[%select_n3A_944, %dma_start3A_1079, %add3A_996, %dma_start3A_1083, %dma_start3A_1084] : memref<200x4x32x8x128xf32, #tpu.memory_space<hbm>> -> memref<1x1x1x8x128xf32, #tpu.memory_space<hbm>>
      %dma_start3A_1086 = tpu.memref_squeeze %dma_start3A_1085 : memref<1x1x1x8x128xf32, #tpu.memory_space<hbm>> -> memref<8x128xf32, #tpu.memory_space<hbm>>
      %dma_start3A_1087 = arith.constant 0 : i32
      %dma_start3A_1088 = arith.constant 0 : i32
      %dma_start3A_1089 = tpu.memref_slice %arg4[%select_n3A_944, %dma_start3A_1079, %add3A_996, %dma_start3A_1087, %dma_start3A_1088] : memref<200x4x32x8x128xf32, #tpu.memory_space<hbm>> -> memref<1x1x1x8x128xf32, #tpu.memory_space<hbm>>
      %dma_start3A_1090 = tpu.memref_squeeze %dma_start3A_1089 : memref<1x1x1x8x128xf32, #tpu.memory_space<hbm>> -> memref<8x128xf32, #tpu.memory_space<hbm>>
      %dma_start3A_1091 = arith.constant 32 : i32
      %dma_start3A_1092 = arith.constant 0 : i32
      %dma_start3A_1093 = tpu.memref_slice %arg9[%dma_start3A_1091, %dma_start3A_1092] : memref<128x129xf32, #tpu.memory_space<vmem>> -> memref<8x128xf32, #tpu.memory_space<vmem>>
      tpu.enqueue_dma source(%dma_start3A_1093 : memref<8x128xf32, #tpu.memory_space<vmem>>) target(%dma_start3A_1090 : memref<8x128xf32, #tpu.memory_space<hbm>>) target_semaphore(%arg15 : memref<!tpu.dma_semaphore, #tpu.memory_space<semaphore_mem>>)
      %dma_start3A_1094 = arith.constant 1 : i32
      %dma_start3A_1095 = arith.constant 40 : i32
      %dma_start3A_1096 = arith.constant 0 : i32
      %dma_start3A_1097 = tpu.memref_slice %arg9[%dma_start3A_1095, %dma_start3A_1096] : memref<128x129xf32, #tpu.memory_space<vmem>> -> memref<8x128xf32, #tpu.memory_space<vmem>>
      %dma_start3A_1098 = arith.constant 0 : i32
      %dma_start3A_1099 = arith.constant 0 : i32
      %dma_start3A_1100 = tpu.memref_slice %arg4[%select_n3A_944, %dma_start3A_1094, %add3A_998, %dma_start3A_1098, %dma_start3A_1099] : memref<200x4x32x8x128xf32, #tpu.memory_space<hbm>> -> memref<1x1x1x8x128xf32, #tpu.memory_space<hbm>>
      %dma_start3A_1101 = tpu.memref_squeeze %dma_start3A_1100 : memref<1x1x1x8x128xf32, #tpu.memory_space<hbm>> -> memref<8x128xf32, #tpu.memory_space<hbm>>
      %dma_start3A_1102 = arith.constant 0 : i32
      %dma_start3A_1103 = arith.constant 0 : i32
      %dma_start3A_1104 = tpu.memref_slice %arg4[%select_n3A_944, %dma_start3A_1094, %add3A_998, %dma_start3A_1102, %dma_start3A_1103] : memref<200x4x32x8x128xf32, #tpu.memory_space<hbm>> -> memref<1x1x1x8x128xf32, #tpu.memory_space<hbm>>
      %dma_start3A_1105 = tpu.memref_squeeze %dma_start3A_1104 : memref<1x1x1x8x128xf32, #tpu.memory_space<hbm>> -> memref<8x128xf32, #tpu.memory_space<hbm>>
      %dma_start3A_1106 = arith.constant 40 : i32
      %dma_start3A_1107 = arith.constant 0 : i32
      %dma_start3A_1108 = tpu.memref_slice %arg9[%dma_start3A_1106, %dma_start3A_1107] : memref<128x129xf32, #tpu.memory_space<vmem>> -> memref<8x128xf32, #tpu.memory_space<vmem>>
      tpu.enqueue_dma source(%dma_start3A_1108 : memref<8x128xf32, #tpu.memory_space<vmem>>) target(%dma_start3A_1105 : memref<8x128xf32, #tpu.memory_space<hbm>>) target_semaphore(%arg15 : memref<!tpu.dma_semaphore, #tpu.memory_space<semaphore_mem>>)
      %dma_start3A_1109 = arith.constant 1 : i32
      %dma_start3A_1110 = arith.constant 48 : i32
      %dma_start3A_1111 = arith.constant 0 : i32
      %dma_start3A_1112 = tpu.memref_slice %arg9[%dma_start3A_1110, %dma_start3A_1111] : memref<128x129xf32, #tpu.memory_space<vmem>> -> memref<8x128xf32, #tpu.memory_space<vmem>>
      %dma_start3A_1113 = arith.constant 0 : i32
      %dma_start3A_1114 = arith.constant 0 : i32
      %dma_start3A_1115 = tpu.memref_slice %arg4[%select_n3A_944, %dma_start3A_1109, %add3A_1000, %dma_start3A_1113, %dma_start3A_1114] : memref<200x4x32x8x128xf32, #tpu.memory_space<hbm>> -> memref<1x1x1x8x128xf32, #tpu.memory_space<hbm>>
      %dma_start3A_1116 = tpu.memref_squeeze %dma_start3A_1115 : memref<1x1x1x8x128xf32, #tpu.memory_space<hbm>> -> memref<8x128xf32, #tpu.memory_space<hbm>>
      %dma_start3A_1117 = arith.constant 0 : i32
      %dma_start3A_1118 = arith.constant 0 : i32
      %dma_start3A_1119 = tpu.memref_slice %arg4[%select_n3A_944, %dma_start3A_1109, %add3A_1000, %dma_start3A_1117, %dma_start3A_1118] : memref<200x4x32x8x128xf32, #tpu.memory_space<hbm>> -> memref<1x1x1x8x128xf32, #tpu.memory_space<hbm>>
      %dma_start3A_1120 = tpu.memref_squeeze %dma_start3A_1119 : memref<1x1x1x8x128xf32, #tpu.memory_space<hbm>> -> memref<8x128xf32, #tpu.memory_space<hbm>>
      %dma_start3A_1121 = arith.constant 48 : i32
      %dma_start3A_1122 = arith.constant 0 : i32
      %dma_start3A_1123 = tpu.memref_slice %arg9[%dma_start3A_1121, %dma_start3A_1122] : memref<128x129xf32, #tpu.memory_space<vmem>> -> memref<8x128xf32, #tpu.memory_space<vmem>>
      tpu.enqueue_dma source(%dma_start3A_1123 : memref<8x128xf32, #tpu.memory_space<vmem>>) target(%dma_start3A_1120 : memref<8x128xf32, #tpu.memory_space<hbm>>) target_semaphore(%arg15 : memref<!tpu.dma_semaphore, #tpu.memory_space<semaphore_mem>>)
      %dma_start3A_1124 = arith.constant 1 : i32
      %dma_start3A_1125 = arith.constant 56 : i32
      %dma_start3A_1126 = arith.constant 0 : i32
      %dma_start3A_1127 = tpu.memref_slice %arg9[%dma_start3A_1125, %dma_start3A_1126] : memref<128x129xf32, #tpu.memory_space<vmem>> -> memref<8x128xf32, #tpu.memory_space<vmem>>
      %dma_start3A_1128 = arith.constant 0 : i32
      %dma_start3A_1129 = arith.constant 0 : i32
      %dma_start3A_1130 = tpu.memref_slice %arg4[%select_n3A_944, %dma_start3A_1124, %add3A_1002, %dma_start3A_1128, %dma_start3A_1129] : memref<200x4x32x8x128xf32, #tpu.memory_space<hbm>> -> memref<1x1x1x8x128xf32, #tpu.memory_space<hbm>>
      %dma_start3A_1131 = tpu.memref_squeeze %dma_start3A_1130 : memref<1x1x1x8x128xf32, #tpu.memory_space<hbm>> -> memref<8x128xf32, #tpu.memory_space<hbm>>
      %dma_start3A_1132 = arith.constant 0 : i32
      %dma_start3A_1133 = arith.constant 0 : i32
      %dma_start3A_1134 = tpu.memref_slice %arg4[%select_n3A_944, %dma_start3A_1124, %add3A_1002, %dma_start3A_1132, %dma_start3A_1133] : memref<200x4x32x8x128xf32, #tpu.memory_space<hbm>> -> memref<1x1x1x8x128xf32, #tpu.memory_space<hbm>>
      %dma_start3A_1135 = tpu.memref_squeeze %dma_start3A_1134 : memref<1x1x1x8x128xf32, #tpu.memory_space<hbm>> -> memref<8x128xf32, #tpu.memory_space<hbm>>
      %dma_start3A_1136 = arith.constant 56 : i32
      %dma_start3A_1137 = arith.constant 0 : i32
      %dma_start3A_1138 = tpu.memref_slice %arg9[%dma_start3A_1136, %dma_start3A_1137] : memref<128x129xf32, #tpu.memory_space<vmem>> -> memref<8x128xf32, #tpu.memory_space<vmem>>
      tpu.enqueue_dma source(%dma_start3A_1138 : memref<8x128xf32, #tpu.memory_space<vmem>>) target(%dma_start3A_1135 : memref<8x128xf32, #tpu.memory_space<hbm>>) target_semaphore(%arg15 : memref<!tpu.dma_semaphore, #tpu.memory_space<semaphore_mem>>)
      %dma_start3A_1139 = arith.constant 2 : i32
      %dma_start3A_1140 = arith.constant 64 : i32
      %dma_start3A_1141 = arith.constant 0 : i32
      %dma_start3A_1142 = tpu.memref_slice %arg9[%dma_start3A_1140, %dma_start3A_1141] : memref<128x129xf32, #tpu.memory_space<vmem>> -> memref<8x128xf32, #tpu.memory_space<vmem>>
      %dma_start3A_1143 = arith.constant 0 : i32
      %dma_start3A_1144 = arith.constant 0 : i32
      %dma_start3A_1145 = tpu.memref_slice %arg4[%select_n3A_944, %dma_start3A_1139, %add3A_1004, %dma_start3A_1143, %dma_start3A_1144] : memref<200x4x32x8x128xf32, #tpu.memory_space<hbm>> -> memref<1x1x1x8x128xf32, #tpu.memory_space<hbm>>
      %dma_start3A_1146 = tpu.memref_squeeze %dma_start3A_1145 : memref<1x1x1x8x128xf32, #tpu.memory_space<hbm>> -> memref<8x128xf32, #tpu.memory_space<hbm>>
      %dma_start3A_1147 = arith.constant 0 : i32
      %dma_start3A_1148 = arith.constant 0 : i32
      %dma_start3A_1149 = tpu.memref_slice %arg4[%select_n3A_944, %dma_start3A_1139, %add3A_1004, %dma_start3A_1147, %dma_start3A_1148] : memref<200x4x32x8x128xf32, #tpu.memory_space<hbm>> -> memref<1x1x1x8x128xf32, #tpu.memory_space<hbm>>
      %dma_start3A_1150 = tpu.memref_squeeze %dma_start3A_1149 : memref<1x1x1x8x128xf32, #tpu.memory_space<hbm>> -> memref<8x128xf32, #tpu.memory_space<hbm>>
      %dma_start3A_1151 = arith.constant 64 : i32
      %dma_start3A_1152 = arith.constant 0 : i32
      %dma_start3A_1153 = tpu.memref_slice %arg9[%dma_start3A_1151, %dma_start3A_1152] : memref<128x129xf32, #tpu.memory_space<vmem>> -> memref<8x128xf32, #tpu.memory_space<vmem>>
      tpu.enqueue_dma source(%dma_start3A_1153 : memref<8x128xf32, #tpu.memory_space<vmem>>) target(%dma_start3A_1150 : memref<8x128xf32, #tpu.memory_space<hbm>>) target_semaphore(%arg15 : memref<!tpu.dma_semaphore, #tpu.memory_space<semaphore_mem>>)
      %dma_start3A_1154 = arith.constant 2 : i32
      %dma_start3A_1155 = arith.constant 72 : i32
      %dma_start3A_1156 = arith.constant 0 : i32
      %dma_start3A_1157 = tpu.memref_slice %arg9[%dma_start3A_1155, %dma_start3A_1156] : memref<128x129xf32, #tpu.memory_space<vmem>> -> memref<8x128xf32, #tpu.memory_space<vmem>>
      %dma_start3A_1158 = arith.constant 0 : i32
      %dma_start3A_1159 = arith.constant 0 : i32
      %dma_start3A_1160 = tpu.memref_slice %arg4[%select_n3A_944, %dma_start3A_1154, %add3A_1006, %dma_start3A_1158, %dma_start3A_1159] : memref<200x4x32x8x128xf32, #tpu.memory_space<hbm>> -> memref<1x1x1x8x128xf32, #tpu.memory_space<hbm>>
      %dma_start3A_1161 = tpu.memref_squeeze %dma_start3A_1160 : memref<1x1x1x8x128xf32, #tpu.memory_space<hbm>> -> memref<8x128xf32, #tpu.memory_space<hbm>>
      %dma_start3A_1162 = arith.constant 0 : i32
      %dma_start3A_1163 = arith.constant 0 : i32
      %dma_start3A_1164 = tpu.memref_slice %arg4[%select_n3A_944, %dma_start3A_1154, %add3A_1006, %dma_start3A_1162, %dma_start3A_1163] : memref<200x4x32x8x128xf32, #tpu.memory_space<hbm>> -> memref<1x1x1x8x128xf32, #tpu.memory_space<hbm>>
      %dma_start3A_1165 = tpu.memref_squeeze %dma_start3A_1164 : memref<1x1x1x8x128xf32, #tpu.memory_space<hbm>> -> memref<8x128xf32, #tpu.memory_space<hbm>>
      %dma_start3A_1166 = arith.constant 72 : i32
      %dma_start3A_1167 = arith.constant 0 : i32
      %dma_start3A_1168 = tpu.memref_slice %arg9[%dma_start3A_1166, %dma_start3A_1167] : memref<128x129xf32, #tpu.memory_space<vmem>> -> memref<8x128xf32, #tpu.memory_space<vmem>>
      tpu.enqueue_dma source(%dma_start3A_1168 : memref<8x128xf32, #tpu.memory_space<vmem>>) target(%dma_start3A_1165 : memref<8x128xf32, #tpu.memory_space<hbm>>) target_semaphore(%arg15 : memref<!tpu.dma_semaphore, #tpu.memory_space<semaphore_mem>>)
      %dma_start3A_1169 = arith.constant 2 : i32
      %dma_start3A_1170 = arith.constant 80 : i32
      %dma_start3A_1171 = arith.constant 0 : i32
      %dma_start3A_1172 = tpu.memref_slice %arg9[%dma_start3A_1170, %dma_start3A_1171] : memref<128x129xf32, #tpu.memory_space<vmem>> -> memref<8x128xf32, #tpu.memory_space<vmem>>
      %dma_start3A_1173 = arith.constant 0 : i32
      %dma_start3A_1174 = arith.constant 0 : i32
      %dma_start3A_1175 = tpu.memref_slice %arg4[%select_n3A_944, %dma_start3A_1169, %add3A_1008, %dma_start3A_1173, %dma_start3A_1174] : memref<200x4x32x8x128xf32, #tpu.memory_space<hbm>> -> memref<1x1x1x8x128xf32, #tpu.memory_space<hbm>>
      %dma_start3A_1176 = tpu.memref_squeeze %dma_start3A_1175 : memref<1x1x1x8x128xf32, #tpu.memory_space<hbm>> -> memref<8x128xf32, #tpu.memory_space<hbm>>
      %dma_start3A_1177 = arith.constant 0 : i32
      %dma_start3A_1178 = arith.constant 0 : i32
      %dma_start3A_1179 = tpu.memref_slice %arg4[%select_n3A_944, %dma_start3A_1169, %add3A_1008, %dma_start3A_1177, %dma_start3A_1178] : memref<200x4x32x8x128xf32, #tpu.memory_space<hbm>> -> memref<1x1x1x8x128xf32, #tpu.memory_space<hbm>>
      %dma_start3A_1180 = tpu.memref_squeeze %dma_start3A_1179 : memref<1x1x1x8x128xf32, #tpu.memory_space<hbm>> -> memref<8x128xf32, #tpu.memory_space<hbm>>
      %dma_start3A_1181 = arith.constant 80 : i32
      %dma_start3A_1182 = arith.constant 0 : i32
      %dma_start3A_1183 = tpu.memref_slice %arg9[%dma_start3A_1181, %dma_start3A_1182] : memref<128x129xf32, #tpu.memory_space<vmem>> -> memref<8x128xf32, #tpu.memory_space<vmem>>
      tpu.enqueue_dma source(%dma_start3A_1183 : memref<8x128xf32, #tpu.memory_space<vmem>>) target(%dma_start3A_1180 : memref<8x128xf32, #tpu.memory_space<hbm>>) target_semaphore(%arg15 : memref<!tpu.dma_semaphore, #tpu.memory_space<semaphore_mem>>)
      %dma_start3A_1184 = arith.constant 2 : i32
      %dma_start3A_1185 = arith.constant 88 : i32
      %dma_start3A_1186 = arith.constant 0 : i32
      %dma_start3A_1187 = tpu.memref_slice %arg9[%dma_start3A_1185, %dma_start3A_1186] : memref<128x129xf32, #tpu.memory_space<vmem>> -> memref<8x128xf32, #tpu.memory_space<vmem>>
      %dma_start3A_1188 = arith.constant 0 : i32
      %dma_start3A_1189 = arith.constant 0 : i32
      %dma_start3A_1190 = tpu.memref_slice %arg4[%select_n3A_944, %dma_start3A_1184, %add3A_1010, %dma_start3A_1188, %dma_start3A_1189] : memref<200x4x32x8x128xf32, #tpu.memory_space<hbm>> -> memref<1x1x1x8x128xf32, #tpu.memory_space<hbm>>
      %dma_start3A_1191 = tpu.memref_squeeze %dma_start3A_1190 : memref<1x1x1x8x128xf32, #tpu.memory_space<hbm>> -> memref<8x128xf32, #tpu.memory_space<hbm>>
      %dma_start3A_1192 = arith.constant 0 : i32
      %dma_start3A_1193 = arith.constant 0 : i32
      %dma_start3A_1194 = tpu.memref_slice %arg4[%select_n3A_944, %dma_start3A_1184, %add3A_1010, %dma_start3A_1192, %dma_start3A_1193] : memref<200x4x32x8x128xf32, #tpu.memory_space<hbm>> -> memref<1x1x1x8x128xf32, #tpu.memory_space<hbm>>
      %dma_start3A_1195 = tpu.memref_squeeze %dma_start3A_1194 : memref<1x1x1x8x128xf32, #tpu.memory_space<hbm>> -> memref<8x128xf32, #tpu.memory_space<hbm>>
      %dma_start3A_1196 = arith.constant 88 : i32
      %dma_start3A_1197 = arith.constant 0 : i32
      %dma_start3A_1198 = tpu.memref_slice %arg9[%dma_start3A_1196, %dma_start3A_1197] : memref<128x129xf32, #tpu.memory_space<vmem>> -> memref<8x128xf32, #tpu.memory_space<vmem>>
      tpu.enqueue_dma source(%dma_start3A_1198 : memref<8x128xf32, #tpu.memory_space<vmem>>) target(%dma_start3A_1195 : memref<8x128xf32, #tpu.memory_space<hbm>>) target_semaphore(%arg15 : memref<!tpu.dma_semaphore, #tpu.memory_space<semaphore_mem>>)
      %dma_start3A_1199 = arith.constant 3 : i32
      %dma_start3A_1200 = arith.constant 96 : i32
      %dma_start3A_1201 = arith.constant 0 : i32
      %dma_start3A_1202 = tpu.memref_slice %arg9[%dma_start3A_1200, %dma_start3A_1201] : memref<128x129xf32, #tpu.memory_space<vmem>> -> memref<8x128xf32, #tpu.memory_space<vmem>>
      %dma_start3A_1203 = arith.constant 0 : i32
      %dma_start3A_1204 = arith.constant 0 : i32
      %dma_start3A_1205 = tpu.memref_slice %arg4[%select_n3A_944, %dma_start3A_1199, %add3A_1012, %dma_start3A_1203, %dma_start3A_1204] : memref<200x4x32x8x128xf32, #tpu.memory_space<hbm>> -> memref<1x1x1x8x128xf32, #tpu.memory_space<hbm>>
      %dma_start3A_1206 = tpu.memref_squeeze %dma_start3A_1205 : memref<1x1x1x8x128xf32, #tpu.memory_space<hbm>> -> memref<8x128xf32, #tpu.memory_space<hbm>>
      %dma_start3A_1207 = arith.constant 0 : i32
      %dma_start3A_1208 = arith.constant 0 : i32
      %dma_start3A_1209 = tpu.memref_slice %arg4[%select_n3A_944, %dma_start3A_1199, %add3A_1012, %dma_start3A_1207, %dma_start3A_1208] : memref<200x4x32x8x128xf32, #tpu.memory_space<hbm>> -> memref<1x1x1x8x128xf32, #tpu.memory_space<hbm>>
      %dma_start3A_1210 = tpu.memref_squeeze %dma_start3A_1209 : memref<1x1x1x8x128xf32, #tpu.memory_space<hbm>> -> memref<8x128xf32, #tpu.memory_space<hbm>>
      %dma_start3A_1211 = arith.constant 96 : i32
      %dma_start3A_1212 = arith.constant 0 : i32
      %dma_start3A_1213 = tpu.memref_slice %arg9[%dma_start3A_1211, %dma_start3A_1212] : memref<128x129xf32, #tpu.memory_space<vmem>> -> memref<8x128xf32, #tpu.memory_space<vmem>>
      tpu.enqueue_dma source(%dma_start3A_1213 : memref<8x128xf32, #tpu.memory_space<vmem>>) target(%dma_start3A_1210 : memref<8x128xf32, #tpu.memory_space<hbm>>) target_semaphore(%arg15 : memref<!tpu.dma_semaphore, #tpu.memory_space<semaphore_mem>>)
      %dma_start3A_1214 = arith.constant 3 : i32
      %dma_start3A_1215 = arith.constant 104 : i32
      %dma_start3A_1216 = arith.constant 0 : i32
      %dma_start3A_1217 = tpu.memref_slice %arg9[%dma_start3A_1215, %dma_start3A_1216] : memref<128x129xf32, #tpu.memory_space<vmem>> -> memref<8x128xf32, #tpu.memory_space<vmem>>
      %dma_start3A_1218 = arith.constant 0 : i32
      %dma_start3A_1219 = arith.constant 0 : i32
      %dma_start3A_1220 = tpu.memref_slice %arg4[%select_n3A_944, %dma_start3A_1214, %add3A_1014, %dma_start3A_1218, %dma_start3A_1219] : memref<200x4x32x8x128xf32, #tpu.memory_space<hbm>> -> memref<1x1x1x8x128xf32, #tpu.memory_space<hbm>>
      %dma_start3A_1221 = tpu.memref_squeeze %dma_start3A_1220 : memref<1x1x1x8x128xf32, #tpu.memory_space<hbm>> -> memref<8x128xf32, #tpu.memory_space<hbm>>
      %dma_start3A_1222 = arith.constant 0 : i32
      %dma_start3A_1223 = arith.constant 0 : i32
      %dma_start3A_1224 = tpu.memref_slice %arg4[%select_n3A_944, %dma_start3A_1214, %add3A_1014, %dma_start3A_1222, %dma_start3A_1223] : memref<200x4x32x8x128xf32, #tpu.memory_space<hbm>> -> memref<1x1x1x8x128xf32, #tpu.memory_space<hbm>>
      %dma_start3A_1225 = tpu.memref_squeeze %dma_start3A_1224 : memref<1x1x1x8x128xf32, #tpu.memory_space<hbm>> -> memref<8x128xf32, #tpu.memory_space<hbm>>
      %dma_start3A_1226 = arith.constant 104 : i32
      %dma_start3A_1227 = arith.constant 0 : i32
      %dma_start3A_1228 = tpu.memref_slice %arg9[%dma_start3A_1226, %dma_start3A_1227] : memref<128x129xf32, #tpu.memory_space<vmem>> -> memref<8x128xf32, #tpu.memory_space<vmem>>
      tpu.enqueue_dma source(%dma_start3A_1228 : memref<8x128xf32, #tpu.memory_space<vmem>>) target(%dma_start3A_1225 : memref<8x128xf32, #tpu.memory_space<hbm>>) target_semaphore(%arg15 : memref<!tpu.dma_semaphore, #tpu.memory_space<semaphore_mem>>)
      %dma_start3A_1229 = arith.constant 3 : i32
      %dma_start3A_1230 = arith.constant 112 : i32
      %dma_start3A_1231 = arith.constant 0 : i32
      %dma_start3A_1232 = tpu.memref_slice %arg9[%dma_start3A_1230, %dma_start3A_1231] : memref<128x129xf32, #tpu.memory_space<vmem>> -> memref<8x128xf32, #tpu.memory_space<vmem>>
      %dma_start3A_1233 = arith.constant 0 : i32
      %dma_start3A_1234 = arith.constant 0 : i32
      %dma_start3A_1235 = tpu.memref_slice %arg4[%select_n3A_944, %dma_start3A_1229, %add3A_1016, %dma_start3A_1233, %dma_start3A_1234] : memref<200x4x32x8x128xf32, #tpu.memory_space<hbm>> -> memref<1x1x1x8x128xf32, #tpu.memory_space<hbm>>
      %dma_start3A_1236 = tpu.memref_squeeze %dma_start3A_1235 : memref<1x1x1x8x128xf32, #tpu.memory_space<hbm>> -> memref<8x128xf32, #tpu.memory_space<hbm>>
      %dma_start3A_1237 = arith.constant 0 : i32
      %dma_start3A_1238 = arith.constant 0 : i32
      %dma_start3A_1239 = tpu.memref_slice %arg4[%select_n3A_944, %dma_start3A_1229, %add3A_1016, %dma_start3A_1237, %dma_start3A_1238] : memref<200x4x32x8x128xf32, #tpu.memory_space<hbm>> -> memref<1x1x1x8x128xf32, #tpu.memory_space<hbm>>
      %dma_start3A_1240 = tpu.memref_squeeze %dma_start3A_1239 : memref<1x1x1x8x128xf32, #tpu.memory_space<hbm>> -> memref<8x128xf32, #tpu.memory_space<hbm>>
      %dma_start3A_1241 = arith.constant 112 : i32
      %dma_start3A_1242 = arith.constant 0 : i32
      %dma_start3A_1243 = tpu.memref_slice %arg9[%dma_start3A_1241, %dma_start3A_1242] : memref<128x129xf32, #tpu.memory_space<vmem>> -> memref<8x128xf32, #tpu.memory_space<vmem>>
      tpu.enqueue_dma source(%dma_start3A_1243 : memref<8x128xf32, #tpu.memory_space<vmem>>) target(%dma_start3A_1240 : memref<8x128xf32, #tpu.memory_space<hbm>>) target_semaphore(%arg15 : memref<!tpu.dma_semaphore, #tpu.memory_space<semaphore_mem>>)
      %dma_start3A_1244 = arith.constant 3 : i32
      %dma_start3A_1245 = arith.constant 120 : i32
      %dma_start3A_1246 = arith.constant 0 : i32
      %dma_start3A_1247 = tpu.memref_slice %arg9[%dma_start3A_1245, %dma_start3A_1246] : memref<128x129xf32, #tpu.memory_space<vmem>> -> memref<8x128xf32, #tpu.memory_space<vmem>>
      %dma_start3A_1248 = arith.constant 0 : i32
      %dma_start3A_1249 = arith.constant 0 : i32
      %dma_start3A_1250 = tpu.memref_slice %arg4[%select_n3A_944, %dma_start3A_1244, %add3A_1018, %dma_start3A_1248, %dma_start3A_1249] : memref<200x4x32x8x128xf32, #tpu.memory_space<hbm>> -> memref<1x1x1x8x128xf32, #tpu.memory_space<hbm>>
      %dma_start3A_1251 = tpu.memref_squeeze %dma_start3A_1250 : memref<1x1x1x8x128xf32, #tpu.memory_space<hbm>> -> memref<8x128xf32, #tpu.memory_space<hbm>>
      %dma_start3A_1252 = arith.constant 0 : i32
      %dma_start3A_1253 = arith.constant 0 : i32
      %dma_start3A_1254 = tpu.memref_slice %arg4[%select_n3A_944, %dma_start3A_1244, %add3A_1018, %dma_start3A_1252, %dma_start3A_1253] : memref<200x4x32x8x128xf32, #tpu.memory_space<hbm>> -> memref<1x1x1x8x128xf32, #tpu.memory_space<hbm>>
      %dma_start3A_1255 = tpu.memref_squeeze %dma_start3A_1254 : memref<1x1x1x8x128xf32, #tpu.memory_space<hbm>> -> memref<8x128xf32, #tpu.memory_space<hbm>>
      %dma_start3A_1256 = arith.constant 120 : i32
      %dma_start3A_1257 = arith.constant 0 : i32
      %dma_start3A_1258 = tpu.memref_slice %arg9[%dma_start3A_1256, %dma_start3A_1257] : memref<128x129xf32, #tpu.memory_space<vmem>> -> memref<8x128xf32, #tpu.memory_space<vmem>>
      tpu.enqueue_dma source(%dma_start3A_1258 : memref<8x128xf32, #tpu.memory_space<vmem>>) target(%dma_start3A_1255 : memref<8x128xf32, #tpu.memory_space<hbm>>) target_semaphore(%arg15 : memref<!tpu.dma_semaphore, #tpu.memory_space<semaphore_mem>>)
      %add3A_1259 = arith.constant 1 : i32
      %add3A_1260 = arith.addi %add3A_834, %add3A_1259 : i32
      %dma_wait3A_1261 = arith.constant 0 : i32
      %dma_wait3A_1262 = arith.constant 0 : i32
      %dma_wait3A_1263 = tpu.memref_slice %arg2[%dma_wait3A_1261, %dma_wait3A_1262] : memref<1000000x32xf32, #tpu.memory_space<hbm>> -> memref<1000000x32xf32, #tpu.memory_space<hbm>>
      tpu.wait_indirect_dma semaphore(%arg14 : memref<!tpu.dma_semaphore, #tpu.memory_space<semaphore_mem>>) src(%dma_wait3A_1263 : memref<1000000x32xf32, #tpu.memory_space<hbm>>) dst(%arg8 : memref<512x32xf32, #tpu.memory_space<vmem>>)
      %add3A_1264 = arith.constant 2 : i32
      %add3A_1265 = arith.addi %add3A_1260, %add3A_1264 : i32
      %lt3A_1266 = arith.constant 50 : i32
      %lt3A_1267 = arith.cmpi slt, %add3A_1265, %lt3A_1266 : i32
      %convert_element_type3A_1268 = arith.extui %lt3A_1267 : i1 to i32
      %cond3A_1269 = arith.constant 0 : i32
      %cond3A_1270 = arith.cmpi ne, %convert_element_type3A_1268, %cond3A_1269 : i32
      scf.if %cond3A_1270 {
        %add3A_1687 = arith.constant 2 : i32
        %add3A_1688 = arith.addi %add3A_1260, %add3A_1687 : i32
        %mul3A_1689 = arith.constant 50 : i32
        %mul3A_1690 = arith.muli %add3A, %mul3A_1689 : i32
        %add3A_1691 = arith.addi %mul3A_1690, %add3A_1688 : i32
        %jit3A_1692 = arith.constant 8 : i32
        %div3A_1693 = arith.divsi %add3A_1691, %jit3A_1692 : i32
        %sign3A_1694 = arith.constant 0 : i32
        %sign3A_1695 = arith.cmpi sgt, %add3A_1691, %sign3A_1694 : i32
        %sign3A_1696 = arith.extui %sign3A_1695 : i1 to i32
        %sign3A_1697 = arith.constant 0 : i32
        %sign3A_1698 = arith.cmpi slt, %add3A_1691, %sign3A_1697 : i32
        %sign3A_1699 = arith.extui %sign3A_1698 : i1 to i32
        %sign3A_1700 = arith.subi %sign3A_1696, %sign3A_1699 : i32
        %sign3A_1701 = arith.constant 0 : i32
        %sign3A_1702 = arith.cmpi sgt, %jit3A_1692, %sign3A_1701 : i32
        %sign3A_1703 = arith.extui %sign3A_1702 : i1 to i32
        %sign3A_1704 = arith.constant 0 : i32
        %sign3A_1705 = arith.cmpi slt, %jit3A_1692, %sign3A_1704 : i32
        %sign3A_1706 = arith.extui %sign3A_1705 : i1 to i32
        %sign3A_1707 = arith.subi %sign3A_1703, %sign3A_1706 : i32
        %ne3A_1708 = arith.cmpi ne, %sign3A_1700, %sign3A_1707 : i32
        %rem3A_1709 = arith.remsi %add3A_1691, %jit3A_1692 : i32
        %ne3A_1710 = arith.constant 0 : i32
        %ne3A_1711 = arith.cmpi ne, %rem3A_1709, %ne3A_1710 : i32
        %and3A_1712 = arith.andi %ne3A_1708, %ne3A_1711 : i1
        %sub3A_1713 = arith.constant 1 : i32
        %sub3A_1714 = arith.subi %div3A_1693, %sub3A_1713 : i32
        %select_n3A_1715 = arith.select %and3A_1712, %sub3A_1714, %div3A_1693 : i32
        %jit3A_1716 = arith.constant 8 : i32
        %eq3A_1717 = arith.constant 0 : i32
        %eq3A_1718 = arith.cmpi eq, %jit3A_1716, %eq3A_1717 : i32
        %jit3A_1719 = arith.constant 1 : i32
        %select_n3A_1720 = arith.select %eq3A_1718, %jit3A_1719, %jit3A_1716 : i32
        %rem3A_1721 = arith.remsi %add3A_1691, %select_n3A_1720 : i32
        %ne3A_1722 = arith.constant 0 : i32
        %ne3A_1723 = arith.cmpi ne, %rem3A_1721, %ne3A_1722 : i32
        %lt3A_1724 = arith.constant 0 : i32
        %lt3A_1725 = arith.cmpi slt, %rem3A_1721, %lt3A_1724 : i32
        %lt3A_1726 = arith.constant 0 : i32
        %lt3A_1727 = arith.cmpi slt, %select_n3A_1720, %lt3A_1726 : i32
        %ne3A_1728 = arith.xori %lt3A_1725, %lt3A_1727 : i1
        %and3A_1729 = arith.andi %ne3A_1728, %ne3A_1723 : i1
        %add3A_1730 = arith.addi %rem3A_1721, %select_n3A_1720 : i32
        %select_n3A_1731 = arith.select %and3A_1729, %add3A_1730, %rem3A_1721 : i32
        %mul3A_1732 = arith.constant 512 : i32
        %mul3A_1733 = arith.muli %select_n3A_1731, %mul3A_1732 : i32
        %dma_start3A_1734 = tpu.memref_slice %arg3[%select_n3A_1715, %mul3A_1733] : memref<200x4096xi32, #tpu.memory_space<hbm>> -> memref<1x512xi32, #tpu.memory_space<hbm>>
        %dma_start3A_1735 = tpu.memref_squeeze %dma_start3A_1734 : memref<1x512xi32, #tpu.memory_space<hbm>> -> memref<512xi32, #tpu.memory_space<hbm>>
        %dma_start3A_1736 = tpu.memref_slice %arg3[%select_n3A_1715, %mul3A_1733] : memref<200x4096xi32, #tpu.memory_space<hbm>> -> memref<1x512xi32, #tpu.memory_space<hbm>>
        %dma_start3A_1737 = tpu.memref_squeeze %dma_start3A_1736 : memref<1x512xi32, #tpu.memory_space<hbm>> -> memref<512xi32, #tpu.memory_space<hbm>>
        tpu.enqueue_dma source(%dma_start3A_1737 : memref<512xi32, #tpu.memory_space<hbm>>) target(%arg6 : memref<512xi32, #tpu.memory_space<vmem>>) target_semaphore(%arg12 : memref<!tpu.dma_semaphore, #tpu.memory_space<semaphore_mem>>)
      } else {
      }
      %add3A_1271 = arith.constant 1 : i32
      %add3A_1272 = arith.addi %add3A_1260, %add3A_1271 : i32
      %lt3A_1273 = arith.constant 50 : i32
      %lt3A_1274 = arith.cmpi slt, %add3A_1272, %lt3A_1273 : i32
      %convert_element_type3A_1275 = arith.extui %lt3A_1274 : i1 to i32
      %cond3A_1276 = arith.constant 0 : i32
      %cond3A_1277 = arith.cmpi ne, %convert_element_type3A_1275, %cond3A_1276 : i32
      scf.if %cond3A_1277 {
        %add3A_1687 = arith.constant 1 : i32
        %add3A_1688 = arith.addi %add3A_1260, %add3A_1687 : i32
        %mul3A_1689 = arith.constant 50 : i32
        %mul3A_1690 = arith.muli %add3A, %mul3A_1689 : i32
        %add3A_1691 = arith.addi %mul3A_1690, %add3A_1688 : i32
        %jit3A_1692 = arith.constant 8 : i32
        %div3A_1693 = arith.divsi %add3A_1691, %jit3A_1692 : i32
        %sign3A_1694 = arith.constant 0 : i32
        %sign3A_1695 = arith.cmpi sgt, %add3A_1691, %sign3A_1694 : i32
        %sign3A_1696 = arith.extui %sign3A_1695 : i1 to i32
        %sign3A_1697 = arith.constant 0 : i32
        %sign3A_1698 = arith.cmpi slt, %add3A_1691, %sign3A_1697 : i32
        %sign3A_1699 = arith.extui %sign3A_1698 : i1 to i32
        %sign3A_1700 = arith.subi %sign3A_1696, %sign3A_1699 : i32
        %sign3A_1701 = arith.constant 0 : i32
        %sign3A_1702 = arith.cmpi sgt, %jit3A_1692, %sign3A_1701 : i32
        %sign3A_1703 = arith.extui %sign3A_1702 : i1 to i32
        %sign3A_1704 = arith.constant 0 : i32
        %sign3A_1705 = arith.cmpi slt, %jit3A_1692, %sign3A_1704 : i32
        %sign3A_1706 = arith.extui %sign3A_1705 : i1 to i32
        %sign3A_1707 = arith.subi %sign3A_1703, %sign3A_1706 : i32
        %ne3A_1708 = arith.cmpi ne, %sign3A_1700, %sign3A_1707 : i32
        %rem3A_1709 = arith.remsi %add3A_1691, %jit3A_1692 : i32
        %ne3A_1710 = arith.constant 0 : i32
        %ne3A_1711 = arith.cmpi ne, %rem3A_1709, %ne3A_1710 : i32
        %and3A_1712 = arith.andi %ne3A_1708, %ne3A_1711 : i1
        %sub3A_1713 = arith.constant 1 : i32
        %sub3A_1714 = arith.subi %div3A_1693, %sub3A_1713 : i32
        %select_n3A_1715 = arith.select %and3A_1712, %sub3A_1714, %div3A_1693 : i32
        %jit3A_1716 = arith.constant 8 : i32
        %eq3A_1717 = arith.constant 0 : i32
        %eq3A_1718 = arith.cmpi eq, %jit3A_1716, %eq3A_1717 : i32
        %jit3A_1719 = arith.constant 1 : i32
        %select_n3A_1720 = arith.select %eq3A_1718, %jit3A_1719, %jit3A_1716 : i32
        %rem3A_1721 = arith.remsi %add3A_1691, %select_n3A_1720 : i32
        %ne3A_1722 = arith.constant 0 : i32
        %ne3A_1723 = arith.cmpi ne, %rem3A_1721, %ne3A_1722 : i32
        %lt3A_1724 = arith.constant 0 : i32
        %lt3A_1725 = arith.cmpi slt, %rem3A_1721, %lt3A_1724 : i32
        %lt3A_1726 = arith.constant 0 : i32
        %lt3A_1727 = arith.cmpi slt, %select_n3A_1720, %lt3A_1726 : i32
        %ne3A_1728 = arith.xori %lt3A_1725, %lt3A_1727 : i1
        %and3A_1729 = arith.andi %ne3A_1728, %ne3A_1723 : i1
        %add3A_1730 = arith.addi %rem3A_1721, %select_n3A_1720 : i32
        %select_n3A_1731 = arith.select %and3A_1729, %add3A_1730, %rem3A_1721 : i32
        %mul3A_1732 = arith.constant 512 : i32
        %mul3A_1733 = arith.muli %select_n3A_1731, %mul3A_1732 : i32
        %dma_wait3A_1734 = tpu.memref_slice %arg3[%select_n3A_1715, %mul3A_1733] : memref<200x4096xi32, #tpu.memory_space<hbm>> -> memref<1x512xi32, #tpu.memory_space<hbm>>
        %dma_wait3A_1735 = tpu.memref_squeeze %dma_wait3A_1734 : memref<1x512xi32, #tpu.memory_space<hbm>> -> memref<512xi32, #tpu.memory_space<hbm>>
        %dma_wait3A_1736 = tpu.memref_slice %arg3[%select_n3A_1715, %mul3A_1733] : memref<200x4096xi32, #tpu.memory_space<hbm>> -> memref<1x512xi32, #tpu.memory_space<hbm>>
        %dma_wait3A_1737 = tpu.memref_squeeze %dma_wait3A_1736 : memref<1x512xi32, #tpu.memory_space<hbm>> -> memref<512xi32, #tpu.memory_space<hbm>>
        tpu.wait_dma2 semaphore(%arg11 : memref<!tpu.dma_semaphore, #tpu.memory_space<semaphore_mem>>) src(%dma_wait3A_1737 : memref<512xi32, #tpu.memory_space<hbm>>) dst(%arg5 : memref<512xi32, #tpu.memory_space<vmem>>)
        %add3A_1738 = arith.constant 1 : i32
        %add3A_1739 = arith.addi %add3A_1260, %add3A_1738 : i32
        %dma_start3A_1740 = arith.constant 0 : i32
        %dma_start3A_1741 = arith.constant 0 : i32
        %dma_start3A_1742 = tpu.memref_slice %arg2[%dma_start3A_1740, %dma_start3A_1741] : memref<1000000x32xf32, #tpu.memory_space<hbm>> -> memref<1000000x32xf32, #tpu.memory_space<hbm>>
        tpu.enqueue_indirect_dma source(%dma_start3A_1742 : memref<1000000x32xf32, #tpu.memory_space<hbm>>) target(%arg7 : memref<512x32xf32, #tpu.memory_space<vmem>>) offsets(%arg5 : memref<512xi32, #tpu.memory_space<vmem>>) semaphore(%arg13 : memref<!tpu.dma_semaphore, #tpu.memory_space<semaphore_mem>>)
      } else {
      }
      %ge3A_1278 = arith.constant 2 : i32
      %ge3A_1279 = arith.cmpi sge, %add3A_1260, %ge3A_1278 : i32
      %convert_element_type3A_1280 = arith.extui %ge3A_1279 : i1 to i32
      %cond3A_1281 = arith.constant 0 : i32
      %cond3A_1282 = arith.cmpi ne, %convert_element_type3A_1280, %cond3A_1281 : i32
      scf.if %cond3A_1282 {
        %sub3A_1687 = arith.constant 2 : i32
        %sub3A_1688 = arith.subi %add3A_1260, %sub3A_1687 : i32
        %mul3A_1689 = arith.constant 50 : i32
        %mul3A_1690 = arith.muli %add3A, %mul3A_1689 : i32
        %add3A_1691 = arith.addi %mul3A_1690, %sub3A_1688 : i32
        %jit3A_1692 = arith.constant 8 : i32
        %div3A_1693 = arith.divsi %add3A_1691, %jit3A_1692 : i32
        %sign3A_1694 = arith.constant 0 : i32
        %sign3A_1695 = arith.cmpi sgt, %add3A_1691, %sign3A_1694 : i32
        %sign3A_1696 = arith.extui %sign3A_1695 : i1 to i32
        %sign3A_1697 = arith.constant 0 : i32
        %sign3A_1698 = arith.cmpi slt, %add3A_1691, %sign3A_1697 : i32
        %sign3A_1699 = arith.extui %sign3A_1698 : i1 to i32
        %sign3A_1700 = arith.subi %sign3A_1696, %sign3A_1699 : i32
        %sign3A_1701 = arith.constant 0 : i32
        %sign3A_1702 = arith.cmpi sgt, %jit3A_1692, %sign3A_1701 : i32
        %sign3A_1703 = arith.extui %sign3A_1702 : i1 to i32
        %sign3A_1704 = arith.constant 0 : i32
        %sign3A_1705 = arith.cmpi slt, %jit3A_1692, %sign3A_1704 : i32
        %sign3A_1706 = arith.extui %sign3A_1705 : i1 to i32
        %sign3A_1707 = arith.subi %sign3A_1703, %sign3A_1706 : i32
        %ne3A_1708 = arith.cmpi ne, %sign3A_1700, %sign3A_1707 : i32
        %rem3A_1709 = arith.remsi %add3A_1691, %jit3A_1692 : i32
        %ne3A_1710 = arith.constant 0 : i32
        %ne3A_1711 = arith.cmpi ne, %rem3A_1709, %ne3A_1710 : i32
        %and3A_1712 = arith.andi %ne3A_1708, %ne3A_1711 : i1
        %sub3A_1713 = arith.constant 1 : i32
        %sub3A_1714 = arith.subi %div3A_1693, %sub3A_1713 : i32
        %select_n3A_1715 = arith.select %and3A_1712, %sub3A_1714, %div3A_1693 : i32
        %jit3A_1716 = arith.constant 8 : i32
        %eq3A_1717 = arith.constant 0 : i32
        %eq3A_1718 = arith.cmpi eq, %jit3A_1716, %eq3A_1717 : i32
        %jit3A_1719 = arith.constant 1 : i32
        %select_n3A_1720 = arith.select %eq3A_1718, %jit3A_1719, %jit3A_1716 : i32
        %rem3A_1721 = arith.remsi %add3A_1691, %select_n3A_1720 : i32
        %ne3A_1722 = arith.constant 0 : i32
        %ne3A_1723 = arith.cmpi ne, %rem3A_1721, %ne3A_1722 : i32
        %lt3A_1724 = arith.constant 0 : i32
        %lt3A_1725 = arith.cmpi slt, %rem3A_1721, %lt3A_1724 : i32
        %lt3A_1726 = arith.constant 0 : i32
        %lt3A_1727 = arith.cmpi slt, %select_n3A_1720, %lt3A_1726 : i32
        %ne3A_1728 = arith.xori %lt3A_1725, %lt3A_1727 : i1
        %and3A_1729 = arith.andi %ne3A_1728, %ne3A_1723 : i1
        %add3A_1730 = arith.addi %rem3A_1721, %select_n3A_1720 : i32
        %select_n3A_1731 = arith.select %and3A_1729, %add3A_1730, %rem3A_1721 : i32
        %mul3A_1732 = arith.constant 512 : i32
        %mul3A_1733 = arith.muli %select_n3A_1731, %mul3A_1732 : i32
        %jit3A_1734 = arith.constant 128 : i32
        %div3A_1735 = arith.divsi %mul3A_1733, %jit3A_1734 : i32
        %sign3A_1736 = arith.constant 0 : i32
        %sign3A_1737 = arith.cmpi sgt, %mul3A_1733, %sign3A_1736 : i32
        %sign3A_1738 = arith.extui %sign3A_1737 : i1 to i32
        %sign3A_1739 = arith.constant 0 : i32
        %sign3A_1740 = arith.cmpi slt, %mul3A_1733, %sign3A_1739 : i32
        %sign3A_1741 = arith.extui %sign3A_1740 : i1 to i32
        %sign3A_1742 = arith.subi %sign3A_1738, %sign3A_1741 : i32
        %sign3A_1743 = arith.constant 0 : i32
        %sign3A_1744 = arith.cmpi sgt, %jit3A_1734, %sign3A_1743 : i32
        %sign3A_1745 = arith.extui %sign3A_1744 : i1 to i32
        %sign3A_1746 = arith.constant 0 : i32
        %sign3A_1747 = arith.cmpi slt, %jit3A_1734, %sign3A_1746 : i32
        %sign3A_1748 = arith.extui %sign3A_1747 : i1 to i32
        %sign3A_1749 = arith.subi %sign3A_1745, %sign3A_1748 : i32
        %ne3A_1750 = arith.cmpi ne, %sign3A_1742, %sign3A_1749 : i32
        %rem3A_1751 = arith.remsi %mul3A_1733, %jit3A_1734 : i32
        %ne3A_1752 = arith.constant 0 : i32
        %ne3A_1753 = arith.cmpi ne, %rem3A_1751, %ne3A_1752 : i32
        %and3A_1754 = arith.andi %ne3A_1750, %ne3A_1753 : i1
        %sub3A_1755 = arith.constant 1 : i32
        %sub3A_1756 = arith.subi %div3A_1735, %sub3A_1755 : i32
        %select_n3A_1757 = arith.select %and3A_1754, %sub3A_1756, %div3A_1735 : i32
        %add3A_1758 = arith.constant 0 : i32
        %add3A_1759 = arith.addi %select_n3A_1757, %add3A_1758 : i32
        %add3A_1760 = arith.constant 1 : i32
        %add3A_1761 = arith.addi %select_n3A_1757, %add3A_1760 : i32
        %add3A_1762 = arith.constant 2 : i32
        %add3A_1763 = arith.addi %select_n3A_1757, %add3A_1762 : i32
        %add3A_1764 = arith.constant 3 : i32
        %add3A_1765 = arith.addi %select_n3A_1757, %add3A_1764 : i32
        %add3A_1766 = arith.constant 0 : i32
        %add3A_1767 = arith.addi %select_n3A_1757, %add3A_1766 : i32
        %add3A_1768 = arith.constant 1 : i32
        %add3A_1769 = arith.addi %select_n3A_1757, %add3A_1768 : i32
        %add3A_1770 = arith.constant 2 : i32
        %add3A_1771 = arith.addi %select_n3A_1757, %add3A_1770 : i32
        %add3A_1772 = arith.constant 3 : i32
        %add3A_1773 = arith.addi %select_n3A_1757, %add3A_1772 : i32
        %add3A_1774 = arith.constant 0 : i32
        %add3A_1775 = arith.addi %select_n3A_1757, %add3A_1774 : i32
        %add3A_1776 = arith.constant 1 : i32
        %add3A_1777 = arith.addi %select_n3A_1757, %add3A_1776 : i32
        %add3A_1778 = arith.constant 2 : i32
        %add3A_1779 = arith.addi %select_n3A_1757, %add3A_1778 : i32
        %add3A_1780 = arith.constant 3 : i32
        %add3A_1781 = arith.addi %select_n3A_1757, %add3A_1780 : i32
        %add3A_1782 = arith.constant 0 : i32
        %add3A_1783 = arith.addi %select_n3A_1757, %add3A_1782 : i32
        %add3A_1784 = arith.constant 1 : i32
        %add3A_1785 = arith.addi %select_n3A_1757, %add3A_1784 : i32
        %add3A_1786 = arith.constant 2 : i32
        %add3A_1787 = arith.addi %select_n3A_1757, %add3A_1786 : i32
        %add3A_1788 = arith.constant 3 : i32
        %add3A_1789 = arith.addi %select_n3A_1757, %add3A_1788 : i32
        %dma_wait3A_1790 = arith.constant 0 : i32
        %dma_wait3A_1791 = arith.constant 0 : i32
        %dma_wait3A_1792 = arith.constant 0 : i32
        %dma_wait3A_1793 = tpu.memref_slice %arg10[%dma_wait3A_1791, %dma_wait3A_1792] : memref<128x129xf32, #tpu.memory_space<vmem>> -> memref<8x128xf32, #tpu.memory_space<vmem>>
        %dma_wait3A_1794 = arith.constant 0 : i32
        %dma_wait3A_1795 = arith.constant 0 : i32
        %dma_wait3A_1796 = tpu.memref_slice %arg4[%select_n3A_1715, %dma_wait3A_1790, %add3A_1759, %dma_wait3A_1794, %dma_wait3A_1795] : memref<200x4x32x8x128xf32, #tpu.memory_space<hbm>> -> memref<1x1x1x8x128xf32, #tpu.memory_space<hbm>>
        %dma_wait3A_1797 = tpu.memref_squeeze %dma_wait3A_1796 : memref<1x1x1x8x128xf32, #tpu.memory_space<hbm>> -> memref<8x128xf32, #tpu.memory_space<hbm>>
        %dma_wait3A_1798 = arith.constant 0 : i32
        %dma_wait3A_1799 = arith.constant 0 : i32
        %dma_wait3A_1800 = tpu.memref_slice %arg4[%select_n3A_1715, %dma_wait3A_1790, %add3A_1759, %dma_wait3A_1798, %dma_wait3A_1799] : memref<200x4x32x8x128xf32, #tpu.memory_space<hbm>> -> memref<1x1x1x8x128xf32, #tpu.memory_space<hbm>>
        %dma_wait3A_1801 = tpu.memref_squeeze %dma_wait3A_1800 : memref<1x1x1x8x128xf32, #tpu.memory_space<hbm>> -> memref<8x128xf32, #tpu.memory_space<hbm>>
        %dma_wait3A_1802 = arith.constant 0 : i32
        %dma_wait3A_1803 = arith.constant 0 : i32
        %dma_wait3A_1804 = tpu.memref_slice %arg10[%dma_wait3A_1802, %dma_wait3A_1803] : memref<128x129xf32, #tpu.memory_space<vmem>> -> memref<8x128xf32, #tpu.memory_space<vmem>>
        tpu.wait_dma2 semaphore(%arg16 : memref<!tpu.dma_semaphore, #tpu.memory_space<semaphore_mem>>) src(%dma_wait3A_1804 : memref<8x128xf32, #tpu.memory_space<vmem>>) dst(%dma_wait3A_1801 : memref<8x128xf32, #tpu.memory_space<hbm>>)
        %dma_wait3A_1805 = arith.constant 0 : i32
        %dma_wait3A_1806 = arith.constant 8 : i32
        %dma_wait3A_1807 = arith.constant 0 : i32
        %dma_wait3A_1808 = tpu.memref_slice %arg10[%dma_wait3A_1806, %dma_wait3A_1807] : memref<128x129xf32, #tpu.memory_space<vmem>> -> memref<8x128xf32, #tpu.memory_space<vmem>>
        %dma_wait3A_1809 = arith.constant 0 : i32
        %dma_wait3A_1810 = arith.constant 0 : i32
        %dma_wait3A_1811 = tpu.memref_slice %arg4[%select_n3A_1715, %dma_wait3A_1805, %add3A_1761, %dma_wait3A_1809, %dma_wait3A_1810] : memref<200x4x32x8x128xf32, #tpu.memory_space<hbm>> -> memref<1x1x1x8x128xf32, #tpu.memory_space<hbm>>
        %dma_wait3A_1812 = tpu.memref_squeeze %dma_wait3A_1811 : memref<1x1x1x8x128xf32, #tpu.memory_space<hbm>> -> memref<8x128xf32, #tpu.memory_space<hbm>>
        %dma_wait3A_1813 = arith.constant 0 : i32
        %dma_wait3A_1814 = arith.constant 0 : i32
        %dma_wait3A_1815 = tpu.memref_slice %arg4[%select_n3A_1715, %dma_wait3A_1805, %add3A_1761, %dma_wait3A_1813, %dma_wait3A_1814] : memref<200x4x32x8x128xf32, #tpu.memory_space<hbm>> -> memref<1x1x1x8x128xf32, #tpu.memory_space<hbm>>
        %dma_wait3A_1816 = tpu.memref_squeeze %dma_wait3A_1815 : memref<1x1x1x8x128xf32, #tpu.memory_space<hbm>> -> memref<8x128xf32, #tpu.memory_space<hbm>>
        %dma_wait3A_1817 = arith.constant 8 : i32
        %dma_wait3A_1818 = arith.constant 0 : i32
        %dma_wait3A_1819 = tpu.memref_slice %arg10[%dma_wait3A_1817, %dma_wait3A_1818] : memref<128x129xf32, #tpu.memory_space<vmem>> -> memref<8x128xf32, #tpu.memory_space<vmem>>
        tpu.wait_dma2 semaphore(%arg16 : memref<!tpu.dma_semaphore, #tpu.memory_space<semaphore_mem>>) src(%dma_wait3A_1819 : memref<8x128xf32, #tpu.memory_space<vmem>>) dst(%dma_wait3A_1816 : memref<8x128xf32, #tpu.memory_space<hbm>>)
        %dma_wait3A_1820 = arith.constant 0 : i32
        %dma_wait3A_1821 = arith.constant 16 : i32
        %dma_wait3A_1822 = arith.constant 0 : i32
        %dma_wait3A_1823 = tpu.memref_slice %arg10[%dma_wait3A_1821, %dma_wait3A_1822] : memref<128x129xf32, #tpu.memory_space<vmem>> -> memref<8x128xf32, #tpu.memory_space<vmem>>
        %dma_wait3A_1824 = arith.constant 0 : i32
        %dma_wait3A_1825 = arith.constant 0 : i32
        %dma_wait3A_1826 = tpu.memref_slice %arg4[%select_n3A_1715, %dma_wait3A_1820, %add3A_1763, %dma_wait3A_1824, %dma_wait3A_1825] : memref<200x4x32x8x128xf32, #tpu.memory_space<hbm>> -> memref<1x1x1x8x128xf32, #tpu.memory_space<hbm>>
        %dma_wait3A_1827 = tpu.memref_squeeze %dma_wait3A_1826 : memref<1x1x1x8x128xf32, #tpu.memory_space<hbm>> -> memref<8x128xf32, #tpu.memory_space<hbm>>
        %dma_wait3A_1828 = arith.constant 0 : i32
        %dma_wait3A_1829 = arith.constant 0 : i32
        %dma_wait3A_1830 = tpu.memref_slice %arg4[%select_n3A_1715, %dma_wait3A_1820, %add3A_1763, %dma_wait3A_1828, %dma_wait3A_1829] : memref<200x4x32x8x128xf32, #tpu.memory_space<hbm>> -> memref<1x1x1x8x128xf32, #tpu.memory_space<hbm>>
        %dma_wait3A_1831 = tpu.memref_squeeze %dma_wait3A_1830 : memref<1x1x1x8x128xf32, #tpu.memory_space<hbm>> -> memref<8x128xf32, #tpu.memory_space<hbm>>
        %dma_wait3A_1832 = arith.constant 16 : i32
        %dma_wait3A_1833 = arith.constant 0 : i32
        %dma_wait3A_1834 = tpu.memref_slice %arg10[%dma_wait3A_1832, %dma_wait3A_1833] : memref<128x129xf32, #tpu.memory_space<vmem>> -> memref<8x128xf32, #tpu.memory_space<vmem>>
        tpu.wait_dma2 semaphore(%arg16 : memref<!tpu.dma_semaphore, #tpu.memory_space<semaphore_mem>>) src(%dma_wait3A_1834 : memref<8x128xf32, #tpu.memory_space<vmem>>) dst(%dma_wait3A_1831 : memref<8x128xf32, #tpu.memory_space<hbm>>)
        %dma_wait3A_1835 = arith.constant 0 : i32
        %dma_wait3A_1836 = arith.constant 24 : i32
        %dma_wait3A_1837 = arith.constant 0 : i32
        %dma_wait3A_1838 = tpu.memref_slice %arg10[%dma_wait3A_1836, %dma_wait3A_1837] : memref<128x129xf32, #tpu.memory_space<vmem>> -> memref<8x128xf32, #tpu.memory_space<vmem>>
        %dma_wait3A_1839 = arith.constant 0 : i32
        %dma_wait3A_1840 = arith.constant 0 : i32
        %dma_wait3A_1841 = tpu.memref_slice %arg4[%select_n3A_1715, %dma_wait3A_1835, %add3A_1765, %dma_wait3A_1839, %dma_wait3A_1840] : memref<200x4x32x8x128xf32, #tpu.memory_space<hbm>> -> memref<1x1x1x8x128xf32, #tpu.memory_space<hbm>>
        %dma_wait3A_1842 = tpu.memref_squeeze %dma_wait3A_1841 : memref<1x1x1x8x128xf32, #tpu.memory_space<hbm>> -> memref<8x128xf32, #tpu.memory_space<hbm>>
        %dma_wait3A_1843 = arith.constant 0 : i32
        %dma_wait3A_1844 = arith.constant 0 : i32
        %dma_wait3A_1845 = tpu.memref_slice %arg4[%select_n3A_1715, %dma_wait3A_1835, %add3A_1765, %dma_wait3A_1843, %dma_wait3A_1844] : memref<200x4x32x8x128xf32, #tpu.memory_space<hbm>> -> memref<1x1x1x8x128xf32, #tpu.memory_space<hbm>>
        %dma_wait3A_1846 = tpu.memref_squeeze %dma_wait3A_1845 : memref<1x1x1x8x128xf32, #tpu.memory_space<hbm>> -> memref<8x128xf32, #tpu.memory_space<hbm>>
        %dma_wait3A_1847 = arith.constant 24 : i32
        %dma_wait3A_1848 = arith.constant 0 : i32
        %dma_wait3A_1849 = tpu.memref_slice %arg10[%dma_wait3A_1847, %dma_wait3A_1848] : memref<128x129xf32, #tpu.memory_space<vmem>> -> memref<8x128xf32, #tpu.memory_space<vmem>>
        tpu.wait_dma2 semaphore(%arg16 : memref<!tpu.dma_semaphore, #tpu.memory_space<semaphore_mem>>) src(%dma_wait3A_1849 : memref<8x128xf32, #tpu.memory_space<vmem>>) dst(%dma_wait3A_1846 : memref<8x128xf32, #tpu.memory_space<hbm>>)
        %dma_wait3A_1850 = arith.constant 1 : i32
        %dma_wait3A_1851 = arith.constant 32 : i32
        %dma_wait3A_1852 = arith.constant 0 : i32
        %dma_wait3A_1853 = tpu.memref_slice %arg10[%dma_wait3A_1851, %dma_wait3A_1852] : memref<128x129xf32, #tpu.memory_space<vmem>> -> memref<8x128xf32, #tpu.memory_space<vmem>>
        %dma_wait3A_1854 = arith.constant 0 : i32
        %dma_wait3A_1855 = arith.constant 0 : i32
        %dma_wait3A_1856 = tpu.memref_slice %arg4[%select_n3A_1715, %dma_wait3A_1850, %add3A_1767, %dma_wait3A_1854, %dma_wait3A_1855] : memref<200x4x32x8x128xf32, #tpu.memory_space<hbm>> -> memref<1x1x1x8x128xf32, #tpu.memory_space<hbm>>
        %dma_wait3A_1857 = tpu.memref_squeeze %dma_wait3A_1856 : memref<1x1x1x8x128xf32, #tpu.memory_space<hbm>> -> memref<8x128xf32, #tpu.memory_space<hbm>>
        %dma_wait3A_1858 = arith.constant 0 : i32
        %dma_wait3A_1859 = arith.constant 0 : i32
        %dma_wait3A_1860 = tpu.memref_slice %arg4[%select_n3A_1715, %dma_wait3A_1850, %add3A_1767, %dma_wait3A_1858, %dma_wait3A_1859] : memref<200x4x32x8x128xf32, #tpu.memory_space<hbm>> -> memref<1x1x1x8x128xf32, #tpu.memory_space<hbm>>
        %dma_wait3A_1861 = tpu.memref_squeeze %dma_wait3A_1860 : memref<1x1x1x8x128xf32, #tpu.memory_space<hbm>> -> memref<8x128xf32, #tpu.memory_space<hbm>>
        %dma_wait3A_1862 = arith.constant 32 : i32
        %dma_wait3A_1863 = arith.constant 0 : i32
        %dma_wait3A_1864 = tpu.memref_slice %arg10[%dma_wait3A_1862, %dma_wait3A_1863] : memref<128x129xf32, #tpu.memory_space<vmem>> -> memref<8x128xf32, #tpu.memory_space<vmem>>
        tpu.wait_dma2 semaphore(%arg16 : memref<!tpu.dma_semaphore, #tpu.memory_space<semaphore_mem>>) src(%dma_wait3A_1864 : memref<8x128xf32, #tpu.memory_space<vmem>>) dst(%dma_wait3A_1861 : memref<8x128xf32, #tpu.memory_space<hbm>>)
        %dma_wait3A_1865 = arith.constant 1 : i32
        %dma_wait3A_1866 = arith.constant 40 : i32
        %dma_wait3A_1867 = arith.constant 0 : i32
        %dma_wait3A_1868 = tpu.memref_slice %arg10[%dma_wait3A_1866, %dma_wait3A_1867] : memref<128x129xf32, #tpu.memory_space<vmem>> -> memref<8x128xf32, #tpu.memory_space<vmem>>
        %dma_wait3A_1869 = arith.constant 0 : i32
        %dma_wait3A_1870 = arith.constant 0 : i32
        %dma_wait3A_1871 = tpu.memref_slice %arg4[%select_n3A_1715, %dma_wait3A_1865, %add3A_1769, %dma_wait3A_1869, %dma_wait3A_1870] : memref<200x4x32x8x128xf32, #tpu.memory_space<hbm>> -> memref<1x1x1x8x128xf32, #tpu.memory_space<hbm>>
        %dma_wait3A_1872 = tpu.memref_squeeze %dma_wait3A_1871 : memref<1x1x1x8x128xf32, #tpu.memory_space<hbm>> -> memref<8x128xf32, #tpu.memory_space<hbm>>
        %dma_wait3A_1873 = arith.constant 0 : i32
        %dma_wait3A_1874 = arith.constant 0 : i32
        %dma_wait3A_1875 = tpu.memref_slice %arg4[%select_n3A_1715, %dma_wait3A_1865, %add3A_1769, %dma_wait3A_1873, %dma_wait3A_1874] : memref<200x4x32x8x128xf32, #tpu.memory_space<hbm>> -> memref<1x1x1x8x128xf32, #tpu.memory_space<hbm>>
        %dma_wait3A_1876 = tpu.memref_squeeze %dma_wait3A_1875 : memref<1x1x1x8x128xf32, #tpu.memory_space<hbm>> -> memref<8x128xf32, #tpu.memory_space<hbm>>
        %dma_wait3A_1877 = arith.constant 40 : i32
        %dma_wait3A_1878 = arith.constant 0 : i32
        %dma_wait3A_1879 = tpu.memref_slice %arg10[%dma_wait3A_1877, %dma_wait3A_1878] : memref<128x129xf32, #tpu.memory_space<vmem>> -> memref<8x128xf32, #tpu.memory_space<vmem>>
        tpu.wait_dma2 semaphore(%arg16 : memref<!tpu.dma_semaphore, #tpu.memory_space<semaphore_mem>>) src(%dma_wait3A_1879 : memref<8x128xf32, #tpu.memory_space<vmem>>) dst(%dma_wait3A_1876 : memref<8x128xf32, #tpu.memory_space<hbm>>)
        %dma_wait3A_1880 = arith.constant 1 : i32
        %dma_wait3A_1881 = arith.constant 48 : i32
        %dma_wait3A_1882 = arith.constant 0 : i32
        %dma_wait3A_1883 = tpu.memref_slice %arg10[%dma_wait3A_1881, %dma_wait3A_1882] : memref<128x129xf32, #tpu.memory_space<vmem>> -> memref<8x128xf32, #tpu.memory_space<vmem>>
        %dma_wait3A_1884 = arith.constant 0 : i32
        %dma_wait3A_1885 = arith.constant 0 : i32
        %dma_wait3A_1886 = tpu.memref_slice %arg4[%select_n3A_1715, %dma_wait3A_1880, %add3A_1771, %dma_wait3A_1884, %dma_wait3A_1885] : memref<200x4x32x8x128xf32, #tpu.memory_space<hbm>> -> memref<1x1x1x8x128xf32, #tpu.memory_space<hbm>>
        %dma_wait3A_1887 = tpu.memref_squeeze %dma_wait3A_1886 : memref<1x1x1x8x128xf32, #tpu.memory_space<hbm>> -> memref<8x128xf32, #tpu.memory_space<hbm>>
        %dma_wait3A_1888 = arith.constant 0 : i32
        %dma_wait3A_1889 = arith.constant 0 : i32
        %dma_wait3A_1890 = tpu.memref_slice %arg4[%select_n3A_1715, %dma_wait3A_1880, %add3A_1771, %dma_wait3A_1888, %dma_wait3A_1889] : memref<200x4x32x8x128xf32, #tpu.memory_space<hbm>> -> memref<1x1x1x8x128xf32, #tpu.memory_space<hbm>>
        %dma_wait3A_1891 = tpu.memref_squeeze %dma_wait3A_1890 : memref<1x1x1x8x128xf32, #tpu.memory_space<hbm>> -> memref<8x128xf32, #tpu.memory_space<hbm>>
        %dma_wait3A_1892 = arith.constant 48 : i32
        %dma_wait3A_1893 = arith.constant 0 : i32
        %dma_wait3A_1894 = tpu.memref_slice %arg10[%dma_wait3A_1892, %dma_wait3A_1893] : memref<128x129xf32, #tpu.memory_space<vmem>> -> memref<8x128xf32, #tpu.memory_space<vmem>>
        tpu.wait_dma2 semaphore(%arg16 : memref<!tpu.dma_semaphore, #tpu.memory_space<semaphore_mem>>) src(%dma_wait3A_1894 : memref<8x128xf32, #tpu.memory_space<vmem>>) dst(%dma_wait3A_1891 : memref<8x128xf32, #tpu.memory_space<hbm>>)
        %dma_wait3A_1895 = arith.constant 1 : i32
        %dma_wait3A_1896 = arith.constant 56 : i32
        %dma_wait3A_1897 = arith.constant 0 : i32
        %dma_wait3A_1898 = tpu.memref_slice %arg10[%dma_wait3A_1896, %dma_wait3A_1897] : memref<128x129xf32, #tpu.memory_space<vmem>> -> memref<8x128xf32, #tpu.memory_space<vmem>>
        %dma_wait3A_1899 = arith.constant 0 : i32
        %dma_wait3A_1900 = arith.constant 0 : i32
        %dma_wait3A_1901 = tpu.memref_slice %arg4[%select_n3A_1715, %dma_wait3A_1895, %add3A_1773, %dma_wait3A_1899, %dma_wait3A_1900] : memref<200x4x32x8x128xf32, #tpu.memory_space<hbm>> -> memref<1x1x1x8x128xf32, #tpu.memory_space<hbm>>
        %dma_wait3A_1902 = tpu.memref_squeeze %dma_wait3A_1901 : memref<1x1x1x8x128xf32, #tpu.memory_space<hbm>> -> memref<8x128xf32, #tpu.memory_space<hbm>>
        %dma_wait3A_1903 = arith.constant 0 : i32
        %dma_wait3A_1904 = arith.constant 0 : i32
        %dma_wait3A_1905 = tpu.memref_slice %arg4[%select_n3A_1715, %dma_wait3A_1895, %add3A_1773, %dma_wait3A_1903, %dma_wait3A_1904] : memref<200x4x32x8x128xf32, #tpu.memory_space<hbm>> -> memref<1x1x1x8x128xf32, #tpu.memory_space<hbm>>
        %dma_wait3A_1906 = tpu.memref_squeeze %dma_wait3A_1905 : memref<1x1x1x8x128xf32, #tpu.memory_space<hbm>> -> memref<8x128xf32, #tpu.memory_space<hbm>>
        %dma_wait3A_1907 = arith.constant 56 : i32
        %dma_wait3A_1908 = arith.constant 0 : i32
        %dma_wait3A_1909 = tpu.memref_slice %arg10[%dma_wait3A_1907, %dma_wait3A_1908] : memref<128x129xf32, #tpu.memory_space<vmem>> -> memref<8x128xf32, #tpu.memory_space<vmem>>
        tpu.wait_dma2 semaphore(%arg16 : memref<!tpu.dma_semaphore, #tpu.memory_space<semaphore_mem>>) src(%dma_wait3A_1909 : memref<8x128xf32, #tpu.memory_space<vmem>>) dst(%dma_wait3A_1906 : memref<8x128xf32, #tpu.memory_space<hbm>>)
        %dma_wait3A_1910 = arith.constant 2 : i32
        %dma_wait3A_1911 = arith.constant 64 : i32
        %dma_wait3A_1912 = arith.constant 0 : i32
        %dma_wait3A_1913 = tpu.memref_slice %arg10[%dma_wait3A_1911, %dma_wait3A_1912] : memref<128x129xf32, #tpu.memory_space<vmem>> -> memref<8x128xf32, #tpu.memory_space<vmem>>
        %dma_wait3A_1914 = arith.constant 0 : i32
        %dma_wait3A_1915 = arith.constant 0 : i32
        %dma_wait3A_1916 = tpu.memref_slice %arg4[%select_n3A_1715, %dma_wait3A_1910, %add3A_1775, %dma_wait3A_1914, %dma_wait3A_1915] : memref<200x4x32x8x128xf32, #tpu.memory_space<hbm>> -> memref<1x1x1x8x128xf32, #tpu.memory_space<hbm>>
        %dma_wait3A_1917 = tpu.memref_squeeze %dma_wait3A_1916 : memref<1x1x1x8x128xf32, #tpu.memory_space<hbm>> -> memref<8x128xf32, #tpu.memory_space<hbm>>
        %dma_wait3A_1918 = arith.constant 0 : i32
        %dma_wait3A_1919 = arith.constant 0 : i32
        %dma_wait3A_1920 = tpu.memref_slice %arg4[%select_n3A_1715, %dma_wait3A_1910, %add3A_1775, %dma_wait3A_1918, %dma_wait3A_1919] : memref<200x4x32x8x128xf32, #tpu.memory_space<hbm>> -> memref<1x1x1x8x128xf32, #tpu.memory_space<hbm>>
        %dma_wait3A_1921 = tpu.memref_squeeze %dma_wait3A_1920 : memref<1x1x1x8x128xf32, #tpu.memory_space<hbm>> -> memref<8x128xf32, #tpu.memory_space<hbm>>
        %dma_wait3A_1922 = arith.constant 64 : i32
        %dma_wait3A_1923 = arith.constant 0 : i32
        %dma_wait3A_1924 = tpu.memref_slice %arg10[%dma_wait3A_1922, %dma_wait3A_1923] : memref<128x129xf32, #tpu.memory_space<vmem>> -> memref<8x128xf32, #tpu.memory_space<vmem>>
        tpu.wait_dma2 semaphore(%arg16 : memref<!tpu.dma_semaphore, #tpu.memory_space<semaphore_mem>>) src(%dma_wait3A_1924 : memref<8x128xf32, #tpu.memory_space<vmem>>) dst(%dma_wait3A_1921 : memref<8x128xf32, #tpu.memory_space<hbm>>)
        %dma_wait3A_1925 = arith.constant 2 : i32
        %dma_wait3A_1926 = arith.constant 72 : i32
        %dma_wait3A_1927 = arith.constant 0 : i32
        %dma_wait3A_1928 = tpu.memref_slice %arg10[%dma_wait3A_1926, %dma_wait3A_1927] : memref<128x129xf32, #tpu.memory_space<vmem>> -> memref<8x128xf32, #tpu.memory_space<vmem>>
        %dma_wait3A_1929 = arith.constant 0 : i32
        %dma_wait3A_1930 = arith.constant 0 : i32
        %dma_wait3A_1931 = tpu.memref_slice %arg4[%select_n3A_1715, %dma_wait3A_1925, %add3A_1777, %dma_wait3A_1929, %dma_wait3A_1930] : memref<200x4x32x8x128xf32, #tpu.memory_space<hbm>> -> memref<1x1x1x8x128xf32, #tpu.memory_space<hbm>>
        %dma_wait3A_1932 = tpu.memref_squeeze %dma_wait3A_1931 : memref<1x1x1x8x128xf32, #tpu.memory_space<hbm>> -> memref<8x128xf32, #tpu.memory_space<hbm>>
        %dma_wait3A_1933 = arith.constant 0 : i32
        %dma_wait3A_1934 = arith.constant 0 : i32
        %dma_wait3A_1935 = tpu.memref_slice %arg4[%select_n3A_1715, %dma_wait3A_1925, %add3A_1777, %dma_wait3A_1933, %dma_wait3A_1934] : memref<200x4x32x8x128xf32, #tpu.memory_space<hbm>> -> memref<1x1x1x8x128xf32, #tpu.memory_space<hbm>>
        %dma_wait3A_1936 = tpu.memref_squeeze %dma_wait3A_1935 : memref<1x1x1x8x128xf32, #tpu.memory_space<hbm>> -> memref<8x128xf32, #tpu.memory_space<hbm>>
        %dma_wait3A_1937 = arith.constant 72 : i32
        %dma_wait3A_1938 = arith.constant 0 : i32
        %dma_wait3A_1939 = tpu.memref_slice %arg10[%dma_wait3A_1937, %dma_wait3A_1938] : memref<128x129xf32, #tpu.memory_space<vmem>> -> memref<8x128xf32, #tpu.memory_space<vmem>>
        tpu.wait_dma2 semaphore(%arg16 : memref<!tpu.dma_semaphore, #tpu.memory_space<semaphore_mem>>) src(%dma_wait3A_1939 : memref<8x128xf32, #tpu.memory_space<vmem>>) dst(%dma_wait3A_1936 : memref<8x128xf32, #tpu.memory_space<hbm>>)
        %dma_wait3A_1940 = arith.constant 2 : i32
        %dma_wait3A_1941 = arith.constant 80 : i32
        %dma_wait3A_1942 = arith.constant 0 : i32
        %dma_wait3A_1943 = tpu.memref_slice %arg10[%dma_wait3A_1941, %dma_wait3A_1942] : memref<128x129xf32, #tpu.memory_space<vmem>> -> memref<8x128xf32, #tpu.memory_space<vmem>>
        %dma_wait3A_1944 = arith.constant 0 : i32
        %dma_wait3A_1945 = arith.constant 0 : i32
        %dma_wait3A_1946 = tpu.memref_slice %arg4[%select_n3A_1715, %dma_wait3A_1940, %add3A_1779, %dma_wait3A_1944, %dma_wait3A_1945] : memref<200x4x32x8x128xf32, #tpu.memory_space<hbm>> -> memref<1x1x1x8x128xf32, #tpu.memory_space<hbm>>
        %dma_wait3A_1947 = tpu.memref_squeeze %dma_wait3A_1946 : memref<1x1x1x8x128xf32, #tpu.memory_space<hbm>> -> memref<8x128xf32, #tpu.memory_space<hbm>>
        %dma_wait3A_1948 = arith.constant 0 : i32
        %dma_wait3A_1949 = arith.constant 0 : i32
        %dma_wait3A_1950 = tpu.memref_slice %arg4[%select_n3A_1715, %dma_wait3A_1940, %add3A_1779, %dma_wait3A_1948, %dma_wait3A_1949] : memref<200x4x32x8x128xf32, #tpu.memory_space<hbm>> -> memref<1x1x1x8x128xf32, #tpu.memory_space<hbm>>
        %dma_wait3A_1951 = tpu.memref_squeeze %dma_wait3A_1950 : memref<1x1x1x8x128xf32, #tpu.memory_space<hbm>> -> memref<8x128xf32, #tpu.memory_space<hbm>>
        %dma_wait3A_1952 = arith.constant 80 : i32
        %dma_wait3A_1953 = arith.constant 0 : i32
        %dma_wait3A_1954 = tpu.memref_slice %arg10[%dma_wait3A_1952, %dma_wait3A_1953] : memref<128x129xf32, #tpu.memory_space<vmem>> -> memref<8x128xf32, #tpu.memory_space<vmem>>
        tpu.wait_dma2 semaphore(%arg16 : memref<!tpu.dma_semaphore, #tpu.memory_space<semaphore_mem>>) src(%dma_wait3A_1954 : memref<8x128xf32, #tpu.memory_space<vmem>>) dst(%dma_wait3A_1951 : memref<8x128xf32, #tpu.memory_space<hbm>>)
        %dma_wait3A_1955 = arith.constant 2 : i32
        %dma_wait3A_1956 = arith.constant 88 : i32
        %dma_wait3A_1957 = arith.constant 0 : i32
        %dma_wait3A_1958 = tpu.memref_slice %arg10[%dma_wait3A_1956, %dma_wait3A_1957] : memref<128x129xf32, #tpu.memory_space<vmem>> -> memref<8x128xf32, #tpu.memory_space<vmem>>
        %dma_wait3A_1959 = arith.constant 0 : i32
        %dma_wait3A_1960 = arith.constant 0 : i32
        %dma_wait3A_1961 = tpu.memref_slice %arg4[%select_n3A_1715, %dma_wait3A_1955, %add3A_1781, %dma_wait3A_1959, %dma_wait3A_1960] : memref<200x4x32x8x128xf32, #tpu.memory_space<hbm>> -> memref<1x1x1x8x128xf32, #tpu.memory_space<hbm>>
        %dma_wait3A_1962 = tpu.memref_squeeze %dma_wait3A_1961 : memref<1x1x1x8x128xf32, #tpu.memory_space<hbm>> -> memref<8x128xf32, #tpu.memory_space<hbm>>
        %dma_wait3A_1963 = arith.constant 0 : i32
        %dma_wait3A_1964 = arith.constant 0 : i32
        %dma_wait3A_1965 = tpu.memref_slice %arg4[%select_n3A_1715, %dma_wait3A_1955, %add3A_1781, %dma_wait3A_1963, %dma_wait3A_1964] : memref<200x4x32x8x128xf32, #tpu.memory_space<hbm>> -> memref<1x1x1x8x128xf32, #tpu.memory_space<hbm>>
        %dma_wait3A_1966 = tpu.memref_squeeze %dma_wait3A_1965 : memref<1x1x1x8x128xf32, #tpu.memory_space<hbm>> -> memref<8x128xf32, #tpu.memory_space<hbm>>
        %dma_wait3A_1967 = arith.constant 88 : i32
        %dma_wait3A_1968 = arith.constant 0 : i32
        %dma_wait3A_1969 = tpu.memref_slice %arg10[%dma_wait3A_1967, %dma_wait3A_1968] : memref<128x129xf32, #tpu.memory_space<vmem>> -> memref<8x128xf32, #tpu.memory_space<vmem>>
        tpu.wait_dma2 semaphore(%arg16 : memref<!tpu.dma_semaphore, #tpu.memory_space<semaphore_mem>>) src(%dma_wait3A_1969 : memref<8x128xf32, #tpu.memory_space<vmem>>) dst(%dma_wait3A_1966 : memref<8x128xf32, #tpu.memory_space<hbm>>)
        %dma_wait3A_1970 = arith.constant 3 : i32
        %dma_wait3A_1971 = arith.constant 96 : i32
        %dma_wait3A_1972 = arith.constant 0 : i32
        %dma_wait3A_1973 = tpu.memref_slice %arg10[%dma_wait3A_1971, %dma_wait3A_1972] : memref<128x129xf32, #tpu.memory_space<vmem>> -> memref<8x128xf32, #tpu.memory_space<vmem>>
        %dma_wait3A_1974 = arith.constant 0 : i32
        %dma_wait3A_1975 = arith.constant 0 : i32
        %dma_wait3A_1976 = tpu.memref_slice %arg4[%select_n3A_1715, %dma_wait3A_1970, %add3A_1783, %dma_wait3A_1974, %dma_wait3A_1975] : memref<200x4x32x8x128xf32, #tpu.memory_space<hbm>> -> memref<1x1x1x8x128xf32, #tpu.memory_space<hbm>>
        %dma_wait3A_1977 = tpu.memref_squeeze %dma_wait3A_1976 : memref<1x1x1x8x128xf32, #tpu.memory_space<hbm>> -> memref<8x128xf32, #tpu.memory_space<hbm>>
        %dma_wait3A_1978 = arith.constant 0 : i32
        %dma_wait3A_1979 = arith.constant 0 : i32
        %dma_wait3A_1980 = tpu.memref_slice %arg4[%select_n3A_1715, %dma_wait3A_1970, %add3A_1783, %dma_wait3A_1978, %dma_wait3A_1979] : memref<200x4x32x8x128xf32, #tpu.memory_space<hbm>> -> memref<1x1x1x8x128xf32, #tpu.memory_space<hbm>>
        %dma_wait3A_1981 = tpu.memref_squeeze %dma_wait3A_1980 : memref<1x1x1x8x128xf32, #tpu.memory_space<hbm>> -> memref<8x128xf32, #tpu.memory_space<hbm>>
        %dma_wait3A_1982 = arith.constant 96 : i32
        %dma_wait3A_1983 = arith.constant 0 : i32
        %dma_wait3A_1984 = tpu.memref_slice %arg10[%dma_wait3A_1982, %dma_wait3A_1983] : memref<128x129xf32, #tpu.memory_space<vmem>> -> memref<8x128xf32, #tpu.memory_space<vmem>>
        tpu.wait_dma2 semaphore(%arg16 : memref<!tpu.dma_semaphore, #tpu.memory_space<semaphore_mem>>) src(%dma_wait3A_1984 : memref<8x128xf32, #tpu.memory_space<vmem>>) dst(%dma_wait3A_1981 : memref<8x128xf32, #tpu.memory_space<hbm>>)
        %dma_wait3A_1985 = arith.constant 3 : i32
        %dma_wait3A_1986 = arith.constant 104 : i32
        %dma_wait3A_1987 = arith.constant 0 : i32
        %dma_wait3A_1988 = tpu.memref_slice %arg10[%dma_wait3A_1986, %dma_wait3A_1987] : memref<128x129xf32, #tpu.memory_space<vmem>> -> memref<8x128xf32, #tpu.memory_space<vmem>>
        %dma_wait3A_1989 = arith.constant 0 : i32
        %dma_wait3A_1990 = arith.constant 0 : i32
        %dma_wait3A_1991 = tpu.memref_slice %arg4[%select_n3A_1715, %dma_wait3A_1985, %add3A_1785, %dma_wait3A_1989, %dma_wait3A_1990] : memref<200x4x32x8x128xf32, #tpu.memory_space<hbm>> -> memref<1x1x1x8x128xf32, #tpu.memory_space<hbm>>
        %dma_wait3A_1992 = tpu.memref_squeeze %dma_wait3A_1991 : memref<1x1x1x8x128xf32, #tpu.memory_space<hbm>> -> memref<8x128xf32, #tpu.memory_space<hbm>>
        %dma_wait3A_1993 = arith.constant 0 : i32
        %dma_wait3A_1994 = arith.constant 0 : i32
        %dma_wait3A_1995 = tpu.memref_slice %arg4[%select_n3A_1715, %dma_wait3A_1985, %add3A_1785, %dma_wait3A_1993, %dma_wait3A_1994] : memref<200x4x32x8x128xf32, #tpu.memory_space<hbm>> -> memref<1x1x1x8x128xf32, #tpu.memory_space<hbm>>
        %dma_wait3A_1996 = tpu.memref_squeeze %dma_wait3A_1995 : memref<1x1x1x8x128xf32, #tpu.memory_space<hbm>> -> memref<8x128xf32, #tpu.memory_space<hbm>>
        %dma_wait3A_1997 = arith.constant 104 : i32
        %dma_wait3A_1998 = arith.constant 0 : i32
        %dma_wait3A_1999 = tpu.memref_slice %arg10[%dma_wait3A_1997, %dma_wait3A_1998] : memref<128x129xf32, #tpu.memory_space<vmem>> -> memref<8x128xf32, #tpu.memory_space<vmem>>
        tpu.wait_dma2 semaphore(%arg16 : memref<!tpu.dma_semaphore, #tpu.memory_space<semaphore_mem>>) src(%dma_wait3A_1999 : memref<8x128xf32, #tpu.memory_space<vmem>>) dst(%dma_wait3A_1996 : memref<8x128xf32, #tpu.memory_space<hbm>>)
        %dma_wait3A_2000 = arith.constant 3 : i32
        %dma_wait3A_2001 = arith.constant 112 : i32
        %dma_wait3A_2002 = arith.constant 0 : i32
        %dma_wait3A_2003 = tpu.memref_slice %arg10[%dma_wait3A_2001, %dma_wait3A_2002] : memref<128x129xf32, #tpu.memory_space<vmem>> -> memref<8x128xf32, #tpu.memory_space<vmem>>
        %dma_wait3A_2004 = arith.constant 0 : i32
        %dma_wait3A_2005 = arith.constant 0 : i32
        %dma_wait3A_2006 = tpu.memref_slice %arg4[%select_n3A_1715, %dma_wait3A_2000, %add3A_1787, %dma_wait3A_2004, %dma_wait3A_2005] : memref<200x4x32x8x128xf32, #tpu.memory_space<hbm>> -> memref<1x1x1x8x128xf32, #tpu.memory_space<hbm>>
        %dma_wait3A_2007 = tpu.memref_squeeze %dma_wait3A_2006 : memref<1x1x1x8x128xf32, #tpu.memory_space<hbm>> -> memref<8x128xf32, #tpu.memory_space<hbm>>
        %dma_wait3A_2008 = arith.constant 0 : i32
        %dma_wait3A_2009 = arith.constant 0 : i32
        %dma_wait3A_2010 = tpu.memref_slice %arg4[%select_n3A_1715, %dma_wait3A_2000, %add3A_1787, %dma_wait3A_2008, %dma_wait3A_2009] : memref<200x4x32x8x128xf32, #tpu.memory_space<hbm>> -> memref<1x1x1x8x128xf32, #tpu.memory_space<hbm>>
        %dma_wait3A_2011 = tpu.memref_squeeze %dma_wait3A_2010 : memref<1x1x1x8x128xf32, #tpu.memory_space<hbm>> -> memref<8x128xf32, #tpu.memory_space<hbm>>
        %dma_wait3A_2012 = arith.constant 112 : i32
        %dma_wait3A_2013 = arith.constant 0 : i32
        %dma_wait3A_2014 = tpu.memref_slice %arg10[%dma_wait3A_2012, %dma_wait3A_2013] : memref<128x129xf32, #tpu.memory_space<vmem>> -> memref<8x128xf32, #tpu.memory_space<vmem>>
        tpu.wait_dma2 semaphore(%arg16 : memref<!tpu.dma_semaphore, #tpu.memory_space<semaphore_mem>>) src(%dma_wait3A_2014 : memref<8x128xf32, #tpu.memory_space<vmem>>) dst(%dma_wait3A_2011 : memref<8x128xf32, #tpu.memory_space<hbm>>)
        %dma_wait3A_2015 = arith.constant 3 : i32
        %dma_wait3A_2016 = arith.constant 120 : i32
        %dma_wait3A_2017 = arith.constant 0 : i32
        %dma_wait3A_2018 = tpu.memref_slice %arg10[%dma_wait3A_2016, %dma_wait3A_2017] : memref<128x129xf32, #tpu.memory_space<vmem>> -> memref<8x128xf32, #tpu.memory_space<vmem>>
        %dma_wait3A_2019 = arith.constant 0 : i32
        %dma_wait3A_2020 = arith.constant 0 : i32
        %dma_wait3A_2021 = tpu.memref_slice %arg4[%select_n3A_1715, %dma_wait3A_2015, %add3A_1789, %dma_wait3A_2019, %dma_wait3A_2020] : memref<200x4x32x8x128xf32, #tpu.memory_space<hbm>> -> memref<1x1x1x8x128xf32, #tpu.memory_space<hbm>>
        %dma_wait3A_2022 = tpu.memref_squeeze %dma_wait3A_2021 : memref<1x1x1x8x128xf32, #tpu.memory_space<hbm>> -> memref<8x128xf32, #tpu.memory_space<hbm>>
        %dma_wait3A_2023 = arith.constant 0 : i32
        %dma_wait3A_2024 = arith.constant 0 : i32
        %dma_wait3A_2025 = tpu.memref_slice %arg4[%select_n3A_1715, %dma_wait3A_2015, %add3A_1789, %dma_wait3A_2023, %dma_wait3A_2024] : memref<200x4x32x8x128xf32, #tpu.memory_space<hbm>> -> memref<1x1x1x8x128xf32, #tpu.memory_space<hbm>>
        %dma_wait3A_2026 = tpu.memref_squeeze %dma_wait3A_2025 : memref<1x1x1x8x128xf32, #tpu.memory_space<hbm>> -> memref<8x128xf32, #tpu.memory_space<hbm>>
        %dma_wait3A_2027 = arith.constant 120 : i32
        %dma_wait3A_2028 = arith.constant 0 : i32
        %dma_wait3A_2029 = tpu.memref_slice %arg10[%dma_wait3A_2027, %dma_wait3A_2028] : memref<128x129xf32, #tpu.memory_space<vmem>> -> memref<8x128xf32, #tpu.memory_space<vmem>>
        tpu.wait_dma2 semaphore(%arg16 : memref<!tpu.dma_semaphore, #tpu.memory_space<semaphore_mem>>) src(%dma_wait3A_2029 : memref<8x128xf32, #tpu.memory_space<vmem>>) dst(%dma_wait3A_2026 : memref<8x128xf32, #tpu.memory_space<hbm>>)
      } else {
      }
      %iota3A_1283 = tpu.iota {dimensions = array<i32: 0>} : vector<16xi32>
      %jit3A_1284 = arith.constant 8 : i32
      %div3A_1285 = vector.broadcast %jit3A_1284 : i32 to vector<16xi32>
      %div3A_1286 = arith.divsi %iota3A_1283, %div3A_1285 : vector<16xi32>
      %sign3A_1287 = arith.constant 0 : i32
      %sign3A_1288 = vector.broadcast %sign3A_1287 : i32 to vector<16xi32>
      %sign3A_1289 = arith.cmpi sgt, %iota3A_1283, %sign3A_1288 : vector<16xi32>
      %sign3A_1290 = arith.extui %sign3A_1289 : vector<16xi1> to vector<16xi32>
      %sign3A_1291 = arith.constant 0 : i32
      %sign3A_1292 = vector.broadcast %sign3A_1291 : i32 to vector<16xi32>
      %sign3A_1293 = arith.cmpi slt, %iota3A_1283, %sign3A_1292 : vector<16xi32>
      %sign3A_1294 = arith.extui %sign3A_1293 : vector<16xi1> to vector<16xi32>
      %sign3A_1295 = arith.subi %sign3A_1290, %sign3A_1294 : vector<16xi32>
      %sign3A_1296 = arith.constant 0 : i32
      %sign3A_1297 = arith.cmpi sgt, %jit3A_1284, %sign3A_1296 : i32
      %sign3A_1298 = arith.extui %sign3A_1297 : i1 to i32
      %sign3A_1299 = arith.constant 0 : i32
      %sign3A_1300 = arith.cmpi slt, %jit3A_1284, %sign3A_1299 : i32
      %sign3A_1301 = arith.extui %sign3A_1300 : i1 to i32
      %sign3A_1302 = arith.subi %sign3A_1298, %sign3A_1301 : i32
      %ne3A_1303 = vector.broadcast %sign3A_1302 : i32 to vector<16xi32>
      %ne3A_1304 = arith.cmpi ne, %sign3A_1295, %ne3A_1303 : vector<16xi32>
      %rem3A_1305 = vector.broadcast %jit3A_1284 : i32 to vector<16xi32>
      %rem3A_1306 = arith.remsi %iota3A_1283, %rem3A_1305 : vector<16xi32>
      %ne3A_1307 = arith.constant 0 : i32
      %ne3A_1308 = vector.broadcast %ne3A_1307 : i32 to vector<16xi32>
      %ne3A_1309 = arith.cmpi ne, %rem3A_1306, %ne3A_1308 : vector<16xi32>
      %and3A_1310 = arith.andi %ne3A_1304, %ne3A_1309 : vector<16xi1>
      %sub3A_1311 = arith.constant 1 : i32
      %sub3A_1312 = vector.broadcast %sub3A_1311 : i32 to vector<16xi32>
      %sub3A_1313 = arith.subi %div3A_1286, %sub3A_1312 : vector<16xi32>
      %select_n3A_1314 = arith.select %and3A_1310, %sub3A_1313, %div3A_1286 : vector<16xi1>, vector<16xi32>
      %mul3A_1315 = arith.constant 32 : i32
      %mul3A_1316 = vector.broadcast %mul3A_1315 : i32 to vector<16xi32>
      %mul3A_1317 = arith.muli %select_n3A_1314, %mul3A_1316 : vector<16xi32>
      %jit3A_1318 = arith.constant 8 : i32
      %eq3A_1319 = arith.constant 0 : i32
      %eq3A_1320 = arith.cmpi eq, %jit3A_1318, %eq3A_1319 : i32
      %jit3A_1321 = arith.constant 1 : i32
      %select_n3A_1322 = arith.select %eq3A_1320, %jit3A_1321, %jit3A_1318 : i32
      %rem3A_1323 = vector.broadcast %select_n3A_1322 : i32 to vector<16xi32>
      %rem3A_1324 = arith.remsi %iota3A_1283, %rem3A_1323 : vector<16xi32>
      %ne3A_1325 = arith.constant 0 : i32
      %ne3A_1326 = vector.broadcast %ne3A_1325 : i32 to vector<16xi32>
      %ne3A_1327 = arith.cmpi ne, %rem3A_1324, %ne3A_1326 : vector<16xi32>
      %lt3A_1328 = arith.constant 0 : i32
      %lt3A_1329 = vector.broadcast %lt3A_1328 : i32 to vector<16xi32>
      %lt3A_1330 = arith.cmpi slt, %rem3A_1324, %lt3A_1329 : vector<16xi32>
      %lt3A_1331 = arith.constant 0 : i32
      %lt3A_1332 = arith.cmpi slt, %select_n3A_1322, %lt3A_1331 : i32
      %ne3A_1333 = vector.broadcast %lt3A_1332 : i1 to vector<16xi1>
      %ne3A_1334 = vector.broadcast %ne3A_1333 : vector<16xi1> to vector<16xi1>
      %ne3A_1335 = arith.xori %lt3A_1330, %ne3A_1334 : vector<16xi1>
      %and3A_1336 = arith.andi %ne3A_1335, %ne3A_1327 : vector<16xi1>
      %add3A_1337 = vector.broadcast %select_n3A_1322 : i32 to vector<16xi32>
      %add3A_1338 = arith.addi %rem3A_1324, %add3A_1337 : vector<16xi32>
      %select_n3A_1339 = arith.select %and3A_1336, %add3A_1338, %rem3A_1324 : vector<16xi1>, vector<16xi32>
      %add3A_1340 = arith.addi %mul3A_1317, %select_n3A_1339 : vector<16xi32>
      %scan3A_1341 = arith.constant 0 : i32
      %scan3A_1342 = arith.constant 64 : i32
      %scan3A_1343 = arith.addi %scan3A_1341, %scan3A_1342 : i32
      %scan3A_1344 = arith.constant 1 : i32
      scf.for %scan3A_1687 = %scan3A_1341 to %scan3A_1343 step %scan3A_1344  : i32 {
        %mul3A_1688 = arith.constant 1 : i32
        %mul3A_1689 = arith.muli %scan3A_1687, %mul3A_1688 : i32
        %add3A_1690 = arith.constant 0 : i32
        %add3A_1691 = arith.addi %add3A_1690, %mul3A_1689 : i32
        %jit3A_1692 = arith.constant 16 : i32
        %div3A_1693 = arith.divsi %add3A_1691, %jit3A_1692 : i32
        %sign3A_1694 = arith.constant 0 : i32
        %sign3A_1695 = arith.cmpi sgt, %add3A_1691, %sign3A_1694 : i32
        %sign3A_1696 = arith.extui %sign3A_1695 : i1 to i32
        %sign3A_1697 = arith.constant 0 : i32
        %sign3A_1698 = arith.cmpi slt, %add3A_1691, %sign3A_1697 : i32
        %sign3A_1699 = arith.extui %sign3A_1698 : i1 to i32
        %sign3A_1700 = arith.subi %sign3A_1696, %sign3A_1699 : i32
        %sign3A_1701 = arith.constant 0 : i32
        %sign3A_1702 = arith.cmpi sgt, %jit3A_1692, %sign3A_1701 : i32
        %sign3A_1703 = arith.extui %sign3A_1702 : i1 to i32
        %sign3A_1704 = arith.constant 0 : i32
        %sign3A_1705 = arith.cmpi slt, %jit3A_1692, %sign3A_1704 : i32
        %sign3A_1706 = arith.extui %sign3A_1705 : i1 to i32
        %sign3A_1707 = arith.subi %sign3A_1703, %sign3A_1706 : i32
        %ne3A_1708 = arith.cmpi ne, %sign3A_1700, %sign3A_1707 : i32
        %rem3A_1709 = arith.remsi %add3A_1691, %jit3A_1692 : i32
        %ne3A_1710 = arith.constant 0 : i32
        %ne3A_1711 = arith.cmpi ne, %rem3A_1709, %ne3A_1710 : i32
        %and3A_1712 = arith.andi %ne3A_1708, %ne3A_1711 : i1
        %sub3A_1713 = arith.constant 1 : i32
        %sub3A_1714 = arith.subi %div3A_1693, %sub3A_1713 : i32
        %select_n3A_1715 = arith.select %and3A_1712, %sub3A_1714, %div3A_1693 : i32
        %jit3A_1716 = arith.constant 16 : i32
        %eq3A_1717 = arith.constant 0 : i32
        %eq3A_1718 = arith.cmpi eq, %jit3A_1716, %eq3A_1717 : i32
        %jit3A_1719 = arith.constant 1 : i32
        %select_n3A_1720 = arith.select %eq3A_1718, %jit3A_1719, %jit3A_1716 : i32
        %rem3A_1721 = arith.remsi %add3A_1691, %select_n3A_1720 : i32
        %ne3A_1722 = arith.constant 0 : i32
        %ne3A_1723 = arith.cmpi ne, %rem3A_1721, %ne3A_1722 : i32
        %lt3A_1724 = arith.constant 0 : i32
        %lt3A_1725 = arith.cmpi slt, %rem3A_1721, %lt3A_1724 : i32
        %lt3A_1726 = arith.constant 0 : i32
        %lt3A_1727 = arith.cmpi slt, %select_n3A_1720, %lt3A_1726 : i32
        %ne3A_1728 = arith.xori %lt3A_1725, %lt3A_1727 : i1
        %and3A_1729 = arith.andi %ne3A_1728, %ne3A_1723 : i1
        %add3A_1730 = arith.addi %rem3A_1721, %select_n3A_1720 : i32
        %select_n3A_1731 = arith.select %and3A_1729, %add3A_1730, %rem3A_1721 : i32
        %mul3A_1732 = arith.constant 128 : i32
        %mul3A_1733 = arith.muli %select_n3A_1715, %mul3A_1732 : i32
        %mul3A_1734 = arith.constant 8 : i32
        %mul3A_1735 = arith.muli %select_n3A_1731, %mul3A_1734 : i32
        %add3A_1736 = arith.addi %mul3A_1733, %mul3A_1735 : i32
        %mul3A_1737 = arith.constant 8 : i32
        %mul3A_1738 = arith.muli %select_n3A_1715, %mul3A_1737 : i32
        %add3A_1739 = vector.broadcast %mul3A_1738 : i32 to vector<16xi32>
        %add3A_1740 = arith.addi %add3A_1340, %add3A_1739 : vector<16xi32>
        %add3A_1741 = arith.constant 64 : i32
        %add3A_1742 = vector.broadcast %add3A_1741 : i32 to vector<16xi32>
        %add3A_1743 = arith.addi %add3A_1740, %add3A_1742 : vector<16xi32>
        %add3A_1744 = arith.constant 0 : i32
        %add3A_1745 = arith.addi %add3A_1736, %add3A_1744 : i32
        %get3A = arith.index_cast %add3A_1745 : i32 to index
        %get3A_1746 = arith.constant 0 : index
        %get3A_1747 = tpu.vector_load %arg8[%get3A, %get3A_1746] {strides = array<i32>} : memref<512x32xf32, #tpu.memory_space<vmem>>, vector<16xf32>,
        %add3A_1748 = arith.constant 0 : i32
        %add3A_1749 = arith.addi %add3A_1736, %add3A_1748 : i32
        %get3A_1750 = arith.index_cast %add3A_1749 : i32 to index
        %get3A_1751 = arith.constant 16 : index
        %get3A_1752 = tpu.vector_load %arg8[%get3A_1750, %get3A_1751] {strides = array<i32>} : memref<512x32xf32, #tpu.memory_space<vmem>>, vector<16xf32>,
        %mul3A_1753 = arith.constant 0 : i32
        %mul3A_1754 = vector.broadcast %mul3A_1753 : i32 to vector<16xi32>
        %mul3A_1755 = arith.muli %iota3A_1283, %mul3A_1754 : vector<16xi32>
        %mul3A_1756 = arith.constant 8 : i32
        %mul3A_1757 = arith.muli %select_n3A_1731, %mul3A_1756 : i32
        %add3A_1758 = arith.constant 0 : i32
        %add3A_1759 = arith.addi %mul3A_1757, %add3A_1758 : i32
        %add3A_1760 = vector.broadcast %add3A_1759 : i32 to vector<16xi32>
        %add3A_1761 = arith.addi %mul3A_1755, %add3A_1760 : vector<16xi32>
        tpu.vector_store_idx %arg10[%add3A_1740, %add3A_1761], %get3A_1747 : memref<128x129xf32, #tpu.memory_space<vmem>>[vector<16xi32>, vector<16xi32>], vector<16xf32>,
        tpu.vector_store_idx %arg10[%add3A_1743, %add3A_1761], %get3A_1752 : memref<128x129xf32, #tpu.memory_space<vmem>>[vector<16xi32>, vector<16xi32>], vector<16xf32>,
        %add3A_1762 = arith.constant 1 : i32
        %add3A_1763 = arith.addi %add3A_1736, %add3A_1762 : i32
        %get3A_1764 = arith.index_cast %add3A_1763 : i32 to index
        %get3A_1765 = arith.constant 0 : index
        %get3A_1766 = tpu.vector_load %arg8[%get3A_1764, %get3A_1765] {strides = array<i32>} : memref<512x32xf32, #tpu.memory_space<vmem>>, vector<16xf32>,
        %add3A_1767 = arith.constant 1 : i32
        %add3A_1768 = arith.addi %add3A_1736, %add3A_1767 : i32
        %get3A_1769 = arith.index_cast %add3A_1768 : i32 to index
        %get3A_1770 = arith.constant 16 : index
        %get3A_1771 = tpu.vector_load %arg8[%get3A_1769, %get3A_1770] {strides = array<i32>} : memref<512x32xf32, #tpu.memory_space<vmem>>, vector<16xf32>,
        %mul3A_1772 = arith.constant 0 : i32
        %mul3A_1773 = vector.broadcast %mul3A_1772 : i32 to vector<16xi32>
        %mul3A_1774 = arith.muli %iota3A_1283, %mul3A_1773 : vector<16xi32>
        %mul3A_1775 = arith.constant 8 : i32
        %mul3A_1776 = arith.muli %select_n3A_1731, %mul3A_1775 : i32
        %add3A_1777 = arith.constant 1 : i32
        %add3A_1778 = arith.addi %mul3A_1776, %add3A_1777 : i32
        %add3A_1779 = vector.broadcast %add3A_1778 : i32 to vector<16xi32>
        %add3A_1780 = arith.addi %mul3A_1774, %add3A_1779 : vector<16xi32>
        tpu.vector_store_idx %arg10[%add3A_1740, %add3A_1780], %get3A_1766 : memref<128x129xf32, #tpu.memory_space<vmem>>[vector<16xi32>, vector<16xi32>], vector<16xf32>,
        tpu.vector_store_idx %arg10[%add3A_1743, %add3A_1780], %get3A_1771 : memref<128x129xf32, #tpu.memory_space<vmem>>[vector<16xi32>, vector<16xi32>], vector<16xf32>,
        %add3A_1781 = arith.constant 2 : i32
        %add3A_1782 = arith.addi %add3A_1736, %add3A_1781 : i32
        %get3A_1783 = arith.index_cast %add3A_1782 : i32 to index
        %get3A_1784 = arith.constant 0 : index
        %get3A_1785 = tpu.vector_load %arg8[%get3A_1783, %get3A_1784] {strides = array<i32>} : memref<512x32xf32, #tpu.memory_space<vmem>>, vector<16xf32>,
        %add3A_1786 = arith.constant 2 : i32
        %add3A_1787 = arith.addi %add3A_1736, %add3A_1786 : i32
        %get3A_1788 = arith.index_cast %add3A_1787 : i32 to index
        %get3A_1789 = arith.constant 16 : index
        %get3A_1790 = tpu.vector_load %arg8[%get3A_1788, %get3A_1789] {strides = array<i32>} : memref<512x32xf32, #tpu.memory_space<vmem>>, vector<16xf32>,
        %mul3A_1791 = arith.constant 0 : i32
        %mul3A_1792 = vector.broadcast %mul3A_1791 : i32 to vector<16xi32>
        %mul3A_1793 = arith.muli %iota3A_1283, %mul3A_1792 : vector<16xi32>
        %mul3A_1794 = arith.constant 8 : i32
        %mul3A_1795 = arith.muli %select_n3A_1731, %mul3A_1794 : i32
        %add3A_1796 = arith.constant 2 : i32
        %add3A_1797 = arith.addi %mul3A_1795, %add3A_1796 : i32
        %add3A_1798 = vector.broadcast %add3A_1797 : i32 to vector<16xi32>
        %add3A_1799 = arith.addi %mul3A_1793, %add3A_1798 : vector<16xi32>
        tpu.vector_store_idx %arg10[%add3A_1740, %add3A_1799], %get3A_1785 : memref<128x129xf32, #tpu.memory_space<vmem>>[vector<16xi32>, vector<16xi32>], vector<16xf32>,
        tpu.vector_store_idx %arg10[%add3A_1743, %add3A_1799], %get3A_1790 : memref<128x129xf32, #tpu.memory_space<vmem>>[vector<16xi32>, vector<16xi32>], vector<16xf32>,
        %add3A_1800 = arith.constant 3 : i32
        %add3A_1801 = arith.addi %add3A_1736, %add3A_1800 : i32
        %get3A_1802 = arith.index_cast %add3A_1801 : i32 to index
        %get3A_1803 = arith.constant 0 : index
        %get3A_1804 = tpu.vector_load %arg8[%get3A_1802, %get3A_1803] {strides = array<i32>} : memref<512x32xf32, #tpu.memory_space<vmem>>, vector<16xf32>,
        %add3A_1805 = arith.constant 3 : i32
        %add3A_1806 = arith.addi %add3A_1736, %add3A_1805 : i32
        %get3A_1807 = arith.index_cast %add3A_1806 : i32 to index
        %get3A_1808 = arith.constant 16 : index
        %get3A_1809 = tpu.vector_load %arg8[%get3A_1807, %get3A_1808] {strides = array<i32>} : memref<512x32xf32, #tpu.memory_space<vmem>>, vector<16xf32>,
        %mul3A_1810 = arith.constant 0 : i32
        %mul3A_1811 = vector.broadcast %mul3A_1810 : i32 to vector<16xi32>
        %mul3A_1812 = arith.muli %iota3A_1283, %mul3A_1811 : vector<16xi32>
        %mul3A_1813 = arith.constant 8 : i32
        %mul3A_1814 = arith.muli %select_n3A_1731, %mul3A_1813 : i32
        %add3A_1815 = arith.constant 3 : i32
        %add3A_1816 = arith.addi %mul3A_1814, %add3A_1815 : i32
        %add3A_1817 = vector.broadcast %add3A_1816 : i32 to vector<16xi32>
        %add3A_1818 = arith.addi %mul3A_1812, %add3A_1817 : vector<16xi32>
        tpu.vector_store_idx %arg10[%add3A_1740, %add3A_1818], %get3A_1804 : memref<128x129xf32, #tpu.memory_space<vmem>>[vector<16xi32>, vector<16xi32>], vector<16xf32>,
        tpu.vector_store_idx %arg10[%add3A_1743, %add3A_1818], %get3A_1809 : memref<128x129xf32, #tpu.memory_space<vmem>>[vector<16xi32>, vector<16xi32>], vector<16xf32>,
        %add3A_1819 = arith.constant 4 : i32
        %add3A_1820 = arith.addi %add3A_1736, %add3A_1819 : i32
        %get3A_1821 = arith.index_cast %add3A_1820 : i32 to index
        %get3A_1822 = arith.constant 0 : index
        %get3A_1823 = tpu.vector_load %arg8[%get3A_1821, %get3A_1822] {strides = array<i32>} : memref<512x32xf32, #tpu.memory_space<vmem>>, vector<16xf32>,
        %add3A_1824 = arith.constant 4 : i32
        %add3A_1825 = arith.addi %add3A_1736, %add3A_1824 : i32
        %get3A_1826 = arith.index_cast %add3A_1825 : i32 to index
        %get3A_1827 = arith.constant 16 : index
        %get3A_1828 = tpu.vector_load %arg8[%get3A_1826, %get3A_1827] {strides = array<i32>} : memref<512x32xf32, #tpu.memory_space<vmem>>, vector<16xf32>,
        %mul3A_1829 = arith.constant 0 : i32
        %mul3A_1830 = vector.broadcast %mul3A_1829 : i32 to vector<16xi32>
        %mul3A_1831 = arith.muli %iota3A_1283, %mul3A_1830 : vector<16xi32>
        %mul3A_1832 = arith.constant 8 : i32
        %mul3A_1833 = arith.muli %select_n3A_1731, %mul3A_1832 : i32
        %add3A_1834 = arith.constant 4 : i32
        %add3A_1835 = arith.addi %mul3A_1833, %add3A_1834 : i32
        %add3A_1836 = vector.broadcast %add3A_1835 : i32 to vector<16xi32>
        %add3A_1837 = arith.addi %mul3A_1831, %add3A_1836 : vector<16xi32>
        tpu.vector_store_idx %arg10[%add3A_1740, %add3A_1837], %get3A_1823 : memref<128x129xf32, #tpu.memory_space<vmem>>[vector<16xi32>, vector<16xi32>], vector<16xf32>,
        tpu.vector_store_idx %arg10[%add3A_1743, %add3A_1837], %get3A_1828 : memref<128x129xf32, #tpu.memory_space<vmem>>[vector<16xi32>, vector<16xi32>], vector<16xf32>,
        %add3A_1838 = arith.constant 5 : i32
        %add3A_1839 = arith.addi %add3A_1736, %add3A_1838 : i32
        %get3A_1840 = arith.index_cast %add3A_1839 : i32 to index
        %get3A_1841 = arith.constant 0 : index
        %get3A_1842 = tpu.vector_load %arg8[%get3A_1840, %get3A_1841] {strides = array<i32>} : memref<512x32xf32, #tpu.memory_space<vmem>>, vector<16xf32>,
        %add3A_1843 = arith.constant 5 : i32
        %add3A_1844 = arith.addi %add3A_1736, %add3A_1843 : i32
        %get3A_1845 = arith.index_cast %add3A_1844 : i32 to index
        %get3A_1846 = arith.constant 16 : index
        %get3A_1847 = tpu.vector_load %arg8[%get3A_1845, %get3A_1846] {strides = array<i32>} : memref<512x32xf32, #tpu.memory_space<vmem>>, vector<16xf32>,
        %mul3A_1848 = arith.constant 0 : i32
        %mul3A_1849 = vector.broadcast %mul3A_1848 : i32 to vector<16xi32>
        %mul3A_1850 = arith.muli %iota3A_1283, %mul3A_1849 : vector<16xi32>
        %mul3A_1851 = arith.constant 8 : i32
        %mul3A_1852 = arith.muli %select_n3A_1731, %mul3A_1851 : i32
        %add3A_1853 = arith.constant 5 : i32
        %add3A_1854 = arith.addi %mul3A_1852, %add3A_1853 : i32
        %add3A_1855 = vector.broadcast %add3A_1854 : i32 to vector<16xi32>
        %add3A_1856 = arith.addi %mul3A_1850, %add3A_1855 : vector<16xi32>
        tpu.vector_store_idx %arg10[%add3A_1740, %add3A_1856], %get3A_1842 : memref<128x129xf32, #tpu.memory_space<vmem>>[vector<16xi32>, vector<16xi32>], vector<16xf32>,
        tpu.vector_store_idx %arg10[%add3A_1743, %add3A_1856], %get3A_1847 : memref<128x129xf32, #tpu.memory_space<vmem>>[vector<16xi32>, vector<16xi32>], vector<16xf32>,
        %add3A_1857 = arith.constant 6 : i32
        %add3A_1858 = arith.addi %add3A_1736, %add3A_1857 : i32
        %get3A_1859 = arith.index_cast %add3A_1858 : i32 to index
        %get3A_1860 = arith.constant 0 : index
        %get3A_1861 = tpu.vector_load %arg8[%get3A_1859, %get3A_1860] {strides = array<i32>} : memref<512x32xf32, #tpu.memory_space<vmem>>, vector<16xf32>,
        %add3A_1862 = arith.constant 6 : i32
        %add3A_1863 = arith.addi %add3A_1736, %add3A_1862 : i32
        %get3A_1864 = arith.index_cast %add3A_1863 : i32 to index
        %get3A_1865 = arith.constant 16 : index
        %get3A_1866 = tpu.vector_load %arg8[%get3A_1864, %get3A_1865] {strides = array<i32>} : memref<512x32xf32, #tpu.memory_space<vmem>>, vector<16xf32>,
        %mul3A_1867 = arith.constant 0 : i32
        %mul3A_1868 = vector.broadcast %mul3A_1867 : i32 to vector<16xi32>
        %mul3A_1869 = arith.muli %iota3A_1283, %mul3A_1868 : vector<16xi32>
        %mul3A_1870 = arith.constant 8 : i32
        %mul3A_1871 = arith.muli %select_n3A_1731, %mul3A_1870 : i32
        %add3A_1872 = arith.constant 6 : i32
        %add3A_1873 = arith.addi %mul3A_1871, %add3A_1872 : i32
        %add3A_1874 = vector.broadcast %add3A_1873 : i32 to vector<16xi32>
        %add3A_1875 = arith.addi %mul3A_1869, %add3A_1874 : vector<16xi32>
        tpu.vector_store_idx %arg10[%add3A_1740, %add3A_1875], %get3A_1861 : memref<128x129xf32, #tpu.memory_space<vmem>>[vector<16xi32>, vector<16xi32>], vector<16xf32>,
        tpu.vector_store_idx %arg10[%add3A_1743, %add3A_1875], %get3A_1866 : memref<128x129xf32, #tpu.memory_space<vmem>>[vector<16xi32>, vector<16xi32>], vector<16xf32>,
        %add3A_1876 = arith.constant 7 : i32
        %add3A_1877 = arith.addi %add3A_1736, %add3A_1876 : i32
        %get3A_1878 = arith.index_cast %add3A_1877 : i32 to index
        %get3A_1879 = arith.constant 0 : index
        %get3A_1880 = tpu.vector_load %arg8[%get3A_1878, %get3A_1879] {strides = array<i32>} : memref<512x32xf32, #tpu.memory_space<vmem>>, vector<16xf32>,
        %add3A_1881 = arith.constant 7 : i32
        %add3A_1882 = arith.addi %add3A_1736, %add3A_1881 : i32
        %get3A_1883 = arith.index_cast %add3A_1882 : i32 to index
        %get3A_1884 = arith.constant 16 : index
        %get3A_1885 = tpu.vector_load %arg8[%get3A_1883, %get3A_1884] {strides = array<i32>} : memref<512x32xf32, #tpu.memory_space<vmem>>, vector<16xf32>,
        %mul3A_1886 = arith.constant 0 : i32
        %mul3A_1887 = vector.broadcast %mul3A_1886 : i32 to vector<16xi32>
        %mul3A_1888 = arith.muli %iota3A_1283, %mul3A_1887 : vector<16xi32>
        %mul3A_1889 = arith.constant 8 : i32
        %mul3A_1890 = arith.muli %select_n3A_1731, %mul3A_1889 : i32
        %add3A_1891 = arith.constant 7 : i32
        %add3A_1892 = arith.addi %mul3A_1890, %add3A_1891 : i32
        %add3A_1893 = vector.broadcast %add3A_1892 : i32 to vector<16xi32>
        %add3A_1894 = arith.addi %mul3A_1888, %add3A_1893 : vector<16xi32>
        tpu.vector_store_idx %arg10[%add3A_1740, %add3A_1894], %get3A_1880 : memref<128x129xf32, #tpu.memory_space<vmem>>[vector<16xi32>, vector<16xi32>], vector<16xf32>,
        tpu.vector_store_idx %arg10[%add3A_1743, %add3A_1894], %get3A_1885 : memref<128x129xf32, #tpu.memory_space<vmem>>[vector<16xi32>, vector<16xi32>], vector<16xf32>,
      }
      %scan3A_1345 = arith.constant 64 : i32
      %mul3A_1346 = arith.constant 50 : i32
      %mul3A_1347 = arith.muli %add3A, %mul3A_1346 : i32
      %add3A_1348 = arith.addi %mul3A_1347, %add3A_1260 : i32
      %jit3A_1349 = arith.constant 8 : i32
      %div3A_1350 = arith.divsi %add3A_1348, %jit3A_1349 : i32
      %sign3A_1351 = arith.constant 0 : i32
      %sign3A_1352 = arith.cmpi sgt, %add3A_1348, %sign3A_1351 : i32
      %sign3A_1353 = arith.extui %sign3A_1352 : i1 to i32
      %sign3A_1354 = arith.constant 0 : i32
      %sign3A_1355 = arith.cmpi slt, %add3A_1348, %sign3A_1354 : i32
      %sign3A_1356 = arith.extui %sign3A_1355 : i1 to i32
      %sign3A_1357 = arith.subi %sign3A_1353, %sign3A_1356 : i32
      %sign3A_1358 = arith.constant 0 : i32
      %sign3A_1359 = arith.cmpi sgt, %jit3A_1349, %sign3A_1358 : i32
      %sign3A_1360 = arith.extui %sign3A_1359 : i1 to i32
      %sign3A_1361 = arith.constant 0 : i32
      %sign3A_1362 = arith.cmpi slt, %jit3A_1349, %sign3A_1361 : i32
      %sign3A_1363 = arith.extui %sign3A_1362 : i1 to i32
      %sign3A_1364 = arith.subi %sign3A_1360, %sign3A_1363 : i32
      %ne3A_1365 = arith.cmpi ne, %sign3A_1357, %sign3A_1364 : i32
      %rem3A_1366 = arith.remsi %add3A_1348, %jit3A_1349 : i32
      %ne3A_1367 = arith.constant 0 : i32
      %ne3A_1368 = arith.cmpi ne, %rem3A_1366, %ne3A_1367 : i32
      %and3A_1369 = arith.andi %ne3A_1365, %ne3A_1368 : i1
      %sub3A_1370 = arith.constant 1 : i32
      %sub3A_1371 = arith.subi %div3A_1350, %sub3A_1370 : i32
      %select_n3A_1372 = arith.select %and3A_1369, %sub3A_1371, %div3A_1350 : i32
      %jit3A_1373 = arith.constant 8 : i32
      %eq3A_1374 = arith.constant 0 : i32
      %eq3A_1375 = arith.cmpi eq, %jit3A_1373, %eq3A_1374 : i32
      %jit3A_1376 = arith.constant 1 : i32
      %select_n3A_1377 = arith.select %eq3A_1375, %jit3A_1376, %jit3A_1373 : i32
      %rem3A_1378 = arith.remsi %add3A_1348, %select_n3A_1377 : i32
      %ne3A_1379 = arith.constant 0 : i32
      %ne3A_1380 = arith.cmpi ne, %rem3A_1378, %ne3A_1379 : i32
      %lt3A_1381 = arith.constant 0 : i32
      %lt3A_1382 = arith.cmpi slt, %rem3A_1378, %lt3A_1381 : i32
      %lt3A_1383 = arith.constant 0 : i32
      %lt3A_1384 = arith.cmpi slt, %select_n3A_1377, %lt3A_1383 : i32
      %ne3A_1385 = arith.xori %lt3A_1382, %lt3A_1384 : i1
      %and3A_1386 = arith.andi %ne3A_1385, %ne3A_1380 : i1
      %add3A_1387 = arith.addi %rem3A_1378, %select_n3A_1377 : i32
      %select_n3A_1388 = arith.select %and3A_1386, %add3A_1387, %rem3A_1378 : i32
      %mul3A_1389 = arith.constant 512 : i32
      %mul3A_1390 = arith.muli %select_n3A_1388, %mul3A_1389 : i32
      %jit3A_1391 = arith.constant 128 : i32
      %div3A_1392 = arith.divsi %mul3A_1390, %jit3A_1391 : i32
      %sign3A_1393 = arith.constant 0 : i32
      %sign3A_1394 = arith.cmpi sgt, %mul3A_1390, %sign3A_1393 : i32
      %sign3A_1395 = arith.extui %sign3A_1394 : i1 to i32
      %sign3A_1396 = arith.constant 0 : i32
      %sign3A_1397 = arith.cmpi slt, %mul3A_1390, %sign3A_1396 : i32
      %sign3A_1398 = arith.extui %sign3A_1397 : i1 to i32
      %sign3A_1399 = arith.subi %sign3A_1395, %sign3A_1398 : i32
      %sign3A_1400 = arith.constant 0 : i32
      %sign3A_1401 = arith.cmpi sgt, %jit3A_1391, %sign3A_1400 : i32
      %sign3A_1402 = arith.extui %sign3A_1401 : i1 to i32
      %sign3A_1403 = arith.constant 0 : i32
      %sign3A_1404 = arith.cmpi slt, %jit3A_1391, %sign3A_1403 : i32
      %sign3A_1405 = arith.extui %sign3A_1404 : i1 to i32
      %sign3A_1406 = arith.subi %sign3A_1402, %sign3A_1405 : i32
      %ne3A_1407 = arith.cmpi ne, %sign3A_1399, %sign3A_1406 : i32
      %rem3A_1408 = arith.remsi %mul3A_1390, %jit3A_1391 : i32
      %ne3A_1409 = arith.constant 0 : i32
      %ne3A_1410 = arith.cmpi ne, %rem3A_1408, %ne3A_1409 : i32
      %and3A_1411 = arith.andi %ne3A_1407, %ne3A_1410 : i1
      %sub3A_1412 = arith.constant 1 : i32
      %sub3A_1413 = arith.subi %div3A_1392, %sub3A_1412 : i32
      %select_n3A_1414 = arith.select %and3A_1411, %sub3A_1413, %div3A_1392 : i32
      %add3A_1415 = arith.constant 0 : i32
      %add3A_1416 = arith.addi %select_n3A_1414, %add3A_1415 : i32
      %add3A_1417 = arith.constant 1 : i32
      %add3A_1418 = arith.addi %select_n3A_1414, %add3A_1417 : i32
      %add3A_1419 = arith.constant 2 : i32
      %add3A_1420 = arith.addi %select_n3A_1414, %add3A_1419 : i32
      %add3A_1421 = arith.constant 3 : i32
      %add3A_1422 = arith.addi %select_n3A_1414, %add3A_1421 : i32
      %add3A_1423 = arith.constant 0 : i32
      %add3A_1424 = arith.addi %select_n3A_1414, %add3A_1423 : i32
      %add3A_1425 = arith.constant 1 : i32
      %add3A_1426 = arith.addi %select_n3A_1414, %add3A_1425 : i32
      %add3A_1427 = arith.constant 2 : i32
      %add3A_1428 = arith.addi %select_n3A_1414, %add3A_1427 : i32
      %add3A_1429 = arith.constant 3 : i32
      %add3A_1430 = arith.addi %select_n3A_1414, %add3A_1429 : i32
      %add3A_1431 = arith.constant 0 : i32
      %add3A_1432 = arith.addi %select_n3A_1414, %add3A_1431 : i32
      %add3A_1433 = arith.constant 1 : i32
      %add3A_1434 = arith.addi %select_n3A_1414, %add3A_1433 : i32
      %add3A_1435 = arith.constant 2 : i32
      %add3A_1436 = arith.addi %select_n3A_1414, %add3A_1435 : i32
      %add3A_1437 = arith.constant 3 : i32
      %add3A_1438 = arith.addi %select_n3A_1414, %add3A_1437 : i32
      %add3A_1439 = arith.constant 0 : i32
      %add3A_1440 = arith.addi %select_n3A_1414, %add3A_1439 : i32
      %add3A_1441 = arith.constant 1 : i32
      %add3A_1442 = arith.addi %select_n3A_1414, %add3A_1441 : i32
      %add3A_1443 = arith.constant 2 : i32
      %add3A_1444 = arith.addi %select_n3A_1414, %add3A_1443 : i32
      %add3A_1445 = arith.constant 3 : i32
      %add3A_1446 = arith.addi %select_n3A_1414, %add3A_1445 : i32
      %dma_start3A_1447 = arith.constant 0 : i32
      %dma_start3A_1448 = arith.constant 0 : i32
      %dma_start3A_1449 = arith.constant 0 : i32
      %dma_start3A_1450 = tpu.memref_slice %arg10[%dma_start3A_1448, %dma_start3A_1449] : memref<128x129xf32, #tpu.memory_space<vmem>> -> memref<8x128xf32, #tpu.memory_space<vmem>>
      %dma_start3A_1451 = arith.constant 0 : i32
      %dma_start3A_1452 = arith.constant 0 : i32
      %dma_start3A_1453 = tpu.memref_slice %arg4[%select_n3A_1372, %dma_start3A_1447, %add3A_1416, %dma_start3A_1451, %dma_start3A_1452] : memref<200x4x32x8x128xf32, #tpu.memory_space<hbm>> -> memref<1x1x1x8x128xf32, #tpu.memory_space<hbm>>
      %dma_start3A_1454 = tpu.memref_squeeze %dma_start3A_1453 : memref<1x1x1x8x128xf32, #tpu.memory_space<hbm>> -> memref<8x128xf32, #tpu.memory_space<hbm>>
      %dma_start3A_1455 = arith.constant 0 : i32
      %dma_start3A_1456 = arith.constant 0 : i32
      %dma_start3A_1457 = tpu.memref_slice %arg4[%select_n3A_1372, %dma_start3A_1447, %add3A_1416, %dma_start3A_1455, %dma_start3A_1456] : memref<200x4x32x8x128xf32, #tpu.memory_space<hbm>> -> memref<1x1x1x8x128xf32, #tpu.memory_space<hbm>>
      %dma_start3A_1458 = tpu.memref_squeeze %dma_start3A_1457 : memref<1x1x1x8x128xf32, #tpu.memory_space<hbm>> -> memref<8x128xf32, #tpu.memory_space<hbm>>
      %dma_start3A_1459 = arith.constant 0 : i32
      %dma_start3A_1460 = arith.constant 0 : i32
      %dma_start3A_1461 = tpu.memref_slice %arg10[%dma_start3A_1459, %dma_start3A_1460] : memref<128x129xf32, #tpu.memory_space<vmem>> -> memref<8x128xf32, #tpu.memory_space<vmem>>
      tpu.enqueue_dma source(%dma_start3A_1461 : memref<8x128xf32, #tpu.memory_space<vmem>>) target(%dma_start3A_1458 : memref<8x128xf32, #tpu.memory_space<hbm>>) target_semaphore(%arg16 : memref<!tpu.dma_semaphore, #tpu.memory_space<semaphore_mem>>)
      %dma_start3A_1462 = arith.constant 0 : i32
      %dma_start3A_1463 = arith.constant 8 : i32
      %dma_start3A_1464 = arith.constant 0 : i32
      %dma_start3A_1465 = tpu.memref_slice %arg10[%dma_start3A_1463, %dma_start3A_1464] : memref<128x129xf32, #tpu.memory_space<vmem>> -> memref<8x128xf32, #tpu.memory_space<vmem>>
      %dma_start3A_1466 = arith.constant 0 : i32
      %dma_start3A_1467 = arith.constant 0 : i32
      %dma_start3A_1468 = tpu.memref_slice %arg4[%select_n3A_1372, %dma_start3A_1462, %add3A_1418, %dma_start3A_1466, %dma_start3A_1467] : memref<200x4x32x8x128xf32, #tpu.memory_space<hbm>> -> memref<1x1x1x8x128xf32, #tpu.memory_space<hbm>>
      %dma_start3A_1469 = tpu.memref_squeeze %dma_start3A_1468 : memref<1x1x1x8x128xf32, #tpu.memory_space<hbm>> -> memref<8x128xf32, #tpu.memory_space<hbm>>
      %dma_start3A_1470 = arith.constant 0 : i32
      %dma_start3A_1471 = arith.constant 0 : i32
      %dma_start3A_1472 = tpu.memref_slice %arg4[%select_n3A_1372, %dma_start3A_1462, %add3A_1418, %dma_start3A_1470, %dma_start3A_1471] : memref<200x4x32x8x128xf32, #tpu.memory_space<hbm>> -> memref<1x1x1x8x128xf32, #tpu.memory_space<hbm>>
      %dma_start3A_1473 = tpu.memref_squeeze %dma_start3A_1472 : memref<1x1x1x8x128xf32, #tpu.memory_space<hbm>> -> memref<8x128xf32, #tpu.memory_space<hbm>>
      %dma_start3A_1474 = arith.constant 8 : i32
      %dma_start3A_1475 = arith.constant 0 : i32
      %dma_start3A_1476 = tpu.memref_slice %arg10[%dma_start3A_1474, %dma_start3A_1475] : memref<128x129xf32, #tpu.memory_space<vmem>> -> memref<8x128xf32, #tpu.memory_space<vmem>>
      tpu.enqueue_dma source(%dma_start3A_1476 : memref<8x128xf32, #tpu.memory_space<vmem>>) target(%dma_start3A_1473 : memref<8x128xf32, #tpu.memory_space<hbm>>) target_semaphore(%arg16 : memref<!tpu.dma_semaphore, #tpu.memory_space<semaphore_mem>>)
      %dma_start3A_1477 = arith.constant 0 : i32
      %dma_start3A_1478 = arith.constant 16 : i32
      %dma_start3A_1479 = arith.constant 0 : i32
      %dma_start3A_1480 = tpu.memref_slice %arg10[%dma_start3A_1478, %dma_start3A_1479] : memref<128x129xf32, #tpu.memory_space<vmem>> -> memref<8x128xf32, #tpu.memory_space<vmem>>
      %dma_start3A_1481 = arith.constant 0 : i32
      %dma_start3A_1482 = arith.constant 0 : i32
      %dma_start3A_1483 = tpu.memref_slice %arg4[%select_n3A_1372, %dma_start3A_1477, %add3A_1420, %dma_start3A_1481, %dma_start3A_1482] : memref<200x4x32x8x128xf32, #tpu.memory_space<hbm>> -> memref<1x1x1x8x128xf32, #tpu.memory_space<hbm>>
      %dma_start3A_1484 = tpu.memref_squeeze %dma_start3A_1483 : memref<1x1x1x8x128xf32, #tpu.memory_space<hbm>> -> memref<8x128xf32, #tpu.memory_space<hbm>>
      %dma_start3A_1485 = arith.constant 0 : i32
      %dma_start3A_1486 = arith.constant 0 : i32
      %dma_start3A_1487 = tpu.memref_slice %arg4[%select_n3A_1372, %dma_start3A_1477, %add3A_1420, %dma_start3A_1485, %dma_start3A_1486] : memref<200x4x32x8x128xf32, #tpu.memory_space<hbm>> -> memref<1x1x1x8x128xf32, #tpu.memory_space<hbm>>
      %dma_start3A_1488 = tpu.memref_squeeze %dma_start3A_1487 : memref<1x1x1x8x128xf32, #tpu.memory_space<hbm>> -> memref<8x128xf32, #tpu.memory_space<hbm>>
      %dma_start3A_1489 = arith.constant 16 : i32
      %dma_start3A_1490 = arith.constant 0 : i32
      %dma_start3A_1491 = tpu.memref_slice %arg10[%dma_start3A_1489, %dma_start3A_1490] : memref<128x129xf32, #tpu.memory_space<vmem>> -> memref<8x128xf32, #tpu.memory_space<vmem>>
      tpu.enqueue_dma source(%dma_start3A_1491 : memref<8x128xf32, #tpu.memory_space<vmem>>) target(%dma_start3A_1488 : memref<8x128xf32, #tpu.memory_space<hbm>>) target_semaphore(%arg16 : memref<!tpu.dma_semaphore, #tpu.memory_space<semaphore_mem>>)
      %dma_start3A_1492 = arith.constant 0 : i32
      %dma_start3A_1493 = arith.constant 24 : i32
      %dma_start3A_1494 = arith.constant 0 : i32
      %dma_start3A_1495 = tpu.memref_slice %arg10[%dma_start3A_1493, %dma_start3A_1494] : memref<128x129xf32, #tpu.memory_space<vmem>> -> memref<8x128xf32, #tpu.memory_space<vmem>>
      %dma_start3A_1496 = arith.constant 0 : i32
      %dma_start3A_1497 = arith.constant 0 : i32
      %dma_start3A_1498 = tpu.memref_slice %arg4[%select_n3A_1372, %dma_start3A_1492, %add3A_1422, %dma_start3A_1496, %dma_start3A_1497] : memref<200x4x32x8x128xf32, #tpu.memory_space<hbm>> -> memref<1x1x1x8x128xf32, #tpu.memory_space<hbm>>
      %dma_start3A_1499 = tpu.memref_squeeze %dma_start3A_1498 : memref<1x1x1x8x128xf32, #tpu.memory_space<hbm>> -> memref<8x128xf32, #tpu.memory_space<hbm>>
      %dma_start3A_1500 = arith.constant 0 : i32
      %dma_start3A_1501 = arith.constant 0 : i32
      %dma_start3A_1502 = tpu.memref_slice %arg4[%select_n3A_1372, %dma_start3A_1492, %add3A_1422, %dma_start3A_1500, %dma_start3A_1501] : memref<200x4x32x8x128xf32, #tpu.memory_space<hbm>> -> memref<1x1x1x8x128xf32, #tpu.memory_space<hbm>>
      %dma_start3A_1503 = tpu.memref_squeeze %dma_start3A_1502 : memref<1x1x1x8x128xf32, #tpu.memory_space<hbm>> -> memref<8x128xf32, #tpu.memory_space<hbm>>
      %dma_start3A_1504 = arith.constant 24 : i32
      %dma_start3A_1505 = arith.constant 0 : i32
      %dma_start3A_1506 = tpu.memref_slice %arg10[%dma_start3A_1504, %dma_start3A_1505] : memref<128x129xf32, #tpu.memory_space<vmem>> -> memref<8x128xf32, #tpu.memory_space<vmem>>
      tpu.enqueue_dma source(%dma_start3A_1506 : memref<8x128xf32, #tpu.memory_space<vmem>>) target(%dma_start3A_1503 : memref<8x128xf32, #tpu.memory_space<hbm>>) target_semaphore(%arg16 : memref<!tpu.dma_semaphore, #tpu.memory_space<semaphore_mem>>)
      %dma_start3A_1507 = arith.constant 1 : i32
      %dma_start3A_1508 = arith.constant 32 : i32
      %dma_start3A_1509 = arith.constant 0 : i32
      %dma_start3A_1510 = tpu.memref_slice %arg10[%dma_start3A_1508, %dma_start3A_1509] : memref<128x129xf32, #tpu.memory_space<vmem>> -> memref<8x128xf32, #tpu.memory_space<vmem>>
      %dma_start3A_1511 = arith.constant 0 : i32
      %dma_start3A_1512 = arith.constant 0 : i32
      %dma_start3A_1513 = tpu.memref_slice %arg4[%select_n3A_1372, %dma_start3A_1507, %add3A_1424, %dma_start3A_1511, %dma_start3A_1512] : memref<200x4x32x8x128xf32, #tpu.memory_space<hbm>> -> memref<1x1x1x8x128xf32, #tpu.memory_space<hbm>>
      %dma_start3A_1514 = tpu.memref_squeeze %dma_start3A_1513 : memref<1x1x1x8x128xf32, #tpu.memory_space<hbm>> -> memref<8x128xf32, #tpu.memory_space<hbm>>
      %dma_start3A_1515 = arith.constant 0 : i32
      %dma_start3A_1516 = arith.constant 0 : i32
      %dma_start3A_1517 = tpu.memref_slice %arg4[%select_n3A_1372, %dma_start3A_1507, %add3A_1424, %dma_start3A_1515, %dma_start3A_1516] : memref<200x4x32x8x128xf32, #tpu.memory_space<hbm>> -> memref<1x1x1x8x128xf32, #tpu.memory_space<hbm>>
      %dma_start3A_1518 = tpu.memref_squeeze %dma_start3A_1517 : memref<1x1x1x8x128xf32, #tpu.memory_space<hbm>> -> memref<8x128xf32, #tpu.memory_space<hbm>>
      %dma_start3A_1519 = arith.constant 32 : i32
      %dma_start3A_1520 = arith.constant 0 : i32
      %dma_start3A_1521 = tpu.memref_slice %arg10[%dma_start3A_1519, %dma_start3A_1520] : memref<128x129xf32, #tpu.memory_space<vmem>> -> memref<8x128xf32, #tpu.memory_space<vmem>>
      tpu.enqueue_dma source(%dma_start3A_1521 : memref<8x128xf32, #tpu.memory_space<vmem>>) target(%dma_start3A_1518 : memref<8x128xf32, #tpu.memory_space<hbm>>) target_semaphore(%arg16 : memref<!tpu.dma_semaphore, #tpu.memory_space<semaphore_mem>>)
      %dma_start3A_1522 = arith.constant 1 : i32
      %dma_start3A_1523 = arith.constant 40 : i32
      %dma_start3A_1524 = arith.constant 0 : i32
      %dma_start3A_1525 = tpu.memref_slice %arg10[%dma_start3A_1523, %dma_start3A_1524] : memref<128x129xf32, #tpu.memory_space<vmem>> -> memref<8x128xf32, #tpu.memory_space<vmem>>
      %dma_start3A_1526 = arith.constant 0 : i32
      %dma_start3A_1527 = arith.constant 0 : i32
      %dma_start3A_1528 = tpu.memref_slice %arg4[%select_n3A_1372, %dma_start3A_1522, %add3A_1426, %dma_start3A_1526, %dma_start3A_1527] : memref<200x4x32x8x128xf32, #tpu.memory_space<hbm>> -> memref<1x1x1x8x128xf32, #tpu.memory_space<hbm>>
      %dma_start3A_1529 = tpu.memref_squeeze %dma_start3A_1528 : memref<1x1x1x8x128xf32, #tpu.memory_space<hbm>> -> memref<8x128xf32, #tpu.memory_space<hbm>>
      %dma_start3A_1530 = arith.constant 0 : i32
      %dma_start3A_1531 = arith.constant 0 : i32
      %dma_start3A_1532 = tpu.memref_slice %arg4[%select_n3A_1372, %dma_start3A_1522, %add3A_1426, %dma_start3A_1530, %dma_start3A_1531] : memref<200x4x32x8x128xf32, #tpu.memory_space<hbm>> -> memref<1x1x1x8x128xf32, #tpu.memory_space<hbm>>
      %dma_start3A_1533 = tpu.memref_squeeze %dma_start3A_1532 : memref<1x1x1x8x128xf32, #tpu.memory_space<hbm>> -> memref<8x128xf32, #tpu.memory_space<hbm>>
      %dma_start3A_1534 = arith.constant 40 : i32
      %dma_start3A_1535 = arith.constant 0 : i32
      %dma_start3A_1536 = tpu.memref_slice %arg10[%dma_start3A_1534, %dma_start3A_1535] : memref<128x129xf32, #tpu.memory_space<vmem>> -> memref<8x128xf32, #tpu.memory_space<vmem>>
      tpu.enqueue_dma source(%dma_start3A_1536 : memref<8x128xf32, #tpu.memory_space<vmem>>) target(%dma_start3A_1533 : memref<8x128xf32, #tpu.memory_space<hbm>>) target_semaphore(%arg16 : memref<!tpu.dma_semaphore, #tpu.memory_space<semaphore_mem>>)
      %dma_start3A_1537 = arith.constant 1 : i32
      %dma_start3A_1538 = arith.constant 48 : i32
      %dma_start3A_1539 = arith.constant 0 : i32
      %dma_start3A_1540 = tpu.memref_slice %arg10[%dma_start3A_1538, %dma_start3A_1539] : memref<128x129xf32, #tpu.memory_space<vmem>> -> memref<8x128xf32, #tpu.memory_space<vmem>>
      %dma_start3A_1541 = arith.constant 0 : i32
      %dma_start3A_1542 = arith.constant 0 : i32
      %dma_start3A_1543 = tpu.memref_slice %arg4[%select_n3A_1372, %dma_start3A_1537, %add3A_1428, %dma_start3A_1541, %dma_start3A_1542] : memref<200x4x32x8x128xf32, #tpu.memory_space<hbm>> -> memref<1x1x1x8x128xf32, #tpu.memory_space<hbm>>
      %dma_start3A_1544 = tpu.memref_squeeze %dma_start3A_1543 : memref<1x1x1x8x128xf32, #tpu.memory_space<hbm>> -> memref<8x128xf32, #tpu.memory_space<hbm>>
      %dma_start3A_1545 = arith.constant 0 : i32
      %dma_start3A_1546 = arith.constant 0 : i32
      %dma_start3A_1547 = tpu.memref_slice %arg4[%select_n3A_1372, %dma_start3A_1537, %add3A_1428, %dma_start3A_1545, %dma_start3A_1546] : memref<200x4x32x8x128xf32, #tpu.memory_space<hbm>> -> memref<1x1x1x8x128xf32, #tpu.memory_space<hbm>>
      %dma_start3A_1548 = tpu.memref_squeeze %dma_start3A_1547 : memref<1x1x1x8x128xf32, #tpu.memory_space<hbm>> -> memref<8x128xf32, #tpu.memory_space<hbm>>
      %dma_start3A_1549 = arith.constant 48 : i32
      %dma_start3A_1550 = arith.constant 0 : i32
      %dma_start3A_1551 = tpu.memref_slice %arg10[%dma_start3A_1549, %dma_start3A_1550] : memref<128x129xf32, #tpu.memory_space<vmem>> -> memref<8x128xf32, #tpu.memory_space<vmem>>
      tpu.enqueue_dma source(%dma_start3A_1551 : memref<8x128xf32, #tpu.memory_space<vmem>>) target(%dma_start3A_1548 : memref<8x128xf32, #tpu.memory_space<hbm>>) target_semaphore(%arg16 : memref<!tpu.dma_semaphore, #tpu.memory_space<semaphore_mem>>)
      %dma_start3A_1552 = arith.constant 1 : i32
      %dma_start3A_1553 = arith.constant 56 : i32
      %dma_start3A_1554 = arith.constant 0 : i32
      %dma_start3A_1555 = tpu.memref_slice %arg10[%dma_start3A_1553, %dma_start3A_1554] : memref<128x129xf32, #tpu.memory_space<vmem>> -> memref<8x128xf32, #tpu.memory_space<vmem>>
      %dma_start3A_1556 = arith.constant 0 : i32
      %dma_start3A_1557 = arith.constant 0 : i32
      %dma_start3A_1558 = tpu.memref_slice %arg4[%select_n3A_1372, %dma_start3A_1552, %add3A_1430, %dma_start3A_1556, %dma_start3A_1557] : memref<200x4x32x8x128xf32, #tpu.memory_space<hbm>> -> memref<1x1x1x8x128xf32, #tpu.memory_space<hbm>>
      %dma_start3A_1559 = tpu.memref_squeeze %dma_start3A_1558 : memref<1x1x1x8x128xf32, #tpu.memory_space<hbm>> -> memref<8x128xf32, #tpu.memory_space<hbm>>
      %dma_start3A_1560 = arith.constant 0 : i32
      %dma_start3A_1561 = arith.constant 0 : i32
      %dma_start3A_1562 = tpu.memref_slice %arg4[%select_n3A_1372, %dma_start3A_1552, %add3A_1430, %dma_start3A_1560, %dma_start3A_1561] : memref<200x4x32x8x128xf32, #tpu.memory_space<hbm>> -> memref<1x1x1x8x128xf32, #tpu.memory_space<hbm>>
      %dma_start3A_1563 = tpu.memref_squeeze %dma_start3A_1562 : memref<1x1x1x8x128xf32, #tpu.memory_space<hbm>> -> memref<8x128xf32, #tpu.memory_space<hbm>>
      %dma_start3A_1564 = arith.constant 56 : i32
      %dma_start3A_1565 = arith.constant 0 : i32
      %dma_start3A_1566 = tpu.memref_slice %arg10[%dma_start3A_1564, %dma_start3A_1565] : memref<128x129xf32, #tpu.memory_space<vmem>> -> memref<8x128xf32, #tpu.memory_space<vmem>>
      tpu.enqueue_dma source(%dma_start3A_1566 : memref<8x128xf32, #tpu.memory_space<vmem>>) target(%dma_start3A_1563 : memref<8x128xf32, #tpu.memory_space<hbm>>) target_semaphore(%arg16 : memref<!tpu.dma_semaphore, #tpu.memory_space<semaphore_mem>>)
      %dma_start3A_1567 = arith.constant 2 : i32
      %dma_start3A_1568 = arith.constant 64 : i32
      %dma_start3A_1569 = arith.constant 0 : i32
      %dma_start3A_1570 = tpu.memref_slice %arg10[%dma_start3A_1568, %dma_start3A_1569] : memref<128x129xf32, #tpu.memory_space<vmem>> -> memref<8x128xf32, #tpu.memory_space<vmem>>
      %dma_start3A_1571 = arith.constant 0 : i32
      %dma_start3A_1572 = arith.constant 0 : i32
      %dma_start3A_1573 = tpu.memref_slice %arg4[%select_n3A_1372, %dma_start3A_1567, %add3A_1432, %dma_start3A_1571, %dma_start3A_1572] : memref<200x4x32x8x128xf32, #tpu.memory_space<hbm>> -> memref<1x1x1x8x128xf32, #tpu.memory_space<hbm>>
      %dma_start3A_1574 = tpu.memref_squeeze %dma_start3A_1573 : memref<1x1x1x8x128xf32, #tpu.memory_space<hbm>> -> memref<8x128xf32, #tpu.memory_space<hbm>>
      %dma_start3A_1575 = arith.constant 0 : i32
      %dma_start3A_1576 = arith.constant 0 : i32
      %dma_start3A_1577 = tpu.memref_slice %arg4[%select_n3A_1372, %dma_start3A_1567, %add3A_1432, %dma_start3A_1575, %dma_start3A_1576] : memref<200x4x32x8x128xf32, #tpu.memory_space<hbm>> -> memref<1x1x1x8x128xf32, #tpu.memory_space<hbm>>
      %dma_start3A_1578 = tpu.memref_squeeze %dma_start3A_1577 : memref<1x1x1x8x128xf32, #tpu.memory_space<hbm>> -> memref<8x128xf32, #tpu.memory_space<hbm>>
      %dma_start3A_1579 = arith.constant 64 : i32
      %dma_start3A_1580 = arith.constant 0 : i32
      %dma_start3A_1581 = tpu.memref_slice %arg10[%dma_start3A_1579, %dma_start3A_1580] : memref<128x129xf32, #tpu.memory_space<vmem>> -> memref<8x128xf32, #tpu.memory_space<vmem>>
      tpu.enqueue_dma source(%dma_start3A_1581 : memref<8x128xf32, #tpu.memory_space<vmem>>) target(%dma_start3A_1578 : memref<8x128xf32, #tpu.memory_space<hbm>>) target_semaphore(%arg16 : memref<!tpu.dma_semaphore, #tpu.memory_space<semaphore_mem>>)
      %dma_start3A_1582 = arith.constant 2 : i32
      %dma_start3A_1583 = arith.constant 72 : i32
      %dma_start3A_1584 = arith.constant 0 : i32
      %dma_start3A_1585 = tpu.memref_slice %arg10[%dma_start3A_1583, %dma_start3A_1584] : memref<128x129xf32, #tpu.memory_space<vmem>> -> memref<8x128xf32, #tpu.memory_space<vmem>>
      %dma_start3A_1586 = arith.constant 0 : i32
      %dma_start3A_1587 = arith.constant 0 : i32
      %dma_start3A_1588 = tpu.memref_slice %arg4[%select_n3A_1372, %dma_start3A_1582, %add3A_1434, %dma_start3A_1586, %dma_start3A_1587] : memref<200x4x32x8x128xf32, #tpu.memory_space<hbm>> -> memref<1x1x1x8x128xf32, #tpu.memory_space<hbm>>
      %dma_start3A_1589 = tpu.memref_squeeze %dma_start3A_1588 : memref<1x1x1x8x128xf32, #tpu.memory_space<hbm>> -> memref<8x128xf32, #tpu.memory_space<hbm>>
      %dma_start3A_1590 = arith.constant 0 : i32
      %dma_start3A_1591 = arith.constant 0 : i32
      %dma_start3A_1592 = tpu.memref_slice %arg4[%select_n3A_1372, %dma_start3A_1582, %add3A_1434, %dma_start3A_1590, %dma_start3A_1591] : memref<200x4x32x8x128xf32, #tpu.memory_space<hbm>> -> memref<1x1x1x8x128xf32, #tpu.memory_space<hbm>>
      %dma_start3A_1593 = tpu.memref_squeeze %dma_start3A_1592 : memref<1x1x1x8x128xf32, #tpu.memory_space<hbm>> -> memref<8x128xf32, #tpu.memory_space<hbm>>
      %dma_start3A_1594 = arith.constant 72 : i32
      %dma_start3A_1595 = arith.constant 0 : i32
      %dma_start3A_1596 = tpu.memref_slice %arg10[%dma_start3A_1594, %dma_start3A_1595] : memref<128x129xf32, #tpu.memory_space<vmem>> -> memref<8x128xf32, #tpu.memory_space<vmem>>
      tpu.enqueue_dma source(%dma_start3A_1596 : memref<8x128xf32, #tpu.memory_space<vmem>>) target(%dma_start3A_1593 : memref<8x128xf32, #tpu.memory_space<hbm>>) target_semaphore(%arg16 : memref<!tpu.dma_semaphore, #tpu.memory_space<semaphore_mem>>)
      %dma_start3A_1597 = arith.constant 2 : i32
      %dma_start3A_1598 = arith.constant 80 : i32
      %dma_start3A_1599 = arith.constant 0 : i32
      %dma_start3A_1600 = tpu.memref_slice %arg10[%dma_start3A_1598, %dma_start3A_1599] : memref<128x129xf32, #tpu.memory_space<vmem>> -> memref<8x128xf32, #tpu.memory_space<vmem>>
      %dma_start3A_1601 = arith.constant 0 : i32
      %dma_start3A_1602 = arith.constant 0 : i32
      %dma_start3A_1603 = tpu.memref_slice %arg4[%select_n3A_1372, %dma_start3A_1597, %add3A_1436, %dma_start3A_1601, %dma_start3A_1602] : memref<200x4x32x8x128xf32, #tpu.memory_space<hbm>> -> memref<1x1x1x8x128xf32, #tpu.memory_space<hbm>>
      %dma_start3A_1604 = tpu.memref_squeeze %dma_start3A_1603 : memref<1x1x1x8x128xf32, #tpu.memory_space<hbm>> -> memref<8x128xf32, #tpu.memory_space<hbm>>
      %dma_start3A_1605 = arith.constant 0 : i32
      %dma_start3A_1606 = arith.constant 0 : i32
      %dma_start3A_1607 = tpu.memref_slice %arg4[%select_n3A_1372, %dma_start3A_1597, %add3A_1436, %dma_start3A_1605, %dma_start3A_1606] : memref<200x4x32x8x128xf32, #tpu.memory_space<hbm>> -> memref<1x1x1x8x128xf32, #tpu.memory_space<hbm>>
      %dma_start3A_1608 = tpu.memref_squeeze %dma_start3A_1607 : memref<1x1x1x8x128xf32, #tpu.memory_space<hbm>> -> memref<8x128xf32, #tpu.memory_space<hbm>>
      %dma_start3A_1609 = arith.constant 80 : i32
      %dma_start3A_1610 = arith.constant 0 : i32
      %dma_start3A_1611 = tpu.memref_slice %arg10[%dma_start3A_1609, %dma_start3A_1610] : memref<128x129xf32, #tpu.memory_space<vmem>> -> memref<8x128xf32, #tpu.memory_space<vmem>>
      tpu.enqueue_dma source(%dma_start3A_1611 : memref<8x128xf32, #tpu.memory_space<vmem>>) target(%dma_start3A_1608 : memref<8x128xf32, #tpu.memory_space<hbm>>) target_semaphore(%arg16 : memref<!tpu.dma_semaphore, #tpu.memory_space<semaphore_mem>>)
      %dma_start3A_1612 = arith.constant 2 : i32
      %dma_start3A_1613 = arith.constant 88 : i32
      %dma_start3A_1614 = arith.constant 0 : i32
      %dma_start3A_1615 = tpu.memref_slice %arg10[%dma_start3A_1613, %dma_start3A_1614] : memref<128x129xf32, #tpu.memory_space<vmem>> -> memref<8x128xf32, #tpu.memory_space<vmem>>
      %dma_start3A_1616 = arith.constant 0 : i32
      %dma_start3A_1617 = arith.constant 0 : i32
      %dma_start3A_1618 = tpu.memref_slice %arg4[%select_n3A_1372, %dma_start3A_1612, %add3A_1438, %dma_start3A_1616, %dma_start3A_1617] : memref<200x4x32x8x128xf32, #tpu.memory_space<hbm>> -> memref<1x1x1x8x128xf32, #tpu.memory_space<hbm>>
      %dma_start3A_1619 = tpu.memref_squeeze %dma_start3A_1618 : memref<1x1x1x8x128xf32, #tpu.memory_space<hbm>> -> memref<8x128xf32, #tpu.memory_space<hbm>>
      %dma_start3A_1620 = arith.constant 0 : i32
      %dma_start3A_1621 = arith.constant 0 : i32
      %dma_start3A_1622 = tpu.memref_slice %arg4[%select_n3A_1372, %dma_start3A_1612, %add3A_1438, %dma_start3A_1620, %dma_start3A_1621] : memref<200x4x32x8x128xf32, #tpu.memory_space<hbm>> -> memref<1x1x1x8x128xf32, #tpu.memory_space<hbm>>
      %dma_start3A_1623 = tpu.memref_squeeze %dma_start3A_1622 : memref<1x1x1x8x128xf32, #tpu.memory_space<hbm>> -> memref<8x128xf32, #tpu.memory_space<hbm>>
      %dma_start3A_1624 = arith.constant 88 : i32
      %dma_start3A_1625 = arith.constant 0 : i32
      %dma_start3A_1626 = tpu.memref_slice %arg10[%dma_start3A_1624, %dma_start3A_1625] : memref<128x129xf32, #tpu.memory_space<vmem>> -> memref<8x128xf32, #tpu.memory_space<vmem>>
      tpu.enqueue_dma source(%dma_start3A_1626 : memref<8x128xf32, #tpu.memory_space<vmem>>) target(%dma_start3A_1623 : memref<8x128xf32, #tpu.memory_space<hbm>>) target_semaphore(%arg16 : memref<!tpu.dma_semaphore, #tpu.memory_space<semaphore_mem>>)
      %dma_start3A_1627 = arith.constant 3 : i32
      %dma_start3A_1628 = arith.constant 96 : i32
      %dma_start3A_1629 = arith.constant 0 : i32
      %dma_start3A_1630 = tpu.memref_slice %arg10[%dma_start3A_1628, %dma_start3A_1629] : memref<128x129xf32, #tpu.memory_space<vmem>> -> memref<8x128xf32, #tpu.memory_space<vmem>>
      %dma_start3A_1631 = arith.constant 0 : i32
      %dma_start3A_1632 = arith.constant 0 : i32
      %dma_start3A_1633 = tpu.memref_slice %arg4[%select_n3A_1372, %dma_start3A_1627, %add3A_1440, %dma_start3A_1631, %dma_start3A_1632] : memref<200x4x32x8x128xf32, #tpu.memory_space<hbm>> -> memref<1x1x1x8x128xf32, #tpu.memory_space<hbm>>
      %dma_start3A_1634 = tpu.memref_squeeze %dma_start3A_1633 : memref<1x1x1x8x128xf32, #tpu.memory_space<hbm>> -> memref<8x128xf32, #tpu.memory_space<hbm>>
      %dma_start3A_1635 = arith.constant 0 : i32
      %dma_start3A_1636 = arith.constant 0 : i32
      %dma_start3A_1637 = tpu.memref_slice %arg4[%select_n3A_1372, %dma_start3A_1627, %add3A_1440, %dma_start3A_1635, %dma_start3A_1636] : memref<200x4x32x8x128xf32, #tpu.memory_space<hbm>> -> memref<1x1x1x8x128xf32, #tpu.memory_space<hbm>>
      %dma_start3A_1638 = tpu.memref_squeeze %dma_start3A_1637 : memref<1x1x1x8x128xf32, #tpu.memory_space<hbm>> -> memref<8x128xf32, #tpu.memory_space<hbm>>
      %dma_start3A_1639 = arith.constant 96 : i32
      %dma_start3A_1640 = arith.constant 0 : i32
      %dma_start3A_1641 = tpu.memref_slice %arg10[%dma_start3A_1639, %dma_start3A_1640] : memref<128x129xf32, #tpu.memory_space<vmem>> -> memref<8x128xf32, #tpu.memory_space<vmem>>
      tpu.enqueue_dma source(%dma_start3A_1641 : memref<8x128xf32, #tpu.memory_space<vmem>>) target(%dma_start3A_1638 : memref<8x128xf32, #tpu.memory_space<hbm>>) target_semaphore(%arg16 : memref<!tpu.dma_semaphore, #tpu.memory_space<semaphore_mem>>)
      %dma_start3A_1642 = arith.constant 3 : i32
      %dma_start3A_1643 = arith.constant 104 : i32
      %dma_start3A_1644 = arith.constant 0 : i32
      %dma_start3A_1645 = tpu.memref_slice %arg10[%dma_start3A_1643, %dma_start3A_1644] : memref<128x129xf32, #tpu.memory_space<vmem>> -> memref<8x128xf32, #tpu.memory_space<vmem>>
      %dma_start3A_1646 = arith.constant 0 : i32
      %dma_start3A_1647 = arith.constant 0 : i32
      %dma_start3A_1648 = tpu.memref_slice %arg4[%select_n3A_1372, %dma_start3A_1642, %add3A_1442, %dma_start3A_1646, %dma_start3A_1647] : memref<200x4x32x8x128xf32, #tpu.memory_space<hbm>> -> memref<1x1x1x8x128xf32, #tpu.memory_space<hbm>>
      %dma_start3A_1649 = tpu.memref_squeeze %dma_start3A_1648 : memref<1x1x1x8x128xf32, #tpu.memory_space<hbm>> -> memref<8x128xf32, #tpu.memory_space<hbm>>
      %dma_start3A_1650 = arith.constant 0 : i32
      %dma_start3A_1651 = arith.constant 0 : i32
      %dma_start3A_1652 = tpu.memref_slice %arg4[%select_n3A_1372, %dma_start3A_1642, %add3A_1442, %dma_start3A_1650, %dma_start3A_1651] : memref<200x4x32x8x128xf32, #tpu.memory_space<hbm>> -> memref<1x1x1x8x128xf32, #tpu.memory_space<hbm>>
      %dma_start3A_1653 = tpu.memref_squeeze %dma_start3A_1652 : memref<1x1x1x8x128xf32, #tpu.memory_space<hbm>> -> memref<8x128xf32, #tpu.memory_space<hbm>>
      %dma_start3A_1654 = arith.constant 104 : i32
      %dma_start3A_1655 = arith.constant 0 : i32
      %dma_start3A_1656 = tpu.memref_slice %arg10[%dma_start3A_1654, %dma_start3A_1655] : memref<128x129xf32, #tpu.memory_space<vmem>> -> memref<8x128xf32, #tpu.memory_space<vmem>>
      tpu.enqueue_dma source(%dma_start3A_1656 : memref<8x128xf32, #tpu.memory_space<vmem>>) target(%dma_start3A_1653 : memref<8x128xf32, #tpu.memory_space<hbm>>) target_semaphore(%arg16 : memref<!tpu.dma_semaphore, #tpu.memory_space<semaphore_mem>>)
      %dma_start3A_1657 = arith.constant 3 : i32
      %dma_start3A_1658 = arith.constant 112 : i32
      %dma_start3A_1659 = arith.constant 0 : i32
      %dma_start3A_1660 = tpu.memref_slice %arg10[%dma_start3A_1658, %dma_start3A_1659] : memref<128x129xf32, #tpu.memory_space<vmem>> -> memref<8x128xf32, #tpu.memory_space<vmem>>
      %dma_start3A_1661 = arith.constant 0 : i32
      %dma_start3A_1662 = arith.constant 0 : i32
      %dma_start3A_1663 = tpu.memref_slice %arg4[%select_n3A_1372, %dma_start3A_1657, %add3A_1444, %dma_start3A_1661, %dma_start3A_1662] : memref<200x4x32x8x128xf32, #tpu.memory_space<hbm>> -> memref<1x1x1x8x128xf32, #tpu.memory_space<hbm>>
      %dma_start3A_1664 = tpu.memref_squeeze %dma_start3A_1663 : memref<1x1x1x8x128xf32, #tpu.memory_space<hbm>> -> memref<8x128xf32, #tpu.memory_space<hbm>>
      %dma_start3A_1665 = arith.constant 0 : i32
      %dma_start3A_1666 = arith.constant 0 : i32
      %dma_start3A_1667 = tpu.memref_slice %arg4[%select_n3A_1372, %dma_start3A_1657, %add3A_1444, %dma_start3A_1665, %dma_start3A_1666] : memref<200x4x32x8x128xf32, #tpu.memory_space<hbm>> -> memref<1x1x1x8x128xf32, #tpu.memory_space<hbm>>
      %dma_start3A_1668 = tpu.memref_squeeze %dma_start3A_1667 : memref<1x1x1x8x128xf32, #tpu.memory_space<hbm>> -> memref<8x128xf32, #tpu.memory_space<hbm>>
      %dma_start3A_1669 = arith.constant 112 : i32
      %dma_start3A_1670 = arith.constant 0 : i32
      %dma_start3A_1671 = tpu.memref_slice %arg10[%dma_start3A_1669, %dma_start3A_1670] : memref<128x129xf32, #tpu.memory_space<vmem>> -> memref<8x128xf32, #tpu.memory_space<vmem>>
      tpu.enqueue_dma source(%dma_start3A_1671 : memref<8x128xf32, #tpu.memory_space<vmem>>) target(%dma_start3A_1668 : memref<8x128xf32, #tpu.memory_space<hbm>>) target_semaphore(%arg16 : memref<!tpu.dma_semaphore, #tpu.memory_space<semaphore_mem>>)
      %dma_start3A_1672 = arith.constant 3 : i32
      %dma_start3A_1673 = arith.constant 120 : i32
      %dma_start3A_1674 = arith.constant 0 : i32
      %dma_start3A_1675 = tpu.memref_slice %arg10[%dma_start3A_1673, %dma_start3A_1674] : memref<128x129xf32, #tpu.memory_space<vmem>> -> memref<8x128xf32, #tpu.memory_space<vmem>>
      %dma_start3A_1676 = arith.constant 0 : i32
      %dma_start3A_1677 = arith.constant 0 : i32
      %dma_start3A_1678 = tpu.memref_slice %arg4[%select_n3A_1372, %dma_start3A_1672, %add3A_1446, %dma_start3A_1676, %dma_start3A_1677] : memref<200x4x32x8x128xf32, #tpu.memory_space<hbm>> -> memref<1x1x1x8x128xf32, #tpu.memory_space<hbm>>
      %dma_start3A_1679 = tpu.memref_squeeze %dma_start3A_1678 : memref<1x1x1x8x128xf32, #tpu.memory_space<hbm>> -> memref<8x128xf32, #tpu.memory_space<hbm>>
      %dma_start3A_1680 = arith.constant 0 : i32
      %dma_start3A_1681 = arith.constant 0 : i32
      %dma_start3A_1682 = tpu.memref_slice %arg4[%select_n3A_1372, %dma_start3A_1672, %add3A_1446, %dma_start3A_1680, %dma_start3A_1681] : memref<200x4x32x8x128xf32, #tpu.memory_space<hbm>> -> memref<1x1x1x8x128xf32, #tpu.memory_space<hbm>>
      %dma_start3A_1683 = tpu.memref_squeeze %dma_start3A_1682 : memref<1x1x1x8x128xf32, #tpu.memory_space<hbm>> -> memref<8x128xf32, #tpu.memory_space<hbm>>
      %dma_start3A_1684 = arith.constant 120 : i32
      %dma_start3A_1685 = arith.constant 0 : i32
      %dma_start3A_1686 = tpu.memref_slice %arg10[%dma_start3A_1684, %dma_start3A_1685] : memref<128x129xf32, #tpu.memory_space<vmem>> -> memref<8x128xf32, #tpu.memory_space<vmem>>
      tpu.enqueue_dma source(%dma_start3A_1686 : memref<8x128xf32, #tpu.memory_space<vmem>>) target(%dma_start3A_1683 : memref<8x128xf32, #tpu.memory_space<hbm>>) target_semaphore(%arg16 : memref<!tpu.dma_semaphore, #tpu.memory_space<semaphore_mem>>)
    }
    %scan3A_145 = arith.constant 25 : i32
    %mul3A_146 = arith.constant 50 : i32
    %mul3A_147 = arith.muli %add3A, %mul3A_146 : i32
    %add3A_148 = arith.constant 48 : i32
    %add3A_149 = arith.addi %mul3A_147, %add3A_148 : i32
    %jit3A_150 = arith.constant 8 : i32
    %div3A_151 = arith.divsi %add3A_149, %jit3A_150 : i32
    %sign3A_152 = arith.constant 0 : i32
    %sign3A_153 = arith.cmpi sgt, %add3A_149, %sign3A_152 : i32
    %sign3A_154 = arith.extui %sign3A_153 : i1 to i32
    %sign3A_155 = arith.constant 0 : i32
    %sign3A_156 = arith.cmpi slt, %add3A_149, %sign3A_155 : i32
    %sign3A_157 = arith.extui %sign3A_156 : i1 to i32
    %sign3A_158 = arith.subi %sign3A_154, %sign3A_157 : i32
    %sign3A_159 = arith.constant 0 : i32
    %sign3A_160 = arith.cmpi sgt, %jit3A_150, %sign3A_159 : i32
    %sign3A_161 = arith.extui %sign3A_160 : i1 to i32
    %sign3A_162 = arith.constant 0 : i32
    %sign3A_163 = arith.cmpi slt, %jit3A_150, %sign3A_162 : i32
    %sign3A_164 = arith.extui %sign3A_163 : i1 to i32
    %sign3A_165 = arith.subi %sign3A_161, %sign3A_164 : i32
    %ne3A_166 = arith.cmpi ne, %sign3A_158, %sign3A_165 : i32
    %rem3A_167 = arith.remsi %add3A_149, %jit3A_150 : i32
    %ne3A_168 = arith.constant 0 : i32
    %ne3A_169 = arith.cmpi ne, %rem3A_167, %ne3A_168 : i32
    %and3A_170 = arith.andi %ne3A_166, %ne3A_169 : i1
    %sub3A_171 = arith.constant 1 : i32
    %sub3A_172 = arith.subi %div3A_151, %sub3A_171 : i32
    %select_n3A_173 = arith.select %and3A_170, %sub3A_172, %div3A_151 : i32
    %jit3A_174 = arith.constant 8 : i32
    %eq3A_175 = arith.constant 0 : i32
    %eq3A_176 = arith.cmpi eq, %jit3A_174, %eq3A_175 : i32
    %jit3A_177 = arith.constant 1 : i32
    %select_n3A_178 = arith.select %eq3A_176, %jit3A_177, %jit3A_174 : i32
    %rem3A_179 = arith.remsi %add3A_149, %select_n3A_178 : i32
    %ne3A_180 = arith.constant 0 : i32
    %ne3A_181 = arith.cmpi ne, %rem3A_179, %ne3A_180 : i32
    %lt3A_182 = arith.constant 0 : i32
    %lt3A_183 = arith.cmpi slt, %rem3A_179, %lt3A_182 : i32
    %lt3A_184 = arith.constant 0 : i32
    %lt3A_185 = arith.cmpi slt, %select_n3A_178, %lt3A_184 : i32
    %ne3A_186 = arith.xori %lt3A_183, %lt3A_185 : i1
    %and3A_187 = arith.andi %ne3A_186, %ne3A_181 : i1
    %add3A_188 = arith.addi %rem3A_179, %select_n3A_178 : i32
    %select_n3A_189 = arith.select %and3A_187, %add3A_188, %rem3A_179 : i32
    %mul3A_190 = arith.constant 512 : i32
    %mul3A_191 = arith.muli %select_n3A_189, %mul3A_190 : i32
    %jit3A_192 = arith.constant 128 : i32
    %div3A_193 = arith.divsi %mul3A_191, %jit3A_192 : i32
    %sign3A_194 = arith.constant 0 : i32
    %sign3A_195 = arith.cmpi sgt, %mul3A_191, %sign3A_194 : i32
    %sign3A_196 = arith.extui %sign3A_195 : i1 to i32
    %sign3A_197 = arith.constant 0 : i32
    %sign3A_198 = arith.cmpi slt, %mul3A_191, %sign3A_197 : i32
    %sign3A_199 = arith.extui %sign3A_198 : i1 to i32
    %sign3A_200 = arith.subi %sign3A_196, %sign3A_199 : i32
    %sign3A_201 = arith.constant 0 : i32
    %sign3A_202 = arith.cmpi sgt, %jit3A_192, %sign3A_201 : i32
    %sign3A_203 = arith.extui %sign3A_202 : i1 to i32
    %sign3A_204 = arith.constant 0 : i32
    %sign3A_205 = arith.cmpi slt, %jit3A_192, %sign3A_204 : i32
    %sign3A_206 = arith.extui %sign3A_205 : i1 to i32
    %sign3A_207 = arith.subi %sign3A_203, %sign3A_206 : i32
    %ne3A_208 = arith.cmpi ne, %sign3A_200, %sign3A_207 : i32
    %rem3A_209 = arith.remsi %mul3A_191, %jit3A_192 : i32
    %ne3A_210 = arith.constant 0 : i32
    %ne3A_211 = arith.cmpi ne, %rem3A_209, %ne3A_210 : i32
    %and3A_212 = arith.andi %ne3A_208, %ne3A_211 : i1
    %sub3A_213 = arith.constant 1 : i32
    %sub3A_214 = arith.subi %div3A_193, %sub3A_213 : i32
    %select_n3A_215 = arith.select %and3A_212, %sub3A_214, %div3A_193 : i32
    %add3A_216 = arith.constant 0 : i32
    %add3A_217 = arith.addi %select_n3A_215, %add3A_216 : i32
    %add3A_218 = arith.constant 1 : i32
    %add3A_219 = arith.addi %select_n3A_215, %add3A_218 : i32
    %add3A_220 = arith.constant 2 : i32
    %add3A_221 = arith.addi %select_n3A_215, %add3A_220 : i32
    %add3A_222 = arith.constant 3 : i32
    %add3A_223 = arith.addi %select_n3A_215, %add3A_222 : i32
    %add3A_224 = arith.constant 0 : i32
    %add3A_225 = arith.addi %select_n3A_215, %add3A_224 : i32
    %add3A_226 = arith.constant 1 : i32
    %add3A_227 = arith.addi %select_n3A_215, %add3A_226 : i32
    %add3A_228 = arith.constant 2 : i32
    %add3A_229 = arith.addi %select_n3A_215, %add3A_228 : i32
    %add3A_230 = arith.constant 3 : i32
    %add3A_231 = arith.addi %select_n3A_215, %add3A_230 : i32
    %add3A_232 = arith.constant 0 : i32
    %add3A_233 = arith.addi %select_n3A_215, %add3A_232 : i32
    %add3A_234 = arith.constant 1 : i32
    %add3A_235 = arith.addi %select_n3A_215, %add3A_234 : i32
    %add3A_236 = arith.constant 2 : i32
    %add3A_237 = arith.addi %select_n3A_215, %add3A_236 : i32
    %add3A_238 = arith.constant 3 : i32
    %add3A_239 = arith.addi %select_n3A_215, %add3A_238 : i32
    %add3A_240 = arith.constant 0 : i32
    %add3A_241 = arith.addi %select_n3A_215, %add3A_240 : i32
    %add3A_242 = arith.constant 1 : i32
    %add3A_243 = arith.addi %select_n3A_215, %add3A_242 : i32
    %add3A_244 = arith.constant 2 : i32
    %add3A_245 = arith.addi %select_n3A_215, %add3A_244 : i32
    %add3A_246 = arith.constant 3 : i32
    %add3A_247 = arith.addi %select_n3A_215, %add3A_246 : i32
    %dma_wait3A_248 = arith.constant 0 : i32
    %dma_wait3A_249 = arith.constant 0 : i32
    %dma_wait3A_250 = arith.constant 0 : i32
    %dma_wait3A_251 = tpu.memref_slice %arg9[%dma_wait3A_249, %dma_wait3A_250] : memref<128x129xf32, #tpu.memory_space<vmem>> -> memref<8x128xf32, #tpu.memory_space<vmem>>
    %dma_wait3A_252 = arith.constant 0 : i32
    %dma_wait3A_253 = arith.constant 0 : i32
    %dma_wait3A_254 = tpu.memref_slice %arg4[%select_n3A_173, %dma_wait3A_248, %add3A_217, %dma_wait3A_252, %dma_wait3A_253] : memref<200x4x32x8x128xf32, #tpu.memory_space<hbm>> -> memref<1x1x1x8x128xf32, #tpu.memory_space<hbm>>
    %dma_wait3A_255 = tpu.memref_squeeze %dma_wait3A_254 : memref<1x1x1x8x128xf32, #tpu.memory_space<hbm>> -> memref<8x128xf32, #tpu.memory_space<hbm>>
    %dma_wait3A_256 = arith.constant 0 : i32
    %dma_wait3A_257 = arith.constant 0 : i32
    %dma_wait3A_258 = tpu.memref_slice %arg4[%select_n3A_173, %dma_wait3A_248, %add3A_217, %dma_wait3A_256, %dma_wait3A_257] : memref<200x4x32x8x128xf32, #tpu.memory_space<hbm>> -> memref<1x1x1x8x128xf32, #tpu.memory_space<hbm>>
    %dma_wait3A_259 = tpu.memref_squeeze %dma_wait3A_258 : memref<1x1x1x8x128xf32, #tpu.memory_space<hbm>> -> memref<8x128xf32, #tpu.memory_space<hbm>>
    %dma_wait3A_260 = arith.constant 0 : i32
    %dma_wait3A_261 = arith.constant 0 : i32
    %dma_wait3A_262 = tpu.memref_slice %arg9[%dma_wait3A_260, %dma_wait3A_261] : memref<128x129xf32, #tpu.memory_space<vmem>> -> memref<8x128xf32, #tpu.memory_space<vmem>>
    tpu.wait_dma2 semaphore(%arg15 : memref<!tpu.dma_semaphore, #tpu.memory_space<semaphore_mem>>) src(%dma_wait3A_262 : memref<8x128xf32, #tpu.memory_space<vmem>>) dst(%dma_wait3A_259 : memref<8x128xf32, #tpu.memory_space<hbm>>)
    %dma_wait3A_263 = arith.constant 0 : i32
    %dma_wait3A_264 = arith.constant 8 : i32
    %dma_wait3A_265 = arith.constant 0 : i32
    %dma_wait3A_266 = tpu.memref_slice %arg9[%dma_wait3A_264, %dma_wait3A_265] : memref<128x129xf32, #tpu.memory_space<vmem>> -> memref<8x128xf32, #tpu.memory_space<vmem>>
    %dma_wait3A_267 = arith.constant 0 : i32
    %dma_wait3A_268 = arith.constant 0 : i32
    %dma_wait3A_269 = tpu.memref_slice %arg4[%select_n3A_173, %dma_wait3A_263, %add3A_219, %dma_wait3A_267, %dma_wait3A_268] : memref<200x4x32x8x128xf32, #tpu.memory_space<hbm>> -> memref<1x1x1x8x128xf32, #tpu.memory_space<hbm>>
    %dma_wait3A_270 = tpu.memref_squeeze %dma_wait3A_269 : memref<1x1x1x8x128xf32, #tpu.memory_space<hbm>> -> memref<8x128xf32, #tpu.memory_space<hbm>>
    %dma_wait3A_271 = arith.constant 0 : i32
    %dma_wait3A_272 = arith.constant 0 : i32
    %dma_wait3A_273 = tpu.memref_slice %arg4[%select_n3A_173, %dma_wait3A_263, %add3A_219, %dma_wait3A_271, %dma_wait3A_272] : memref<200x4x32x8x128xf32, #tpu.memory_space<hbm>> -> memref<1x1x1x8x128xf32, #tpu.memory_space<hbm>>
    %dma_wait3A_274 = tpu.memref_squeeze %dma_wait3A_273 : memref<1x1x1x8x128xf32, #tpu.memory_space<hbm>> -> memref<8x128xf32, #tpu.memory_space<hbm>>
    %dma_wait3A_275 = arith.constant 8 : i32
    %dma_wait3A_276 = arith.constant 0 : i32
    %dma_wait3A_277 = tpu.memref_slice %arg9[%dma_wait3A_275, %dma_wait3A_276] : memref<128x129xf32, #tpu.memory_space<vmem>> -> memref<8x128xf32, #tpu.memory_space<vmem>>
    tpu.wait_dma2 semaphore(%arg15 : memref<!tpu.dma_semaphore, #tpu.memory_space<semaphore_mem>>) src(%dma_wait3A_277 : memref<8x128xf32, #tpu.memory_space<vmem>>) dst(%dma_wait3A_274 : memref<8x128xf32, #tpu.memory_space<hbm>>)
    %dma_wait3A_278 = arith.constant 0 : i32
    %dma_wait3A_279 = arith.constant 16 : i32
    %dma_wait3A_280 = arith.constant 0 : i32
    %dma_wait3A_281 = tpu.memref_slice %arg9[%dma_wait3A_279, %dma_wait3A_280] : memref<128x129xf32, #tpu.memory_space<vmem>> -> memref<8x128xf32, #tpu.memory_space<vmem>>
    %dma_wait3A_282 = arith.constant 0 : i32
    %dma_wait3A_283 = arith.constant 0 : i32
    %dma_wait3A_284 = tpu.memref_slice %arg4[%select_n3A_173, %dma_wait3A_278, %add3A_221, %dma_wait3A_282, %dma_wait3A_283] : memref<200x4x32x8x128xf32, #tpu.memory_space<hbm>> -> memref<1x1x1x8x128xf32, #tpu.memory_space<hbm>>
    %dma_wait3A_285 = tpu.memref_squeeze %dma_wait3A_284 : memref<1x1x1x8x128xf32, #tpu.memory_space<hbm>> -> memref<8x128xf32, #tpu.memory_space<hbm>>
    %dma_wait3A_286 = arith.constant 0 : i32
    %dma_wait3A_287 = arith.constant 0 : i32
    %dma_wait3A_288 = tpu.memref_slice %arg4[%select_n3A_173, %dma_wait3A_278, %add3A_221, %dma_wait3A_286, %dma_wait3A_287] : memref<200x4x32x8x128xf32, #tpu.memory_space<hbm>> -> memref<1x1x1x8x128xf32, #tpu.memory_space<hbm>>
    %dma_wait3A_289 = tpu.memref_squeeze %dma_wait3A_288 : memref<1x1x1x8x128xf32, #tpu.memory_space<hbm>> -> memref<8x128xf32, #tpu.memory_space<hbm>>
    %dma_wait3A_290 = arith.constant 16 : i32
    %dma_wait3A_291 = arith.constant 0 : i32
    %dma_wait3A_292 = tpu.memref_slice %arg9[%dma_wait3A_290, %dma_wait3A_291] : memref<128x129xf32, #tpu.memory_space<vmem>> -> memref<8x128xf32, #tpu.memory_space<vmem>>
    tpu.wait_dma2 semaphore(%arg15 : memref<!tpu.dma_semaphore, #tpu.memory_space<semaphore_mem>>) src(%dma_wait3A_292 : memref<8x128xf32, #tpu.memory_space<vmem>>) dst(%dma_wait3A_289 : memref<8x128xf32, #tpu.memory_space<hbm>>)
    %dma_wait3A_293 = arith.constant 0 : i32
    %dma_wait3A_294 = arith.constant 24 : i32
    %dma_wait3A_295 = arith.constant 0 : i32
    %dma_wait3A_296 = tpu.memref_slice %arg9[%dma_wait3A_294, %dma_wait3A_295] : memref<128x129xf32, #tpu.memory_space<vmem>> -> memref<8x128xf32, #tpu.memory_space<vmem>>
    %dma_wait3A_297 = arith.constant 0 : i32
    %dma_wait3A_298 = arith.constant 0 : i32
    %dma_wait3A_299 = tpu.memref_slice %arg4[%select_n3A_173, %dma_wait3A_293, %add3A_223, %dma_wait3A_297, %dma_wait3A_298] : memref<200x4x32x8x128xf32, #tpu.memory_space<hbm>> -> memref<1x1x1x8x128xf32, #tpu.memory_space<hbm>>
    %dma_wait3A_300 = tpu.memref_squeeze %dma_wait3A_299 : memref<1x1x1x8x128xf32, #tpu.memory_space<hbm>> -> memref<8x128xf32, #tpu.memory_space<hbm>>
    %dma_wait3A_301 = arith.constant 0 : i32
    %dma_wait3A_302 = arith.constant 0 : i32
    %dma_wait3A_303 = tpu.memref_slice %arg4[%select_n3A_173, %dma_wait3A_293, %add3A_223, %dma_wait3A_301, %dma_wait3A_302] : memref<200x4x32x8x128xf32, #tpu.memory_space<hbm>> -> memref<1x1x1x8x128xf32, #tpu.memory_space<hbm>>
    %dma_wait3A_304 = tpu.memref_squeeze %dma_wait3A_303 : memref<1x1x1x8x128xf32, #tpu.memory_space<hbm>> -> memref<8x128xf32, #tpu.memory_space<hbm>>
    %dma_wait3A_305 = arith.constant 24 : i32
    %dma_wait3A_306 = arith.constant 0 : i32
    %dma_wait3A_307 = tpu.memref_slice %arg9[%dma_wait3A_305, %dma_wait3A_306] : memref<128x129xf32, #tpu.memory_space<vmem>> -> memref<8x128xf32, #tpu.memory_space<vmem>>
    tpu.wait_dma2 semaphore(%arg15 : memref<!tpu.dma_semaphore, #tpu.memory_space<semaphore_mem>>) src(%dma_wait3A_307 : memref<8x128xf32, #tpu.memory_space<vmem>>) dst(%dma_wait3A_304 : memref<8x128xf32, #tpu.memory_space<hbm>>)
    %dma_wait3A_308 = arith.constant 1 : i32
    %dma_wait3A_309 = arith.constant 32 : i32
    %dma_wait3A_310 = arith.constant 0 : i32
    %dma_wait3A_311 = tpu.memref_slice %arg9[%dma_wait3A_309, %dma_wait3A_310] : memref<128x129xf32, #tpu.memory_space<vmem>> -> memref<8x128xf32, #tpu.memory_space<vmem>>
    %dma_wait3A_312 = arith.constant 0 : i32
    %dma_wait3A_313 = arith.constant 0 : i32
    %dma_wait3A_314 = tpu.memref_slice %arg4[%select_n3A_173, %dma_wait3A_308, %add3A_225, %dma_wait3A_312, %dma_wait3A_313] : memref<200x4x32x8x128xf32, #tpu.memory_space<hbm>> -> memref<1x1x1x8x128xf32, #tpu.memory_space<hbm>>
    %dma_wait3A_315 = tpu.memref_squeeze %dma_wait3A_314 : memref<1x1x1x8x128xf32, #tpu.memory_space<hbm>> -> memref<8x128xf32, #tpu.memory_space<hbm>>
    %dma_wait3A_316 = arith.constant 0 : i32
    %dma_wait3A_317 = arith.constant 0 : i32
    %dma_wait3A_318 = tpu.memref_slice %arg4[%select_n3A_173, %dma_wait3A_308, %add3A_225, %dma_wait3A_316, %dma_wait3A_317] : memref<200x4x32x8x128xf32, #tpu.memory_space<hbm>> -> memref<1x1x1x8x128xf32, #tpu.memory_space<hbm>>
    %dma_wait3A_319 = tpu.memref_squeeze %dma_wait3A_318 : memref<1x1x1x8x128xf32, #tpu.memory_space<hbm>> -> memref<8x128xf32, #tpu.memory_space<hbm>>
    %dma_wait3A_320 = arith.constant 32 : i32
    %dma_wait3A_321 = arith.constant 0 : i32
    %dma_wait3A_322 = tpu.memref_slice %arg9[%dma_wait3A_320, %dma_wait3A_321] : memref<128x129xf32, #tpu.memory_space<vmem>> -> memref<8x128xf32, #tpu.memory_space<vmem>>
    tpu.wait_dma2 semaphore(%arg15 : memref<!tpu.dma_semaphore, #tpu.memory_space<semaphore_mem>>) src(%dma_wait3A_322 : memref<8x128xf32, #tpu.memory_space<vmem>>) dst(%dma_wait3A_319 : memref<8x128xf32, #tpu.memory_space<hbm>>)
    %dma_wait3A_323 = arith.constant 1 : i32
    %dma_wait3A_324 = arith.constant 40 : i32
    %dma_wait3A_325 = arith.constant 0 : i32
    %dma_wait3A_326 = tpu.memref_slice %arg9[%dma_wait3A_324, %dma_wait3A_325] : memref<128x129xf32, #tpu.memory_space<vmem>> -> memref<8x128xf32, #tpu.memory_space<vmem>>
    %dma_wait3A_327 = arith.constant 0 : i32
    %dma_wait3A_328 = arith.constant 0 : i32
    %dma_wait3A_329 = tpu.memref_slice %arg4[%select_n3A_173, %dma_wait3A_323, %add3A_227, %dma_wait3A_327, %dma_wait3A_328] : memref<200x4x32x8x128xf32, #tpu.memory_space<hbm>> -> memref<1x1x1x8x128xf32, #tpu.memory_space<hbm>>
    %dma_wait3A_330 = tpu.memref_squeeze %dma_wait3A_329 : memref<1x1x1x8x128xf32, #tpu.memory_space<hbm>> -> memref<8x128xf32, #tpu.memory_space<hbm>>
    %dma_wait3A_331 = arith.constant 0 : i32
    %dma_wait3A_332 = arith.constant 0 : i32
    %dma_wait3A_333 = tpu.memref_slice %arg4[%select_n3A_173, %dma_wait3A_323, %add3A_227, %dma_wait3A_331, %dma_wait3A_332] : memref<200x4x32x8x128xf32, #tpu.memory_space<hbm>> -> memref<1x1x1x8x128xf32, #tpu.memory_space<hbm>>
    %dma_wait3A_334 = tpu.memref_squeeze %dma_wait3A_333 : memref<1x1x1x8x128xf32, #tpu.memory_space<hbm>> -> memref<8x128xf32, #tpu.memory_space<hbm>>
    %dma_wait3A_335 = arith.constant 40 : i32
    %dma_wait3A_336 = arith.constant 0 : i32
    %dma_wait3A_337 = tpu.memref_slice %arg9[%dma_wait3A_335, %dma_wait3A_336] : memref<128x129xf32, #tpu.memory_space<vmem>> -> memref<8x128xf32, #tpu.memory_space<vmem>>
    tpu.wait_dma2 semaphore(%arg15 : memref<!tpu.dma_semaphore, #tpu.memory_space<semaphore_mem>>) src(%dma_wait3A_337 : memref<8x128xf32, #tpu.memory_space<vmem>>) dst(%dma_wait3A_334 : memref<8x128xf32, #tpu.memory_space<hbm>>)
    %dma_wait3A_338 = arith.constant 1 : i32
    %dma_wait3A_339 = arith.constant 48 : i32
    %dma_wait3A_340 = arith.constant 0 : i32
    %dma_wait3A_341 = tpu.memref_slice %arg9[%dma_wait3A_339, %dma_wait3A_340] : memref<128x129xf32, #tpu.memory_space<vmem>> -> memref<8x128xf32, #tpu.memory_space<vmem>>
    %dma_wait3A_342 = arith.constant 0 : i32
    %dma_wait3A_343 = arith.constant 0 : i32
    %dma_wait3A_344 = tpu.memref_slice %arg4[%select_n3A_173, %dma_wait3A_338, %add3A_229, %dma_wait3A_342, %dma_wait3A_343] : memref<200x4x32x8x128xf32, #tpu.memory_space<hbm>> -> memref<1x1x1x8x128xf32, #tpu.memory_space<hbm>>
    %dma_wait3A_345 = tpu.memref_squeeze %dma_wait3A_344 : memref<1x1x1x8x128xf32, #tpu.memory_space<hbm>> -> memref<8x128xf32, #tpu.memory_space<hbm>>
    %dma_wait3A_346 = arith.constant 0 : i32
    %dma_wait3A_347 = arith.constant 0 : i32
    %dma_wait3A_348 = tpu.memref_slice %arg4[%select_n3A_173, %dma_wait3A_338, %add3A_229, %dma_wait3A_346, %dma_wait3A_347] : memref<200x4x32x8x128xf32, #tpu.memory_space<hbm>> -> memref<1x1x1x8x128xf32, #tpu.memory_space<hbm>>
    %dma_wait3A_349 = tpu.memref_squeeze %dma_wait3A_348 : memref<1x1x1x8x128xf32, #tpu.memory_space<hbm>> -> memref<8x128xf32, #tpu.memory_space<hbm>>
    %dma_wait3A_350 = arith.constant 48 : i32
    %dma_wait3A_351 = arith.constant 0 : i32
    %dma_wait3A_352 = tpu.memref_slice %arg9[%dma_wait3A_350, %dma_wait3A_351] : memref<128x129xf32, #tpu.memory_space<vmem>> -> memref<8x128xf32, #tpu.memory_space<vmem>>
    tpu.wait_dma2 semaphore(%arg15 : memref<!tpu.dma_semaphore, #tpu.memory_space<semaphore_mem>>) src(%dma_wait3A_352 : memref<8x128xf32, #tpu.memory_space<vmem>>) dst(%dma_wait3A_349 : memref<8x128xf32, #tpu.memory_space<hbm>>)
    %dma_wait3A_353 = arith.constant 1 : i32
    %dma_wait3A_354 = arith.constant 56 : i32
    %dma_wait3A_355 = arith.constant 0 : i32
    %dma_wait3A_356 = tpu.memref_slice %arg9[%dma_wait3A_354, %dma_wait3A_355] : memref<128x129xf32, #tpu.memory_space<vmem>> -> memref<8x128xf32, #tpu.memory_space<vmem>>
    %dma_wait3A_357 = arith.constant 0 : i32
    %dma_wait3A_358 = arith.constant 0 : i32
    %dma_wait3A_359 = tpu.memref_slice %arg4[%select_n3A_173, %dma_wait3A_353, %add3A_231, %dma_wait3A_357, %dma_wait3A_358] : memref<200x4x32x8x128xf32, #tpu.memory_space<hbm>> -> memref<1x1x1x8x128xf32, #tpu.memory_space<hbm>>
    %dma_wait3A_360 = tpu.memref_squeeze %dma_wait3A_359 : memref<1x1x1x8x128xf32, #tpu.memory_space<hbm>> -> memref<8x128xf32, #tpu.memory_space<hbm>>
    %dma_wait3A_361 = arith.constant 0 : i32
    %dma_wait3A_362 = arith.constant 0 : i32
    %dma_wait3A_363 = tpu.memref_slice %arg4[%select_n3A_173, %dma_wait3A_353, %add3A_231, %dma_wait3A_361, %dma_wait3A_362] : memref<200x4x32x8x128xf32, #tpu.memory_space<hbm>> -> memref<1x1x1x8x128xf32, #tpu.memory_space<hbm>>
    %dma_wait3A_364 = tpu.memref_squeeze %dma_wait3A_363 : memref<1x1x1x8x128xf32, #tpu.memory_space<hbm>> -> memref<8x128xf32, #tpu.memory_space<hbm>>
    %dma_wait3A_365 = arith.constant 56 : i32
    %dma_wait3A_366 = arith.constant 0 : i32
    %dma_wait3A_367 = tpu.memref_slice %arg9[%dma_wait3A_365, %dma_wait3A_366] : memref<128x129xf32, #tpu.memory_space<vmem>> -> memref<8x128xf32, #tpu.memory_space<vmem>>
    tpu.wait_dma2 semaphore(%arg15 : memref<!tpu.dma_semaphore, #tpu.memory_space<semaphore_mem>>) src(%dma_wait3A_367 : memref<8x128xf32, #tpu.memory_space<vmem>>) dst(%dma_wait3A_364 : memref<8x128xf32, #tpu.memory_space<hbm>>)
    %dma_wait3A_368 = arith.constant 2 : i32
    %dma_wait3A_369 = arith.constant 64 : i32
    %dma_wait3A_370 = arith.constant 0 : i32
    %dma_wait3A_371 = tpu.memref_slice %arg9[%dma_wait3A_369, %dma_wait3A_370] : memref<128x129xf32, #tpu.memory_space<vmem>> -> memref<8x128xf32, #tpu.memory_space<vmem>>
    %dma_wait3A_372 = arith.constant 0 : i32
    %dma_wait3A_373 = arith.constant 0 : i32
    %dma_wait3A_374 = tpu.memref_slice %arg4[%select_n3A_173, %dma_wait3A_368, %add3A_233, %dma_wait3A_372, %dma_wait3A_373] : memref<200x4x32x8x128xf32, #tpu.memory_space<hbm>> -> memref<1x1x1x8x128xf32, #tpu.memory_space<hbm>>
    %dma_wait3A_375 = tpu.memref_squeeze %dma_wait3A_374 : memref<1x1x1x8x128xf32, #tpu.memory_space<hbm>> -> memref<8x128xf32, #tpu.memory_space<hbm>>
    %dma_wait3A_376 = arith.constant 0 : i32
    %dma_wait3A_377 = arith.constant 0 : i32
    %dma_wait3A_378 = tpu.memref_slice %arg4[%select_n3A_173, %dma_wait3A_368, %add3A_233, %dma_wait3A_376, %dma_wait3A_377] : memref<200x4x32x8x128xf32, #tpu.memory_space<hbm>> -> memref<1x1x1x8x128xf32, #tpu.memory_space<hbm>>
    %dma_wait3A_379 = tpu.memref_squeeze %dma_wait3A_378 : memref<1x1x1x8x128xf32, #tpu.memory_space<hbm>> -> memref<8x128xf32, #tpu.memory_space<hbm>>
    %dma_wait3A_380 = arith.constant 64 : i32
    %dma_wait3A_381 = arith.constant 0 : i32
    %dma_wait3A_382 = tpu.memref_slice %arg9[%dma_wait3A_380, %dma_wait3A_381] : memref<128x129xf32, #tpu.memory_space<vmem>> -> memref<8x128xf32, #tpu.memory_space<vmem>>
    tpu.wait_dma2 semaphore(%arg15 : memref<!tpu.dma_semaphore, #tpu.memory_space<semaphore_mem>>) src(%dma_wait3A_382 : memref<8x128xf32, #tpu.memory_space<vmem>>) dst(%dma_wait3A_379 : memref<8x128xf32, #tpu.memory_space<hbm>>)
    %dma_wait3A_383 = arith.constant 2 : i32
    %dma_wait3A_384 = arith.constant 72 : i32
    %dma_wait3A_385 = arith.constant 0 : i32
    %dma_wait3A_386 = tpu.memref_slice %arg9[%dma_wait3A_384, %dma_wait3A_385] : memref<128x129xf32, #tpu.memory_space<vmem>> -> memref<8x128xf32, #tpu.memory_space<vmem>>
    %dma_wait3A_387 = arith.constant 0 : i32
    %dma_wait3A_388 = arith.constant 0 : i32
    %dma_wait3A_389 = tpu.memref_slice %arg4[%select_n3A_173, %dma_wait3A_383, %add3A_235, %dma_wait3A_387, %dma_wait3A_388] : memref<200x4x32x8x128xf32, #tpu.memory_space<hbm>> -> memref<1x1x1x8x128xf32, #tpu.memory_space<hbm>>
    %dma_wait3A_390 = tpu.memref_squeeze %dma_wait3A_389 : memref<1x1x1x8x128xf32, #tpu.memory_space<hbm>> -> memref<8x128xf32, #tpu.memory_space<hbm>>
    %dma_wait3A_391 = arith.constant 0 : i32
    %dma_wait3A_392 = arith.constant 0 : i32
    %dma_wait3A_393 = tpu.memref_slice %arg4[%select_n3A_173, %dma_wait3A_383, %add3A_235, %dma_wait3A_391, %dma_wait3A_392] : memref<200x4x32x8x128xf32, #tpu.memory_space<hbm>> -> memref<1x1x1x8x128xf32, #tpu.memory_space<hbm>>
    %dma_wait3A_394 = tpu.memref_squeeze %dma_wait3A_393 : memref<1x1x1x8x128xf32, #tpu.memory_space<hbm>> -> memref<8x128xf32, #tpu.memory_space<hbm>>
    %dma_wait3A_395 = arith.constant 72 : i32
    %dma_wait3A_396 = arith.constant 0 : i32
    %dma_wait3A_397 = tpu.memref_slice %arg9[%dma_wait3A_395, %dma_wait3A_396] : memref<128x129xf32, #tpu.memory_space<vmem>> -> memref<8x128xf32, #tpu.memory_space<vmem>>
    tpu.wait_dma2 semaphore(%arg15 : memref<!tpu.dma_semaphore, #tpu.memory_space<semaphore_mem>>) src(%dma_wait3A_397 : memref<8x128xf32, #tpu.memory_space<vmem>>) dst(%dma_wait3A_394 : memref<8x128xf32, #tpu.memory_space<hbm>>)
    %dma_wait3A_398 = arith.constant 2 : i32
    %dma_wait3A_399 = arith.constant 80 : i32
    %dma_wait3A_400 = arith.constant 0 : i32
    %dma_wait3A_401 = tpu.memref_slice %arg9[%dma_wait3A_399, %dma_wait3A_400] : memref<128x129xf32, #tpu.memory_space<vmem>> -> memref<8x128xf32, #tpu.memory_space<vmem>>
    %dma_wait3A_402 = arith.constant 0 : i32
    %dma_wait3A_403 = arith.constant 0 : i32
    %dma_wait3A_404 = tpu.memref_slice %arg4[%select_n3A_173, %dma_wait3A_398, %add3A_237, %dma_wait3A_402, %dma_wait3A_403] : memref<200x4x32x8x128xf32, #tpu.memory_space<hbm>> -> memref<1x1x1x8x128xf32, #tpu.memory_space<hbm>>
    %dma_wait3A_405 = tpu.memref_squeeze %dma_wait3A_404 : memref<1x1x1x8x128xf32, #tpu.memory_space<hbm>> -> memref<8x128xf32, #tpu.memory_space<hbm>>
    %dma_wait3A_406 = arith.constant 0 : i32
    %dma_wait3A_407 = arith.constant 0 : i32
    %dma_wait3A_408 = tpu.memref_slice %arg4[%select_n3A_173, %dma_wait3A_398, %add3A_237, %dma_wait3A_406, %dma_wait3A_407] : memref<200x4x32x8x128xf32, #tpu.memory_space<hbm>> -> memref<1x1x1x8x128xf32, #tpu.memory_space<hbm>>
    %dma_wait3A_409 = tpu.memref_squeeze %dma_wait3A_408 : memref<1x1x1x8x128xf32, #tpu.memory_space<hbm>> -> memref<8x128xf32, #tpu.memory_space<hbm>>
    %dma_wait3A_410 = arith.constant 80 : i32
    %dma_wait3A_411 = arith.constant 0 : i32
    %dma_wait3A_412 = tpu.memref_slice %arg9[%dma_wait3A_410, %dma_wait3A_411] : memref<128x129xf32, #tpu.memory_space<vmem>> -> memref<8x128xf32, #tpu.memory_space<vmem>>
    tpu.wait_dma2 semaphore(%arg15 : memref<!tpu.dma_semaphore, #tpu.memory_space<semaphore_mem>>) src(%dma_wait3A_412 : memref<8x128xf32, #tpu.memory_space<vmem>>) dst(%dma_wait3A_409 : memref<8x128xf32, #tpu.memory_space<hbm>>)
    %dma_wait3A_413 = arith.constant 2 : i32
    %dma_wait3A_414 = arith.constant 88 : i32
    %dma_wait3A_415 = arith.constant 0 : i32
    %dma_wait3A_416 = tpu.memref_slice %arg9[%dma_wait3A_414, %dma_wait3A_415] : memref<128x129xf32, #tpu.memory_space<vmem>> -> memref<8x128xf32, #tpu.memory_space<vmem>>
    %dma_wait3A_417 = arith.constant 0 : i32
    %dma_wait3A_418 = arith.constant 0 : i32
    %dma_wait3A_419 = tpu.memref_slice %arg4[%select_n3A_173, %dma_wait3A_413, %add3A_239, %dma_wait3A_417, %dma_wait3A_418] : memref<200x4x32x8x128xf32, #tpu.memory_space<hbm>> -> memref<1x1x1x8x128xf32, #tpu.memory_space<hbm>>
    %dma_wait3A_420 = tpu.memref_squeeze %dma_wait3A_419 : memref<1x1x1x8x128xf32, #tpu.memory_space<hbm>> -> memref<8x128xf32, #tpu.memory_space<hbm>>
    %dma_wait3A_421 = arith.constant 0 : i32
    %dma_wait3A_422 = arith.constant 0 : i32
    %dma_wait3A_423 = tpu.memref_slice %arg4[%select_n3A_173, %dma_wait3A_413, %add3A_239, %dma_wait3A_421, %dma_wait3A_422] : memref<200x4x32x8x128xf32, #tpu.memory_space<hbm>> -> memref<1x1x1x8x128xf32, #tpu.memory_space<hbm>>
    %dma_wait3A_424 = tpu.memref_squeeze %dma_wait3A_423 : memref<1x1x1x8x128xf32, #tpu.memory_space<hbm>> -> memref<8x128xf32, #tpu.memory_space<hbm>>
    %dma_wait3A_425 = arith.constant 88 : i32
    %dma_wait3A_426 = arith.constant 0 : i32
    %dma_wait3A_427 = tpu.memref_slice %arg9[%dma_wait3A_425, %dma_wait3A_426] : memref<128x129xf32, #tpu.memory_space<vmem>> -> memref<8x128xf32, #tpu.memory_space<vmem>>
    tpu.wait_dma2 semaphore(%arg15 : memref<!tpu.dma_semaphore, #tpu.memory_space<semaphore_mem>>) src(%dma_wait3A_427 : memref<8x128xf32, #tpu.memory_space<vmem>>) dst(%dma_wait3A_424 : memref<8x128xf32, #tpu.memory_space<hbm>>)
    %dma_wait3A_428 = arith.constant 3 : i32
    %dma_wait3A_429 = arith.constant 96 : i32
    %dma_wait3A_430 = arith.constant 0 : i32
    %dma_wait3A_431 = tpu.memref_slice %arg9[%dma_wait3A_429, %dma_wait3A_430] : memref<128x129xf32, #tpu.memory_space<vmem>> -> memref<8x128xf32, #tpu.memory_space<vmem>>
    %dma_wait3A_432 = arith.constant 0 : i32
    %dma_wait3A_433 = arith.constant 0 : i32
    %dma_wait3A_434 = tpu.memref_slice %arg4[%select_n3A_173, %dma_wait3A_428, %add3A_241, %dma_wait3A_432, %dma_wait3A_433] : memref<200x4x32x8x128xf32, #tpu.memory_space<hbm>> -> memref<1x1x1x8x128xf32, #tpu.memory_space<hbm>>
    %dma_wait3A_435 = tpu.memref_squeeze %dma_wait3A_434 : memref<1x1x1x8x128xf32, #tpu.memory_space<hbm>> -> memref<8x128xf32, #tpu.memory_space<hbm>>
    %dma_wait3A_436 = arith.constant 0 : i32
    %dma_wait3A_437 = arith.constant 0 : i32
    %dma_wait3A_438 = tpu.memref_slice %arg4[%select_n3A_173, %dma_wait3A_428, %add3A_241, %dma_wait3A_436, %dma_wait3A_437] : memref<200x4x32x8x128xf32, #tpu.memory_space<hbm>> -> memref<1x1x1x8x128xf32, #tpu.memory_space<hbm>>
    %dma_wait3A_439 = tpu.memref_squeeze %dma_wait3A_438 : memref<1x1x1x8x128xf32, #tpu.memory_space<hbm>> -> memref<8x128xf32, #tpu.memory_space<hbm>>
    %dma_wait3A_440 = arith.constant 96 : i32
    %dma_wait3A_441 = arith.constant 0 : i32
    %dma_wait3A_442 = tpu.memref_slice %arg9[%dma_wait3A_440, %dma_wait3A_441] : memref<128x129xf32, #tpu.memory_space<vmem>> -> memref<8x128xf32, #tpu.memory_space<vmem>>
    tpu.wait_dma2 semaphore(%arg15 : memref<!tpu.dma_semaphore, #tpu.memory_space<semaphore_mem>>) src(%dma_wait3A_442 : memref<8x128xf32, #tpu.memory_space<vmem>>) dst(%dma_wait3A_439 : memref<8x128xf32, #tpu.memory_space<hbm>>)
    %dma_wait3A_443 = arith.constant 3 : i32
    %dma_wait3A_444 = arith.constant 104 : i32
    %dma_wait3A_445 = arith.constant 0 : i32
    %dma_wait3A_446 = tpu.memref_slice %arg9[%dma_wait3A_444, %dma_wait3A_445] : memref<128x129xf32, #tpu.memory_space<vmem>> -> memref<8x128xf32, #tpu.memory_space<vmem>>
    %dma_wait3A_447 = arith.constant 0 : i32
    %dma_wait3A_448 = arith.constant 0 : i32
    %dma_wait3A_449 = tpu.memref_slice %arg4[%select_n3A_173, %dma_wait3A_443, %add3A_243, %dma_wait3A_447, %dma_wait3A_448] : memref<200x4x32x8x128xf32, #tpu.memory_space<hbm>> -> memref<1x1x1x8x128xf32, #tpu.memory_space<hbm>>
    %dma_wait3A_450 = tpu.memref_squeeze %dma_wait3A_449 : memref<1x1x1x8x128xf32, #tpu.memory_space<hbm>> -> memref<8x128xf32, #tpu.memory_space<hbm>>
    %dma_wait3A_451 = arith.constant 0 : i32
    %dma_wait3A_452 = arith.constant 0 : i32
    %dma_wait3A_453 = tpu.memref_slice %arg4[%select_n3A_173, %dma_wait3A_443, %add3A_243, %dma_wait3A_451, %dma_wait3A_452] : memref<200x4x32x8x128xf32, #tpu.memory_space<hbm>> -> memref<1x1x1x8x128xf32, #tpu.memory_space<hbm>>
    %dma_wait3A_454 = tpu.memref_squeeze %dma_wait3A_453 : memref<1x1x1x8x128xf32, #tpu.memory_space<hbm>> -> memref<8x128xf32, #tpu.memory_space<hbm>>
    %dma_wait3A_455 = arith.constant 104 : i32
    %dma_wait3A_456 = arith.constant 0 : i32
    %dma_wait3A_457 = tpu.memref_slice %arg9[%dma_wait3A_455, %dma_wait3A_456] : memref<128x129xf32, #tpu.memory_space<vmem>> -> memref<8x128xf32, #tpu.memory_space<vmem>>
    tpu.wait_dma2 semaphore(%arg15 : memref<!tpu.dma_semaphore, #tpu.memory_space<semaphore_mem>>) src(%dma_wait3A_457 : memref<8x128xf32, #tpu.memory_space<vmem>>) dst(%dma_wait3A_454 : memref<8x128xf32, #tpu.memory_space<hbm>>)
    %dma_wait3A_458 = arith.constant 3 : i32
    %dma_wait3A_459 = arith.constant 112 : i32
    %dma_wait3A_460 = arith.constant 0 : i32
    %dma_wait3A_461 = tpu.memref_slice %arg9[%dma_wait3A_459, %dma_wait3A_460] : memref<128x129xf32, #tpu.memory_space<vmem>> -> memref<8x128xf32, #tpu.memory_space<vmem>>
    %dma_wait3A_462 = arith.constant 0 : i32
    %dma_wait3A_463 = arith.constant 0 : i32
    %dma_wait3A_464 = tpu.memref_slice %arg4[%select_n3A_173, %dma_wait3A_458, %add3A_245, %dma_wait3A_462, %dma_wait3A_463] : memref<200x4x32x8x128xf32, #tpu.memory_space<hbm>> -> memref<1x1x1x8x128xf32, #tpu.memory_space<hbm>>
    %dma_wait3A_465 = tpu.memref_squeeze %dma_wait3A_464 : memref<1x1x1x8x128xf32, #tpu.memory_space<hbm>> -> memref<8x128xf32, #tpu.memory_space<hbm>>
    %dma_wait3A_466 = arith.constant 0 : i32
    %dma_wait3A_467 = arith.constant 0 : i32
    %dma_wait3A_468 = tpu.memref_slice %arg4[%select_n3A_173, %dma_wait3A_458, %add3A_245, %dma_wait3A_466, %dma_wait3A_467] : memref<200x4x32x8x128xf32, #tpu.memory_space<hbm>> -> memref<1x1x1x8x128xf32, #tpu.memory_space<hbm>>
    %dma_wait3A_469 = tpu.memref_squeeze %dma_wait3A_468 : memref<1x1x1x8x128xf32, #tpu.memory_space<hbm>> -> memref<8x128xf32, #tpu.memory_space<hbm>>
    %dma_wait3A_470 = arith.constant 112 : i32
    %dma_wait3A_471 = arith.constant 0 : i32
    %dma_wait3A_472 = tpu.memref_slice %arg9[%dma_wait3A_470, %dma_wait3A_471] : memref<128x129xf32, #tpu.memory_space<vmem>> -> memref<8x128xf32, #tpu.memory_space<vmem>>
    tpu.wait_dma2 semaphore(%arg15 : memref<!tpu.dma_semaphore, #tpu.memory_space<semaphore_mem>>) src(%dma_wait3A_472 : memref<8x128xf32, #tpu.memory_space<vmem>>) dst(%dma_wait3A_469 : memref<8x128xf32, #tpu.memory_space<hbm>>)
    %dma_wait3A_473 = arith.constant 3 : i32
    %dma_wait3A_474 = arith.constant 120 : i32
    %dma_wait3A_475 = arith.constant 0 : i32
    %dma_wait3A_476 = tpu.memref_slice %arg9[%dma_wait3A_474, %dma_wait3A_475] : memref<128x129xf32, #tpu.memory_space<vmem>> -> memref<8x128xf32, #tpu.memory_space<vmem>>
    %dma_wait3A_477 = arith.constant 0 : i32
    %dma_wait3A_478 = arith.constant 0 : i32
    %dma_wait3A_479 = tpu.memref_slice %arg4[%select_n3A_173, %dma_wait3A_473, %add3A_247, %dma_wait3A_477, %dma_wait3A_478] : memref<200x4x32x8x128xf32, #tpu.memory_space<hbm>> -> memref<1x1x1x8x128xf32, #tpu.memory_space<hbm>>
    %dma_wait3A_480 = tpu.memref_squeeze %dma_wait3A_479 : memref<1x1x1x8x128xf32, #tpu.memory_space<hbm>> -> memref<8x128xf32, #tpu.memory_space<hbm>>
    %dma_wait3A_481 = arith.constant 0 : i32
    %dma_wait3A_482 = arith.constant 0 : i32
    %dma_wait3A_483 = tpu.memref_slice %arg4[%select_n3A_173, %dma_wait3A_473, %add3A_247, %dma_wait3A_481, %dma_wait3A_482] : memref<200x4x32x8x128xf32, #tpu.memory_space<hbm>> -> memref<1x1x1x8x128xf32, #tpu.memory_space<hbm>>
    %dma_wait3A_484 = tpu.memref_squeeze %dma_wait3A_483 : memref<1x1x1x8x128xf32, #tpu.memory_space<hbm>> -> memref<8x128xf32, #tpu.memory_space<hbm>>
    %dma_wait3A_485 = arith.constant 120 : i32
    %dma_wait3A_486 = arith.constant 0 : i32
    %dma_wait3A_487 = tpu.memref_slice %arg9[%dma_wait3A_485, %dma_wait3A_486] : memref<128x129xf32, #tpu.memory_space<vmem>> -> memref<8x128xf32, #tpu.memory_space<vmem>>
    tpu.wait_dma2 semaphore(%arg15 : memref<!tpu.dma_semaphore, #tpu.memory_space<semaphore_mem>>) src(%dma_wait3A_487 : memref<8x128xf32, #tpu.memory_space<vmem>>) dst(%dma_wait3A_484 : memref<8x128xf32, #tpu.memory_space<hbm>>)
    %mul3A_488 = arith.constant 50 : i32
    %mul3A_489 = arith.muli %add3A, %mul3A_488 : i32
    %add3A_490 = arith.constant 49 : i32
    %add3A_491 = arith.addi %mul3A_489, %add3A_490 : i32
    %jit3A_492 = arith.constant 8 : i32
    %div3A_493 = arith.divsi %add3A_491, %jit3A_492 : i32
    %sign3A_494 = arith.constant 0 : i32
    %sign3A_495 = arith.cmpi sgt, %add3A_491, %sign3A_494 : i32
    %sign3A_496 = arith.extui %sign3A_495 : i1 to i32
    %sign3A_497 = arith.constant 0 : i32
    %sign3A_498 = arith.cmpi slt, %add3A_491, %sign3A_497 : i32
    %sign3A_499 = arith.extui %sign3A_498 : i1 to i32
    %sign3A_500 = arith.subi %sign3A_496, %sign3A_499 : i32
    %sign3A_501 = arith.constant 0 : i32
    %sign3A_502 = arith.cmpi sgt, %jit3A_492, %sign3A_501 : i32
    %sign3A_503 = arith.extui %sign3A_502 : i1 to i32
    %sign3A_504 = arith.constant 0 : i32
    %sign3A_505 = arith.cmpi slt, %jit3A_492, %sign3A_504 : i32
    %sign3A_506 = arith.extui %sign3A_505 : i1 to i32
    %sign3A_507 = arith.subi %sign3A_503, %sign3A_506 : i32
    %ne3A_508 = arith.cmpi ne, %sign3A_500, %sign3A_507 : i32
    %rem3A_509 = arith.remsi %add3A_491, %jit3A_492 : i32
    %ne3A_510 = arith.constant 0 : i32
    %ne3A_511 = arith.cmpi ne, %rem3A_509, %ne3A_510 : i32
    %and3A_512 = arith.andi %ne3A_508, %ne3A_511 : i1
    %sub3A_513 = arith.constant 1 : i32
    %sub3A_514 = arith.subi %div3A_493, %sub3A_513 : i32
    %select_n3A_515 = arith.select %and3A_512, %sub3A_514, %div3A_493 : i32
    %jit3A_516 = arith.constant 8 : i32
    %eq3A_517 = arith.constant 0 : i32
    %eq3A_518 = arith.cmpi eq, %jit3A_516, %eq3A_517 : i32
    %jit3A_519 = arith.constant 1 : i32
    %select_n3A_520 = arith.select %eq3A_518, %jit3A_519, %jit3A_516 : i32
    %rem3A_521 = arith.remsi %add3A_491, %select_n3A_520 : i32
    %ne3A_522 = arith.constant 0 : i32
    %ne3A_523 = arith.cmpi ne, %rem3A_521, %ne3A_522 : i32
    %lt3A_524 = arith.constant 0 : i32
    %lt3A_525 = arith.cmpi slt, %rem3A_521, %lt3A_524 : i32
    %lt3A_526 = arith.constant 0 : i32
    %lt3A_527 = arith.cmpi slt, %select_n3A_520, %lt3A_526 : i32
    %ne3A_528 = arith.xori %lt3A_525, %lt3A_527 : i1
    %and3A_529 = arith.andi %ne3A_528, %ne3A_523 : i1
    %add3A_530 = arith.addi %rem3A_521, %select_n3A_520 : i32
    %select_n3A_531 = arith.select %and3A_529, %add3A_530, %rem3A_521 : i32
    %mul3A_532 = arith.constant 512 : i32
    %mul3A_533 = arith.muli %select_n3A_531, %mul3A_532 : i32
    %jit3A_534 = arith.constant 128 : i32
    %div3A_535 = arith.divsi %mul3A_533, %jit3A_534 : i32
    %sign3A_536 = arith.constant 0 : i32
    %sign3A_537 = arith.cmpi sgt, %mul3A_533, %sign3A_536 : i32
    %sign3A_538 = arith.extui %sign3A_537 : i1 to i32
    %sign3A_539 = arith.constant 0 : i32
    %sign3A_540 = arith.cmpi slt, %mul3A_533, %sign3A_539 : i32
    %sign3A_541 = arith.extui %sign3A_540 : i1 to i32
    %sign3A_542 = arith.subi %sign3A_538, %sign3A_541 : i32
    %sign3A_543 = arith.constant 0 : i32
    %sign3A_544 = arith.cmpi sgt, %jit3A_534, %sign3A_543 : i32
    %sign3A_545 = arith.extui %sign3A_544 : i1 to i32
    %sign3A_546 = arith.constant 0 : i32
    %sign3A_547 = arith.cmpi slt, %jit3A_534, %sign3A_546 : i32
    %sign3A_548 = arith.extui %sign3A_547 : i1 to i32
    %sign3A_549 = arith.subi %sign3A_545, %sign3A_548 : i32
    %ne3A_550 = arith.cmpi ne, %sign3A_542, %sign3A_549 : i32
    %rem3A_551 = arith.remsi %mul3A_533, %jit3A_534 : i32
    %ne3A_552 = arith.constant 0 : i32
    %ne3A_553 = arith.cmpi ne, %rem3A_551, %ne3A_552 : i32
    %and3A_554 = arith.andi %ne3A_550, %ne3A_553 : i1
    %sub3A_555 = arith.constant 1 : i32
    %sub3A_556 = arith.subi %div3A_535, %sub3A_555 : i32
    %select_n3A_557 = arith.select %and3A_554, %sub3A_556, %div3A_535 : i32
    %add3A_558 = arith.constant 0 : i32
    %add3A_559 = arith.addi %select_n3A_557, %add3A_558 : i32
    %add3A_560 = arith.constant 1 : i32
    %add3A_561 = arith.addi %select_n3A_557, %add3A_560 : i32
    %add3A_562 = arith.constant 2 : i32
    %add3A_563 = arith.addi %select_n3A_557, %add3A_562 : i32
    %add3A_564 = arith.constant 3 : i32
    %add3A_565 = arith.addi %select_n3A_557, %add3A_564 : i32
    %add3A_566 = arith.constant 0 : i32
    %add3A_567 = arith.addi %select_n3A_557, %add3A_566 : i32
    %add3A_568 = arith.constant 1 : i32
    %add3A_569 = arith.addi %select_n3A_557, %add3A_568 : i32
    %add3A_570 = arith.constant 2 : i32
    %add3A_571 = arith.addi %select_n3A_557, %add3A_570 : i32
    %add3A_572 = arith.constant 3 : i32
    %add3A_573 = arith.addi %select_n3A_557, %add3A_572 : i32
    %add3A_574 = arith.constant 0 : i32
    %add3A_575 = arith.addi %select_n3A_557, %add3A_574 : i32
    %add3A_576 = arith.constant 1 : i32
    %add3A_577 = arith.addi %select_n3A_557, %add3A_576 : i32
    %add3A_578 = arith.constant 2 : i32
    %add3A_579 = arith.addi %select_n3A_557, %add3A_578 : i32
    %add3A_580 = arith.constant 3 : i32
    %add3A_581 = arith.addi %select_n3A_557, %add3A_580 : i32
    %add3A_582 = arith.constant 0 : i32
    %add3A_583 = arith.addi %select_n3A_557, %add3A_582 : i32
    %add3A_584 = arith.constant 1 : i32
    %add3A_585 = arith.addi %select_n3A_557, %add3A_584 : i32
    %add3A_586 = arith.constant 2 : i32
    %add3A_587 = arith.addi %select_n3A_557, %add3A_586 : i32
    %add3A_588 = arith.constant 3 : i32
    %add3A_589 = arith.addi %select_n3A_557, %add3A_588 : i32
    %dma_wait3A_590 = arith.constant 0 : i32
    %dma_wait3A_591 = arith.constant 0 : i32
    %dma_wait3A_592 = arith.constant 0 : i32
    %dma_wait3A_593 = tpu.memref_slice %arg10[%dma_wait3A_591, %dma_wait3A_592] : memref<128x129xf32, #tpu.memory_space<vmem>> -> memref<8x128xf32, #tpu.memory_space<vmem>>
    %dma_wait3A_594 = arith.constant 0 : i32
    %dma_wait3A_595 = arith.constant 0 : i32
    %dma_wait3A_596 = tpu.memref_slice %arg4[%select_n3A_515, %dma_wait3A_590, %add3A_559, %dma_wait3A_594, %dma_wait3A_595] : memref<200x4x32x8x128xf32, #tpu.memory_space<hbm>> -> memref<1x1x1x8x128xf32, #tpu.memory_space<hbm>>
    %dma_wait3A_597 = tpu.memref_squeeze %dma_wait3A_596 : memref<1x1x1x8x128xf32, #tpu.memory_space<hbm>> -> memref<8x128xf32, #tpu.memory_space<hbm>>
    %dma_wait3A_598 = arith.constant 0 : i32
    %dma_wait3A_599 = arith.constant 0 : i32
    %dma_wait3A_600 = tpu.memref_slice %arg4[%select_n3A_515, %dma_wait3A_590, %add3A_559, %dma_wait3A_598, %dma_wait3A_599] : memref<200x4x32x8x128xf32, #tpu.memory_space<hbm>> -> memref<1x1x1x8x128xf32, #tpu.memory_space<hbm>>
    %dma_wait3A_601 = tpu.memref_squeeze %dma_wait3A_600 : memref<1x1x1x8x128xf32, #tpu.memory_space<hbm>> -> memref<8x128xf32, #tpu.memory_space<hbm>>
    %dma_wait3A_602 = arith.constant 0 : i32
    %dma_wait3A_603 = arith.constant 0 : i32
    %dma_wait3A_604 = tpu.memref_slice %arg10[%dma_wait3A_602, %dma_wait3A_603] : memref<128x129xf32, #tpu.memory_space<vmem>> -> memref<8x128xf32, #tpu.memory_space<vmem>>
    tpu.wait_dma2 semaphore(%arg16 : memref<!tpu.dma_semaphore, #tpu.memory_space<semaphore_mem>>) src(%dma_wait3A_604 : memref<8x128xf32, #tpu.memory_space<vmem>>) dst(%dma_wait3A_601 : memref<8x128xf32, #tpu.memory_space<hbm>>)
    %dma_wait3A_605 = arith.constant 0 : i32
    %dma_wait3A_606 = arith.constant 8 : i32
    %dma_wait3A_607 = arith.constant 0 : i32
    %dma_wait3A_608 = tpu.memref_slice %arg10[%dma_wait3A_606, %dma_wait3A_607] : memref<128x129xf32, #tpu.memory_space<vmem>> -> memref<8x128xf32, #tpu.memory_space<vmem>>
    %dma_wait3A_609 = arith.constant 0 : i32
    %dma_wait3A_610 = arith.constant 0 : i32
    %dma_wait3A_611 = tpu.memref_slice %arg4[%select_n3A_515, %dma_wait3A_605, %add3A_561, %dma_wait3A_609, %dma_wait3A_610] : memref<200x4x32x8x128xf32, #tpu.memory_space<hbm>> -> memref<1x1x1x8x128xf32, #tpu.memory_space<hbm>>
    %dma_wait3A_612 = tpu.memref_squeeze %dma_wait3A_611 : memref<1x1x1x8x128xf32, #tpu.memory_space<hbm>> -> memref<8x128xf32, #tpu.memory_space<hbm>>
    %dma_wait3A_613 = arith.constant 0 : i32
    %dma_wait3A_614 = arith.constant 0 : i32
    %dma_wait3A_615 = tpu.memref_slice %arg4[%select_n3A_515, %dma_wait3A_605, %add3A_561, %dma_wait3A_613, %dma_wait3A_614] : memref<200x4x32x8x128xf32, #tpu.memory_space<hbm>> -> memref<1x1x1x8x128xf32, #tpu.memory_space<hbm>>
    %dma_wait3A_616 = tpu.memref_squeeze %dma_wait3A_615 : memref<1x1x1x8x128xf32, #tpu.memory_space<hbm>> -> memref<8x128xf32, #tpu.memory_space<hbm>>
    %dma_wait3A_617 = arith.constant 8 : i32
    %dma_wait3A_618 = arith.constant 0 : i32
    %dma_wait3A_619 = tpu.memref_slice %arg10[%dma_wait3A_617, %dma_wait3A_618] : memref<128x129xf32, #tpu.memory_space<vmem>> -> memref<8x128xf32, #tpu.memory_space<vmem>>
    tpu.wait_dma2 semaphore(%arg16 : memref<!tpu.dma_semaphore, #tpu.memory_space<semaphore_mem>>) src(%dma_wait3A_619 : memref<8x128xf32, #tpu.memory_space<vmem>>) dst(%dma_wait3A_616 : memref<8x128xf32, #tpu.memory_space<hbm>>)
    %dma_wait3A_620 = arith.constant 0 : i32
    %dma_wait3A_621 = arith.constant 16 : i32
    %dma_wait3A_622 = arith.constant 0 : i32
    %dma_wait3A_623 = tpu.memref_slice %arg10[%dma_wait3A_621, %dma_wait3A_622] : memref<128x129xf32, #tpu.memory_space<vmem>> -> memref<8x128xf32, #tpu.memory_space<vmem>>
    %dma_wait3A_624 = arith.constant 0 : i32
    %dma_wait3A_625 = arith.constant 0 : i32
    %dma_wait3A_626 = tpu.memref_slice %arg4[%select_n3A_515, %dma_wait3A_620, %add3A_563, %dma_wait3A_624, %dma_wait3A_625] : memref<200x4x32x8x128xf32, #tpu.memory_space<hbm>> -> memref<1x1x1x8x128xf32, #tpu.memory_space<hbm>>
    %dma_wait3A_627 = tpu.memref_squeeze %dma_wait3A_626 : memref<1x1x1x8x128xf32, #tpu.memory_space<hbm>> -> memref<8x128xf32, #tpu.memory_space<hbm>>
    %dma_wait3A_628 = arith.constant 0 : i32
    %dma_wait3A_629 = arith.constant 0 : i32
    %dma_wait3A_630 = tpu.memref_slice %arg4[%select_n3A_515, %dma_wait3A_620, %add3A_563, %dma_wait3A_628, %dma_wait3A_629] : memref<200x4x32x8x128xf32, #tpu.memory_space<hbm>> -> memref<1x1x1x8x128xf32, #tpu.memory_space<hbm>>
    %dma_wait3A_631 = tpu.memref_squeeze %dma_wait3A_630 : memref<1x1x1x8x128xf32, #tpu.memory_space<hbm>> -> memref<8x128xf32, #tpu.memory_space<hbm>>
    %dma_wait3A_632 = arith.constant 16 : i32
    %dma_wait3A_633 = arith.constant 0 : i32
    %dma_wait3A_634 = tpu.memref_slice %arg10[%dma_wait3A_632, %dma_wait3A_633] : memref<128x129xf32, #tpu.memory_space<vmem>> -> memref<8x128xf32, #tpu.memory_space<vmem>>
    tpu.wait_dma2 semaphore(%arg16 : memref<!tpu.dma_semaphore, #tpu.memory_space<semaphore_mem>>) src(%dma_wait3A_634 : memref<8x128xf32, #tpu.memory_space<vmem>>) dst(%dma_wait3A_631 : memref<8x128xf32, #tpu.memory_space<hbm>>)
    %dma_wait3A_635 = arith.constant 0 : i32
    %dma_wait3A_636 = arith.constant 24 : i32
    %dma_wait3A_637 = arith.constant 0 : i32
    %dma_wait3A_638 = tpu.memref_slice %arg10[%dma_wait3A_636, %dma_wait3A_637] : memref<128x129xf32, #tpu.memory_space<vmem>> -> memref<8x128xf32, #tpu.memory_space<vmem>>
    %dma_wait3A_639 = arith.constant 0 : i32
    %dma_wait3A_640 = arith.constant 0 : i32
    %dma_wait3A_641 = tpu.memref_slice %arg4[%select_n3A_515, %dma_wait3A_635, %add3A_565, %dma_wait3A_639, %dma_wait3A_640] : memref<200x4x32x8x128xf32, #tpu.memory_space<hbm>> -> memref<1x1x1x8x128xf32, #tpu.memory_space<hbm>>
    %dma_wait3A_642 = tpu.memref_squeeze %dma_wait3A_641 : memref<1x1x1x8x128xf32, #tpu.memory_space<hbm>> -> memref<8x128xf32, #tpu.memory_space<hbm>>
    %dma_wait3A_643 = arith.constant 0 : i32
    %dma_wait3A_644 = arith.constant 0 : i32
    %dma_wait3A_645 = tpu.memref_slice %arg4[%select_n3A_515, %dma_wait3A_635, %add3A_565, %dma_wait3A_643, %dma_wait3A_644] : memref<200x4x32x8x128xf32, #tpu.memory_space<hbm>> -> memref<1x1x1x8x128xf32, #tpu.memory_space<hbm>>
    %dma_wait3A_646 = tpu.memref_squeeze %dma_wait3A_645 : memref<1x1x1x8x128xf32, #tpu.memory_space<hbm>> -> memref<8x128xf32, #tpu.memory_space<hbm>>
    %dma_wait3A_647 = arith.constant 24 : i32
    %dma_wait3A_648 = arith.constant 0 : i32
    %dma_wait3A_649 = tpu.memref_slice %arg10[%dma_wait3A_647, %dma_wait3A_648] : memref<128x129xf32, #tpu.memory_space<vmem>> -> memref<8x128xf32, #tpu.memory_space<vmem>>
    tpu.wait_dma2 semaphore(%arg16 : memref<!tpu.dma_semaphore, #tpu.memory_space<semaphore_mem>>) src(%dma_wait3A_649 : memref<8x128xf32, #tpu.memory_space<vmem>>) dst(%dma_wait3A_646 : memref<8x128xf32, #tpu.memory_space<hbm>>)
    %dma_wait3A_650 = arith.constant 1 : i32
    %dma_wait3A_651 = arith.constant 32 : i32
    %dma_wait3A_652 = arith.constant 0 : i32
    %dma_wait3A_653 = tpu.memref_slice %arg10[%dma_wait3A_651, %dma_wait3A_652] : memref<128x129xf32, #tpu.memory_space<vmem>> -> memref<8x128xf32, #tpu.memory_space<vmem>>
    %dma_wait3A_654 = arith.constant 0 : i32
    %dma_wait3A_655 = arith.constant 0 : i32
    %dma_wait3A_656 = tpu.memref_slice %arg4[%select_n3A_515, %dma_wait3A_650, %add3A_567, %dma_wait3A_654, %dma_wait3A_655] : memref<200x4x32x8x128xf32, #tpu.memory_space<hbm>> -> memref<1x1x1x8x128xf32, #tpu.memory_space<hbm>>
    %dma_wait3A_657 = tpu.memref_squeeze %dma_wait3A_656 : memref<1x1x1x8x128xf32, #tpu.memory_space<hbm>> -> memref<8x128xf32, #tpu.memory_space<hbm>>
    %dma_wait3A_658 = arith.constant 0 : i32
    %dma_wait3A_659 = arith.constant 0 : i32
    %dma_wait3A_660 = tpu.memref_slice %arg4[%select_n3A_515, %dma_wait3A_650, %add3A_567, %dma_wait3A_658, %dma_wait3A_659] : memref<200x4x32x8x128xf32, #tpu.memory_space<hbm>> -> memref<1x1x1x8x128xf32, #tpu.memory_space<hbm>>
    %dma_wait3A_661 = tpu.memref_squeeze %dma_wait3A_660 : memref<1x1x1x8x128xf32, #tpu.memory_space<hbm>> -> memref<8x128xf32, #tpu.memory_space<hbm>>
    %dma_wait3A_662 = arith.constant 32 : i32
    %dma_wait3A_663 = arith.constant 0 : i32
    %dma_wait3A_664 = tpu.memref_slice %arg10[%dma_wait3A_662, %dma_wait3A_663] : memref<128x129xf32, #tpu.memory_space<vmem>> -> memref<8x128xf32, #tpu.memory_space<vmem>>
    tpu.wait_dma2 semaphore(%arg16 : memref<!tpu.dma_semaphore, #tpu.memory_space<semaphore_mem>>) src(%dma_wait3A_664 : memref<8x128xf32, #tpu.memory_space<vmem>>) dst(%dma_wait3A_661 : memref<8x128xf32, #tpu.memory_space<hbm>>)
    %dma_wait3A_665 = arith.constant 1 : i32
    %dma_wait3A_666 = arith.constant 40 : i32
    %dma_wait3A_667 = arith.constant 0 : i32
    %dma_wait3A_668 = tpu.memref_slice %arg10[%dma_wait3A_666, %dma_wait3A_667] : memref<128x129xf32, #tpu.memory_space<vmem>> -> memref<8x128xf32, #tpu.memory_space<vmem>>
    %dma_wait3A_669 = arith.constant 0 : i32
    %dma_wait3A_670 = arith.constant 0 : i32
    %dma_wait3A_671 = tpu.memref_slice %arg4[%select_n3A_515, %dma_wait3A_665, %add3A_569, %dma_wait3A_669, %dma_wait3A_670] : memref<200x4x32x8x128xf32, #tpu.memory_space<hbm>> -> memref<1x1x1x8x128xf32, #tpu.memory_space<hbm>>
    %dma_wait3A_672 = tpu.memref_squeeze %dma_wait3A_671 : memref<1x1x1x8x128xf32, #tpu.memory_space<hbm>> -> memref<8x128xf32, #tpu.memory_space<hbm>>
    %dma_wait3A_673 = arith.constant 0 : i32
    %dma_wait3A_674 = arith.constant 0 : i32
    %dma_wait3A_675 = tpu.memref_slice %arg4[%select_n3A_515, %dma_wait3A_665, %add3A_569, %dma_wait3A_673, %dma_wait3A_674] : memref<200x4x32x8x128xf32, #tpu.memory_space<hbm>> -> memref<1x1x1x8x128xf32, #tpu.memory_space<hbm>>
    %dma_wait3A_676 = tpu.memref_squeeze %dma_wait3A_675 : memref<1x1x1x8x128xf32, #tpu.memory_space<hbm>> -> memref<8x128xf32, #tpu.memory_space<hbm>>
    %dma_wait3A_677 = arith.constant 40 : i32
    %dma_wait3A_678 = arith.constant 0 : i32
    %dma_wait3A_679 = tpu.memref_slice %arg10[%dma_wait3A_677, %dma_wait3A_678] : memref<128x129xf32, #tpu.memory_space<vmem>> -> memref<8x128xf32, #tpu.memory_space<vmem>>
    tpu.wait_dma2 semaphore(%arg16 : memref<!tpu.dma_semaphore, #tpu.memory_space<semaphore_mem>>) src(%dma_wait3A_679 : memref<8x128xf32, #tpu.memory_space<vmem>>) dst(%dma_wait3A_676 : memref<8x128xf32, #tpu.memory_space<hbm>>)
    %dma_wait3A_680 = arith.constant 1 : i32
    %dma_wait3A_681 = arith.constant 48 : i32
    %dma_wait3A_682 = arith.constant 0 : i32
    %dma_wait3A_683 = tpu.memref_slice %arg10[%dma_wait3A_681, %dma_wait3A_682] : memref<128x129xf32, #tpu.memory_space<vmem>> -> memref<8x128xf32, #tpu.memory_space<vmem>>
    %dma_wait3A_684 = arith.constant 0 : i32
    %dma_wait3A_685 = arith.constant 0 : i32
    %dma_wait3A_686 = tpu.memref_slice %arg4[%select_n3A_515, %dma_wait3A_680, %add3A_571, %dma_wait3A_684, %dma_wait3A_685] : memref<200x4x32x8x128xf32, #tpu.memory_space<hbm>> -> memref<1x1x1x8x128xf32, #tpu.memory_space<hbm>>
    %dma_wait3A_687 = tpu.memref_squeeze %dma_wait3A_686 : memref<1x1x1x8x128xf32, #tpu.memory_space<hbm>> -> memref<8x128xf32, #tpu.memory_space<hbm>>
    %dma_wait3A_688 = arith.constant 0 : i32
    %dma_wait3A_689 = arith.constant 0 : i32
    %dma_wait3A_690 = tpu.memref_slice %arg4[%select_n3A_515, %dma_wait3A_680, %add3A_571, %dma_wait3A_688, %dma_wait3A_689] : memref<200x4x32x8x128xf32, #tpu.memory_space<hbm>> -> memref<1x1x1x8x128xf32, #tpu.memory_space<hbm>>
    %dma_wait3A_691 = tpu.memref_squeeze %dma_wait3A_690 : memref<1x1x1x8x128xf32, #tpu.memory_space<hbm>> -> memref<8x128xf32, #tpu.memory_space<hbm>>
    %dma_wait3A_692 = arith.constant 48 : i32
    %dma_wait3A_693 = arith.constant 0 : i32
    %dma_wait3A_694 = tpu.memref_slice %arg10[%dma_wait3A_692, %dma_wait3A_693] : memref<128x129xf32, #tpu.memory_space<vmem>> -> memref<8x128xf32, #tpu.memory_space<vmem>>
    tpu.wait_dma2 semaphore(%arg16 : memref<!tpu.dma_semaphore, #tpu.memory_space<semaphore_mem>>) src(%dma_wait3A_694 : memref<8x128xf32, #tpu.memory_space<vmem>>) dst(%dma_wait3A_691 : memref<8x128xf32, #tpu.memory_space<hbm>>)
    %dma_wait3A_695 = arith.constant 1 : i32
    %dma_wait3A_696 = arith.constant 56 : i32
    %dma_wait3A_697 = arith.constant 0 : i32
    %dma_wait3A_698 = tpu.memref_slice %arg10[%dma_wait3A_696, %dma_wait3A_697] : memref<128x129xf32, #tpu.memory_space<vmem>> -> memref<8x128xf32, #tpu.memory_space<vmem>>
    %dma_wait3A_699 = arith.constant 0 : i32
    %dma_wait3A_700 = arith.constant 0 : i32
    %dma_wait3A_701 = tpu.memref_slice %arg4[%select_n3A_515, %dma_wait3A_695, %add3A_573, %dma_wait3A_699, %dma_wait3A_700] : memref<200x4x32x8x128xf32, #tpu.memory_space<hbm>> -> memref<1x1x1x8x128xf32, #tpu.memory_space<hbm>>
    %dma_wait3A_702 = tpu.memref_squeeze %dma_wait3A_701 : memref<1x1x1x8x128xf32, #tpu.memory_space<hbm>> -> memref<8x128xf32, #tpu.memory_space<hbm>>
    %dma_wait3A_703 = arith.constant 0 : i32
    %dma_wait3A_704 = arith.constant 0 : i32
    %dma_wait3A_705 = tpu.memref_slice %arg4[%select_n3A_515, %dma_wait3A_695, %add3A_573, %dma_wait3A_703, %dma_wait3A_704] : memref<200x4x32x8x128xf32, #tpu.memory_space<hbm>> -> memref<1x1x1x8x128xf32, #tpu.memory_space<hbm>>
    %dma_wait3A_706 = tpu.memref_squeeze %dma_wait3A_705 : memref<1x1x1x8x128xf32, #tpu.memory_space<hbm>> -> memref<8x128xf32, #tpu.memory_space<hbm>>
    %dma_wait3A_707 = arith.constant 56 : i32
    %dma_wait3A_708 = arith.constant 0 : i32
    %dma_wait3A_709 = tpu.memref_slice %arg10[%dma_wait3A_707, %dma_wait3A_708] : memref<128x129xf32, #tpu.memory_space<vmem>> -> memref<8x128xf32, #tpu.memory_space<vmem>>
    tpu.wait_dma2 semaphore(%arg16 : memref<!tpu.dma_semaphore, #tpu.memory_space<semaphore_mem>>) src(%dma_wait3A_709 : memref<8x128xf32, #tpu.memory_space<vmem>>) dst(%dma_wait3A_706 : memref<8x128xf32, #tpu.memory_space<hbm>>)
    %dma_wait3A_710 = arith.constant 2 : i32
    %dma_wait3A_711 = arith.constant 64 : i32
    %dma_wait3A_712 = arith.constant 0 : i32
    %dma_wait3A_713 = tpu.memref_slice %arg10[%dma_wait3A_711, %dma_wait3A_712] : memref<128x129xf32, #tpu.memory_space<vmem>> -> memref<8x128xf32, #tpu.memory_space<vmem>>
    %dma_wait3A_714 = arith.constant 0 : i32
    %dma_wait3A_715 = arith.constant 0 : i32
    %dma_wait3A_716 = tpu.memref_slice %arg4[%select_n3A_515, %dma_wait3A_710, %add3A_575, %dma_wait3A_714, %dma_wait3A_715] : memref<200x4x32x8x128xf32, #tpu.memory_space<hbm>> -> memref<1x1x1x8x128xf32, #tpu.memory_space<hbm>>
    %dma_wait3A_717 = tpu.memref_squeeze %dma_wait3A_716 : memref<1x1x1x8x128xf32, #tpu.memory_space<hbm>> -> memref<8x128xf32, #tpu.memory_space<hbm>>
    %dma_wait3A_718 = arith.constant 0 : i32
    %dma_wait3A_719 = arith.constant 0 : i32
    %dma_wait3A_720 = tpu.memref_slice %arg4[%select_n3A_515, %dma_wait3A_710, %add3A_575, %dma_wait3A_718, %dma_wait3A_719] : memref<200x4x32x8x128xf32, #tpu.memory_space<hbm>> -> memref<1x1x1x8x128xf32, #tpu.memory_space<hbm>>
    %dma_wait3A_721 = tpu.memref_squeeze %dma_wait3A_720 : memref<1x1x1x8x128xf32, #tpu.memory_space<hbm>> -> memref<8x128xf32, #tpu.memory_space<hbm>>
    %dma_wait3A_722 = arith.constant 64 : i32
    %dma_wait3A_723 = arith.constant 0 : i32
    %dma_wait3A_724 = tpu.memref_slice %arg10[%dma_wait3A_722, %dma_wait3A_723] : memref<128x129xf32, #tpu.memory_space<vmem>> -> memref<8x128xf32, #tpu.memory_space<vmem>>
    tpu.wait_dma2 semaphore(%arg16 : memref<!tpu.dma_semaphore, #tpu.memory_space<semaphore_mem>>) src(%dma_wait3A_724 : memref<8x128xf32, #tpu.memory_space<vmem>>) dst(%dma_wait3A_721 : memref<8x128xf32, #tpu.memory_space<hbm>>)
    %dma_wait3A_725 = arith.constant 2 : i32
    %dma_wait3A_726 = arith.constant 72 : i32
    %dma_wait3A_727 = arith.constant 0 : i32
    %dma_wait3A_728 = tpu.memref_slice %arg10[%dma_wait3A_726, %dma_wait3A_727] : memref<128x129xf32, #tpu.memory_space<vmem>> -> memref<8x128xf32, #tpu.memory_space<vmem>>
    %dma_wait3A_729 = arith.constant 0 : i32
    %dma_wait3A_730 = arith.constant 0 : i32
    %dma_wait3A_731 = tpu.memref_slice %arg4[%select_n3A_515, %dma_wait3A_725, %add3A_577, %dma_wait3A_729, %dma_wait3A_730] : memref<200x4x32x8x128xf32, #tpu.memory_space<hbm>> -> memref<1x1x1x8x128xf32, #tpu.memory_space<hbm>>
    %dma_wait3A_732 = tpu.memref_squeeze %dma_wait3A_731 : memref<1x1x1x8x128xf32, #tpu.memory_space<hbm>> -> memref<8x128xf32, #tpu.memory_space<hbm>>
    %dma_wait3A_733 = arith.constant 0 : i32
    %dma_wait3A_734 = arith.constant 0 : i32
    %dma_wait3A_735 = tpu.memref_slice %arg4[%select_n3A_515, %dma_wait3A_725, %add3A_577, %dma_wait3A_733, %dma_wait3A_734] : memref<200x4x32x8x128xf32, #tpu.memory_space<hbm>> -> memref<1x1x1x8x128xf32, #tpu.memory_space<hbm>>
    %dma_wait3A_736 = tpu.memref_squeeze %dma_wait3A_735 : memref<1x1x1x8x128xf32, #tpu.memory_space<hbm>> -> memref<8x128xf32, #tpu.memory_space<hbm>>
    %dma_wait3A_737 = arith.constant 72 : i32
    %dma_wait3A_738 = arith.constant 0 : i32
    %dma_wait3A_739 = tpu.memref_slice %arg10[%dma_wait3A_737, %dma_wait3A_738] : memref<128x129xf32, #tpu.memory_space<vmem>> -> memref<8x128xf32, #tpu.memory_space<vmem>>
    tpu.wait_dma2 semaphore(%arg16 : memref<!tpu.dma_semaphore, #tpu.memory_space<semaphore_mem>>) src(%dma_wait3A_739 : memref<8x128xf32, #tpu.memory_space<vmem>>) dst(%dma_wait3A_736 : memref<8x128xf32, #tpu.memory_space<hbm>>)
    %dma_wait3A_740 = arith.constant 2 : i32
    %dma_wait3A_741 = arith.constant 80 : i32
    %dma_wait3A_742 = arith.constant 0 : i32
    %dma_wait3A_743 = tpu.memref_slice %arg10[%dma_wait3A_741, %dma_wait3A_742] : memref<128x129xf32, #tpu.memory_space<vmem>> -> memref<8x128xf32, #tpu.memory_space<vmem>>
    %dma_wait3A_744 = arith.constant 0 : i32
    %dma_wait3A_745 = arith.constant 0 : i32
    %dma_wait3A_746 = tpu.memref_slice %arg4[%select_n3A_515, %dma_wait3A_740, %add3A_579, %dma_wait3A_744, %dma_wait3A_745] : memref<200x4x32x8x128xf32, #tpu.memory_space<hbm>> -> memref<1x1x1x8x128xf32, #tpu.memory_space<hbm>>
    %dma_wait3A_747 = tpu.memref_squeeze %dma_wait3A_746 : memref<1x1x1x8x128xf32, #tpu.memory_space<hbm>> -> memref<8x128xf32, #tpu.memory_space<hbm>>
    %dma_wait3A_748 = arith.constant 0 : i32
    %dma_wait3A_749 = arith.constant 0 : i32
    %dma_wait3A_750 = tpu.memref_slice %arg4[%select_n3A_515, %dma_wait3A_740, %add3A_579, %dma_wait3A_748, %dma_wait3A_749] : memref<200x4x32x8x128xf32, #tpu.memory_space<hbm>> -> memref<1x1x1x8x128xf32, #tpu.memory_space<hbm>>
    %dma_wait3A_751 = tpu.memref_squeeze %dma_wait3A_750 : memref<1x1x1x8x128xf32, #tpu.memory_space<hbm>> -> memref<8x128xf32, #tpu.memory_space<hbm>>
    %dma_wait3A_752 = arith.constant 80 : i32
    %dma_wait3A_753 = arith.constant 0 : i32
    %dma_wait3A_754 = tpu.memref_slice %arg10[%dma_wait3A_752, %dma_wait3A_753] : memref<128x129xf32, #tpu.memory_space<vmem>> -> memref<8x128xf32, #tpu.memory_space<vmem>>
    tpu.wait_dma2 semaphore(%arg16 : memref<!tpu.dma_semaphore, #tpu.memory_space<semaphore_mem>>) src(%dma_wait3A_754 : memref<8x128xf32, #tpu.memory_space<vmem>>) dst(%dma_wait3A_751 : memref<8x128xf32, #tpu.memory_space<hbm>>)
    %dma_wait3A_755 = arith.constant 2 : i32
    %dma_wait3A_756 = arith.constant 88 : i32
    %dma_wait3A_757 = arith.constant 0 : i32
    %dma_wait3A_758 = tpu.memref_slice %arg10[%dma_wait3A_756, %dma_wait3A_757] : memref<128x129xf32, #tpu.memory_space<vmem>> -> memref<8x128xf32, #tpu.memory_space<vmem>>
    %dma_wait3A_759 = arith.constant 0 : i32
    %dma_wait3A_760 = arith.constant 0 : i32
    %dma_wait3A_761 = tpu.memref_slice %arg4[%select_n3A_515, %dma_wait3A_755, %add3A_581, %dma_wait3A_759, %dma_wait3A_760] : memref<200x4x32x8x128xf32, #tpu.memory_space<hbm>> -> memref<1x1x1x8x128xf32, #tpu.memory_space<hbm>>
    %dma_wait3A_762 = tpu.memref_squeeze %dma_wait3A_761 : memref<1x1x1x8x128xf32, #tpu.memory_space<hbm>> -> memref<8x128xf32, #tpu.memory_space<hbm>>
    %dma_wait3A_763 = arith.constant 0 : i32
    %dma_wait3A_764 = arith.constant 0 : i32
    %dma_wait3A_765 = tpu.memref_slice %arg4[%select_n3A_515, %dma_wait3A_755, %add3A_581, %dma_wait3A_763, %dma_wait3A_764] : memref<200x4x32x8x128xf32, #tpu.memory_space<hbm>> -> memref<1x1x1x8x128xf32, #tpu.memory_space<hbm>>
    %dma_wait3A_766 = tpu.memref_squeeze %dma_wait3A_765 : memref<1x1x1x8x128xf32, #tpu.memory_space<hbm>> -> memref<8x128xf32, #tpu.memory_space<hbm>>
    %dma_wait3A_767 = arith.constant 88 : i32
    %dma_wait3A_768 = arith.constant 0 : i32
    %dma_wait3A_769 = tpu.memref_slice %arg10[%dma_wait3A_767, %dma_wait3A_768] : memref<128x129xf32, #tpu.memory_space<vmem>> -> memref<8x128xf32, #tpu.memory_space<vmem>>
    tpu.wait_dma2 semaphore(%arg16 : memref<!tpu.dma_semaphore, #tpu.memory_space<semaphore_mem>>) src(%dma_wait3A_769 : memref<8x128xf32, #tpu.memory_space<vmem>>) dst(%dma_wait3A_766 : memref<8x128xf32, #tpu.memory_space<hbm>>)
    %dma_wait3A_770 = arith.constant 3 : i32
    %dma_wait3A_771 = arith.constant 96 : i32
    %dma_wait3A_772 = arith.constant 0 : i32
    %dma_wait3A_773 = tpu.memref_slice %arg10[%dma_wait3A_771, %dma_wait3A_772] : memref<128x129xf32, #tpu.memory_space<vmem>> -> memref<8x128xf32, #tpu.memory_space<vmem>>
    %dma_wait3A_774 = arith.constant 0 : i32
    %dma_wait3A_775 = arith.constant 0 : i32
    %dma_wait3A_776 = tpu.memref_slice %arg4[%select_n3A_515, %dma_wait3A_770, %add3A_583, %dma_wait3A_774, %dma_wait3A_775] : memref<200x4x32x8x128xf32, #tpu.memory_space<hbm>> -> memref<1x1x1x8x128xf32, #tpu.memory_space<hbm>>
    %dma_wait3A_777 = tpu.memref_squeeze %dma_wait3A_776 : memref<1x1x1x8x128xf32, #tpu.memory_space<hbm>> -> memref<8x128xf32, #tpu.memory_space<hbm>>
    %dma_wait3A_778 = arith.constant 0 : i32
    %dma_wait3A_779 = arith.constant 0 : i32
    %dma_wait3A_780 = tpu.memref_slice %arg4[%select_n3A_515, %dma_wait3A_770, %add3A_583, %dma_wait3A_778, %dma_wait3A_779] : memref<200x4x32x8x128xf32, #tpu.memory_space<hbm>> -> memref<1x1x1x8x128xf32, #tpu.memory_space<hbm>>
    %dma_wait3A_781 = tpu.memref_squeeze %dma_wait3A_780 : memref<1x1x1x8x128xf32, #tpu.memory_space<hbm>> -> memref<8x128xf32, #tpu.memory_space<hbm>>
    %dma_wait3A_782 = arith.constant 96 : i32
    %dma_wait3A_783 = arith.constant 0 : i32
    %dma_wait3A_784 = tpu.memref_slice %arg10[%dma_wait3A_782, %dma_wait3A_783] : memref<128x129xf32, #tpu.memory_space<vmem>> -> memref<8x128xf32, #tpu.memory_space<vmem>>
    tpu.wait_dma2 semaphore(%arg16 : memref<!tpu.dma_semaphore, #tpu.memory_space<semaphore_mem>>) src(%dma_wait3A_784 : memref<8x128xf32, #tpu.memory_space<vmem>>) dst(%dma_wait3A_781 : memref<8x128xf32, #tpu.memory_space<hbm>>)
    %dma_wait3A_785 = arith.constant 3 : i32
    %dma_wait3A_786 = arith.constant 104 : i32
    %dma_wait3A_787 = arith.constant 0 : i32
    %dma_wait3A_788 = tpu.memref_slice %arg10[%dma_wait3A_786, %dma_wait3A_787] : memref<128x129xf32, #tpu.memory_space<vmem>> -> memref<8x128xf32, #tpu.memory_space<vmem>>
    %dma_wait3A_789 = arith.constant 0 : i32
    %dma_wait3A_790 = arith.constant 0 : i32
    %dma_wait3A_791 = tpu.memref_slice %arg4[%select_n3A_515, %dma_wait3A_785, %add3A_585, %dma_wait3A_789, %dma_wait3A_790] : memref<200x4x32x8x128xf32, #tpu.memory_space<hbm>> -> memref<1x1x1x8x128xf32, #tpu.memory_space<hbm>>
    %dma_wait3A_792 = tpu.memref_squeeze %dma_wait3A_791 : memref<1x1x1x8x128xf32, #tpu.memory_space<hbm>> -> memref<8x128xf32, #tpu.memory_space<hbm>>
    %dma_wait3A_793 = arith.constant 0 : i32
    %dma_wait3A_794 = arith.constant 0 : i32
    %dma_wait3A_795 = tpu.memref_slice %arg4[%select_n3A_515, %dma_wait3A_785, %add3A_585, %dma_wait3A_793, %dma_wait3A_794] : memref<200x4x32x8x128xf32, #tpu.memory_space<hbm>> -> memref<1x1x1x8x128xf32, #tpu.memory_space<hbm>>
    %dma_wait3A_796 = tpu.memref_squeeze %dma_wait3A_795 : memref<1x1x1x8x128xf32, #tpu.memory_space<hbm>> -> memref<8x128xf32, #tpu.memory_space<hbm>>
    %dma_wait3A_797 = arith.constant 104 : i32
    %dma_wait3A_798 = arith.constant 0 : i32
    %dma_wait3A_799 = tpu.memref_slice %arg10[%dma_wait3A_797, %dma_wait3A_798] : memref<128x129xf32, #tpu.memory_space<vmem>> -> memref<8x128xf32, #tpu.memory_space<vmem>>
    tpu.wait_dma2 semaphore(%arg16 : memref<!tpu.dma_semaphore, #tpu.memory_space<semaphore_mem>>) src(%dma_wait3A_799 : memref<8x128xf32, #tpu.memory_space<vmem>>) dst(%dma_wait3A_796 : memref<8x128xf32, #tpu.memory_space<hbm>>)
    %dma_wait3A_800 = arith.constant 3 : i32
    %dma_wait3A_801 = arith.constant 112 : i32
    %dma_wait3A_802 = arith.constant 0 : i32
    %dma_wait3A_803 = tpu.memref_slice %arg10[%dma_wait3A_801, %dma_wait3A_802] : memref<128x129xf32, #tpu.memory_space<vmem>> -> memref<8x128xf32, #tpu.memory_space<vmem>>
    %dma_wait3A_804 = arith.constant 0 : i32
    %dma_wait3A_805 = arith.constant 0 : i32
    %dma_wait3A_806 = tpu.memref_slice %arg4[%select_n3A_515, %dma_wait3A_800, %add3A_587, %dma_wait3A_804, %dma_wait3A_805] : memref<200x4x32x8x128xf32, #tpu.memory_space<hbm>> -> memref<1x1x1x8x128xf32, #tpu.memory_space<hbm>>
    %dma_wait3A_807 = tpu.memref_squeeze %dma_wait3A_806 : memref<1x1x1x8x128xf32, #tpu.memory_space<hbm>> -> memref<8x128xf32, #tpu.memory_space<hbm>>
    %dma_wait3A_808 = arith.constant 0 : i32
    %dma_wait3A_809 = arith.constant 0 : i32
    %dma_wait3A_810 = tpu.memref_slice %arg4[%select_n3A_515, %dma_wait3A_800, %add3A_587, %dma_wait3A_808, %dma_wait3A_809] : memref<200x4x32x8x128xf32, #tpu.memory_space<hbm>> -> memref<1x1x1x8x128xf32, #tpu.memory_space<hbm>>
    %dma_wait3A_811 = tpu.memref_squeeze %dma_wait3A_810 : memref<1x1x1x8x128xf32, #tpu.memory_space<hbm>> -> memref<8x128xf32, #tpu.memory_space<hbm>>
    %dma_wait3A_812 = arith.constant 112 : i32
    %dma_wait3A_813 = arith.constant 0 : i32
    %dma_wait3A_814 = tpu.memref_slice %arg10[%dma_wait3A_812, %dma_wait3A_813] : memref<128x129xf32, #tpu.memory_space<vmem>> -> memref<8x128xf32, #tpu.memory_space<vmem>>
    tpu.wait_dma2 semaphore(%arg16 : memref<!tpu.dma_semaphore, #tpu.memory_space<semaphore_mem>>) src(%dma_wait3A_814 : memref<8x128xf32, #tpu.memory_space<vmem>>) dst(%dma_wait3A_811 : memref<8x128xf32, #tpu.memory_space<hbm>>)
    %dma_wait3A_815 = arith.constant 3 : i32
    %dma_wait3A_816 = arith.constant 120 : i32
    %dma_wait3A_817 = arith.constant 0 : i32
    %dma_wait3A_818 = tpu.memref_slice %arg10[%dma_wait3A_816, %dma_wait3A_817] : memref<128x129xf32, #tpu.memory_space<vmem>> -> memref<8x128xf32, #tpu.memory_space<vmem>>
    %dma_wait3A_819 = arith.constant 0 : i32
    %dma_wait3A_820 = arith.constant 0 : i32
    %dma_wait3A_821 = tpu.memref_slice %arg4[%select_n3A_515, %dma_wait3A_815, %add3A_589, %dma_wait3A_819, %dma_wait3A_820] : memref<200x4x32x8x128xf32, #tpu.memory_space<hbm>> -> memref<1x1x1x8x128xf32, #tpu.memory_space<hbm>>
    %dma_wait3A_822 = tpu.memref_squeeze %dma_wait3A_821 : memref<1x1x1x8x128xf32, #tpu.memory_space<hbm>> -> memref<8x128xf32, #tpu.memory_space<hbm>>
    %dma_wait3A_823 = arith.constant 0 : i32
    %dma_wait3A_824 = arith.constant 0 : i32
    %dma_wait3A_825 = tpu.memref_slice %arg4[%select_n3A_515, %dma_wait3A_815, %add3A_589, %dma_wait3A_823, %dma_wait3A_824] : memref<200x4x32x8x128xf32, #tpu.memory_space<hbm>> -> memref<1x1x1x8x128xf32, #tpu.memory_space<hbm>>
    %dma_wait3A_826 = tpu.memref_squeeze %dma_wait3A_825 : memref<1x1x1x8x128xf32, #tpu.memory_space<hbm>> -> memref<8x128xf32, #tpu.memory_space<hbm>>
    %dma_wait3A_827 = arith.constant 120 : i32
    %dma_wait3A_828 = arith.constant 0 : i32
    %dma_wait3A_829 = tpu.memref_slice %arg10[%dma_wait3A_827, %dma_wait3A_828] : memref<128x129xf32, #tpu.memory_space<vmem>> -> memref<8x128xf32, #tpu.memory_space<vmem>>
    tpu.wait_dma2 semaphore(%arg16 : memref<!tpu.dma_semaphore, #tpu.memory_space<semaphore_mem>>) src(%dma_wait3A_829 : memref<8x128xf32, #tpu.memory_space<vmem>>) dst(%dma_wait3A_826 : memref<8x128xf32, #tpu.memory_space<hbm>>)
    return
  }
}

</mosaic_0001>

<sc_bundles>
// kernel: kernel.3.cloned.1.call-start
scs
__scs_entry_jumppad:
0x0: {  	(pc) =	sbr.rel $0x88, $3  }
0x1: {  	(tag) =	ssettag $0x0;
	lr =	simm.s32 $0x1  }
0x2: {  	[smem:$0x3F9F] =	sst lr;
	_ =	strace $0xD0000000  }
0x3: {  	_ = 	snop  }
0x4: {  	_ = 	snop  }
0x5: {  	_ = 	snop  }
0x6: {  	_ = 	snop  }
0x7: {  	_ = 	snop  }
__scs_overlays_trampoline_lowered:
0x8: {  	[smem:$0x3FAE] =	sst s0  }
0x9: {  	[smem:$0x3FAF] =	sst s1  }
0xa: {  	[smem:$0x3FB0] =	sst s2  }
0xb: {  	[smem:$0x3FB1] =	sst s3  }
0xc: {  	[smem:$0x3FB2] =	sst s4  }
0xd: {  	[smem:$0x3FB3] =	sst s5  }
0xe: {  	[smem:$0x3FB4] =	sst s6  }
0xf: {  	[smem:$0x3FB5] =	sst s7  }
0x10: {  	[smem:$0x3FB6] =	sst s8  }
0x11: {  	[smem:$0x3FB7] =	sst s9;
	s0 =	simm.s32 @!p0 $0x0  }
0x12: {  	s1 =	sld [smem:$0x3F9D];
	s0 =	simm.s32 @p0 $0x1  }
0x13: {  	[smem:$0x3FB8] =	sst s0;
	s0 =	simm.s32 @!p1 $0x0  }
0x14: {  	s2 =	sld [smem:$0x3F9C];
	s0 =	simm.s32 @p1 $0x1  }
0x15: {  	[smem:$0x3FB9] =	sst s0;
	s0 =	simm.s32 @!p2 $0x0  }
0x16: {  	s3 =	sld [smem:$0x3FDB];
	s0 =	simm.s32 @p2 $0x1  }
0x17: {  	s4 =	simm.s32 $0x1BF5;
	[smem:$0x3FBB] =	sst s0  }
0x18: {  	s0 =	sld [smem:$0x3F9E];
	_ =	swait.ge [sflag:s4], $0x0  }
0x19: {  	s7 =	sld [smem:$0x3F9F]  }
0x1a: {  	s8 =	sadd.s32 $0xFFFFE003, lr  }
0x1b: {  	s9 =	sadd.s32 $0xFFFFFEF7, lr;
	s5 =	simm.s32 $0xFFFFFFFF;
	p2 =	slt.u32 s8, $0xFFFFF086  }
0x1c: {  	p1 =	slt.u32 s9, $0xF7A;
	s5 =	simm.s32 @!p2 $0x0  }
0x1d: {  	s5 =	simm.s32 @p1 $0x1;
	p0 =	seq.s32 s7, s2  }
0x1e: {  	s7 =	smul.u32 @!p0 $0xF7A, s2;
	p2 =	seq.s32 @!p0 s5, $0x0  }
0x1f: {  	s9 =	smul.u32 $0xF7A, s1;
	s8 =	simm.s32 @!p0 $0x1BF5;
	p2 =	por !p2, p0  }
0x20: {  	[sflag:s8] =	ssyncset.s32 @!p0 $0xFFFFF086;
	s6 =	sadd.s32 @!p0 s3, s7;
	s7 =	simm.s32 @!p0 $0x108  }
0x21: {  	s3 =	sadd.s32 s3, s9;
	s6 =	sadd.s32 @!p0 $0x88, s6;
	s7 =	simm.s32 @p2 $0x1082  }
0x22: {  	[simem:s7], [sflag:s8] =	dma.local @!p0 [hbm:s6], $0xF7A  }
0x23: {  	s9 =	sor.u32 $0xD0000000, s2;
	s6 =	simm.s32 $0x108;
	_ =	swait.ge @!p0 [sflag:s8], $0x0  }
0x24: {  	s3 =	sadd.s32 $0x88, s3;
	s6 =	simm.s32 @!p1 $0x1082;
	[sflag:s4] =	ssyncset.s32 $0xFFFFF086  }
0x25: {  	[simem:s6], [sflag:s4] =	dma.local [hbm:s3], $0xF7A  }
0x26: {  	[smem:$0x3F9F] =	sst s1;
	(tag) =	ssettag s2;
	_ =	strace s9  }
0x27: {  	s1 =	sld [smem:$0x3FAF]  }
0x28: {  	s2 =	sld [smem:$0x3FB0]  }
0x29: {  	s4 =	sld [smem:$0x3FB2]  }
0x2a: {  	p0 =	seq.s32 s5, $0x0;
	s5 =	sld [smem:$0x3FB3]  }
0x2b: {  	s6 =	sld [smem:$0x3FB4]  }
0x2c: {  	s7 =	sld [smem:$0x3FB5]  }
0x2d: {  	s3 =	simm.s32 $0x108;
	s8 =	sld [smem:$0x3FB6]  }
0x2e: {  	s3 =	simm.s32 @!p0 $0x1082;
	s9 =	sld [smem:$0x3FB7]  }
0x2f: {  	lr =	sadd.s32 s0, s3;
	s0 =	sld [smem:$0x3FAE]  }
0x30: {  	s3 =	sld [smem:$0x3FB1]  }
0x31: {  	[smem:$0x3FBA] =	sst s10  }
0x32: {  	s10 =	sld [smem:$0x3FB8];
	_ =	sdelay $0x3  }
0x33: {  	p0 =	seq.s32 s10, $0x1;
	s10 =	sld [smem:$0x3FBA];
	_ =	sdelay $0x3  }
0x34: {  	[smem:$0x3FBA] =	sst s10  }
0x35: {  	s10 =	sld [smem:$0x3FB9];
	_ =	sdelay $0x3  }
0x36: {  	p1 =	seq.s32 s10, $0x1;
	s10 =	sld [smem:$0x3FBA];
	_ =	sdelay $0x3  }
0x37: {  	[smem:$0x3FBA] =	sst s10  }
0x38: {  	s10 =	sld [smem:$0x3FBB]  }
0x39: {  	_ = 	snop;
	(pc) =	sbr.ind lr, $3  }
0x3a: {  	_ = 	snop  }
0x3b: {  	_ = 	snop  }
0x3c: {  	p2 =	seq.s32 s10, $0x1;
	s10 =	sld [smem:$0x3FBA]  }
0x3d: {  	_ =	shalt  }
0x3e: {  	_ =	shalt  }
0x3f: {  	_ =	shalt  }
0x40: {  	_ =	shalt  }
0x41: {  	_ =	shalt  }
0x42: {  	_ =	shalt  }
0x43: {  	_ =	shalt  }
0x44: {  	_ =	shalt  }
0x45: {  	_ =	shalt  }
0x46: {  	_ =	shalt  }
0x47: {  	_ =	shalt  }
0x48: {  	_ =	shalt  }
0x49: {  	_ =	shalt  }
0x4a: {  	_ =	shalt  }
0x4b: {  	_ =	shalt  }
0x4c: {  	_ =	shalt  }
0x4d: {  	_ =	shalt  }
0x4e: {  	_ =	shalt  }
0x4f: {  	_ =	shalt  }
0x50: {  	_ =	shalt  }
0x51: {  	_ =	shalt  }
0x52: {  	_ =	shalt  }
0x53: {  	_ =	shalt  }
0x54: {  	_ =	shalt  }
0x55: {  	_ =	shalt  }
0x56: {  	_ =	shalt  }
0x57: {  	_ =	shalt  }
0x58: {  	_ =	shalt  }
0x59: {  	_ =	shalt  }
0x5a: {  	_ =	shalt  }
0x5b: {  	_ =	shalt  }
0x5c: {  	_ =	shalt  }
0x5d: {  	_ =	shalt  }
0x5e: {  	_ =	shalt  }
0x5f: {  	_ =	shalt  }
0x60: {  	_ =	shalt  }
0x61: {  	_ =	shalt  }
0x62: {  	_ =	shalt  }
0x63: {  	_ =	shalt  }
0x64: {  	_ =	shalt  }
0x65: {  	_ =	shalt  }
0x66: {  	_ =	shalt  }
0x67: {  	_ =	shalt  }
0x68: {  	_ =	shalt  }
0x69: {  	_ =	shalt  }
0x6a: {  	_ =	shalt  }
0x6b: {  	_ =	shalt  }
0x6c: {  	_ =	shalt  }
0x6d: {  	_ =	shalt  }
0x6e: {  	_ =	shalt  }
0x6f: {  	_ =	shalt  }
0x70: {  	_ =	shalt  }
0x71: {  	_ =	shalt  }
0x72: {  	_ =	shalt  }
0x73: {  	_ =	shalt  }
0x74: {  	_ =	shalt  }
0x75: {  	_ =	shalt  }
0x76: {  	_ =	shalt  }
0x77: {  	_ =	shalt  }
0x78: {  	_ =	shalt  }
0x79: {  	_ =	shalt  }
0x7a: {  	_ =	shalt  }
0x7b: {  	_ =	shalt  }
0x7c: {  	_ =	shalt  }
0x7d: {  	_ =	shalt  }
0x7e: {  	_ =	shalt  }
0x7f: {  	_ =	shalt  }
0x80: {  	_ =	shalt  }
0x81: {  	_ =	shalt  }
0x82: {  	_ =	shalt  }
0x83: {  	_ =	shalt  }
0x84: {  	_ =	shalt  }
0x85: {  	_ =	shalt  }
0x86: {  	_ =	shalt  }
0x87: {  	_ =	shalt  }
.Lfunc_end0:
.L_simem_size_0:
called_computation_lowered:
.L_overlay_start_0:
0x88: {  	s2 =	sld [smem:$0x3FD9]  }
0x89: {  	s3 =	sld [smem:$0x3FFE];
	_ =	sdelay $0x1  }
0x8a: {  	s1 =	srdreg.scid  }
0x8b: {  	s0 =	sand.u32 $0x1, s1  }
0x8c: {  	s17 =	sshll.u32 s0, $0xA;
	s2 =	sadd.s32 s3, s2  }
0x8d: {  	s2 =	sadd.s32 s2, s17  }
0x8e: {  	[smem:$0x3FC6] =	sst s2  }
0x8f: {  	_ = 	snop  }
0x90: {  	s2 =	sld [smem:$0x3FD0];
	(tm) =	ssettm $0x1  }
0x91: {  	s18 =	sld [smem:$0x3FFB];
	_ =	sdelay $0x3  }
0x92: {  	_ =	strace s18  }
0x93: {  	s3 =	sld [smem:$0x3FFC];
	_ =	sdelay $0x3  }
0x94: {  	_ =	strace s3  }
0x95: {  	s3 =	sld [smem:$0x3FFD];
	_ =	sdelay $0x3  }
0x96: {  	_ =	strace s3  }
0x97: {  	_ =	strace $0x8FFFFFFF  }
0x98: {  	s19 =	sld [smem:$0x3FDB];
	_ =	sdelay $0x1  }
0x99: {  	s4 =	simm.s32 $_scs_section_size  }
0x9a: {  	s5 =	simm.s32 $_size__tile_overlayer_lowered;
	s6 =	simm.s32 $_tile_overlayer_lowered  }
0x9b: {  	s22 =	simm.s32 $0x1BFF;
	s21 =	sshll.u32 s6, $0x1;
	s3 =	sadd.s32 s4, s19  }
0x9c: {  	s7 =	simm.s32 $0x0;
	s20 =	sshll.u32 s5, $0x1;
	s5 =	sadd.s32 s21, s3  }
0x9d: {  	[timem:s7], [sflag:s22] =	dma.local [hbm:s5], s20  }
0x9e: {  	_ =	swait.ge [sflag:s22], s20  }
0x9f: {  	s4 =	ssub.s32 $0x0, s20;
	[sflag:s22] =	ssyncset.done $0x0  }
0xa0: {  	[sflag:s22] =	ssyncadd.s32 s4;
	_ =	sdelay $0x1  }
0xa1: {  	s23 =	simm.s32 $0x1B8B  }
0xa2: {  	_ =	swait.ge [sflag:s23], $0x1  }
0xa3: {  	[sflag:s23] =	ssyncset.done $0x0  }
0xa4: {  	s25 =	simm.s32 $0x1B8E;
	s24 =	sld [smem:$0x3FFE];
	[sflag:s23] =	ssyncadd.s32 $0xFFFFFFFF  }
0xa5: {  	s26 =	simm.s32 $execute0_lowered;
	[smem:$0x3FD2] =	sst s25  }
0xa6: {  	s5 =	sshll.u32 s26, $0x1;
	_ =	strace $0x80000046;
	[dreg:$0x1] =	wrdreg $0xFFFFFFFF  }
0xa7: {  	s28 =	simm.s32 $_size_execute0_lowered;
	s3 =	sadd.s32 s3, s5;
	[dreg:$0x0] =	wrdreg $0x0  }
0xa8: {  	s5 =	sshll.u32 s28, $0x1;
	[dreg:$0x2] =	wrdreg s3  }
0xa9: {  	[dreg:$0x3] =	wrdreg s5  }
0xaa: {  	[dreg:$0x4] =	wrdreg $0xC0  }
0xab: {  	_ =	task [dreg:s7], $0x5FFFF  }
0xac: {  	[dreg:$0x1] =	wrdreg $0xFFFFFFFF  }
0xad: {  	[dreg:$0x0] =	wrdreg $0x60  }
0xae: {  	[dreg:$0x2] =	wrdreg s24  }
0xaf: {  	[dreg:$0x3] =	wrdreg s2  }
0xb0: {  	[dreg:$0x4] =	wrdreg $0x9  }
0xb1: {  	_ =	task.clear_ibuf [dreg:s7], $0x5FFFF;
	_ =	strace $0x90000046  }
0xb2: {  	s29 =	simm.s32 $0x9;
	_ =	strace $0x80000048  }
0xb3: {  	_ =	swait.ge [sflag:s29], $0x1  }
0xb4: {  	[sflag:s29] =	ssyncadd.s32 $0xFFFFFFFF  }
0xb5: {  	_ =	strace $0x90000048  }
0xb6: {  	_ =	sfence  }
0xb7: {  	s30 =	sld [smem:$0x0];
	_ =	sdelay $0x2  }
0xb8: {  	s31 =	sshll.u32 s1, $0xD;
	s1 =	sshrl.u32 s1, $0x2  }
0xb9: {  	s3 =	sand.u32 $0x4000, s31;
	s1 =	sadd.s32 s1, s30  }
0xba: {  	s0 =	sor.u32 s3, s0;
	s1 =	sshll.u32 s1, $0x11  }
0xbb: {  	s0 =	sor.u32 s1, s0  }
0xbc: {  	s0 =	sadd.s32 $0x8F2B, s0  }
0xbd: {  	[sflag:s0] =	ssyncadd.remote.s32 $0x1  }
0xbe: {  	_ =	sfence.sel $0xFFFF  }
0xbf: {  	[dreg:$0x0] =	wrdreg $0xFFFFFFFF;
	(pc) =	sbr.abs _section_cstart, $3  }
0xc0: {  	[dreg:$0x1] =	wrdreg $0xFFFFFFFF  }
0xc1: {  	_ =	task.clear_ibuf [dreg:s7], $0x2FFFF;
	_ =	strace $0x9FFFFFFF  }
0xc2: {  	(tm) =	ssettm $0x7FFFFFFF  }
0xc3: {  	_ =	shalt  }
tec
execute0_lowered:
.L_overlay_start_1:
0x0: {  	(tag) =	ssettag $0x1  }
0x1: {  	s0 =	srdreg.scid;
	v0 =	vimm.s32 $0x14B8;
	vm0 =	vcmask $0x300;
	v1 =	vimm.s32 $0x36B8  }
0x2: {  	s2 =	stileid.u32;
	s1 =	rddreg [dreg:$0x0];
	vm1 =	vcmask $0x704;
	v0 =	vsel vm0, $0x0, v0;
	v1 =	vsel vm0, $0x2200, v1  }
0x3: {  	s18 =	simm.s32 $0x3;
	s19 =	simm.s32 $0x2;
	s21 =	simm.s32 $0x8400;
	vm15 =	vcmask $0xB08;
	v0 =	vsel vm1, $0x88, v0;
	v1 =	vsel vm1, $0x2288, v1  }
0x4: {  	s29 =	simm.s32 $0x4;
	s30 =	simm.s32 $0xC800;
	vm4 =	vcmask $0xF0C;
	s15 =	simm.s32 $0x10AF0;
	v0 =	vsel vm15, $0x110, v0;
	v1 =	vsel vm15, $0x2310, v1  }
0x5: {  	vm5 =	vcmask $0x1310;
	s28 =	simm.s32 $0x5;
	s31 =	simm.s32 $0x6;
	s23 =	simm.s32 $0x200;
	v0 =	vsel vm4, $0x198, v0;
	v1 =	vsel vm4, $0x2398, v1  }
0x6: {  	vm6 =	vcmask $0x1714;
	s0 =	sand.u32 $0x1, s0;
	s3 =	sshll.u32 s2, $0x1;
	s2 =	rddreg [dreg:$0x1];
	v0 =	vsel vm5, $0x220, v0;
	v1 =	vsel vm5, $0x2420, v1  }
0x7: {  	vm7 =	vcmask $0x1B18;
	s5 =	sor.u32 s0, s3;
	s3 =	simm.s32 $0x0;
	s0 =	ssub.s32 $0x2, s0;
	v0 =	vsel vm6, $0x2A8, v0;
	v1 =	vsel vm6, $0x24A8, v1  }
0x8: {  	vm8 =	vcmask $0x1F1C;
	s10 =	sadd.s32 $0x1000, s2;
	s11 =	sadd.s32 $0x2000, s2;
	s12 =	sadd.s32 $0x3000, s2;
	v0 =	vsel vm7, $0x330, v0;
	v1 =	vsel vm7, $0x2530, v1  }
0x9: {  	vm9 =	vcmask $0x2320;
	s4 =	smul.u32 $0x6400, s5;
	[smem:$0x7FF] =	sst s3;
	s6 =	sshll.u32 s5, $0xA;
	v0 =	vsel vm8, $0x3B8, v0;
	v1 =	vsel vm8, $0x25B8, v1  }
0xa: {  	vm10 =	vcmask $0x2724;
	s25 =	sshrl.u32 s0, $0x1;
	s5 =	smul.u32 $0x32, s5;
	_ =	strace $0x80000047;
	v0 =	vsel vm9, $0x1100, v0;
	v1 =	vsel vm9, $0x3300, v1  }
0xb: {  	vm11 =	vcmask $0x2B28;
	s6 =	sand.u32 $0xC00, s6;
	s0 =	ssub.s32 s0, s25;
	s7 =	sand.u32 $0xFF000, s4;
	v0 =	vsel vm10, $0x1188, v0;
	v1 =	vsel vm10, $0x3388, v1  }
0xc: {  	vm12 =	vcmask $0x2F2C;
	s25 =	simm.s32 $0x10A68;
	s4 =	sadd.s32 $0x600, s1;
	s6 =	sor.u32 s6, s7;
	v0 =	vsel vm11, $0x1210, v0;
	v1 =	vsel vm11, $0x3410, v1  }
0xd: {  	vm13 =	vcmask $0x3330;
	s9 =	sadd.s32 $0x2, s5;
	s0 =	smax.u32 s0, $0x1;
	s8 =	sshrl.u32 s6, $0x3;
	v0 =	vsel vm12, $0x1298, v0;
	v1 =	vsel vm12, $0x3498, v1  }
0xe: {  	vm14 =	vcmask $0x3734;
	s13 =	sadd.s32 $0x3, s5;
	[dreg:$0x5] =	wrdreg s0;
	s26 =	sadd.s32 s4, s8;
	v0 =	vsel vm13, $0x1320, v0;
	v1 =	vsel vm13, $0x3520, v1  }
0xf: {  	vm15 =	vcmask $0x3B38;
	s6 =	sadd.s32 $0xF42A00, s1;
	[dreg:$0x3] =	wrdreg s26;
	s1 =	sadd.s32 $0x40, s26;
	v0 =	vsel vm14, $0x13A8, v0;
	v1 =	vsel vm14, $0x35A8, v1  }
0x10: {  	s26 =	simm.s32 $0x10B78;
	[dreg:$0x4] =	wrdreg s1;
	s1 =	simm.s32 $0x0;
	v0 =	vsel vm15, $0x1430, v0;
	v1 =	vsel vm15, $0x3630, v1  }
.LBB2_1:
0x11: {  	[dreg:$0x6] =	wrdreg s1  }
0x12: {  	s0 =	rddreg [dreg:$0x3]  }
0x13: {  	[tilespmem:s3], [sflag:$0x1] =	stream.linear.gather [hbm4b:s0+s3], $0x200, $0x38;
	[tilespmem:$0x10C00] =	vst v63  }
0x14: {  	s17 =	rddreg [dreg:$0x4];
	s20 =	simm.s32 $0x200;
	s22 =	simm.s32 $0x1  }
0x15: {  	[tilespmem:s20], [sflag:$0x2] =	stream.linear.gather [hbm4b:s17+s3], $0x200, $0x38;
	[tilespmem:$0x10C00] =	vst v63  }
0x16: {  	_ =	swait.ge [sflag:s22], $0x200  }
0x17: {  	[sflag:s22] =	ssyncset.done $0x0  }
0x18: {  	s24 =	simm.s32 $0x400;
	s1 =	simm.s32 $0x0;
	[sflag:s22] =	ssyncadd.s32 $0xFFFFFE00  }
0x19: {  	[tilespmem:s24], [sflag:$0x3] =	stream.indirect.gather [hbm4b:s6+s20], $0x20, s3, s20, $0xb8;
	[tilespmem:$0x10C00] =	vst v63  }
.LBB2_2:
0x1a: {  	s17 =	sshll.u32 s1, $0x1;
	p0 =	seq.s32 s1, $0x18  }
0x1b: {  	s0 =	sadd.s32 @!p0 s17, s9  }
0x1c: {  	_ =	swait.ge [sflag:s18], $0x4000;
	s0 =	sshll.u32 @!p0 s0, $0x6  }
0x1d: {  	[sflag:s18] =	ssyncset.done $0x0;
	s0 =	sand.u32 @!p0 $0xFFFFF80, s0  }
0x1e: {  	s7 =	simm.s32 @!p0 $0x0;
	[sflag:s18] =	ssyncadd.s32 $0xFFFFC000;
	s0 =	sadd.s32 @!p0 s4, s0  }
0x1f: {  	[tilespmem:s7], [sflag:$0x1] =	stream.linear.gather @!p0 [hbm4b:s0+s7], $0x200, $0x38;
	[tilespmem:$0x10C00] =	vst v63  }
0x20: {  	_ =	swait.ge [sflag:s19], $0x200  }
0x21: {  	p1 =	seq.s32 s1, $0x0;
	[sflag:s19] =	ssyncset.done $0x0  }
0x22: {  	s8 =	simm.s32 $0x4400;
	s0 =	simm.s32 @!p1 $0x5;
	[sflag:s19] =	ssyncadd.s32 $0xFFFFFE00  }
0x23: {  	[tilespmem:s8], [sflag:$0x4] =	stream.indirect.gather [hbm4b:s6+s23], $0x20, s23, s23, $0xb8;
	[tilespmem:$0x10C00] =	vst v63  }
0x24: {  	_ =	swait.ge @!p1 [sflag:s0], $0x400  }
0x25: {  	[sflag:s0] =	ssyncset.done @!p1 $0x0  }
0x26: {  	[sflag:s0] =	ssyncadd.s32 @!p1 $0xFFFFFC00  }
0x27: {  	_ =	swait.ge @!p1 [sflag:s0], $0x400  }
0x28: {  	[sflag:s0] =	ssyncset.done @!p1 $0x0  }
0x29: {  	[sflag:s0] =	ssyncadd.s32 @!p1 $0xFFFFFC00  }
0x2a: {  	_ =	swait.ge @!p1 [sflag:s0], $0x400  }
0x2b: {  	[sflag:s0] =	ssyncset.done @!p1 $0x0  }
0x2c: {  	[sflag:s0] =	ssyncadd.s32 @!p1 $0xFFFFFC00  }
0x2d: {  	_ =	swait.ge @!p1 [sflag:s0], $0x400  }
0x2e: {  	[sflag:s0] =	ssyncset.done @!p1 $0x0  }
0x2f: {  	[sflag:s0] =	ssyncadd.s32 @!p1 $0xFFFFFC00  }
0x30: {  	_ =	swait.ge @!p1 [sflag:s0], $0x400  }
0x31: {  	[sflag:s0] =	ssyncset.done @!p1 $0x0  }
0x32: {  	[sflag:s0] =	ssyncadd.s32 @!p1 $0xFFFFFC00  }
0x33: {  	_ =	swait.ge @!p1 [sflag:s0], $0x400  }
0x34: {  	[sflag:s0] =	ssyncset.done @!p1 $0x0  }
0x35: {  	[sflag:s0] =	ssyncadd.s32 @!p1 $0xFFFFFC00  }
0x36: {  	_ =	swait.ge @!p1 [sflag:s0], $0x400  }
0x37: {  	[sflag:s0] =	ssyncset.done @!p1 $0x0  }
0x38: {  	[sflag:s0] =	ssyncadd.s32 @!p1 $0xFFFFFC00  }
0x39: {  	_ =	swait.ge @!p1 [sflag:s0], $0x400  }
0x3a: {  	[sflag:s0] =	ssyncset.done @!p1 $0x0  }
0x3b: {  	[sflag:s0] =	ssyncadd.s32 @!p1 $0xFFFFFC00  }
0x3c: {  	_ =	swait.ge @!p1 [sflag:s0], $0x400  }
0x3d: {  	[sflag:s0] =	ssyncset.done @!p1 $0x0  }
0x3e: {  	[sflag:s0] =	ssyncadd.s32 @!p1 $0xFFFFFC00  }
0x3f: {  	_ =	swait.ge @!p1 [sflag:s0], $0x400  }
0x40: {  	[sflag:s0] =	ssyncset.done @!p1 $0x0  }
0x41: {  	[sflag:s0] =	ssyncadd.s32 @!p1 $0xFFFFFC00  }
0x42: {  	_ =	swait.ge @!p1 [sflag:s0], $0x400  }
0x43: {  	[sflag:s0] =	ssyncset.done @!p1 $0x0  }
0x44: {  	[sflag:s0] =	ssyncadd.s32 @!p1 $0xFFFFFC00  }
0x45: {  	_ =	swait.ge @!p1 [sflag:s0], $0x400  }
0x46: {  	[sflag:s0] =	ssyncset.done @!p1 $0x0  }
0x47: {  	[sflag:s0] =	ssyncadd.s32 @!p1 $0xFFFFFC00  }
0x48: {  	_ =	swait.ge @!p1 [sflag:s0], $0x400  }
0x49: {  	[sflag:s0] =	ssyncset.done @!p1 $0x0  }
0x4a: {  	[sflag:s0] =	ssyncadd.s32 @!p1 $0xFFFFFC00  }
0x4b: {  	_ =	swait.ge @!p1 [sflag:s0], $0x400  }
0x4c: {  	s14 =	simm.s32 $0x0;
	s8 =	simm.s32 $0x0;
	[sflag:s0] =	ssyncset.done @!p1 $0x0  }
0x4d: {  	s7 =	sand.u32 $0x78, s14;
	s8 =	sand.u32 $0x7FFFFFF8, s8;
	[sflag:s0] =	ssyncadd.s32 @!p1 $0xFFFFFC00  }
0x4e: {  	v3 =	vmov s7;
	v2 =	vmov s8;
	_ =	swait.ge @!p1 [sflag:s0], $0x400  }
0x4f: {  	v3 =	vshrl.u32 v3, $0x3;
	v2 =	vmul.u32 $0x88, v2;
	[sflag:s0] =	ssyncset.done @!p1 $0x0  }
0x50: {  	v3 =	vshll.u32 v3, $0x3;
	[sflag:s0] =	ssyncadd.s32 @!p1 $0xFFFFFC00  }
0x51: {  	s16 =	simm.s32 $0x0;
	v3 =	vbroadcast v3, $0x0;
	v2 =	vbroadcast v2, $0x0;
	_ =	swait.ge @!p1 [sflag:s0], $0x400  }
0x52: {  	s7 =	sshll.u32 s7, $0x5;
	s8 =	sand.u32 $0x3FFFF000, s16;
	[sflag:s0] =	ssyncset.done @!p1 $0x0  }
0x53: {  	s20 =	sor.u32 s7, s8;
	v2 =	vadd.s32 v3, v2;
	[sflag:s0] =	ssyncadd.s32 @!p1 $0xFFFFFC00  }
0x54: {  	v4 =	vadd.s32 v0, v2;
	v3 =	vld [tilespmem:s20+$0x400]  }
0x55: {  	v6 =	vadd.s32 v1, v2;
	v5 =	vld [tilespmem:s20+$0x410];
	_ =	sdelay $0x3  }
0x56: {  	[tilespmem:v4+s21+$0x0] =	vst.idx.msk $0xffff, v3  }
0x57: {  	[tilespmem:v6+s21+$0x0] =	vst.idx.msk $0xffff, v5  }
0x58: {  	v3 =	vor.u32 $0x1, v4;
	v2 =	vld [tilespmem:s20+$0x420]  }
0x59: {  	v7 =	vor.u32 $0x1, v6;
	v5 =	vld [tilespmem:s20+$0x430];
	_ =	sdelay $0x3  }
0x5a: {  	[tilespmem:v3+s21+$0x0] =	vst.idx.msk $0xffff, v2  }
0x5b: {  	[tilespmem:v7+s21+$0x0] =	vst.idx.msk $0xffff, v5  }
0x5c: {  	v3 =	vor.u32 $0x2, v4;
	v2 =	vld [tilespmem:s20+$0x440]  }
0x5d: {  	v7 =	vor.u32 $0x2, v6;
	v5 =	vld [tilespmem:s20+$0x450];
	_ =	sdelay $0x3  }
0x5e: {  	[tilespmem:v3+s21+$0x0] =	vst.idx.msk $0xffff, v2  }
0x5f: {  	[tilespmem:v7+s21+$0x0] =	vst.idx.msk $0xffff, v5  }
0x60: {  	v3 =	vor.u32 $0x3, v4;
	v2 =	vld [tilespmem:s20+$0x460]  }
0x61: {  	v7 =	vor.u32 $0x3, v6;
	v5 =	vld [tilespmem:s20+$0x470];
	_ =	sdelay $0x3  }
0x62: {  	[tilespmem:v3+s21+$0x0] =	vst.idx.msk $0xffff, v2  }
0x63: {  	[tilespmem:v7+s21+$0x0] =	vst.idx.msk $0xffff, v5  }
0x64: {  	v3 =	vor.u32 $0x4, v4;
	v2 =	vld [tilespmem:s20+$0x480]  }
0x65: {  	v7 =	vor.u32 $0x4, v6;
	v5 =	vld [tilespmem:s20+$0x490];
	_ =	sdelay $0x3  }
0x66: {  	[tilespmem:v3+s21+$0x0] =	vst.idx.msk $0xffff, v2  }
0x67: {  	[tilespmem:v7+s21+$0x0] =	vst.idx.msk $0xffff, v5  }
0x68: {  	v3 =	vor.u32 $0x5, v4;
	v2 =	vld [tilespmem:s20+$0x4A0]  }
0x69: {  	v7 =	vor.u32 $0x5, v6;
	v5 =	vld [tilespmem:s20+$0x4B0];
	_ =	sdelay $0x3  }
0x6a: {  	[tilespmem:v3+s21+$0x0] =	vst.idx.msk $0xffff, v2  }
0x6b: {  	[tilespmem:v7+s21+$0x0] =	vst.idx.msk $0xffff, v5  }
0x6c: {  	v3 =	vor.u32 $0x6, v4;
	v2 =	vld [tilespmem:s20+$0x4C0]  }
0x6d: {  	v7 =	vor.u32 $0x6, v6;
	v5 =	vld [tilespmem:s20+$0x4D0];
	_ =	sdelay $0x2  }
0x6e: {  	s8 =	simm.s32 $0x8  }
0x6f: {  	s22 =	simm.s32 $0x0;
	s14 =	sand.u32 $0x78, s8;
	[tilespmem:v3+s21+$0x0] =	vst.idx.msk $0xffff, v2  }
0x70: {  	s7 =	sand.u32 $0x7FFFFFF8, s22;
	v3 =	vmov s14;
	[tilespmem:v7+s21+$0x0] =	vst.idx.msk $0xffff, v5  }
0x71: {  	v8 =	vor.u32 $0x7, v4;
	v2 =	vmov s7;
	v3 =	vshrl.u32 v3, $0x3;
	v7 =	vld [tilespmem:s20+$0x4E0]  }
0x72: {  	v4 =	vmul.u32 $0x88, v2;
	v2 =	vld [tilespmem:s20+$0x4F0];
	v5 =	vshll.u32 v3, $0x3;
	v3 =	vor.u32 $0x7, v6;
	_ =	sdelay $0x1  }
0x73: {  	s24 =	simm.s32 $0x100  }
0x74: {  	s16 =	sshll.u32 s14, $0x5;
	s7 =	sand.u32 $0x3FFFF000, s24;
	v4 =	vbroadcast v4, $0x0;
	v5 =	vbroadcast v5, $0x0  }
0x75: {  	s0 =	sor.u32 $0x1, s17;
	s14 =	simm.s32 $0x2;
	s7 =	sor.u32 s16, s7;
	[tilespmem:v8+s21+$0x0] =	vst.idx.msk $0xffff, v7  }
.LBB2_3:
0x76: {  	p1 =	sne.s32 s14, $0x3F;
	v4 =	vadd.s32 v5, v4;
	[tilespmem:v3+s21+$0x0] =	vst.idx.msk $0xffff, v2;
	s16 =	smov.u32 s14;
	s14 =	sadd.s32 $0x1, s14  }
0x77: {  	v2 =	vld [tilespmem:s7+$0x400];
	v3 =	vadd.s32 v0, v4  }
0x78: {  	v4 =	vadd.s32 v1, v4;
	v5 =	vld [tilespmem:s7+$0x410];
	_ =	sdelay $0x3  }
0x79: {  	[tilespmem:v3+s21+$0x0] =	vst.idx.msk $0xffff, v2  }
0x7a: {  	[tilespmem:v4+s21+$0x0] =	vst.idx.msk $0xffff, v5  }
0x7b: {  	v5 =	vor.u32 $0x1, v3;
	v2 =	vld [tilespmem:s7+$0x420]  }
0x7c: {  	v7 =	vor.u32 $0x1, v4;
	v6 =	vld [tilespmem:s7+$0x430];
	_ =	sdelay $0x3  }
0x7d: {  	[tilespmem:v5+s21+$0x0] =	vst.idx.msk $0xffff, v2  }
0x7e: {  	[tilespmem:v7+s21+$0x0] =	vst.idx.msk $0xffff, v6  }
0x7f: {  	v5 =	vor.u32 $0x2, v3;
	v2 =	vld [tilespmem:s7+$0x440]  }
0x80: {  	v7 =	vor.u32 $0x2, v4;
	v6 =	vld [tilespmem:s7+$0x450];
	_ =	sdelay $0x3  }
0x81: {  	[tilespmem:v5+s21+$0x0] =	vst.idx.msk $0xffff, v2  }
0x82: {  	[tilespmem:v7+s21+$0x0] =	vst.idx.msk $0xffff, v6  }
0x83: {  	v5 =	vor.u32 $0x3, v3;
	v2 =	vld [tilespmem:s7+$0x460]  }
0x84: {  	v7 =	vor.u32 $0x3, v4;
	v6 =	vld [tilespmem:s7+$0x470];
	_ =	sdelay $0x3  }
0x85: {  	[tilespmem:v5+s21+$0x0] =	vst.idx.msk $0xffff, v2  }
0x86: {  	[tilespmem:v7+s21+$0x0] =	vst.idx.msk $0xffff, v6  }
0x87: {  	v5 =	vor.u32 $0x4, v3;
	v2 =	vld [tilespmem:s7+$0x480]  }
0x88: {  	v7 =	vor.u32 $0x4, v4;
	v6 =	vld [tilespmem:s7+$0x490];
	_ =	sdelay $0x3  }
0x89: {  	[tilespmem:v5+s21+$0x0] =	vst.idx.msk $0xffff, v2  }
0x8a: {  	[tilespmem:v7+s21+$0x0] =	vst.idx.msk $0xffff, v6  }
0x8b: {  	v5 =	vor.u32 $0x5, v3;
	v2 =	vld [tilespmem:s7+$0x4A0]  }
0x8c: {  	v7 =	vor.u32 $0x5, v4;
	v6 =	vld [tilespmem:s7+$0x4B0];
	_ =	sdelay $0x3  }
0x8d: {  	[tilespmem:v5+s21+$0x0] =	vst.idx.msk $0xffff, v2  }
0x8e: {  	[tilespmem:v7+s21+$0x0] =	vst.idx.msk $0xffff, v6  }
0x8f: {  	v5 =	vor.u32 $0x6, v3;
	v2 =	vld [tilespmem:s7+$0x4C0]  }
0x90: {  	v7 =	vor.u32 $0x6, v4;
	v6 =	vld [tilespmem:s7+$0x4D0];
	_ =	sdelay $0x3  }
0x91: {  	[tilespmem:v5+s21+$0x0] =	vst.idx.msk $0xffff, v2  }
0x92: {  	s8 =	sadd.s32 $0x8, s8;
	s20 =	sshrl.u32 s16, $0x1;
	[tilespmem:v7+s21+$0x0] =	vst.idx.msk $0xffff, v6  }
0x93: {  	s22 =	sand.u32 $0x78, s8;
	s16 =	sshll.u32 s16, $0x8;
	s20 =	sand.u32 $0x7FFFFFF8, s20;
	v7 =	vor.u32 $0x7, v3;
	v6 =	vld [tilespmem:s7+$0x4E0]  }
.Ltmp0:
0x94: {  	s16 =	sand.u32 $0x3FFFF000, s16;
	v8 =	vmov s22;
	v5 =	vmov s20;
	s20 =	sshll.u32 s22, $0x5;
	v3 =	vor.u32 $0x7, v4;
	v2 =	vld [tilespmem:s7+$0x4F0];
	(pc) =	sbr.rel @p1 .LBB2_3-.Ltmp0, $4  }
0x95: {  	v4 =	vshrl.u32 v8, $0x3;
	v5 =	vmul.u32 $0x88, v5;
	s7 =	sor.u32 s20, s16  }
0x96: {  	v8 =	vshll.u32 v4, $0x3  }
0x97: {  	v4 =	vbroadcast v5, $0x0;
	v5 =	vbroadcast v8, $0x0  }
0x98: {  	[tilespmem:v7+s21+$0x0] =	vst.idx.msk $0xffff, v6  }
0x99: {  	_ =	sdelay $0x3  }
0x9a: {  	v4 =	vadd.s32 v5, v4;
	[tilespmem:v3+s21+$0x0] =	vst.idx.msk $0xffff, v2  }
0x9b: {  	v2 =	vld [tilespmem:s7+$0x400];
	v3 =	vadd.s32 v0, v4  }
0x9c: {  	v5 =	vld [tilespmem:s7+$0x410];
	v4 =	vadd.s32 v1, v4;
	_ =	sdelay $0x3  }
0x9d: {  	[tilespmem:v3+s21+$0x0] =	vst.idx.msk $0xffff, v2  }
0x9e: {  	[tilespmem:v4+s21+$0x0] =	vst.idx.msk $0xffff, v5  }
0x9f: {  	v5 =	vor.u32 $0x1, v3;
	v2 =	vld [tilespmem:s7+$0x420]  }
0xa0: {  	v7 =	vor.u32 $0x1, v4;
	v6 =	vld [tilespmem:s7+$0x430];
	_ =	sdelay $0x3  }
0xa1: {  	[tilespmem:v5+s21+$0x0] =	vst.idx.msk $0xffff, v2  }
0xa2: {  	[tilespmem:v7+s21+$0x0] =	vst.idx.msk $0xffff, v6  }
0xa3: {  	v5 =	vor.u32 $0x2, v3;
	v2 =	vld [tilespmem:s7+$0x440]  }
0xa4: {  	v7 =	vor.u32 $0x2, v4;
	v6 =	vld [tilespmem:s7+$0x450];
	_ =	sdelay $0x3  }
0xa5: {  	[tilespmem:v5+s21+$0x0] =	vst.idx.msk $0xffff, v2  }
0xa6: {  	[tilespmem:v7+s21+$0x0] =	vst.idx.msk $0xffff, v6  }
0xa7: {  	v5 =	vor.u32 $0x3, v3;
	v2 =	vld [tilespmem:s7+$0x460]  }
0xa8: {  	v7 =	vor.u32 $0x3, v4;
	v6 =	vld [tilespmem:s7+$0x470];
	_ =	sdelay $0x3  }
0xa9: {  	[tilespmem:v5+s21+$0x0] =	vst.idx.msk $0xffff, v2  }
0xaa: {  	[tilespmem:v7+s21+$0x0] =	vst.idx.msk $0xffff, v6  }
0xab: {  	v5 =	vor.u32 $0x4, v3;
	v2 =	vld [tilespmem:s7+$0x480]  }
0xac: {  	v7 =	vor.u32 $0x4, v4;
	v6 =	vld [tilespmem:s7+$0x490];
	_ =	sdelay $0x3  }
0xad: {  	[tilespmem:v5+s21+$0x0] =	vst.idx.msk $0xffff, v2  }
0xae: {  	[tilespmem:v7+s21+$0x0] =	vst.idx.msk $0xffff, v6  }
0xaf: {  	v5 =	vor.u32 $0x5, v3;
	v2 =	vld [tilespmem:s7+$0x4A0]  }
0xb0: {  	v7 =	vor.u32 $0x5, v4;
	v6 =	vld [tilespmem:s7+$0x4B0];
	_ =	sdelay $0x3  }
0xb1: {  	[tilespmem:v5+s21+$0x0] =	vst.idx.msk $0xffff, v2  }
0xb2: {  	[tilespmem:v7+s21+$0x0] =	vst.idx.msk $0xffff, v6  }
0xb3: {  	v5 =	vor.u32 $0x6, v3;
	v2 =	vld [tilespmem:s7+$0x4C0]  }
0xb4: {  	v7 =	vor.u32 $0x6, v4;
	v6 =	vld [tilespmem:s7+$0x4D0];
	_ =	sdelay $0x3  }
0xb5: {  	[tilespmem:v5+s21+$0x0] =	vst.idx.msk $0xffff, v2  }
0xb6: {  	[tilespmem:v7+s21+$0x0] =	vst.idx.msk $0xffff, v6  }
0xb7: {  	v3 =	vor.u32 $0x7, v3;
	v2 =	vld [tilespmem:s7+$0x4E0]  }
0xb8: {  	s20 =	sadd.s32 s5, s17;
	v4 =	vor.u32 $0x7, v4;
	v5 =	vld [tilespmem:s7+$0x4F0]  }
0xb9: {  	s8 =	sshll.u32 s20, $0xC;
	s7 =	sshll.u32 s20, $0xE  }
0xba: {  	s8 =	sand.u32 $0x6000, s8;
	s7 =	sand.u32 $0x7FFE0000, s7  }
0xbb: {  	s7 =	sor.u32 s8, s7  }
0xbc: {  	s8 =	sshrl.u32 s7, $0x3;
	[tilespmem:v3+s21+$0x0] =	vst.idx.msk $0xffff, v2  }
0xbd: {  	s7 =	sadd.s32 s2, s8;
	[tilespmem:v4+s21+$0x0] =	vst.idx.msk $0xffff, v5  }
0xbe: {  	[hbm4b:s7+s3] =	stream.linear.scatter [tilespmem:s21], [sflag:$0x5], $0x80, $0x38;
	[tilespmem:$0x10C00] =	vst v63  }
0xbf: {  	s16 =	simm.s32 $0x8488;
	s14 =	sadd.s32 $0x10, s7  }
0xc0: {  	[hbm4b:s14+s3] =	stream.linear.scatter [tilespmem:s16], [sflag:$0x5], $0x80, $0x38;
	[tilespmem:$0x10C00] =	vst v63  }
0xc1: {  	s24 =	simm.s32 $0x8510;
	s22 =	sadd.s32 $0x20, s7  }
0xc2: {  	[hbm4b:s22+s3] =	stream.linear.scatter [tilespmem:s24], [sflag:$0x5], $0x80, $0x38;
	[tilespmem:$0x10C00] =	vst v63  }
0xc3: {  	s20 =	simm.s32 $0x8598;
	s16 =	sadd.s32 $0x30, s7  }
0xc4: {  	[hbm4b:s16+s3] =	stream.linear.scatter [tilespmem:s20], [sflag:$0x5], $0x80, $0x38;
	[tilespmem:$0x10C00] =	vst v63  }
0xc5: {  	s22 =	sadd.s32 $0x40, s7;
	s24 =	simm.s32 $0x8620  }
0xc6: {  	[hbm4b:s22+s3] =	stream.linear.scatter [tilespmem:s24], [sflag:$0x5], $0x80, $0x38;
	[tilespmem:$0x10C00] =	vst v63  }
0xc7: {  	s16 =	sadd.s32 $0x50, s7;
	s20 =	simm.s32 $0x86A8  }
0xc8: {  	[hbm4b:s16+s3] =	stream.linear.scatter [tilespmem:s20], [sflag:$0x5], $0x80, $0x38;
	[tilespmem:$0x10C00] =	vst v63  }
0xc9: {  	s22 =	sadd.s32 $0x60, s7;
	s24 =	simm.s32 $0x8730  }
0xca: {  	[hbm4b:s22+s3] =	stream.linear.scatter [tilespmem:s24], [sflag:$0x5], $0x80, $0x38;
	[tilespmem:$0x10C00] =	vst v63  }
0xcb: {  	s14 =	sor.u32 $0x80, s8;
	s7 =	sadd.s32 $0x70, s7;
	s20 =	simm.s32 $0x87B8  }
0xcc: {  	[hbm4b:s7+s3] =	stream.linear.scatter [tilespmem:s20], [sflag:$0x5], $0x80, $0x38;
	[tilespmem:$0x10C00] =	vst v63  }
0xcd: {  	s22 =	simm.s32 $0x8840;
	s7 =	sadd.s32 s2, s14  }
0xce: {  	[hbm4b:s7+s3] =	stream.linear.scatter [tilespmem:s22], [sflag:$0x5], $0x80, $0x38;
	[tilespmem:$0x10C00] =	vst v63  }
0xcf: {  	s20 =	simm.s32 $0x88C8;
	s24 =	sadd.s32 $0x10, s7  }
0xd0: {  	[hbm4b:s24+s3] =	stream.linear.scatter [tilespmem:s20], [sflag:$0x5], $0x80, $0x38;
	[tilespmem:$0x10C00] =	vst v63  }
0xd1: {  	s22 =	sadd.s32 $0x20, s7;
	s24 =	simm.s32 $0x8950  }
0xd2: {  	[hbm4b:s22+s3] =	stream.linear.scatter [tilespmem:s24], [sflag:$0x5], $0x80, $0x38;
	[tilespmem:$0x10C00] =	vst v63  }
0xd3: {  	s22 =	sadd.s32 $0x30, s7;
	s24 =	simm.s32 $0x89D8  }
0xd4: {  	[hbm4b:s22+s3] =	stream.linear.scatter [tilespmem:s24], [sflag:$0x5], $0x80, $0x38;
	[tilespmem:$0x10C00] =	vst v63  }
0xd5: {  	s22 =	sadd.s32 $0x40, s7;
	s24 =	simm.s32 $0x8A60  }
0xd6: {  	[hbm4b:s22+s3] =	stream.linear.scatter [tilespmem:s24], [sflag:$0x5], $0x80, $0x38;
	[tilespmem:$0x10C00] =	vst v63  }
0xd7: {  	s22 =	sadd.s32 $0x50, s7;
	s24 =	simm.s32 $0x8AE8  }
0xd8: {  	[hbm4b:s22+s3] =	stream.linear.scatter [tilespmem:s24], [sflag:$0x5], $0x80, $0x38;
	[tilespmem:$0x10C00] =	vst v63  }
0xd9: {  	s22 =	sadd.s32 $0x60, s7;
	s24 =	simm.s32 $0x8B70  }
0xda: {  	[hbm4b:s22+s3] =	stream.linear.scatter [tilespmem:s24], [sflag:$0x5], $0x80, $0x38;
	[tilespmem:$0x10C00] =	vst v63  }
0xdb: {  	s20 =	simm.s32 $0x8BF8;
	s7 =	sadd.s32 $0x70, s7  }
0xdc: {  	[hbm4b:s7+s3] =	stream.linear.scatter [tilespmem:s20], [sflag:$0x5], $0x80, $0x38;
	[tilespmem:$0x10C00] =	vst v63  }
0xdd: {  	s7 =	sor.u32 $0x100, s8  }
0xde: {  	s22 =	simm.s32 $0x8C80;
	s16 =	sadd.s32 s2, s7  }
0xdf: {  	[hbm4b:s16+s3] =	stream.linear.scatter [tilespmem:s22], [sflag:$0x5], $0x80, $0x38;
	[tilespmem:$0x10C00] =	vst v63  }
0xe0: {  	s24 =	sadd.s32 $0x10, s16;
	s22 =	simm.s32 $0x8D08  }
0xe1: {  	[hbm4b:s24+s3] =	stream.linear.scatter [tilespmem:s22], [sflag:$0x5], $0x80, $0x38;
	[tilespmem:$0x10C00] =	vst v63  }
0xe2: {  	s22 =	sadd.s32 $0x20, s16;
	s24 =	simm.s32 $0x8D90  }
0xe3: {  	[hbm4b:s22+s3] =	stream.linear.scatter [tilespmem:s24], [sflag:$0x5], $0x80, $0x38;
	[tilespmem:$0x10C00] =	vst v63  }
0xe4: {  	s22 =	sadd.s32 $0x30, s16;
	s24 =	simm.s32 $0x8E18  }
0xe5: {  	[hbm4b:s22+s3] =	stream.linear.scatter [tilespmem:s24], [sflag:$0x5], $0x80, $0x38;
	[tilespmem:$0x10C00] =	vst v63  }
0xe6: {  	s22 =	sadd.s32 $0x40, s16;
	s24 =	simm.s32 $0x8EA0  }
0xe7: {  	[hbm4b:s22+s3] =	stream.linear.scatter [tilespmem:s24], [sflag:$0x5], $0x80, $0x38;
	[tilespmem:$0x10C00] =	vst v63  }
0xe8: {  	s22 =	sadd.s32 $0x50, s16;
	s24 =	simm.s32 $0x8F28  }
0xe9: {  	[hbm4b:s22+s3] =	stream.linear.scatter [tilespmem:s24], [sflag:$0x5], $0x80, $0x38;
	[tilespmem:$0x10C00] =	vst v63  }
0xea: {  	s22 =	sadd.s32 $0x60, s16;
	s24 =	simm.s32 $0x8FB0  }
0xeb: {  	[hbm4b:s22+s3] =	stream.linear.scatter [tilespmem:s24], [sflag:$0x5], $0x80, $0x38;
	[tilespmem:$0x10C00] =	vst v63  }
0xec: {  	s16 =	sadd.s32 $0x70, s16;
	s22 =	simm.s32 $0x9038  }
0xed: {  	[hbm4b:s16+s3] =	stream.linear.scatter [tilespmem:s22], [sflag:$0x5], $0x80, $0x38;
	[tilespmem:$0x10C00] =	vst v63  }
0xee: {  	s16 =	sor.u32 $0x180, s8  }
0xef: {  	s24 =	simm.s32 $0x90C0;
	s20 =	sadd.s32 s2, s16  }
0xf0: {  	[hbm4b:s20+s3] =	stream.linear.scatter [tilespmem:s24], [sflag:$0x5], $0x80, $0x38;
	[tilespmem:$0x10C00] =	vst v63  }
0xf1: {  	s22 =	sadd.s32 $0x10, s20;
	s24 =	simm.s32 $0x9148  }
0xf2: {  	[hbm4b:s22+s3] =	stream.linear.scatter [tilespmem:s24], [sflag:$0x5], $0x80, $0x38;
	[tilespmem:$0x10C00] =	vst v63  }
0xf3: {  	s22 =	sadd.s32 $0x20, s20;
	s24 =	simm.s32 $0x91D0  }
0xf4: {  	[hbm4b:s22+s3] =	stream.linear.scatter [tilespmem:s24], [sflag:$0x5], $0x80, $0x38;
	[tilespmem:$0x10C00] =	vst v63  }
0xf5: {  	s22 =	sadd.s32 $0x30, s20;
	s24 =	simm.s32 $0x9258  }
0xf6: {  	[hbm4b:s22+s3] =	stream.linear.scatter [tilespmem:s24], [sflag:$0x5], $0x80, $0x38;
	[tilespmem:$0x10C00] =	vst v63  }
0xf7: {  	s22 =	sadd.s32 $0x40, s20;
	s24 =	simm.s32 $0x92E0  }
0xf8: {  	[hbm4b:s22+s3] =	stream.linear.scatter [tilespmem:s24], [sflag:$0x5], $0x80, $0x38;
	[tilespmem:$0x10C00] =	vst v63  }
0xf9: {  	s22 =	sadd.s32 $0x50, s20;
	s24 =	simm.s32 $0x9368  }
0xfa: {  	[hbm4b:s22+s3] =	stream.linear.scatter [tilespmem:s24], [sflag:$0x5], $0x80, $0x38;
	[tilespmem:$0x10C00] =	vst v63  }
0xfb: {  	s22 =	sadd.s32 $0x60, s20;
	s24 =	simm.s32 $0x93F0  }
0xfc: {  	[hbm4b:s22+s3] =	stream.linear.scatter [tilespmem:s24], [sflag:$0x5], $0x80, $0x38;
	[tilespmem:$0x10C00] =	vst v63  }
0xfd: {  	s20 =	sadd.s32 $0x70, s20;
	s24 =	simm.s32 $0x9478  }
0xfe: {  	[hbm4b:s20+s3] =	stream.linear.scatter [tilespmem:s24], [sflag:$0x5], $0x80, $0x38;
	[tilespmem:$0x10C00] =	vst v63  }
0xff: {  	s20 =	sadd.s32 s8, s10;
	s24 =	simm.s32 $0x9500  }
0x100: {  	[hbm4b:s20+s3] =	stream.linear.scatter [tilespmem:s24], [sflag:$0x5], $0x80, $0x38;
	[tilespmem:$0x10C00] =	vst v63  }
0x101: {  	s22 =	sadd.s32 $0x10, s20;
	s24 =	simm.s32 $0x9588  }
0x102: {  	[hbm4b:s22+s3] =	stream.linear.scatter [tilespmem:s24], [sflag:$0x5], $0x80, $0x38;
	[tilespmem:$0x10C00] =	vst v63  }
0x103: {  	s22 =	sadd.s32 $0x20, s20;
	s24 =	simm.s32 $0x9610  }
0x104: {  	[hbm4b:s22+s3] =	stream.linear.scatter [tilespmem:s24], [sflag:$0x5], $0x80, $0x38;
	[tilespmem:$0x10C00] =	vst v63  }
0x105: {  	s22 =	sadd.s32 $0x30, s20;
	s24 =	simm.s32 $0x9698  }
0x106: {  	[hbm4b:s22+s3] =	stream.linear.scatter [tilespmem:s24], [sflag:$0x5], $0x80, $0x38;
	[tilespmem:$0x10C00] =	vst v63  }
0x107: {  	s22 =	sadd.s32 $0x40, s20;
	s24 =	simm.s32 $0x9720  }
0x108: {  	[hbm4b:s22+s3] =	stream.linear.scatter [tilespmem:s24], [sflag:$0x5], $0x80, $0x38;
	[tilespmem:$0x10C00] =	vst v63  }
0x109: {  	s22 =	sadd.s32 $0x50, s20;
	s24 =	simm.s32 $0x97A8  }
0x10a: {  	[hbm4b:s22+s3] =	stream.linear.scatter [tilespmem:s24], [sflag:$0x5], $0x80, $0x38;
	[tilespmem:$0x10C00] =	vst v63  }
0x10b: {  	s22 =	sadd.s32 $0x60, s20;
	s24 =	simm.s32 $0x9830  }
0x10c: {  	[hbm4b:s22+s3] =	stream.linear.scatter [tilespmem:s24], [sflag:$0x5], $0x80, $0x38;
	[tilespmem:$0x10C00] =	vst v63  }
0x10d: {  	s20 =	sadd.s32 $0x70, s20;
	s24 =	simm.s32 $0x98B8  }
0x10e: {  	[hbm4b:s20+s3] =	stream.linear.scatter [tilespmem:s24], [sflag:$0x5], $0x80, $0x38;
	[tilespmem:$0x10C00] =	vst v63  }
0x10f: {  	s20 =	sadd.s32 s14, s10;
	s24 =	simm.s32 $0x9940  }
0x110: {  	[hbm4b:s20+s3] =	stream.linear.scatter [tilespmem:s24], [sflag:$0x5], $0x80, $0x38;
	[tilespmem:$0x10C00] =	vst v63  }
0x111: {  	s22 =	sadd.s32 $0x10, s20;
	s24 =	simm.s32 $0x99C8  }
0x112: {  	[hbm4b:s22+s3] =	stream.linear.scatter [tilespmem:s24], [sflag:$0x5], $0x80, $0x38;
	[tilespmem:$0x10C00] =	vst v63  }
0x113: {  	s22 =	sadd.s32 $0x20, s20;
	s24 =	simm.s32 $0x9A50  }
0x114: {  	[hbm4b:s22+s3] =	stream.linear.scatter [tilespmem:s24], [sflag:$0x5], $0x80, $0x38;
	[tilespmem:$0x10C00] =	vst v63  }
0x115: {  	s22 =	sadd.s32 $0x30, s20;
	s24 =	simm.s32 $0x9AD8  }
0x116: {  	[hbm4b:s22+s3] =	stream.linear.scatter [tilespmem:s24], [sflag:$0x5], $0x80, $0x38;
	[tilespmem:$0x10C00] =	vst v63  }
0x117: {  	s22 =	sadd.s32 $0x40, s20;
	s24 =	simm.s32 $0x9B60  }
0x118: {  	[hbm4b:s22+s3] =	stream.linear.scatter [tilespmem:s24], [sflag:$0x5], $0x80, $0x38;
	[tilespmem:$0x10C00] =	vst v63  }
0x119: {  	s22 =	sadd.s32 $0x50, s20;
	s24 =	simm.s32 $0x9BE8  }
0x11a: {  	[hbm4b:s22+s3] =	stream.linear.scatter [tilespmem:s24], [sflag:$0x5], $0x80, $0x38;
	[tilespmem:$0x10C00] =	vst v63  }
0x11b: {  	s22 =	sadd.s32 $0x60, s20;
	s24 =	simm.s32 $0x9C70  }
0x11c: {  	[hbm4b:s22+s3] =	stream.linear.scatter [tilespmem:s24], [sflag:$0x5], $0x80, $0x38;
	[tilespmem:$0x10C00] =	vst v63  }
0x11d: {  	s20 =	sadd.s32 $0x70, s20;
	s24 =	simm.s32 $0x9CF8  }
0x11e: {  	[hbm4b:s20+s3] =	stream.linear.scatter [tilespmem:s24], [sflag:$0x5], $0x80, $0x38;
	[tilespmem:$0x10C00] =	vst v63  }
0x11f: {  	s20 =	sadd.s32 s7, s10;
	s24 =	simm.s32 $0x9D80  }
0x120: {  	[hbm4b:s20+s3] =	stream.linear.scatter [tilespmem:s24], [sflag:$0x5], $0x80, $0x38;
	[tilespmem:$0x10C00] =	vst v63  }
0x121: {  	s22 =	sadd.s32 $0x10, s20;
	s24 =	simm.s32 $0x9E08  }
0x122: {  	[hbm4b:s22+s3] =	stream.linear.scatter [tilespmem:s24], [sflag:$0x5], $0x80, $0x38;
	[tilespmem:$0x10C00] =	vst v63  }
0x123: {  	s22 =	sadd.s32 $0x20, s20;
	s24 =	simm.s32 $0x9E90  }
0x124: {  	[hbm4b:s22+s3] =	stream.linear.scatter [tilespmem:s24], [sflag:$0x5], $0x80, $0x38;
	[tilespmem:$0x10C00] =	vst v63  }
0x125: {  	s22 =	sadd.s32 $0x30, s20;
	s24 =	simm.s32 $0x9F18  }
0x126: {  	[hbm4b:s22+s3] =	stream.linear.scatter [tilespmem:s24], [sflag:$0x5], $0x80, $0x38;
	[tilespmem:$0x10C00] =	vst v63  }
0x127: {  	s22 =	sadd.s32 $0x40, s20;
	s24 =	simm.s32 $0x9FA0  }
0x128: {  	[hbm4b:s22+s3] =	stream.linear.scatter [tilespmem:s24], [sflag:$0x5], $0x80, $0x38;
	[tilespmem:$0x10C00] =	vst v63  }
0x129: {  	s22 =	sadd.s32 $0x50, s20;
	s24 =	simm.s32 $0xA028  }
0x12a: {  	[hbm4b:s22+s3] =	stream.linear.scatter [tilespmem:s24], [sflag:$0x5], $0x80, $0x38;
	[tilespmem:$0x10C00] =	vst v63  }
0x12b: {  	s22 =	sadd.s32 $0x60, s20;
	s24 =	simm.s32 $0xA0B0  }
0x12c: {  	[hbm4b:s22+s3] =	stream.linear.scatter [tilespmem:s24], [sflag:$0x5], $0x80, $0x38;
	[tilespmem:$0x10C00] =	vst v63  }
0x12d: {  	s20 =	sadd.s32 $0x70, s20;
	s24 =	simm.s32 $0xA138  }
0x12e: {  	[hbm4b:s20+s3] =	stream.linear.scatter [tilespmem:s24], [sflag:$0x5], $0x80, $0x38;
	[tilespmem:$0x10C00] =	vst v63  }
0x12f: {  	s20 =	sadd.s32 s16, s10;
	s24 =	simm.s32 $0xA1C0  }
0x130: {  	[hbm4b:s20+s3] =	stream.linear.scatter [tilespmem:s24], [sflag:$0x5], $0x80, $0x38;
	[tilespmem:$0x10C00] =	vst v63  }
0x131: {  	s22 =	sadd.s32 $0x10, s20;
	s24 =	simm.s32 $0xA248  }
0x132: {  	[hbm4b:s22+s3] =	stream.linear.scatter [tilespmem:s24], [sflag:$0x5], $0x80, $0x38;
	[tilespmem:$0x10C00] =	vst v63  }
0x133: {  	s22 =	sadd.s32 $0x20, s20;
	s24 =	simm.s32 $0xA2D0  }
0x134: {  	[hbm4b:s22+s3] =	stream.linear.scatter [tilespmem:s24], [sflag:$0x5], $0x80, $0x38;
	[tilespmem:$0x10C00] =	vst v63  }
0x135: {  	s22 =	sadd.s32 $0x30, s20;
	s24 =	simm.s32 $0xA358  }
0x136: {  	[hbm4b:s22+s3] =	stream.linear.scatter [tilespmem:s24], [sflag:$0x5], $0x80, $0x38;
	[tilespmem:$0x10C00] =	vst v63  }
0x137: {  	s22 =	sadd.s32 $0x40, s20;
	s24 =	simm.s32 $0xA3E0  }
0x138: {  	[hbm4b:s22+s3] =	stream.linear.scatter [tilespmem:s24], [sflag:$0x5], $0x80, $0x38;
	[tilespmem:$0x10C00] =	vst v63  }
0x139: {  	s22 =	sadd.s32 $0x50, s20;
	s24 =	simm.s32 $0xA468  }
0x13a: {  	[hbm4b:s22+s3] =	stream.linear.scatter [tilespmem:s24], [sflag:$0x5], $0x80, $0x38;
	[tilespmem:$0x10C00] =	vst v63  }
0x13b: {  	s22 =	sadd.s32 $0x60, s20;
	s24 =	simm.s32 $0xA4F0  }
0x13c: {  	[hbm4b:s22+s3] =	stream.linear.scatter [tilespmem:s24], [sflag:$0x5], $0x80, $0x38;
	[tilespmem:$0x10C00] =	vst v63  }
0x13d: {  	s20 =	sadd.s32 $0x70, s20;
	s24 =	simm.s32 $0xA578  }
0x13e: {  	[hbm4b:s20+s3] =	stream.linear.scatter [tilespmem:s24], [sflag:$0x5], $0x80, $0x38;
	[tilespmem:$0x10C00] =	vst v63  }
0x13f: {  	s20 =	sadd.s32 s8, s11;
	s24 =	simm.s32 $0xA600  }
0x140: {  	[hbm4b:s20+s3] =	stream.linear.scatter [tilespmem:s24], [sflag:$0x5], $0x80, $0x38;
	[tilespmem:$0x10C00] =	vst v63  }
0x141: {  	s22 =	sadd.s32 $0x10, s20;
	s24 =	simm.s32 $0xA688  }
0x142: {  	[hbm4b:s22+s3] =	stream.linear.scatter [tilespmem:s24], [sflag:$0x5], $0x80, $0x38;
	[tilespmem:$0x10C00] =	vst v63  }
0x143: {  	s22 =	sadd.s32 $0x20, s20;
	s24 =	simm.s32 $0xA710  }
0x144: {  	[hbm4b:s22+s3] =	stream.linear.scatter [tilespmem:s24], [sflag:$0x5], $0x80, $0x38;
	[tilespmem:$0x10C00] =	vst v63  }
0x145: {  	s22 =	sadd.s32 $0x30, s20;
	s24 =	simm.s32 $0xA798  }
0x146: {  	[hbm4b:s22+s3] =	stream.linear.scatter [tilespmem:s24], [sflag:$0x5], $0x80, $0x38;
	[tilespmem:$0x10C00] =	vst v63  }
0x147: {  	s22 =	sadd.s32 $0x40, s20;
	s24 =	simm.s32 $0xA820  }
0x148: {  	[hbm4b:s22+s3] =	stream.linear.scatter [tilespmem:s24], [sflag:$0x5], $0x80, $0x38;
	[tilespmem:$0x10C00] =	vst v63  }
0x149: {  	s22 =	sadd.s32 $0x50, s20;
	s24 =	simm.s32 $0xA8A8  }
0x14a: {  	[hbm4b:s22+s3] =	stream.linear.scatter [tilespmem:s24], [sflag:$0x5], $0x80, $0x38;
	[tilespmem:$0x10C00] =	vst v63  }
0x14b: {  	s22 =	sadd.s32 $0x60, s20;
	s24 =	simm.s32 $0xA930  }
0x14c: {  	[hbm4b:s22+s3] =	stream.linear.scatter [tilespmem:s24], [sflag:$0x5], $0x80, $0x38;
	[tilespmem:$0x10C00] =	vst v63  }
0x14d: {  	s20 =	sadd.s32 $0x70, s20;
	s24 =	simm.s32 $0xA9B8  }
0x14e: {  	[hbm4b:s20+s3] =	stream.linear.scatter [tilespmem:s24], [sflag:$0x5], $0x80, $0x38;
	[tilespmem:$0x10C00] =	vst v63  }
0x14f: {  	s20 =	sadd.s32 s14, s11;
	s24 =	simm.s32 $0xAA40  }
0x150: {  	[hbm4b:s20+s3] =	stream.linear.scatter [tilespmem:s24], [sflag:$0x5], $0x80, $0x38;
	[tilespmem:$0x10C00] =	vst v63  }
0x151: {  	s22 =	sadd.s32 $0x10, s20;
	s24 =	simm.s32 $0xAAC8  }
0x152: {  	[hbm4b:s22+s3] =	stream.linear.scatter [tilespmem:s24], [sflag:$0x5], $0x80, $0x38;
	[tilespmem:$0x10C00] =	vst v63  }
0x153: {  	s22 =	sadd.s32 $0x20, s20;
	s24 =	simm.s32 $0xAB50  }
0x154: {  	[hbm4b:s22+s3] =	stream.linear.scatter [tilespmem:s24], [sflag:$0x5], $0x80, $0x38;
	[tilespmem:$0x10C00] =	vst v63  }
0x155: {  	s22 =	sadd.s32 $0x30, s20;
	s24 =	simm.s32 $0xABD8  }
0x156: {  	[hbm4b:s22+s3] =	stream.linear.scatter [tilespmem:s24], [sflag:$0x5], $0x80, $0x38;
	[tilespmem:$0x10C00] =	vst v63  }
0x157: {  	s22 =	sadd.s32 $0x40, s20;
	s24 =	simm.s32 $0xAC60  }
0x158: {  	[hbm4b:s22+s3] =	stream.linear.scatter [tilespmem:s24], [sflag:$0x5], $0x80, $0x38;
	[tilespmem:$0x10C00] =	vst v63  }
0x159: {  	s22 =	sadd.s32 $0x50, s20;
	s24 =	simm.s32 $0xACE8  }
0x15a: {  	[hbm4b:s22+s3] =	stream.linear.scatter [tilespmem:s24], [sflag:$0x5], $0x80, $0x38;
	[tilespmem:$0x10C00] =	vst v63  }
0x15b: {  	s22 =	sadd.s32 $0x60, s20;
	s24 =	simm.s32 $0xAD70  }
0x15c: {  	[hbm4b:s22+s3] =	stream.linear.scatter [tilespmem:s24], [sflag:$0x5], $0x80, $0x38;
	[tilespmem:$0x10C00] =	vst v63  }
0x15d: {  	s20 =	sadd.s32 $0x70, s20;
	s24 =	simm.s32 $0xADF8  }
0x15e: {  	[hbm4b:s20+s3] =	stream.linear.scatter [tilespmem:s24], [sflag:$0x5], $0x80, $0x38;
	[tilespmem:$0x10C00] =	vst v63  }
0x15f: {  	s20 =	sadd.s32 s7, s11;
	s24 =	simm.s32 $0xAE80  }
0x160: {  	[hbm4b:s20+s3] =	stream.linear.scatter [tilespmem:s24], [sflag:$0x5], $0x80, $0x38;
	[tilespmem:$0x10C00] =	vst v63  }
0x161: {  	s22 =	sadd.s32 $0x10, s20;
	s24 =	simm.s32 $0xAF08  }
0x162: {  	[hbm4b:s22+s3] =	stream.linear.scatter [tilespmem:s24], [sflag:$0x5], $0x80, $0x38;
	[tilespmem:$0x10C00] =	vst v63  }
0x163: {  	s22 =	sadd.s32 $0x20, s20;
	s24 =	simm.s32 $0xAF90  }
0x164: {  	[hbm4b:s22+s3] =	stream.linear.scatter [tilespmem:s24], [sflag:$0x5], $0x80, $0x38;
	[tilespmem:$0x10C00] =	vst v63  }
0x165: {  	s22 =	sadd.s32 $0x30, s20;
	s24 =	simm.s32 $0xB018  }
0x166: {  	[hbm4b:s22+s3] =	stream.linear.scatter [tilespmem:s24], [sflag:$0x5], $0x80, $0x38;
	[tilespmem:$0x10C00] =	vst v63  }
0x167: {  	s22 =	sadd.s32 $0x40, s20;
	s24 =	simm.s32 $0xB0A0  }
0x168: {  	[hbm4b:s22+s3] =	stream.linear.scatter [tilespmem:s24], [sflag:$0x5], $0x80, $0x38;
	[tilespmem:$0x10C00] =	vst v63  }
0x169: {  	s22 =	sadd.s32 $0x50, s20;
	s24 =	simm.s32 $0xB128  }
0x16a: {  	[hbm4b:s22+s3] =	stream.linear.scatter [tilespmem:s24], [sflag:$0x5], $0x80, $0x38;
	[tilespmem:$0x10C00] =	vst v63  }
0x16b: {  	s22 =	sadd.s32 $0x60, s20;
	s24 =	simm.s32 $0xB1B0  }
0x16c: {  	[hbm4b:s22+s3] =	stream.linear.scatter [tilespmem:s24], [sflag:$0x5], $0x80, $0x38;
	[tilespmem:$0x10C00] =	vst v63  }
0x16d: {  	s20 =	sadd.s32 $0x70, s20;
	s24 =	simm.s32 $0xB238  }
0x16e: {  	[hbm4b:s20+s3] =	stream.linear.scatter [tilespmem:s24], [sflag:$0x5], $0x80, $0x38;
	[tilespmem:$0x10C00] =	vst v63  }
0x16f: {  	s20 =	sadd.s32 s16, s11;
	s24 =	simm.s32 $0xB2C0  }
0x170: {  	[hbm4b:s20+s3] =	stream.linear.scatter [tilespmem:s24], [sflag:$0x5], $0x80, $0x38;
	[tilespmem:$0x10C00] =	vst v63  }
0x171: {  	s22 =	sadd.s32 $0x10, s20;
	s24 =	simm.s32 $0xB348  }
0x172: {  	[hbm4b:s22+s3] =	stream.linear.scatter [tilespmem:s24], [sflag:$0x5], $0x80, $0x38;
	[tilespmem:$0x10C00] =	vst v63  }
0x173: {  	s22 =	sadd.s32 $0x20, s20;
	s24 =	simm.s32 $0xB3D0  }
0x174: {  	[hbm4b:s22+s3] =	stream.linear.scatter [tilespmem:s24], [sflag:$0x5], $0x80, $0x38;
	[tilespmem:$0x10C00] =	vst v63  }
0x175: {  	s22 =	sadd.s32 $0x30, s20;
	s24 =	simm.s32 $0xB458  }
0x176: {  	[hbm4b:s22+s3] =	stream.linear.scatter [tilespmem:s24], [sflag:$0x5], $0x80, $0x38;
	[tilespmem:$0x10C00] =	vst v63  }
0x177: {  	s22 =	sadd.s32 $0x40, s20;
	s24 =	simm.s32 $0xB4E0  }
0x178: {  	[hbm4b:s22+s3] =	stream.linear.scatter [tilespmem:s24], [sflag:$0x5], $0x80, $0x38;
	[tilespmem:$0x10C00] =	vst v63  }
0x179: {  	s22 =	sadd.s32 $0x50, s20;
	s24 =	simm.s32 $0xB568  }
0x17a: {  	[hbm4b:s22+s3] =	stream.linear.scatter [tilespmem:s24], [sflag:$0x5], $0x80, $0x38;
	[tilespmem:$0x10C00] =	vst v63  }
0x17b: {  	s22 =	sadd.s32 $0x60, s20;
	s24 =	simm.s32 $0xB5F0  }
0x17c: {  	[hbm4b:s22+s3] =	stream.linear.scatter [tilespmem:s24], [sflag:$0x5], $0x80, $0x38;
	[tilespmem:$0x10C00] =	vst v63  }
0x17d: {  	s20 =	sadd.s32 $0x70, s20;
	s24 =	simm.s32 $0xB678  }
0x17e: {  	[hbm4b:s20+s3] =	stream.linear.scatter [tilespmem:s24], [sflag:$0x5], $0x80, $0x38;
	[tilespmem:$0x10C00] =	vst v63  }
0x17f: {  	s8 =	sadd.s32 s8, s12;
	s24 =	simm.s32 $0xB700  }
0x180: {  	[hbm4b:s8+s3] =	stream.linear.scatter [tilespmem:s24], [sflag:$0x5], $0x80, $0x38;
	[tilespmem:$0x10C00] =	vst v63  }
0x181: {  	s22 =	sadd.s32 $0x10, s8;
	s24 =	simm.s32 $0xB788  }
0x182: {  	[hbm4b:s22+s3] =	stream.linear.scatter [tilespmem:s24], [sflag:$0x5], $0x80, $0x38;
	[tilespmem:$0x10C00] =	vst v63  }
0x183: {  	s22 =	sadd.s32 $0x20, s8;
	s24 =	simm.s32 $0xB810  }
0x184: {  	[hbm4b:s22+s3] =	stream.linear.scatter [tilespmem:s24], [sflag:$0x5], $0x80, $0x38;
	[tilespmem:$0x10C00] =	vst v63  }
0x185: {  	s22 =	sadd.s32 $0x30, s8;
	s24 =	simm.s32 $0xB898  }
0x186: {  	[hbm4b:s22+s3] =	stream.linear.scatter [tilespmem:s24], [sflag:$0x5], $0x80, $0x38;
	[tilespmem:$0x10C00] =	vst v63  }
0x187: {  	s22 =	sadd.s32 $0x40, s8;
	s24 =	simm.s32 $0xB920  }
0x188: {  	[hbm4b:s22+s3] =	stream.linear.scatter [tilespmem:s24], [sflag:$0x5], $0x80, $0x38;
	[tilespmem:$0x10C00] =	vst v63  }
0x189: {  	s22 =	sadd.s32 $0x50, s8;
	s24 =	simm.s32 $0xB9A8  }
0x18a: {  	[hbm4b:s22+s3] =	stream.linear.scatter [tilespmem:s24], [sflag:$0x5], $0x80, $0x38;
	[tilespmem:$0x10C00] =	vst v63  }
0x18b: {  	s22 =	sadd.s32 $0x60, s8;
	s24 =	simm.s32 $0xBA30  }
0x18c: {  	[hbm4b:s22+s3] =	stream.linear.scatter [tilespmem:s24], [sflag:$0x5], $0x80, $0x38;
	[tilespmem:$0x10C00] =	vst v63  }
0x18d: {  	s8 =	sadd.s32 $0x70, s8;
	s24 =	simm.s32 $0xBAB8  }
0x18e: {  	[hbm4b:s8+s3] =	stream.linear.scatter [tilespmem:s24], [sflag:$0x5], $0x80, $0x38;
	[tilespmem:$0x10C00] =	vst v63  }
0x18f: {  	s20 =	simm.s32 $0xBB40;
	s8 =	sadd.s32 s14, s12  }
0x190: {  	[hbm4b:s8+s3] =	stream.linear.scatter [tilespmem:s20], [sflag:$0x5], $0x80, $0x38;
	[tilespmem:$0x10C00] =	vst v63  }
0x191: {  	s24 =	simm.s32 $0xBBC8;
	s22 =	sadd.s32 $0x10, s8  }
0x192: {  	[hbm4b:s22+s3] =	stream.linear.scatter [tilespmem:s24], [sflag:$0x5], $0x80, $0x38;
	[tilespmem:$0x10C00] =	vst v63  }
0x193: {  	s22 =	sadd.s32 $0x20, s8;
	s24 =	simm.s32 $0xBC50  }
0x194: {  	[hbm4b:s22+s3] =	stream.linear.scatter [tilespmem:s24], [sflag:$0x5], $0x80, $0x38;
	[tilespmem:$0x10C00] =	vst v63  }
0x195: {  	s22 =	sadd.s32 $0x30, s8;
	s24 =	simm.s32 $0xBCD8  }
0x196: {  	[hbm4b:s22+s3] =	stream.linear.scatter [tilespmem:s24], [sflag:$0x5], $0x80, $0x38;
	[tilespmem:$0x10C00] =	vst v63  }
0x197: {  	s22 =	sadd.s32 $0x40, s8;
	s24 =	simm.s32 $0xBD60  }
0x198: {  	[hbm4b:s22+s3] =	stream.linear.scatter [tilespmem:s24], [sflag:$0x5], $0x80, $0x38;
	[tilespmem:$0x10C00] =	vst v63  }
0x199: {  	s22 =	sadd.s32 $0x50, s8;
	s24 =	simm.s32 $0xBDE8  }
0x19a: {  	[hbm4b:s22+s3] =	stream.linear.scatter [tilespmem:s24], [sflag:$0x5], $0x80, $0x38;
	[tilespmem:$0x10C00] =	vst v63  }
0x19b: {  	s20 =	sadd.s32 $0x60, s8;
	s22 =	simm.s32 $0xBE70  }
0x19c: {  	[hbm4b:s20+s3] =	stream.linear.scatter [tilespmem:s22], [sflag:$0x5], $0x80, $0x38;
	[tilespmem:$0x10C00] =	vst v63  }
0x19d: {  	s8 =	sadd.s32 $0x70, s8;
	s24 =	simm.s32 $0xBEF8  }
0x19e: {  	[hbm4b:s8+s3] =	stream.linear.scatter [tilespmem:s24], [sflag:$0x5], $0x80, $0x38;
	[tilespmem:$0x10C00] =	vst v63  }
0x19f: {  	s7 =	sadd.s32 s7, s12;
	s20 =	simm.s32 $0xBF80  }
0x1a0: {  	[hbm4b:s7+s3] =	stream.linear.scatter [tilespmem:s20], [sflag:$0x5], $0x80, $0x38;
	[tilespmem:$0x10C00] =	vst v63  }
0x1a1: {  	s22 =	sadd.s32 $0x10, s7;
	s24 =	simm.s32 $0xC008  }
0x1a2: {  	[hbm4b:s22+s3] =	stream.linear.scatter [tilespmem:s24], [sflag:$0x5], $0x80, $0x38;
	[tilespmem:$0x10C00] =	vst v63  }
0x1a3: {  	s14 =	sadd.s32 $0x20, s7;
	s20 =	simm.s32 $0xC090  }
0x1a4: {  	[hbm4b:s14+s3] =	stream.linear.scatter [tilespmem:s20], [sflag:$0x5], $0x80, $0x38;
	[tilespmem:$0x10C00] =	vst v63  }
0x1a5: {  	s22 =	sadd.s32 $0x30, s7;
	s24 =	simm.s32 $0xC118  }
0x1a6: {  	[hbm4b:s22+s3] =	stream.linear.scatter [tilespmem:s24], [sflag:$0x5], $0x80, $0x38;
	[tilespmem:$0x10C00] =	vst v63  }
0x1a7: {  	s14 =	sadd.s32 $0x40, s7;
	s20 =	simm.s32 $0xC1A0  }
0x1a8: {  	[hbm4b:s14+s3] =	stream.linear.scatter [tilespmem:s20], [sflag:$0x5], $0x80, $0x38;
	[tilespmem:$0x10C00] =	vst v63  }
0x1a9: {  	s22 =	sadd.s32 $0x50, s7;
	s24 =	simm.s32 $0xC228  }
0x1aa: {  	[hbm4b:s22+s3] =	stream.linear.scatter [tilespmem:s24], [sflag:$0x5], $0x80, $0x38;
	[tilespmem:$0x10C00] =	vst v63  }
0x1ab: {  	s20 =	sadd.s32 $0x60, s7;
	s22 =	simm.s32 $0xC2B0  }
0x1ac: {  	[hbm4b:s20+s3] =	stream.linear.scatter [tilespmem:s22], [sflag:$0x5], $0x80, $0x38;
	[tilespmem:$0x10C00] =	vst v63  }
0x1ad: {  	s7 =	sadd.s32 $0x70, s7;
	s24 =	simm.s32 $0xC338  }
0x1ae: {  	[hbm4b:s7+s3] =	stream.linear.scatter [tilespmem:s24], [sflag:$0x5], $0x80, $0x38;
	[tilespmem:$0x10C00] =	vst v63  }
0x1af: {  	s14 =	simm.s32 $0xC3C0;
	s7 =	sadd.s32 s16, s12  }
0x1b0: {  	[hbm4b:s7+s3] =	stream.linear.scatter [tilespmem:s14], [sflag:$0x5], $0x80, $0x38;
	[tilespmem:$0x10C00] =	vst v63  }
0x1b1: {  	s20 =	simm.s32 $0xC448;
	s16 =	sadd.s32 $0x10, s7  }
0x1b2: {  	[hbm4b:s16+s3] =	stream.linear.scatter [tilespmem:s20], [sflag:$0x5], $0x80, $0x38;
	[tilespmem:$0x10C00] =	vst v63  }
0x1b3: {  	s24 =	simm.s32 $0xC4D0;
	s22 =	sadd.s32 $0x20, s7  }
0x1b4: {  	[hbm4b:s22+s3] =	stream.linear.scatter [tilespmem:s24], [sflag:$0x5], $0x80, $0x38;
	[tilespmem:$0x10C00] =	vst v63  }
0x1b5: {  	s16 =	sadd.s32 $0x30, s7;
	s20 =	simm.s32 $0xC558  }
0x1b6: {  	[hbm4b:s16+s3] =	stream.linear.scatter [tilespmem:s20], [sflag:$0x5], $0x80, $0x38;
	[tilespmem:$0x10C00] =	vst v63  }
0x1b7: {  	s22 =	sadd.s32 $0x40, s7;
	s24 =	simm.s32 $0xC5E0  }
0x1b8: {  	[hbm4b:s22+s3] =	stream.linear.scatter [tilespmem:s24], [sflag:$0x5], $0x80, $0x38;
	[tilespmem:$0x10C00] =	vst v63  }
0x1b9: {  	s14 =	sadd.s32 $0x50, s7;
	s16 =	simm.s32 $0xC668  }
0x1ba: {  	[hbm4b:s14+s3] =	stream.linear.scatter [tilespmem:s16], [sflag:$0x5], $0x80, $0x38;
	[tilespmem:$0x10C00] =	vst v63  }
0x1bb: {  	s20 =	sadd.s32 $0x60, s7;
	s22 =	simm.s32 $0xC6F0  }
0x1bc: {  	[hbm4b:s20+s3] =	stream.linear.scatter [tilespmem:s22], [sflag:$0x5], $0x80, $0x38;
	[tilespmem:$0x10C00] =	vst v63  }
0x1bd: {  	s7 =	sadd.s32 $0x70, s7;
	s24 =	simm.s32 $0xC778  }
0x1be: {  	[hbm4b:s7+s3] =	stream.linear.scatter [tilespmem:s24], [sflag:$0x5], $0x80, $0x38;
	[tilespmem:$0x10C00] =	vst v63  }
0x1bf: {  	s7 =	sadd.s32 @!p0 s17, s13  }
0x1c0: {  	_ =	swait.ge [sflag:s29], $0x4000;
	s7 =	sshll.u32 @!p0 s7, $0x6  }
0x1c1: {  	s8 =	simm.s32 @!p0 $0x0;
	[sflag:s29] =	ssyncset.done $0x0;
	s7 =	sand.u32 @!p0 $0xFFFFFC0, s7  }
0x1c2: {  	s14 =	simm.s32 @!p0 $0x200;
	[sflag:s29] =	ssyncadd.s32 $0xFFFFC000;
	s7 =	sadd.s32 @!p0 s4, s7  }
0x1c3: {  	[tilespmem:s14], [sflag:$0x2] =	stream.linear.gather @!p0 [hbm4b:s7+s8], $0x200, $0x38;
	[tilespmem:$0x10C00] =	vst v63  }
0x1c4: {  	s7 =	simm.s32 @!p0 $0x1  }
0x1c5: {  	_ =	swait.ge @!p0 [sflag:s7], $0x200  }
0x1c6: {  	[sflag:s7] =	ssyncset.done @!p0 $0x0  }
0x1c7: {  	p1 =	seq.s32 @!p0 s1, $0x0;
	[sflag:s7] =	ssyncadd.s32 @!p0 $0xFFFFFE00;
	s7 =	simm.s32 @!p0 $0x400  }
0x1c8: {  	[tilespmem:s7], [sflag:$0x3] =	stream.indirect.gather @!p0 [hbm4b:s6+s14], $0x20, s8, s14, $0xb8;
	[tilespmem:$0x10C00] =	vst v63  }
0x1c9: {  	p0 =	por p0, !p1  }
0x1ca: {  	_ =	swait.ge @p0 [sflag:s31], $0x400  }
0x1cb: {  	[sflag:s31] =	ssyncset.done @p0 $0x0  }
0x1cc: {  	[sflag:s31] =	ssyncadd.s32 @p0 $0xFFFFFC00  }
0x1cd: {  	_ =	swait.ge @p0 [sflag:s31], $0x400  }
0x1ce: {  	[sflag:s31] =	ssyncset.done @p0 $0x0  }
0x1cf: {  	[sflag:s31] =	ssyncadd.s32 @p0 $0xFFFFFC00  }
0x1d0: {  	_ =	swait.ge @p0 [sflag:s31], $0x400  }
0x1d1: {  	[sflag:s31] =	ssyncset.done @p0 $0x0  }
0x1d2: {  	[sflag:s31] =	ssyncadd.s32 @p0 $0xFFFFFC00  }
0x1d3: {  	_ =	swait.ge @p0 [sflag:s31], $0x400  }
0x1d4: {  	[sflag:s31] =	ssyncset.done @p0 $0x0  }
0x1d5: {  	[sflag:s31] =	ssyncadd.s32 @p0 $0xFFFFFC00  }
0x1d6: {  	_ =	swait.ge @p0 [sflag:s31], $0x400  }
0x1d7: {  	[sflag:s31] =	ssyncset.done @p0 $0x0  }
0x1d8: {  	[sflag:s31] =	ssyncadd.s32 @p0 $0xFFFFFC00  }
0x1d9: {  	_ =	swait.ge @p0 [sflag:s31], $0x400  }
0x1da: {  	[sflag:s31] =	ssyncset.done @p0 $0x0  }
0x1db: {  	[sflag:s31] =	ssyncadd.s32 @p0 $0xFFFFFC00  }
0x1dc: {  	_ =	swait.ge @p0 [sflag:s31], $0x400  }
0x1dd: {  	[sflag:s31] =	ssyncset.done @p0 $0x0  }
0x1de: {  	[sflag:s31] =	ssyncadd.s32 @p0 $0xFFFFFC00  }
0x1df: {  	_ =	swait.ge @p0 [sflag:s31], $0x400  }
0x1e0: {  	[sflag:s31] =	ssyncset.done @p0 $0x0  }
0x1e1: {  	[sflag:s31] =	ssyncadd.s32 @p0 $0xFFFFFC00  }
0x1e2: {  	_ =	swait.ge @p0 [sflag:s31], $0x400  }
0x1e3: {  	[sflag:s31] =	ssyncset.done @p0 $0x0  }
0x1e4: {  	[sflag:s31] =	ssyncadd.s32 @p0 $0xFFFFFC00  }
0x1e5: {  	_ =	swait.ge @p0 [sflag:s31], $0x400  }
0x1e6: {  	[sflag:s31] =	ssyncset.done @p0 $0x0  }
0x1e7: {  	[sflag:s31] =	ssyncadd.s32 @p0 $0xFFFFFC00  }
0x1e8: {  	_ =	swait.ge @p0 [sflag:s31], $0x400  }
0x1e9: {  	[sflag:s31] =	ssyncset.done @p0 $0x0  }
0x1ea: {  	[sflag:s31] =	ssyncadd.s32 @p0 $0xFFFFFC00  }
0x1eb: {  	_ =	swait.ge @p0 [sflag:s31], $0x400  }
0x1ec: {  	[sflag:s31] =	ssyncset.done @p0 $0x0  }
0x1ed: {  	[sflag:s31] =	ssyncadd.s32 @p0 $0xFFFFFC00  }
0x1ee: {  	_ =	swait.ge @p0 [sflag:s31], $0x400  }
0x1ef: {  	[sflag:s31] =	ssyncset.done @p0 $0x0  }
0x1f0: {  	[sflag:s31] =	ssyncadd.s32 @p0 $0xFFFFFC00  }
0x1f1: {  	_ =	swait.ge @p0 [sflag:s31], $0x400  }
0x1f2: {  	s8 =	simm.s32 $0x0;
	s14 =	simm.s32 $0x0;
	[sflag:s31] =	ssyncset.done @p0 $0x0  }
0x1f3: {  	s7 =	sand.u32 $0x78, s8;
	s8 =	sand.u32 $0x7FFFFFF8, s14;
	[sflag:s31] =	ssyncadd.s32 @p0 $0xFFFFFC00  }
0x1f4: {  	v2 =	vmov s8;
	v3 =	vmov s7;
	_ =	swait.ge @p0 [sflag:s31], $0x400  }
0x1f5: {  	v3 =	vshrl.u32 v3, $0x3;
	v2 =	vmul.u32 $0x88, v2;
	[sflag:s31] =	ssyncset.done @p0 $0x0  }
0x1f6: {  	v3 =	vshll.u32 v3, $0x3;
	[sflag:s31] =	ssyncadd.s32 @p0 $0xFFFFFC00  }
0x1f7: {  	s16 =	simm.s32 $0x0;
	v2 =	vbroadcast v2, $0x0;
	v3 =	vbroadcast v3, $0x0;
	_ =	swait.ge @p0 [sflag:s31], $0x400  }
0x1f8: {  	s8 =	sand.u32 $0x3FFFF000, s16;
	s7 =	sshll.u32 s7, $0x5;
	[sflag:s31] =	ssyncset.done @p0 $0x0  }
0x1f9: {  	s7 =	sor.u32 s7, s8;
	v2 =	vadd.s32 v3, v2;
	[sflag:s31] =	ssyncadd.s32 @p0 $0xFFFFFC00  }
0x1fa: {  	v4 =	vadd.s32 v0, v2;
	v3 =	vld [tilespmem:s7+$0x4400]  }
0x1fb: {  	v6 =	vadd.s32 v1, v2;
	v5 =	vld [tilespmem:s7+$0x4410];
	_ =	sdelay $0x3  }
0x1fc: {  	[tilespmem:v4+s30+$0x0] =	vst.idx.msk $0xffff, v3  }
0x1fd: {  	[tilespmem:v6+s30+$0x0] =	vst.idx.msk $0xffff, v5  }
0x1fe: {  	v3 =	vor.u32 $0x1, v4;
	v2 =	vld [tilespmem:s7+$0x4420]  }
0x1ff: {  	v7 =	vor.u32 $0x1, v6;
	v5 =	vld [tilespmem:s7+$0x4430];
	_ =	sdelay $0x3  }
0x200: {  	[tilespmem:v3+s30+$0x0] =	vst.idx.msk $0xffff, v2  }
0x201: {  	[tilespmem:v7+s30+$0x0] =	vst.idx.msk $0xffff, v5  }
0x202: {  	v3 =	vor.u32 $0x2, v4;
	v2 =	vld [tilespmem:s7+$0x4440]  }
0x203: {  	v7 =	vor.u32 $0x2, v6;
	v5 =	vld [tilespmem:s7+$0x4450];
	_ =	sdelay $0x3  }
0x204: {  	[tilespmem:v3+s30+$0x0] =	vst.idx.msk $0xffff, v2  }
0x205: {  	[tilespmem:v7+s30+$0x0] =	vst.idx.msk $0xffff, v5  }
0x206: {  	v3 =	vor.u32 $0x3, v4;
	v2 =	vld [tilespmem:s7+$0x4460]  }
0x207: {  	v7 =	vor.u32 $0x3, v6;
	v5 =	vld [tilespmem:s7+$0x4470];
	_ =	sdelay $0x3  }
0x208: {  	[tilespmem:v3+s30+$0x0] =	vst.idx.msk $0xffff, v2  }
0x209: {  	[tilespmem:v7+s30+$0x0] =	vst.idx.msk $0xffff, v5  }
0x20a: {  	v3 =	vor.u32 $0x4, v4;
	v2 =	vld [tilespmem:s7+$0x4480]  }
0x20b: {  	v7 =	vor.u32 $0x4, v6;
	v5 =	vld [tilespmem:s7+$0x4490];
	_ =	sdelay $0x3  }
0x20c: {  	[tilespmem:v3+s30+$0x0] =	vst.idx.msk $0xffff, v2  }
0x20d: {  	[tilespmem:v7+s30+$0x0] =	vst.idx.msk $0xffff, v5  }
0x20e: {  	v3 =	vor.u32 $0x5, v4;
	v2 =	vld [tilespmem:s7+$0x44A0]  }
0x20f: {  	v7 =	vor.u32 $0x5, v6;
	v5 =	vld [tilespmem:s7+$0x44B0];
	_ =	sdelay $0x3  }
0x210: {  	[tilespmem:v3+s30+$0x0] =	vst.idx.msk $0xffff, v2  }
0x211: {  	[tilespmem:v7+s30+$0x0] =	vst.idx.msk $0xffff, v5  }
0x212: {  	v3 =	vor.u32 $0x6, v4;
	v2 =	vld [tilespmem:s7+$0x44C0]  }
0x213: {  	v7 =	vor.u32 $0x6, v6;
	v5 =	vld [tilespmem:s7+$0x44D0];
	_ =	sdelay $0x2  }
0x214: {  	s8 =	simm.s32 $0x8  }
0x215: {  	s17 =	simm.s32 $0x0;
	s20 =	sand.u32 $0x78, s8;
	[tilespmem:v3+s30+$0x0] =	vst.idx.msk $0xffff, v2  }
0x216: {  	s14 =	sand.u32 $0x7FFFFFF8, s17;
	v3 =	vmov s20;
	[tilespmem:v7+s30+$0x0] =	vst.idx.msk $0xffff, v5  }
0x217: {  	v8 =	vor.u32 $0x7, v4;
	v2 =	vmov s14;
	v3 =	vshrl.u32 v3, $0x3;
	v7 =	vld [tilespmem:s7+$0x44E0]  }
0x218: {  	v4 =	vmul.u32 $0x88, v2;
	v2 =	vld [tilespmem:s7+$0x44F0];
	v5 =	vshll.u32 v3, $0x3;
	v3 =	vor.u32 $0x7, v6;
	_ =	sdelay $0x1  }
0x219: {  	s22 =	simm.s32 $0x100  }
0x21a: {  	s24 =	sand.u32 $0x3FFFF000, s22;
	s16 =	sshll.u32 s20, $0x5;
	v4 =	vbroadcast v4, $0x0;
	v5 =	vbroadcast v5, $0x0  }
0x21b: {  	s14 =	simm.s32 $0x2;
	s7 =	sor.u32 s16, s24;
	[tilespmem:v8+s30+$0x0] =	vst.idx.msk $0xffff, v7  }
.LBB2_5:
0x21c: {  	p0 =	sne.s32 s14, $0x3F;
	v4 =	vadd.s32 v5, v4;
	[tilespmem:v3+s30+$0x0] =	vst.idx.msk $0xffff, v2;
	s16 =	smov.u32 s14;
	s14 =	sadd.s32 $0x1, s14  }
0x21d: {  	v2 =	vld [tilespmem:s7+$0x4400];
	v3 =	vadd.s32 v0, v4  }
0x21e: {  	v4 =	vadd.s32 v1, v4;
	v5 =	vld [tilespmem:s7+$0x4410];
	_ =	sdelay $0x3  }
0x21f: {  	[tilespmem:v3+s30+$0x0] =	vst.idx.msk $0xffff, v2  }
0x220: {  	[tilespmem:v4+s30+$0x0] =	vst.idx.msk $0xffff, v5  }
0x221: {  	v5 =	vor.u32 $0x1, v3;
	v2 =	vld [tilespmem:s7+$0x4420]  }
0x222: {  	v7 =	vor.u32 $0x1, v4;
	v6 =	vld [tilespmem:s7+$0x4430];
	_ =	sdelay $0x3  }
0x223: {  	[tilespmem:v5+s30+$0x0] =	vst.idx.msk $0xffff, v2  }
0x224: {  	[tilespmem:v7+s30+$0x0] =	vst.idx.msk $0xffff, v6  }
0x225: {  	v5 =	vor.u32 $0x2, v3;
	v2 =	vld [tilespmem:s7+$0x4440]  }
0x226: {  	v7 =	vor.u32 $0x2, v4;
	v6 =	vld [tilespmem:s7+$0x4450];
	_ =	sdelay $0x3  }
0x227: {  	[tilespmem:v5+s30+$0x0] =	vst.idx.msk $0xffff, v2  }
0x228: {  	[tilespmem:v7+s30+$0x0] =	vst.idx.msk $0xffff, v6  }
0x229: {  	v5 =	vor.u32 $0x3, v3;
	v2 =	vld [tilespmem:s7+$0x4460]  }
0x22a: {  	v7 =	vor.u32 $0x3, v4;
	v6 =	vld [tilespmem:s7+$0x4470];
	_ =	sdelay $0x3  }
0x22b: {  	[tilespmem:v5+s30+$0x0] =	vst.idx.msk $0xffff, v2  }
0x22c: {  	[tilespmem:v7+s30+$0x0] =	vst.idx.msk $0xffff, v6  }
0x22d: {  	v5 =	vor.u32 $0x4, v3;
	v2 =	vld [tilespmem:s7+$0x4480]  }
0x22e: {  	v7 =	vor.u32 $0x4, v4;
	v6 =	vld [tilespmem:s7+$0x4490];
	_ =	sdelay $0x3  }
0x22f: {  	[tilespmem:v5+s30+$0x0] =	vst.idx.msk $0xffff, v2  }
0x230: {  	[tilespmem:v7+s30+$0x0] =	vst.idx.msk $0xffff, v6  }
0x231: {  	v5 =	vor.u32 $0x5, v3;
	v2 =	vld [tilespmem:s7+$0x44A0]  }
0x232: {  	v7 =	vor.u32 $0x5, v4;
	v6 =	vld [tilespmem:s7+$0x44B0];
	_ =	sdelay $0x3  }
0x233: {  	[tilespmem:v5+s30+$0x0] =	vst.idx.msk $0xffff, v2  }
0x234: {  	[tilespmem:v7+s30+$0x0] =	vst.idx.msk $0xffff, v6  }
0x235: {  	v5 =	vor.u32 $0x6, v3;
	v2 =	vld [tilespmem:s7+$0x44C0]  }
0x236: {  	v7 =	vor.u32 $0x6, v4;
	v6 =	vld [tilespmem:s7+$0x44D0];
	_ =	sdelay $0x3  }
0x237: {  	[tilespmem:v5+s30+$0x0] =	vst.idx.msk $0xffff, v2  }
0x238: {  	s8 =	sadd.s32 $0x8, s8;
	s17 =	sshrl.u32 s16, $0x1;
	[tilespmem:v7+s30+$0x0] =	vst.idx.msk $0xffff, v6  }
0x239: {  	s20 =	sand.u32 $0x78, s8;
	s16 =	sshll.u32 s16, $0x8;
	s17 =	sand.u32 $0x7FFFFFF8, s17;
	v7 =	vor.u32 $0x7, v3;
	v6 =	vld [tilespmem:s7+$0x44E0]  }
.Ltmp1:
0x23a: {  	s16 =	sand.u32 $0x3FFFF000, s16;
	v8 =	vmov s20;
	v5 =	vmov s17;
	s17 =	sshll.u32 s20, $0x5;
	v3 =	vor.u32 $0x7, v4;
	v2 =	vld [tilespmem:s7+$0x44F0];
	(pc) =	sbr.rel @p0 .LBB2_5-.Ltmp1, $4  }
0x23b: {  	v4 =	vshrl.u32 v8, $0x3;
	v5 =	vmul.u32 $0x88, v5;
	s7 =	sor.u32 s17, s16  }
0x23c: {  	v8 =	vshll.u32 v4, $0x3  }
0x23d: {  	v4 =	vbroadcast v5, $0x0;
	v5 =	vbroadcast v8, $0x0  }
0x23e: {  	[tilespmem:v7+s30+$0x0] =	vst.idx.msk $0xffff, v6  }
0x23f: {  	_ =	sdelay $0x3  }
0x240: {  	v4 =	vadd.s32 v5, v4;
	[tilespmem:v3+s30+$0x0] =	vst.idx.msk $0xffff, v2  }
0x241: {  	v2 =	vld [tilespmem:s7+$0x4400];
	v3 =	vadd.s32 v0, v4  }
0x242: {  	v52 =	vld [tilespmem:s7+$0x4410];
	v4 =	vadd.s32 v1, v4;
	_ =	sdelay $0x3  }
0x243: {  	[tilespmem:v3+s30+$0x0] =	vst.idx.msk $0xffff, v2  }
0x244: {  	[tilespmem:v4+s30+$0x0] =	vst.idx.msk $0xffff, v52  }
0x245: {  	v53 =	vor.u32 $0x1, v3;
	v2 =	vld [tilespmem:s7+$0x4420]  }
0x246: {  	v7 =	vor.u32 $0x1, v4;
	v6 =	vld [tilespmem:s7+$0x4430];
	_ =	sdelay $0x3  }
0x247: {  	[tilespmem:v53+s30+$0x0] =	vst.idx.msk $0xffff, v2  }
0x248: {  	[tilespmem:v7+s30+$0x0] =	vst.idx.msk $0xffff, v6  }
0x249: {  	v54 =	vor.u32 $0x2, v3;
	v2 =	vld [tilespmem:s7+$0x4440]  }
0x24a: {  	v55 =	vor.u32 $0x2, v4;
	v6 =	vld [tilespmem:s7+$0x4450];
	_ =	sdelay $0x3  }
0x24b: {  	[tilespmem:v54+s30+$0x0] =	vst.idx.msk $0xffff, v2  }
0x24c: {  	[tilespmem:v55+s30+$0x0] =	vst.idx.msk $0xffff, v6  }
0x24d: {  	v56 =	vor.u32 $0x3, v3;
	v2 =	vld [tilespmem:s7+$0x4460]  }
0x24e: {  	v57 =	vor.u32 $0x3, v4;
	v6 =	vld [tilespmem:s7+$0x4470];
	_ =	sdelay $0x3  }
0x24f: {  	[tilespmem:v56+s30+$0x0] =	vst.idx.msk $0xffff, v2  }
0x250: {  	[tilespmem:v57+s30+$0x0] =	vst.idx.msk $0xffff, v6  }
0x251: {  	v58 =	vor.u32 $0x4, v3;
	v2 =	vld [tilespmem:s7+$0x4480]  }
0x252: {  	v59 =	vor.u32 $0x4, v4;
	v6 =	vld [tilespmem:s7+$0x4490];
	_ =	sdelay $0x3  }
0x253: {  	[tilespmem:v58+s30+$0x0] =	vst.idx.msk $0xffff, v2  }
0x254: {  	[tilespmem:v59+s30+$0x0] =	vst.idx.msk $0xffff, v6  }
0x255: {  	v60 =	vor.u32 $0x5, v3;
	v2 =	vld [tilespmem:s7+$0x44A0]  }
0x256: {  	v61 =	vor.u32 $0x5, v4;
	v6 =	vld [tilespmem:s7+$0x44B0];
	_ =	sdelay $0x3  }
0x257: {  	[tilespmem:v60+s30+$0x0] =	vst.idx.msk $0xffff, v2  }
0x258: {  	[tilespmem:v61+s30+$0x0] =	vst.idx.msk $0xffff, v6  }
0x259: {  	v62 =	vor.u32 $0x6, v3;
	v2 =	vld [tilespmem:s7+$0x44C0]  }
0x25a: {  	v63 =	vor.u32 $0x6, v4;
	v6 =	vld [tilespmem:s7+$0x44D0];
	_ =	sdelay $0x3  }
0x25b: {  	[tilespmem:v62+s30+$0x0] =	vst.idx.msk $0xffff, v2  }
0x25c: {  	[tilespmem:v63+s30+$0x0] =	vst.idx.msk $0xffff, v6  }
0x25d: {  	v3 =	vor.u32 $0x7, v3;
	v2 =	vld [tilespmem:s7+$0x44E0]  }
0x25e: {  	s0 =	sadd.s32 s5, s0;
	v4 =	vor.u32 $0x7, v4;
	v5 =	vld [tilespmem:s7+$0x44F0]  }
0x25f: {  	s16 =	sshll.u32 s0, $0xC;
	s0 =	sshll.u32 s0, $0xE  }
0x260: {  	s0 =	sand.u32 $0x7FFE0000, s0;
	s7 =	sand.u32 $0x7000, s16  }
0x261: {  	s0 =	sor.u32 s7, s0  }
0x262: {  	s0 =	sshrl.u32 s0, $0x3;
	[tilespmem:v3+s30+$0x0] =	vst.idx.msk $0xffff, v2  }
0x263: {  	s7 =	sadd.s32 s2, s0;
	[tilespmem:v4+s30+$0x0] =	vst.idx.msk $0xffff, v5  }
0x264: {  	[hbm4b:s7+s3] =	stream.linear.scatter [tilespmem:s30], [sflag:$0x6], $0x80, $0x38;
	[tilespmem:$0x10C00] =	vst v63  }
0x265: {  	s14 =	simm.s32 $0xC888;
	s8 =	sadd.s32 $0x10, s7  }
0x266: {  	[hbm4b:s8+s3] =	stream.linear.scatter [tilespmem:s14], [sflag:$0x6], $0x80, $0x38;
	[tilespmem:$0x10C00] =	vst v63  }
0x267: {  	s20 =	simm.s32 $0xC910;
	s17 =	sadd.s32 $0x20, s7  }
0x268: {  	[hbm4b:s17+s3] =	stream.linear.scatter [tilespmem:s20], [sflag:$0x6], $0x80, $0x38;
	[tilespmem:$0x10C00] =	vst v63  }
0x269: {  	s24 =	simm.s32 $0xC998;
	s22 =	sadd.s32 $0x30, s7  }
0x26a: {  	[hbm4b:s22+s3] =	stream.linear.scatter [tilespmem:s24], [sflag:$0x6], $0x80, $0x38;
	[tilespmem:$0x10C00] =	vst v63  }
0x26b: {  	s16 =	simm.s32 $0xCA20;
	s14 =	sadd.s32 $0x40, s7  }
0x26c: {  	[hbm4b:s14+s3] =	stream.linear.scatter [tilespmem:s16], [sflag:$0x6], $0x80, $0x38;
	[tilespmem:$0x10C00] =	vst v63  }
0x26d: {  	s17 =	sadd.s32 $0x50, s7;
	s20 =	simm.s32 $0xCAA8  }
0x26e: {  	[hbm4b:s17+s3] =	stream.linear.scatter [tilespmem:s20], [sflag:$0x6], $0x80, $0x38;
	[tilespmem:$0x10C00] =	vst v63  }
0x26f: {  	s22 =	sadd.s32 $0x60, s7;
	s24 =	simm.s32 $0xCB30  }
0x270: {  	[hbm4b:s22+s3] =	stream.linear.scatter [tilespmem:s24], [sflag:$0x6], $0x80, $0x38;
	[tilespmem:$0x10C00] =	vst v63  }
0x271: {  	s8 =	sor.u32 $0x80, s0;
	s7 =	sadd.s32 $0x70, s7;
	s16 =	simm.s32 $0xCBB8  }
0x272: {  	[hbm4b:s7+s3] =	stream.linear.scatter [tilespmem:s16], [sflag:$0x6], $0x80, $0x38;
	[tilespmem:$0x10C00] =	vst v63  }
0x273: {  	s17 =	simm.s32 $0xCC40;
	s7 =	sadd.s32 s2, s8  }
0x274: {  	[hbm4b:s7+s3] =	stream.linear.scatter [tilespmem:s17], [sflag:$0x6], $0x80, $0x38;
	[tilespmem:$0x10C00] =	vst v63  }
0x275: {  	s16 =	simm.s32 $0xCCC8;
	s20 =	sadd.s32 $0x10, s7  }
0x276: {  	[hbm4b:s20+s3] =	stream.linear.scatter [tilespmem:s16], [sflag:$0x6], $0x80, $0x38;
	[tilespmem:$0x10C00] =	vst v63  }
0x277: {  	s24 =	simm.s32 $0xCD50;
	s22 =	sadd.s32 $0x20, s7  }
0x278: {  	[hbm4b:s22+s3] =	stream.linear.scatter [tilespmem:s24], [sflag:$0x6], $0x80, $0x38;
	[tilespmem:$0x10C00] =	vst v63  }
0x279: {  	s17 =	sadd.s32 $0x30, s7;
	s20 =	simm.s32 $0xCDD8  }
0x27a: {  	[hbm4b:s17+s3] =	stream.linear.scatter [tilespmem:s20], [sflag:$0x6], $0x80, $0x38;
	[tilespmem:$0x10C00] =	vst v63  }
0x27b: {  	s22 =	sadd.s32 $0x40, s7;
	s24 =	simm.s32 $0xCE60  }
0x27c: {  	[hbm4b:s22+s3] =	stream.linear.scatter [tilespmem:s24], [sflag:$0x6], $0x80, $0x38;
	[tilespmem:$0x10C00] =	vst v63  }
0x27d: {  	s17 =	sadd.s32 $0x50, s7;
	s20 =	simm.s32 $0xCEE8  }
0x27e: {  	[hbm4b:s17+s3] =	stream.linear.scatter [tilespmem:s20], [sflag:$0x6], $0x80, $0x38;
	[tilespmem:$0x10C00] =	vst v63  }
0x27f: {  	s22 =	sadd.s32 $0x60, s7;
	s24 =	simm.s32 $0xCF70  }
0x280: {  	[hbm4b:s22+s3] =	stream.linear.scatter [tilespmem:s24], [sflag:$0x6], $0x80, $0x38;
	[tilespmem:$0x10C00] =	vst v63  }
0x281: {  	s16 =	simm.s32 $0xCFF8;
	s7 =	sadd.s32 $0x70, s7  }
0x282: {  	[hbm4b:s7+s3] =	stream.linear.scatter [tilespmem:s16], [sflag:$0x6], $0x80, $0x38;
	[tilespmem:$0x10C00] =	vst v63  }
0x283: {  	s7 =	sor.u32 $0x100, s0  }
0x284: {  	s17 =	simm.s32 $0xD080;
	s14 =	sadd.s32 s2, s7  }
0x285: {  	[hbm4b:s14+s3] =	stream.linear.scatter [tilespmem:s17], [sflag:$0x6], $0x80, $0x38;
	[tilespmem:$0x10C00] =	vst v63  }
0x286: {  	s20 =	sadd.s32 $0x10, s14;
	s17 =	simm.s32 $0xD108  }
0x287: {  	[hbm4b:s20+s3] =	stream.linear.scatter [tilespmem:s17], [sflag:$0x6], $0x80, $0x38;
	[tilespmem:$0x10C00] =	vst v63  }
0x288: {  	s24 =	simm.s32 $0xD190;
	s22 =	sadd.s32 $0x20, s14  }
0x289: {  	[hbm4b:s22+s3] =	stream.linear.scatter [tilespmem:s24], [sflag:$0x6], $0x80, $0x38;
	[tilespmem:$0x10C00] =	vst v63  }
0x28a: {  	s17 =	sadd.s32 $0x30, s14;
	s20 =	simm.s32 $0xD218  }
0x28b: {  	[hbm4b:s17+s3] =	stream.linear.scatter [tilespmem:s20], [sflag:$0x6], $0x80, $0x38;
	[tilespmem:$0x10C00] =	vst v63  }
0x28c: {  	s22 =	sadd.s32 $0x40, s14;
	s24 =	simm.s32 $0xD2A0  }
0x28d: {  	[hbm4b:s22+s3] =	stream.linear.scatter [tilespmem:s24], [sflag:$0x6], $0x80, $0x38;
	[tilespmem:$0x10C00] =	vst v63  }
0x28e: {  	s17 =	sadd.s32 $0x50, s14;
	s20 =	simm.s32 $0xD328  }
0x28f: {  	[hbm4b:s17+s3] =	stream.linear.scatter [tilespmem:s20], [sflag:$0x6], $0x80, $0x38;
	[tilespmem:$0x10C00] =	vst v63  }
0x290: {  	s22 =	sadd.s32 $0x60, s14;
	s24 =	simm.s32 $0xD3B0  }
0x291: {  	[hbm4b:s22+s3] =	stream.linear.scatter [tilespmem:s24], [sflag:$0x6], $0x80, $0x38;
	[tilespmem:$0x10C00] =	vst v63  }
0x292: {  	s14 =	sadd.s32 $0x70, s14;
	s20 =	simm.s32 $0xD438  }
0x293: {  	[hbm4b:s14+s3] =	stream.linear.scatter [tilespmem:s20], [sflag:$0x6], $0x80, $0x38;
	[tilespmem:$0x10C00] =	vst v63  }
0x294: {  	s14 =	sor.u32 $0x180, s0  }
0x295: {  	s22 =	simm.s32 $0xD4C0;
	s16 =	sadd.s32 s2, s14  }
0x296: {  	[hbm4b:s16+s3] =	stream.linear.scatter [tilespmem:s22], [sflag:$0x6], $0x80, $0x38;
	[tilespmem:$0x10C00] =	vst v63  }
0x297: {  	s20 =	simm.s32 $0xD548;
	s24 =	sadd.s32 $0x10, s16  }
0x298: {  	[hbm4b:s24+s3] =	stream.linear.scatter [tilespmem:s20], [sflag:$0x6], $0x80, $0x38;
	[tilespmem:$0x10C00] =	vst v63  }
0x299: {  	s22 =	sadd.s32 $0x20, s16;
	s24 =	simm.s32 $0xD5D0  }
0x29a: {  	[hbm4b:s22+s3] =	stream.linear.scatter [tilespmem:s24], [sflag:$0x6], $0x80, $0x38;
	[tilespmem:$0x10C00] =	vst v63  }
0x29b: {  	s22 =	sadd.s32 $0x30, s16;
	s24 =	simm.s32 $0xD658  }
0x29c: {  	[hbm4b:s22+s3] =	stream.linear.scatter [tilespmem:s24], [sflag:$0x6], $0x80, $0x38;
	[tilespmem:$0x10C00] =	vst v63  }
0x29d: {  	s22 =	sadd.s32 $0x40, s16;
	s24 =	simm.s32 $0xD6E0  }
0x29e: {  	[hbm4b:s22+s3] =	stream.linear.scatter [tilespmem:s24], [sflag:$0x6], $0x80, $0x38;
	[tilespmem:$0x10C00] =	vst v63  }
0x29f: {  	s22 =	sadd.s32 $0x50, s16;
	s24 =	simm.s32 $0xD768  }
0x2a0: {  	[hbm4b:s22+s3] =	stream.linear.scatter [tilespmem:s24], [sflag:$0x6], $0x80, $0x38;
	[tilespmem:$0x10C00] =	vst v63  }
0x2a1: {  	s20 =	sadd.s32 $0x60, s16;
	s22 =	simm.s32 $0xD7F0  }
0x2a2: {  	[hbm4b:s20+s3] =	stream.linear.scatter [tilespmem:s22], [sflag:$0x6], $0x80, $0x38;
	[tilespmem:$0x10C00] =	vst v63  }
0x2a3: {  	s16 =	sadd.s32 $0x70, s16;
	s24 =	simm.s32 $0xD878  }
0x2a4: {  	[hbm4b:s16+s3] =	stream.linear.scatter [tilespmem:s24], [sflag:$0x6], $0x80, $0x38;
	[tilespmem:$0x10C00] =	vst v63  }
0x2a5: {  	s20 =	simm.s32 $0xD900;
	s16 =	sadd.s32 s0, s10  }
0x2a6: {  	[hbm4b:s16+s3] =	stream.linear.scatter [tilespmem:s20], [sflag:$0x6], $0x80, $0x38;
	[tilespmem:$0x10C00] =	vst v63  }
0x2a7: {  	s24 =	simm.s32 $0xD988;
	s22 =	sadd.s32 $0x10, s16  }
0x2a8: {  	[hbm4b:s22+s3] =	stream.linear.scatter [tilespmem:s24], [sflag:$0x6], $0x80, $0x38;
	[tilespmem:$0x10C00] =	vst v63  }
0x2a9: {  	s22 =	sadd.s32 $0x20, s16;
	s24 =	simm.s32 $0xDA10  }
0x2aa: {  	[hbm4b:s22+s3] =	stream.linear.scatter [tilespmem:s24], [sflag:$0x6], $0x80, $0x38;
	[tilespmem:$0x10C00] =	vst v63  }
0x2ab: {  	s22 =	sadd.s32 $0x30, s16;
	s24 =	simm.s32 $0xDA98  }
0x2ac: {  	[hbm4b:s22+s3] =	stream.linear.scatter [tilespmem:s24], [sflag:$0x6], $0x80, $0x38;
	[tilespmem:$0x10C00] =	vst v63  }
0x2ad: {  	s22 =	sadd.s32 $0x40, s16;
	s24 =	simm.s32 $0xDB20  }
0x2ae: {  	[hbm4b:s22+s3] =	stream.linear.scatter [tilespmem:s24], [sflag:$0x6], $0x80, $0x38;
	[tilespmem:$0x10C00] =	vst v63  }
0x2af: {  	s22 =	sadd.s32 $0x50, s16;
	s24 =	simm.s32 $0xDBA8  }
0x2b0: {  	[hbm4b:s22+s3] =	stream.linear.scatter [tilespmem:s24], [sflag:$0x6], $0x80, $0x38;
	[tilespmem:$0x10C00] =	vst v63  }
0x2b1: {  	s20 =	sadd.s32 $0x60, s16;
	s22 =	simm.s32 $0xDC30  }
0x2b2: {  	[hbm4b:s20+s3] =	stream.linear.scatter [tilespmem:s22], [sflag:$0x6], $0x80, $0x38;
	[tilespmem:$0x10C00] =	vst v63  }
0x2b3: {  	s16 =	sadd.s32 $0x70, s16;
	s24 =	simm.s32 $0xDCB8  }
0x2b4: {  	[hbm4b:s16+s3] =	stream.linear.scatter [tilespmem:s24], [sflag:$0x6], $0x80, $0x38;
	[tilespmem:$0x10C00] =	vst v63  }
0x2b5: {  	s20 =	simm.s32 $0xDD40;
	s16 =	sadd.s32 s8, s10  }
0x2b6: {  	[hbm4b:s16+s3] =	stream.linear.scatter [tilespmem:s20], [sflag:$0x6], $0x80, $0x38;
	[tilespmem:$0x10C00] =	vst v63  }
0x2b7: {  	s24 =	simm.s32 $0xDDC8;
	s22 =	sadd.s32 $0x10, s16  }
0x2b8: {  	[hbm4b:s22+s3] =	stream.linear.scatter [tilespmem:s24], [sflag:$0x6], $0x80, $0x38;
	[tilespmem:$0x10C00] =	vst v63  }
0x2b9: {  	s22 =	sadd.s32 $0x20, s16;
	s24 =	simm.s32 $0xDE50  }
0x2ba: {  	[hbm4b:s22+s3] =	stream.linear.scatter [tilespmem:s24], [sflag:$0x6], $0x80, $0x38;
	[tilespmem:$0x10C00] =	vst v63  }
0x2bb: {  	s22 =	sadd.s32 $0x30, s16;
	s24 =	simm.s32 $0xDED8  }
0x2bc: {  	[hbm4b:s22+s3] =	stream.linear.scatter [tilespmem:s24], [sflag:$0x6], $0x80, $0x38;
	[tilespmem:$0x10C00] =	vst v63  }
0x2bd: {  	s22 =	sadd.s32 $0x40, s16;
	s24 =	simm.s32 $0xDF60  }
0x2be: {  	[hbm4b:s22+s3] =	stream.linear.scatter [tilespmem:s24], [sflag:$0x6], $0x80, $0x38;
	[tilespmem:$0x10C00] =	vst v63  }
0x2bf: {  	s22 =	sadd.s32 $0x50, s16;
	s24 =	simm.s32 $0xDFE8  }
0x2c0: {  	[hbm4b:s22+s3] =	stream.linear.scatter [tilespmem:s24], [sflag:$0x6], $0x80, $0x38;
	[tilespmem:$0x10C00] =	vst v63  }
0x2c1: {  	s20 =	sadd.s32 $0x60, s16;
	s22 =	simm.s32 $0xE070  }
0x2c2: {  	[hbm4b:s20+s3] =	stream.linear.scatter [tilespmem:s22], [sflag:$0x6], $0x80, $0x38;
	[tilespmem:$0x10C00] =	vst v63  }
0x2c3: {  	s16 =	sadd.s32 $0x70, s16;
	s24 =	simm.s32 $0xE0F8  }
0x2c4: {  	[hbm4b:s16+s3] =	stream.linear.scatter [tilespmem:s24], [sflag:$0x6], $0x80, $0x38;
	[tilespmem:$0x10C00] =	vst v63  }
0x2c5: {  	s20 =	simm.s32 $0xE180;
	s16 =	sadd.s32 s7, s10  }
0x2c6: {  	[hbm4b:s16+s3] =	stream.linear.scatter [tilespmem:s20], [sflag:$0x6], $0x80, $0x38;
	[tilespmem:$0x10C00] =	vst v63  }
0x2c7: {  	s24 =	simm.s32 $0xE208;
	s22 =	sadd.s32 $0x10, s16  }
0x2c8: {  	[hbm4b:s22+s3] =	stream.linear.scatter [tilespmem:s24], [sflag:$0x6], $0x80, $0x38;
	[tilespmem:$0x10C00] =	vst v63  }
0x2c9: {  	s22 =	sadd.s32 $0x20, s16;
	s24 =	simm.s32 $0xE290  }
0x2ca: {  	[hbm4b:s22+s3] =	stream.linear.scatter [tilespmem:s24], [sflag:$0x6], $0x80, $0x38;
	[tilespmem:$0x10C00] =	vst v63  }
0x2cb: {  	s22 =	sadd.s32 $0x30, s16;
	s24 =	simm.s32 $0xE318  }
0x2cc: {  	[hbm4b:s22+s3] =	stream.linear.scatter [tilespmem:s24], [sflag:$0x6], $0x80, $0x38;
	[tilespmem:$0x10C00] =	vst v63  }
0x2cd: {  	s22 =	sadd.s32 $0x40, s16;
	s24 =	simm.s32 $0xE3A0  }
0x2ce: {  	[hbm4b:s22+s3] =	stream.linear.scatter [tilespmem:s24], [sflag:$0x6], $0x80, $0x38;
	[tilespmem:$0x10C00] =	vst v63  }
0x2cf: {  	s22 =	sadd.s32 $0x50, s16;
	s24 =	simm.s32 $0xE428  }
0x2d0: {  	[hbm4b:s22+s3] =	stream.linear.scatter [tilespmem:s24], [sflag:$0x6], $0x80, $0x38;
	[tilespmem:$0x10C00] =	vst v63  }
0x2d1: {  	s20 =	sadd.s32 $0x60, s16;
	s22 =	simm.s32 $0xE4B0  }
0x2d2: {  	[hbm4b:s20+s3] =	stream.linear.scatter [tilespmem:s22], [sflag:$0x6], $0x80, $0x38;
	[tilespmem:$0x10C00] =	vst v63  }
0x2d3: {  	s16 =	sadd.s32 $0x70, s16;
	s24 =	simm.s32 $0xE538  }
0x2d4: {  	[hbm4b:s16+s3] =	stream.linear.scatter [tilespmem:s24], [sflag:$0x6], $0x80, $0x38;
	[tilespmem:$0x10C00] =	vst v63  }
0x2d5: {  	s20 =	simm.s32 $0xE5C0;
	s16 =	sadd.s32 s14, s10  }
0x2d6: {  	[hbm4b:s16+s3] =	stream.linear.scatter [tilespmem:s20], [sflag:$0x6], $0x80, $0x38;
	[tilespmem:$0x10C00] =	vst v63  }
0x2d7: {  	s24 =	simm.s32 $0xE648;
	s22 =	sadd.s32 $0x10, s16  }
0x2d8: {  	[hbm4b:s22+s3] =	stream.linear.scatter [tilespmem:s24], [sflag:$0x6], $0x80, $0x38;
	[tilespmem:$0x10C00] =	vst v63  }
0x2d9: {  	s22 =	sadd.s32 $0x20, s16;
	s24 =	simm.s32 $0xE6D0  }
0x2da: {  	[hbm4b:s22+s3] =	stream.linear.scatter [tilespmem:s24], [sflag:$0x6], $0x80, $0x38;
	[tilespmem:$0x10C00] =	vst v63  }
0x2db: {  	s22 =	sadd.s32 $0x30, s16;
	s24 =	simm.s32 $0xE758  }
0x2dc: {  	[hbm4b:s22+s3] =	stream.linear.scatter [tilespmem:s24], [sflag:$0x6], $0x80, $0x38;
	[tilespmem:$0x10C00] =	vst v63  }
0x2dd: {  	s22 =	sadd.s32 $0x40, s16;
	s24 =	simm.s32 $0xE7E0  }
0x2de: {  	[hbm4b:s22+s3] =	stream.linear.scatter [tilespmem:s24], [sflag:$0x6], $0x80, $0x38;
	[tilespmem:$0x10C00] =	vst v63  }
0x2df: {  	s22 =	sadd.s32 $0x50, s16;
	s24 =	simm.s32 $0xE868  }
0x2e0: {  	[hbm4b:s22+s3] =	stream.linear.scatter [tilespmem:s24], [sflag:$0x6], $0x80, $0x38;
	[tilespmem:$0x10C00] =	vst v63  }
0x2e1: {  	s20 =	sadd.s32 $0x60, s16;
	s22 =	simm.s32 $0xE8F0  }
0x2e2: {  	[hbm4b:s20+s3] =	stream.linear.scatter [tilespmem:s22], [sflag:$0x6], $0x80, $0x38;
	[tilespmem:$0x10C00] =	vst v63  }
0x2e3: {  	s16 =	sadd.s32 $0x70, s16;
	s24 =	simm.s32 $0xE978  }
0x2e4: {  	[hbm4b:s16+s3] =	stream.linear.scatter [tilespmem:s24], [sflag:$0x6], $0x80, $0x38;
	[tilespmem:$0x10C00] =	vst v63  }
0x2e5: {  	s20 =	simm.s32 $0xEA00;
	s16 =	sadd.s32 s0, s11  }
0x2e6: {  	[hbm4b:s16+s3] =	stream.linear.scatter [tilespmem:s20], [sflag:$0x6], $0x80, $0x38;
	[tilespmem:$0x10C00] =	vst v63  }
0x2e7: {  	s24 =	simm.s32 $0xEA88;
	s22 =	sadd.s32 $0x10, s16  }
0x2e8: {  	[hbm4b:s22+s3] =	stream.linear.scatter [tilespmem:s24], [sflag:$0x6], $0x80, $0x38;
	[tilespmem:$0x10C00] =	vst v63  }
0x2e9: {  	s22 =	sadd.s32 $0x20, s16;
	s24 =	simm.s32 $0xEB10  }
0x2ea: {  	[hbm4b:s22+s3] =	stream.linear.scatter [tilespmem:s24], [sflag:$0x6], $0x80, $0x38;
	[tilespmem:$0x10C00] =	vst v63  }
0x2eb: {  	s22 =	sadd.s32 $0x30, s16;
	s24 =	simm.s32 $0xEB98  }
0x2ec: {  	[hbm4b:s22+s3] =	stream.linear.scatter [tilespmem:s24], [sflag:$0x6], $0x80, $0x38;
	[tilespmem:$0x10C00] =	vst v63  }
0x2ed: {  	s22 =	sadd.s32 $0x40, s16;
	s24 =	simm.s32 $0xEC20  }
0x2ee: {  	[hbm4b:s22+s3] =	stream.linear.scatter [tilespmem:s24], [sflag:$0x6], $0x80, $0x38;
	[tilespmem:$0x10C00] =	vst v63  }
0x2ef: {  	s22 =	sadd.s32 $0x50, s16;
	s24 =	simm.s32 $0xECA8  }
0x2f0: {  	[hbm4b:s22+s3] =	stream.linear.scatter [tilespmem:s24], [sflag:$0x6], $0x80, $0x38;
	[tilespmem:$0x10C00] =	vst v63  }
0x2f1: {  	s20 =	sadd.s32 $0x60, s16;
	s22 =	simm.s32 $0xED30  }
0x2f2: {  	[hbm4b:s20+s3] =	stream.linear.scatter [tilespmem:s22], [sflag:$0x6], $0x80, $0x38;
	[tilespmem:$0x10C00] =	vst v63  }
0x2f3: {  	s16 =	sadd.s32 $0x70, s16;
	s24 =	simm.s32 $0xEDB8  }
0x2f4: {  	[hbm4b:s16+s3] =	stream.linear.scatter [tilespmem:s24], [sflag:$0x6], $0x80, $0x38;
	[tilespmem:$0x10C00] =	vst v63  }
0x2f5: {  	s20 =	simm.s32 $0xEE40;
	s16 =	sadd.s32 s8, s11  }
0x2f6: {  	[hbm4b:s16+s3] =	stream.linear.scatter [tilespmem:s20], [sflag:$0x6], $0x80, $0x38;
	[tilespmem:$0x10C00] =	vst v63  }
0x2f7: {  	s24 =	simm.s32 $0xEEC8;
	s22 =	sadd.s32 $0x10, s16  }
0x2f8: {  	[hbm4b:s22+s3] =	stream.linear.scatter [tilespmem:s24], [sflag:$0x6], $0x80, $0x38;
	[tilespmem:$0x10C00] =	vst v63  }
0x2f9: {  	s22 =	sadd.s32 $0x20, s16;
	s24 =	simm.s32 $0xEF50  }
0x2fa: {  	[hbm4b:s22+s3] =	stream.linear.scatter [tilespmem:s24], [sflag:$0x6], $0x80, $0x38;
	[tilespmem:$0x10C00] =	vst v63  }
0x2fb: {  	s22 =	sadd.s32 $0x30, s16;
	s24 =	simm.s32 $0xEFD8  }
0x2fc: {  	[hbm4b:s22+s3] =	stream.linear.scatter [tilespmem:s24], [sflag:$0x6], $0x80, $0x38;
	[tilespmem:$0x10C00] =	vst v63  }
0x2fd: {  	s22 =	sadd.s32 $0x40, s16;
	s24 =	simm.s32 $0xF060  }
0x2fe: {  	[hbm4b:s22+s3] =	stream.linear.scatter [tilespmem:s24], [sflag:$0x6], $0x80, $0x38;
	[tilespmem:$0x10C00] =	vst v63  }
0x2ff: {  	s22 =	sadd.s32 $0x50, s16;
	s24 =	simm.s32 $0xF0E8  }
0x300: {  	[hbm4b:s22+s3] =	stream.linear.scatter [tilespmem:s24], [sflag:$0x6], $0x80, $0x38;
	[tilespmem:$0x10C00] =	vst v63  }
0x301: {  	s20 =	sadd.s32 $0x60, s16;
	s22 =	simm.s32 $0xF170  }
0x302: {  	[hbm4b:s20+s3] =	stream.linear.scatter [tilespmem:s22], [sflag:$0x6], $0x80, $0x38;
	[tilespmem:$0x10C00] =	vst v63  }
0x303: {  	s16 =	sadd.s32 $0x70, s16;
	s24 =	simm.s32 $0xF1F8  }
0x304: {  	[hbm4b:s16+s3] =	stream.linear.scatter [tilespmem:s24], [sflag:$0x6], $0x80, $0x38;
	[tilespmem:$0x10C00] =	vst v63  }
0x305: {  	s20 =	simm.s32 $0xF280;
	s16 =	sadd.s32 s7, s11  }
0x306: {  	[hbm4b:s16+s3] =	stream.linear.scatter [tilespmem:s20], [sflag:$0x6], $0x80, $0x38;
	[tilespmem:$0x10C00] =	vst v63  }
0x307: {  	s24 =	simm.s32 $0xF308;
	s22 =	sadd.s32 $0x10, s16  }
0x308: {  	[hbm4b:s22+s3] =	stream.linear.scatter [tilespmem:s24], [sflag:$0x6], $0x80, $0x38;
	[tilespmem:$0x10C00] =	vst v63  }
0x309: {  	s22 =	sadd.s32 $0x20, s16;
	s24 =	simm.s32 $0xF390  }
0x30a: {  	[hbm4b:s22+s3] =	stream.linear.scatter [tilespmem:s24], [sflag:$0x6], $0x80, $0x38;
	[tilespmem:$0x10C00] =	vst v63  }
0x30b: {  	s22 =	sadd.s32 $0x30, s16;
	s24 =	simm.s32 $0xF418  }
0x30c: {  	[hbm4b:s22+s3] =	stream.linear.scatter [tilespmem:s24], [sflag:$0x6], $0x80, $0x38;
	[tilespmem:$0x10C00] =	vst v63  }
0x30d: {  	s22 =	sadd.s32 $0x40, s16;
	s24 =	simm.s32 $0xF4A0  }
0x30e: {  	[hbm4b:s22+s3] =	stream.linear.scatter [tilespmem:s24], [sflag:$0x6], $0x80, $0x38;
	[tilespmem:$0x10C00] =	vst v63  }
0x30f: {  	s22 =	sadd.s32 $0x50, s16;
	s24 =	simm.s32 $0xF528  }
0x310: {  	[hbm4b:s22+s3] =	stream.linear.scatter [tilespmem:s24], [sflag:$0x6], $0x80, $0x38;
	[tilespmem:$0x10C00] =	vst v63  }
0x311: {  	s20 =	sadd.s32 $0x60, s16;
	s22 =	simm.s32 $0xF5B0  }
0x312: {  	[hbm4b:s20+s3] =	stream.linear.scatter [tilespmem:s22], [sflag:$0x6], $0x80, $0x38;
	[tilespmem:$0x10C00] =	vst v63  }
0x313: {  	s16 =	sadd.s32 $0x70, s16;
	s24 =	simm.s32 $0xF638  }
0x314: {  	[hbm4b:s16+s3] =	stream.linear.scatter [tilespmem:s24], [sflag:$0x6], $0x80, $0x38;
	[tilespmem:$0x10C00] =	vst v63  }
0x315: {  	s20 =	simm.s32 $0xF6C0;
	s16 =	sadd.s32 s14, s11  }
0x316: {  	[hbm4b:s16+s3] =	stream.linear.scatter [tilespmem:s20], [sflag:$0x6], $0x80, $0x38;
	[tilespmem:$0x10C00] =	vst v63  }
0x317: {  	s24 =	simm.s32 $0xF748;
	s22 =	sadd.s32 $0x10, s16  }
0x318: {  	[hbm4b:s22+s3] =	stream.linear.scatter [tilespmem:s24], [sflag:$0x6], $0x80, $0x38;
	[tilespmem:$0x10C00] =	vst v63  }
0x319: {  	s22 =	sadd.s32 $0x20, s16;
	s24 =	simm.s32 $0xF7D0  }
0x31a: {  	[hbm4b:s22+s3] =	stream.linear.scatter [tilespmem:s24], [sflag:$0x6], $0x80, $0x38;
	[tilespmem:$0x10C00] =	vst v63  }
0x31b: {  	s22 =	sadd.s32 $0x30, s16;
	s24 =	simm.s32 $0xF858  }
0x31c: {  	[hbm4b:s22+s3] =	stream.linear.scatter [tilespmem:s24], [sflag:$0x6], $0x80, $0x38;
	[tilespmem:$0x10C00] =	vst v63  }
0x31d: {  	s22 =	sadd.s32 $0x40, s16;
	s24 =	simm.s32 $0xF8E0  }
0x31e: {  	[hbm4b:s22+s3] =	stream.linear.scatter [tilespmem:s24], [sflag:$0x6], $0x80, $0x38;
	[tilespmem:$0x10C00] =	vst v63  }
0x31f: {  	s22 =	sadd.s32 $0x50, s16;
	s24 =	simm.s32 $0xF968  }
0x320: {  	[hbm4b:s22+s3] =	stream.linear.scatter [tilespmem:s24], [sflag:$0x6], $0x80, $0x38;
	[tilespmem:$0x10C00] =	vst v63  }
0x321: {  	s22 =	sadd.s32 $0x60, s16;
	s24 =	simm.s32 $0xF9F0  }
0x322: {  	[hbm4b:s22+s3] =	stream.linear.scatter [tilespmem:s24], [sflag:$0x6], $0x80, $0x38;
	[tilespmem:$0x10C00] =	vst v63  }
0x323: {  	s16 =	sadd.s32 $0x70, s16;
	s22 =	simm.s32 $0xFA78  }
0x324: {  	[hbm4b:s16+s3] =	stream.linear.scatter [tilespmem:s22], [sflag:$0x6], $0x80, $0x38;
	[tilespmem:$0x10C00] =	vst v63  }
0x325: {  	s0 =	sadd.s32 s0, s12;
	s24 =	simm.s32 $0xFB00  }
0x326: {  	[hbm4b:s0+s3] =	stream.linear.scatter [tilespmem:s24], [sflag:$0x6], $0x80, $0x38;
	[tilespmem:$0x10C00] =	vst v63  }
0x327: {  	s17 =	sadd.s32 $0x10, s0;
	s20 =	simm.s32 $0xFB88  }
0x328: {  	[hbm4b:s17+s3] =	stream.linear.scatter [tilespmem:s20], [sflag:$0x6], $0x80, $0x38;
	[tilespmem:$0x10C00] =	vst v63  }
0x329: {  	s22 =	sadd.s32 $0x20, s0;
	s24 =	simm.s32 $0xFC10  }
0x32a: {  	[hbm4b:s22+s3] =	stream.linear.scatter [tilespmem:s24], [sflag:$0x6], $0x80, $0x38;
	[tilespmem:$0x10C00] =	vst v63  }
0x32b: {  	s17 =	sadd.s32 $0x30, s0;
	s20 =	simm.s32 $0xFC98  }
0x32c: {  	[hbm4b:s17+s3] =	stream.linear.scatter [tilespmem:s20], [sflag:$0x6], $0x80, $0x38;
	[tilespmem:$0x10C00] =	vst v63  }
0x32d: {  	s22 =	sadd.s32 $0x40, s0;
	s24 =	simm.s32 $0xFD20  }
0x32e: {  	[hbm4b:s22+s3] =	stream.linear.scatter [tilespmem:s24], [sflag:$0x6], $0x80, $0x38;
	[tilespmem:$0x10C00] =	vst v63  }
0x32f: {  	s17 =	sadd.s32 $0x50, s0;
	s20 =	simm.s32 $0xFDA8  }
0x330: {  	[hbm4b:s17+s3] =	stream.linear.scatter [tilespmem:s20], [sflag:$0x6], $0x80, $0x38;
	[tilespmem:$0x10C00] =	vst v63  }
0x331: {  	s22 =	sadd.s32 $0x60, s0;
	s24 =	simm.s32 $0xFE30  }
0x332: {  	[hbm4b:s22+s3] =	stream.linear.scatter [tilespmem:s24], [sflag:$0x6], $0x80, $0x38;
	[tilespmem:$0x10C00] =	vst v63  }
0x333: {  	s0 =	sadd.s32 $0x70, s0;
	s17 =	simm.s32 $0xFEB8  }
0x334: {  	[hbm4b:s0+s3] =	stream.linear.scatter [tilespmem:s17], [sflag:$0x6], $0x80, $0x38;
	[tilespmem:$0x10C00] =	vst v63  }
0x335: {  	s20 =	simm.s32 $0xFF40;
	s0 =	sadd.s32 s8, s12  }
0x336: {  	[hbm4b:s0+s3] =	stream.linear.scatter [tilespmem:s20], [sflag:$0x6], $0x80, $0x38;
	[tilespmem:$0x10C00] =	vst v63  }
0x337: {  	s24 =	simm.s32 $0xFFC8;
	s22 =	sadd.s32 $0x10, s0  }
0x338: {  	[hbm4b:s22+s3] =	stream.linear.scatter [tilespmem:s24], [sflag:$0x6], $0x80, $0x38;
	[tilespmem:$0x10C00] =	vst v63  }
0x339: {  	s17 =	sadd.s32 $0x20, s0;
	s20 =	simm.s32 $0x10050  }
0x33a: {  	[hbm4b:s17+s3] =	stream.linear.scatter [tilespmem:s20], [sflag:$0x6], $0x80, $0x38;
	[tilespmem:$0x10C00] =	vst v63  }
0x33b: {  	s22 =	sadd.s32 $0x30, s0;
	s24 =	simm.s32 $0x100D8  }
0x33c: {  	[hbm4b:s22+s3] =	stream.linear.scatter [tilespmem:s24], [sflag:$0x6], $0x80, $0x38;
	[tilespmem:$0x10C00] =	vst v63  }
0x33d: {  	s17 =	sadd.s32 $0x40, s0;
	s20 =	simm.s32 $0x10160  }
0x33e: {  	[hbm4b:s17+s3] =	stream.linear.scatter [tilespmem:s20], [sflag:$0x6], $0x80, $0x38;
	[tilespmem:$0x10C00] =	vst v63  }
0x33f: {  	s22 =	sadd.s32 $0x50, s0;
	s24 =	simm.s32 $0x101E8  }
0x340: {  	[hbm4b:s22+s3] =	stream.linear.scatter [tilespmem:s24], [sflag:$0x6], $0x80, $0x38;
	[tilespmem:$0x10C00] =	vst v63  }
0x341: {  	s17 =	sadd.s32 $0x60, s0;
	s20 =	simm.s32 $0x10270  }
0x342: {  	[hbm4b:s17+s3] =	stream.linear.scatter [tilespmem:s20], [sflag:$0x6], $0x80, $0x38;
	[tilespmem:$0x10C00] =	vst v63  }
0x343: {  	s0 =	sadd.s32 $0x70, s0;
	s22 =	simm.s32 $0x102F8  }
0x344: {  	[hbm4b:s0+s3] =	stream.linear.scatter [tilespmem:s22], [sflag:$0x6], $0x80, $0x38;
	[tilespmem:$0x10C00] =	vst v63  }
0x345: {  	s24 =	simm.s32 $0x10380;
	s0 =	sadd.s32 s7, s12  }
0x346: {  	[hbm4b:s0+s3] =	stream.linear.scatter [tilespmem:s24], [sflag:$0x6], $0x80, $0x38;
	[tilespmem:$0x10C00] =	vst v63  }
0x347: {  	s16 =	simm.s32 $0x10408;
	s8 =	sadd.s32 $0x10, s0  }
0x348: {  	[hbm4b:s8+s3] =	stream.linear.scatter [tilespmem:s16], [sflag:$0x6], $0x80, $0x38;
	[tilespmem:$0x10C00] =	vst v63  }
0x349: {  	s20 =	simm.s32 $0x10490;
	s17 =	sadd.s32 $0x20, s0  }
0x34a: {  	[hbm4b:s17+s3] =	stream.linear.scatter [tilespmem:s20], [sflag:$0x6], $0x80, $0x38;
	[tilespmem:$0x10C00] =	vst v63  }
0x34b: {  	s22 =	sadd.s32 $0x30, s0;
	s24 =	simm.s32 $0x10518  }
0x34c: {  	[hbm4b:s22+s3] =	stream.linear.scatter [tilespmem:s24], [sflag:$0x6], $0x80, $0x38;
	[tilespmem:$0x10C00] =	vst v63  }
0x34d: {  	s8 =	sadd.s32 $0x40, s0;
	s16 =	simm.s32 $0x105A0  }
0x34e: {  	[hbm4b:s8+s3] =	stream.linear.scatter [tilespmem:s16], [sflag:$0x6], $0x80, $0x38;
	[tilespmem:$0x10C00] =	vst v63  }
0x34f: {  	s17 =	sadd.s32 $0x50, s0;
	s20 =	simm.s32 $0x10628  }
0x350: {  	[hbm4b:s17+s3] =	stream.linear.scatter [tilespmem:s20], [sflag:$0x6], $0x80, $0x38;
	[tilespmem:$0x10C00] =	vst v63  }
0x351: {  	s22 =	sadd.s32 $0x60, s0;
	s24 =	simm.s32 $0x106B0  }
0x352: {  	[hbm4b:s22+s3] =	stream.linear.scatter [tilespmem:s24], [sflag:$0x6], $0x80, $0x38;
	[tilespmem:$0x10C00] =	vst v63  }
0x353: {  	s0 =	sadd.s32 $0x70, s0;
	s8 =	simm.s32 $0x10738  }
0x354: {  	[hbm4b:s0+s3] =	stream.linear.scatter [tilespmem:s8], [sflag:$0x6], $0x80, $0x38;
	[tilespmem:$0x10C00] =	vst v63  }
0x355: {  	s16 =	simm.s32 $0x107C0;
	s0 =	sadd.s32 s14, s12  }
0x356: {  	[hbm4b:s0+s3] =	stream.linear.scatter [tilespmem:s16], [sflag:$0x6], $0x80, $0x38;
	[tilespmem:$0x10C00] =	vst v63  }
0x357: {  	s20 =	simm.s32 $0x10848;
	s17 =	sadd.s32 $0x10, s0  }
0x358: {  	[hbm4b:s17+s3] =	stream.linear.scatter [tilespmem:s20], [sflag:$0x6], $0x80, $0x38;
	[tilespmem:$0x10C00] =	vst v63  }
0x359: {  	s24 =	simm.s32 $0x108D0;
	s22 =	sadd.s32 $0x20, s0  }
0x35a: {  	[hbm4b:s22+s3] =	stream.linear.scatter [tilespmem:s24], [sflag:$0x6], $0x80, $0x38;
	[tilespmem:$0x10C00] =	vst v63  }
0x35b: {  	s14 =	sadd.s32 $0x30, s0;
	s16 =	simm.s32 $0x10958  }
0x35c: {  	[hbm4b:s14+s3] =	stream.linear.scatter [tilespmem:s16], [sflag:$0x6], $0x80, $0x38;
	[tilespmem:$0x10C00] =	vst v63  }
0x35d: {  	s1 =	sadd.s32 $0x1, s1;
	s17 =	sadd.s32 $0x40, s0;
	s20 =	simm.s32 $0x109E0  }
0x35e: {  	[hbm4b:s17+s3] =	stream.linear.scatter [tilespmem:s20], [sflag:$0x6], $0x80, $0x38;
	[tilespmem:$0x10C00] =	vst v63  }
0x35f: {  	p0 =	sne.s32 s1, $0x19;
	s22 =	sadd.s32 $0x50, s0  }
0x360: {  	[hbm4b:s22+s3] =	stream.linear.scatter [tilespmem:s25], [sflag:$0x6], $0x80, $0x38;
	[tilespmem:$0x10C00] =	vst v63  }
.Ltmp2:
0x361: {  	_ = 	snop;
	(pc) =	sbr.rel @p0 .LBB2_2-.Ltmp2, $4  }
0x362: {  	s24 =	sadd.s32 $0x60, s0  }
0x363: {  	[hbm4b:s24+s3] =	stream.linear.scatter [tilespmem:s15], [sflag:$0x6], $0x80, $0x38;
	[tilespmem:$0x10C00] =	vst v63  }
0x364: {  	s0 =	sadd.s32 $0x70, s0  }
0x365: {  	[hbm4b:s0+s3] =	stream.linear.scatter [tilespmem:s26], [sflag:$0x6], $0x80, $0x38;
	[tilespmem:$0x10C00] =	vst v63  }
0x366: {  	_ =	swait.ge [sflag:s28], $0x400  }
0x367: {  	[sflag:s28] =	ssyncset.done $0x0  }
0x368: {  	[sflag:s28] =	ssyncadd.s32 $0xFFFFFC00  }
0x369: {  	_ =	swait.ge [sflag:s28], $0x400  }
0x36a: {  	[sflag:s28] =	ssyncset.done $0x0  }
0x36b: {  	[sflag:s28] =	ssyncadd.s32 $0xFFFFFC00  }
0x36c: {  	_ =	swait.ge [sflag:s28], $0x400  }
0x36d: {  	[sflag:s28] =	ssyncset.done $0x0  }
0x36e: {  	[sflag:s28] =	ssyncadd.s32 $0xFFFFFC00  }
0x36f: {  	_ =	swait.ge [sflag:s28], $0x400  }
0x370: {  	[sflag:s28] =	ssyncset.done $0x0  }
0x371: {  	[sflag:s28] =	ssyncadd.s32 $0xFFFFFC00  }
0x372: {  	_ =	swait.ge [sflag:s28], $0x400  }
0x373: {  	[sflag:s28] =	ssyncset.done $0x0  }
0x374: {  	[sflag:s28] =	ssyncadd.s32 $0xFFFFFC00  }
0x375: {  	_ =	swait.ge [sflag:s28], $0x400  }
0x376: {  	[sflag:s28] =	ssyncset.done $0x0  }
0x377: {  	[sflag:s28] =	ssyncadd.s32 $0xFFFFFC00  }
0x378: {  	_ =	swait.ge [sflag:s28], $0x400  }
0x379: {  	[sflag:s28] =	ssyncset.done $0x0  }
0x37a: {  	[sflag:s28] =	ssyncadd.s32 $0xFFFFFC00  }
0x37b: {  	_ =	swait.ge [sflag:s28], $0x400  }
0x37c: {  	[sflag:s28] =	ssyncset.done $0x0  }
0x37d: {  	[sflag:s28] =	ssyncadd.s32 $0xFFFFFC00  }
0x37e: {  	_ =	swait.ge [sflag:s28], $0x400  }
0x37f: {  	[sflag:s28] =	ssyncset.done $0x0  }
0x380: {  	[sflag:s28] =	ssyncadd.s32 $0xFFFFFC00  }
0x381: {  	_ =	swait.ge [sflag:s28], $0x400  }
0x382: {  	[sflag:s28] =	ssyncset.done $0x0  }
0x383: {  	[sflag:s28] =	ssyncadd.s32 $0xFFFFFC00  }
0x384: {  	_ =	swait.ge [sflag:s28], $0x400  }
0x385: {  	[sflag:s28] =	ssyncset.done $0x0  }
0x386: {  	[sflag:s28] =	ssyncadd.s32 $0xFFFFFC00  }
0x387: {  	_ =	swait.ge [sflag:s28], $0x400  }
0x388: {  	[sflag:s28] =	ssyncset.done $0x0  }
0x389: {  	[sflag:s28] =	ssyncadd.s32 $0xFFFFFC00  }
0x38a: {  	_ =	swait.ge [sflag:s28], $0x400  }
0x38b: {  	[sflag:s28] =	ssyncset.done $0x0  }
0x38c: {  	[sflag:s28] =	ssyncadd.s32 $0xFFFFFC00  }
0x38d: {  	_ =	swait.ge [sflag:s28], $0x400  }
0x38e: {  	[sflag:s28] =	ssyncset.done $0x0  }
0x38f: {  	[sflag:s28] =	ssyncadd.s32 $0xFFFFFC00  }
0x390: {  	_ =	swait.ge [sflag:s28], $0x400  }
0x391: {  	[sflag:s28] =	ssyncset.done $0x0  }
0x392: {  	[sflag:s28] =	ssyncadd.s32 $0xFFFFFC00  }
0x393: {  	_ =	swait.ge [sflag:s28], $0x400  }
0x394: {  	[sflag:s28] =	ssyncset.done $0x0  }
0x395: {  	[sflag:s28] =	ssyncadd.s32 $0xFFFFFC00  }
0x396: {  	_ =	swait.ge [sflag:s31], $0x400  }
0x397: {  	[sflag:s31] =	ssyncset.done $0x0  }
0x398: {  	[sflag:s31] =	ssyncadd.s32 $0xFFFFFC00  }
0x399: {  	_ =	swait.ge [sflag:s31], $0x400  }
0x39a: {  	[sflag:s31] =	ssyncset.done $0x0  }
0x39b: {  	[sflag:s31] =	ssyncadd.s32 $0xFFFFFC00  }
0x39c: {  	_ =	swait.ge [sflag:s31], $0x400  }
0x39d: {  	[sflag:s31] =	ssyncset.done $0x0  }
0x39e: {  	[sflag:s31] =	ssyncadd.s32 $0xFFFFFC00  }
0x39f: {  	_ =	swait.ge [sflag:s31], $0x400  }
0x3a0: {  	[sflag:s31] =	ssyncset.done $0x0  }
0x3a1: {  	[sflag:s31] =	ssyncadd.s32 $0xFFFFFC00  }
0x3a2: {  	_ =	swait.ge [sflag:s31], $0x400  }
0x3a3: {  	[sflag:s31] =	ssyncset.done $0x0  }
0x3a4: {  	[sflag:s31] =	ssyncadd.s32 $0xFFFFFC00  }
0x3a5: {  	_ =	swait.ge [sflag:s31], $0x400  }
0x3a6: {  	[sflag:s31] =	ssyncset.done $0x0  }
0x3a7: {  	[sflag:s31] =	ssyncadd.s32 $0xFFFFFC00  }
0x3a8: {  	_ =	swait.ge [sflag:s31], $0x400  }
0x3a9: {  	[sflag:s31] =	ssyncset.done $0x0  }
0x3aa: {  	[sflag:s31] =	ssyncadd.s32 $0xFFFFFC00  }
0x3ab: {  	_ =	swait.ge [sflag:s31], $0x400  }
0x3ac: {  	[sflag:s31] =	ssyncset.done $0x0  }
0x3ad: {  	[sflag:s31] =	ssyncadd.s32 $0xFFFFFC00  }
0x3ae: {  	_ =	swait.ge [sflag:s31], $0x400  }
0x3af: {  	[sflag:s31] =	ssyncset.done $0x0  }
0x3b0: {  	[sflag:s31] =	ssyncadd.s32 $0xFFFFFC00  }
0x3b1: {  	_ =	swait.ge [sflag:s31], $0x400  }
0x3b2: {  	[sflag:s31] =	ssyncset.done $0x0  }
0x3b3: {  	[sflag:s31] =	ssyncadd.s32 $0xFFFFFC00  }
0x3b4: {  	_ =	swait.ge [sflag:s31], $0x400  }
0x3b5: {  	[sflag:s31] =	ssyncset.done $0x0  }
0x3b6: {  	[sflag:s31] =	ssyncadd.s32 $0xFFFFFC00  }
0x3b7: {  	_ =	swait.ge [sflag:s31], $0x400  }
0x3b8: {  	[sflag:s31] =	ssyncset.done $0x0  }
0x3b9: {  	[sflag:s31] =	ssyncadd.s32 $0xFFFFFC00  }
0x3ba: {  	_ =	swait.ge [sflag:s31], $0x400  }
0x3bb: {  	[sflag:s31] =	ssyncset.done $0x0  }
0x3bc: {  	[sflag:s31] =	ssyncadd.s32 $0xFFFFFC00  }
0x3bd: {  	_ =	swait.ge [sflag:s31], $0x400  }
0x3be: {  	[sflag:s31] =	ssyncset.done $0x0  }
0x3bf: {  	[sflag:s31] =	ssyncadd.s32 $0xFFFFFC00  }
0x3c0: {  	_ =	swait.ge [sflag:s31], $0x400  }
0x3c1: {  	[sflag:s31] =	ssyncset.done $0x0  }
0x3c2: {  	[sflag:s31] =	ssyncadd.s32 $0xFFFFFC00  }
0x3c3: {  	_ =	swait.ge [sflag:s31], $0x400  }
0x3c4: {  	s1 =	rddreg [dreg:$0x6]  }
0x3c5: {  	s0 =	rddreg [dreg:$0x5];
	s1 =	sadd.s32 $0x1, s1  }
0x3c6: {  	p0 =	sne.s32 s1, s0  }
.Ltmp3:
0x3c7: {  	_ = 	snop;
	(pc) =	sbr.rel @p0 .LBB2_1-.Ltmp3, $3  }
0x3c8: {  	_ =	sdelay $0x1  }
0x3c9: {  	[sflag:s31] =	ssyncset.done $0x0  }
0x3ca: {  	[sflag:s31] =	ssyncadd.s32 $0xFFFFFC00  }
0x3cb: {  	_ =	sfence.sel $0x180000  }
0x3cc: {  	[bflag:$0x0] =	sbarrier.arrive $0xFFFF  }
0x3cd: {  	_ =	strace $0x90000047  }
0x3ce: {  	s0 =	stileid.u32;
	[bflag:$0x2] =	sbarrier.arrive $0xFFFF  }
0x3cf: {  	p0 =	sne.s32 s0, $0x0;
	s0 =	rddreg [dreg:$0x2]  }
0x3d0: {  	s0 =	sadd.s32 @!p0 $0x100000, s0  }
0x3d1: {  	[sflag:s0] =	ssyncadd.tile.s32 @!p0 $0x1;
	_ =	shalt  }
.Lfunc_end2:
_tile_overlayer_lowered:
.L_overlay_start_2:
0x3d2: {  	(tag) =	ssettag $0x2  }
0x3d3: {  	s0 =	rddreg [dreg:$0x0];
	s2 =	stileid.u32  }
0x3d4: {  	s1 =	rddreg [dreg:$0x1];
	p0 =	sne.s32 s2, $0x0  }
0x3d5: {  	s3 =	rddreg [dreg:$0x2];
	[bflag:$0x3] =	sbarrier.arrive $0xFFFF;
	s2 =	simm.s32 @!p0 $0x1C07  }
0x3d6: {  	[timem:s3], [sflag:s2] =	dma.local @!p0 [hbm:s0], s1  }
0x3d7: {  	s0 =	simm.s32 @!p0 $0x7  }
0x3d8: {  	_ =	swait.ge @!p0 [sflag:s0], s1  }
0x3d9: {  	s1 =	ssub.s32 @!p0 $0x0, s1;
	[sflag:s0] =	ssyncset.done @!p0 $0x0  }
0x3da: {  	[sflag:s0] =	ssyncadd.s32 @!p0 s1  }
0x3db: {  	[bflag:$0x3] =	sbarrier.arrive $0xFFFF  }
0x3dc: {  	_ =	shalt  }

</sc_bundles>
